<compile_context>
chip_gen: v7x
topology: tpu7x:2x2x1
jax: 0.10.2.dev20260603
libtpu: 0.0.44.dev20260713+nightly
codegen_flags: <defaults>
</compile_context>

<pallas_src>
import functools

import jax
import jax.numpy as jnp
from jax import lax
from jax.experimental import pallas as pl
from jax.experimental.pallas import tpu as pltpu
from jax.experimental.pallas import tpu_sc as plsc

VOCAB = 1000000
DIM = 64
B = 16384
QUART = 253952
N_BLK = 62
IN_BLK = 4096
LAST_IN_BLK = 244
NC = 2
NS = 16
NW = NC * NS
L = 16
CH = 128
B_PER_W = B // NW
BH = 128
N_RED = 8
BB = BH // N_RED


def _pack_body(u0_ref, u1_ref, u2_ref, u3_ref,
               v0_ref, v1_ref, v2_ref, v3_ref, uo_ref, vo_ref):
    ident = (lax.broadcasted_iota(jnp.int32, (DIM, DIM), 0) ==
             lax.broadcasted_iota(jnp.int32, (DIM, DIM), 1)).astype(jnp.float32)

    def tr(x):
        return lax.dot_general(x, ident, (((0,), (0,)), ((), ())),
                               preferred_element_type=jnp.float32)

    def pack(lo, hi):
        li = lax.bitcast_convert_type(lo, jnp.int32) + jnp.int32(0x8000)
        hi_ = lax.bitcast_convert_type(hi, jnp.int32) + jnp.int32(0x8000)
        return ((hi_ & jnp.int32(-65536)) |
                lax.shift_right_logical(li, 16))

    uo_ref[...] = jnp.concatenate(
        [pack(tr(u0_ref[...]), tr(u2_ref[...])),
         pack(tr(u1_ref[...]), tr(u3_ref[...]))], axis=1)
    vo_ref[...] = jnp.concatenate(
        [pack(tr(v0_ref[...]), tr(v2_ref[...])),
         pack(tr(v1_ref[...]), tr(v3_ref[...]))], axis=1)


def _sc_body(u2, v2, u_pos, v_pos, v_city, v_cntry, out_hbm,
             pv_u, pv_v, pv_c, pv_d,
             gi_u, gi_v, gi_c, gi_d, buf_u, buf_v, buf_c, buf_d, sem):
    wid = lax.axis_index("c") * NS + lax.axis_index("s")
    base = wid * B_PER_W

    for ch in range(B_PER_W // CH):
        sl = pl.ds(base + ch * CH, CH)
        pltpu.sync_copy(u_pos.at[sl], pv_u)
        pltpu.sync_copy(v_pos.at[sl], pv_v)
        pltpu.sync_copy(v_city.at[sl], pv_c)
        pltpu.sync_copy(v_cntry.at[sl], pv_d)

        for m in range(CH // L):
            msl = pl.ds(m * L, L)
            for pv, gi in ((pv_u, gi_u), (pv_v, gi_v),
                           (pv_c, gi_c), (pv_d, gi_d)):
                p = pv[msl]
                p = jnp.where(p >= 2 * QUART, p - 2 * QUART, p)
                gi[msl] = jnp.where(p >= QUART, p - QUART, p)

        h_u = pltpu.async_copy(u2.at[gi_u], buf_u, sem)
        h_v = pltpu.async_copy(v2.at[gi_v], buf_v, sem)
        h_c = pltpu.async_copy(v2.at[gi_c], buf_c, sem)
        h_d = pltpu.async_copy(v2.at[gi_d], buf_d, sem)
        h_u.wait()
        h_v.wait()
        h_c.wait()
        h_d.wait()

        pltpu.sync_copy(buf_u, out_hbm.at[0, sl])
        pltpu.sync_copy(buf_v, out_hbm.at[1, sl])
        pltpu.sync_copy(buf_c, out_hbm.at[2, sl])
        pltpu.sync_copy(buf_d, out_hbm.at[3, sl])


def _tc_reduce(g_ref, iu_ref, iv_ref, ic_ref, id_ref, o_ref, acc_ref):
    def unpack(s, idx_ref):
        g = g_ref[s]
        idx3 = lax.broadcast_in_dim(idx_ref[...], (BB, BH, DIM), (0, 1))
        ge1 = idx3 >= QUART
        ge2 = idx3 >= 2 * QUART
        ge3 = idx3 >= 3 * QUART
        odd = jnp.logical_or(jnp.logical_and(ge1, jnp.logical_not(ge2)), ge3)
        w = jnp.where(odd, g[:, :, DIM:], g[:, :, :DIM])
        bits = jnp.where(ge2,
                         w & jnp.int32(-65536),
                         w << 16)
        return lax.bitcast_convert_type(bits, jnp.float32)

    u = unpack(0, iu_ref)
    v = unpack(1, iv_ref)
    c = unpack(2, ic_ref)
    d = unpack(3, id_ref)

    def score(a, b):
        return jnp.sum(jnp.sum(a * b, axis=0), axis=0, keepdims=True)

    step = pl.program_id(0)

    @pl.when(step == 0)
    def _():
        acc_ref[...] = jnp.zeros((3, DIM), jnp.float32)

    acc_ref[...] += jnp.concatenate(
        [score(u, v), score(u, c), score(u, d)], axis=0)

    @pl.when(step == N_RED - 1)
    def _():
        def logsig(x):
            return jnp.minimum(x, 0.0) - jnp.log1p(jnp.exp(-jnp.abs(x)))

        s = acc_ref[...]
        row = lax.broadcasted_iota(jnp.int32, (3, DIM), 0)
        s = jnp.where(row == 0, s, -s)
        o_ref[0, 0] = -jnp.sum(logsig(s))


def kernel(u_weight, v_weight, u_pos, v_pos, v_neg_city, v_neg_country):
    u_t = u_weight.T
    v_t = v_weight.T
    u_pos = u_pos.astype(jnp.int32)
    v_pos = v_pos.astype(jnp.int32)
    v_neg_city = v_neg_city.astype(jnp.int32)
    v_neg_country = v_neg_country.astype(jnp.int32)

    def qspec(q):
        return pl.BlockSpec(
            (DIM, IN_BLK),
            lambda i, q=q: (0, jnp.minimum(i + q * N_BLK, LAST_IN_BLK)))

    u2, v2 = pl.pallas_call(
        _pack_body,
        grid=(N_BLK,),
        in_specs=[qspec(q) for q in range(4)] * 2,
        out_specs=[
            pl.BlockSpec((IN_BLK, 2 * DIM), lambda i: (i, 0)),
            pl.BlockSpec((IN_BLK, 2 * DIM), lambda i: (i, 0)),
        ],
        out_shape=[
            jax.ShapeDtypeStruct((QUART, 2 * DIM), jnp.int32),
            jax.ShapeDtypeStruct((QUART, 2 * DIM), jnp.int32),
        ],
        compiler_params=pltpu.CompilerParams(
            dimension_semantics=("arbitrary",),
        ),
    )(u_t, u_t, u_t, u_t, v_t, v_t, v_t, v_t)

    mesh = plsc.VectorSubcoreMesh(core_axis_name="c", subcore_axis_name="s")
    sc_call = pl.kernel(
        _sc_body,
        out_type=jax.ShapeDtypeStruct((4, B, 2 * DIM), jnp.int32),
        mesh=mesh,
        compiler_params=pltpu.CompilerParams(needs_layout_passes=False),
        scratch_types=(
            [pltpu.VMEM((CH,), jnp.int32)] * 4
            + [pltpu.VMEM((CH,), jnp.int32)] * 4
            + [pltpu.VMEM((CH, 2 * DIM), jnp.int32)] * 4
            + [pltpu.SemaphoreType.DMA]
        ),
    )
    gathered = sc_call(u2, v2, u_pos, v_pos, v_neg_city, v_neg_country)

    g4 = gathered.reshape(4, BH, BH, 2 * DIM)
    idx_spec = pl.BlockSpec((BB, BH), lambda i: (i, 0))
    loss = pl.pallas_call(
        _tc_reduce,
        grid=(N_RED,),
        in_specs=[pl.BlockSpec((4, BB, BH, 2 * DIM), lambda i: (0, i, 0, 0)),
                  idx_spec, idx_spec, idx_spec, idx_spec],
        out_shape=jax.ShapeDtypeStruct((1, 1), jnp.float32),
        out_specs=pl.BlockSpec((1, 1), lambda i: (0, 0),
                               memory_space=pltpu.SMEM),
        scratch_shapes=[pltpu.VMEM((3, DIM), jnp.float32)],
        compiler_params=pltpu.CompilerParams(
            dimension_semantics=("arbitrary",),
        ),
    )(g4,
      u_pos.reshape(BH, BH), v_pos.reshape(BH, BH),
      v_neg_city.reshape(BH, BH), v_neg_country.reshape(BH, BH))
    return loss[0, 0]

# --- scband reference (transcript-rebuilt; emitter-appended) ---
"""Pipeline reference for scband-skipgram-8675833938433 (READ-ONLY COPY).

The authoritative reference and input builder live on the scoring server;
editing this copy changes nothing except your own understanding.
"""

import jax, jax.numpy as jnp
import numpy as np

VOCAB = 1000000
DIM = 64
B = 16384

def setup_inputs(seed: int = 0) -> dict:
    key = jax.random.key(seed)
    k1, k2, k3, k4, k5, k6 = jax.random.split(key, 6)
    initrange = 0.5 / DIM
    u_weight = jax.random.uniform(k1, (VOCAB, DIM), jnp.float32, -initrange, initrange)
    # original code inits v_embeddings to zeros (uniform_(-0, 0)); we use small random
    # values to avoid a degenerate all-zero benchmark while keeping the same scale.
    v_weight = jax.random.uniform(k2, (VOCAB, DIM), jnp.float32, -initrange, initrange)
    u_pos = jax.random.randint(k3, (B,), 0, VOCAB, dtype=jnp.int64 if jax.config.jax_enable_x64 else jnp.int32)
    v_pos = jax.random.randint(k4, (B,), 0, VOCAB, dtype=u_pos.dtype)
    v_neg_city = jax.random.randint(k5, (B,), 0, VOCAB, dtype=u_pos.dtype)
    v_neg_country = jax.random.randint(k6, (B,), 0, VOCAB, dtype=u_pos.dtype)
    return {"u_weight": u_weight, "v_weight": v_weight, "u_pos": u_pos,
            "v_pos": v_pos, "v_neg_city": v_neg_city, "v_neg_country": v_neg_country}

def reference(u_weight, v_weight, u_pos, v_pos, v_neg_city, v_neg_country):
    # embedding lookups (gather)
    embed_u = jnp.take(u_weight, u_pos, axis=0)           # [B, D]
    embed_v = jnp.take(v_weight, v_pos, axis=0)           # [B, D]
    embed_u = embed_u[None, :, :]                         # unsqueeze(0) -> [1, B, D]
    score = embed_u * embed_v                             # broadcast -> [1, B, D]
    score = jnp.sum(score, axis=1)                        # [1, D]
    log_target = jnp.squeeze(jax.nn.log_sigmoid(score))   # [D]
    neg_embed_v_city = jnp.take(v_weight, v_neg_city, axis=0)        # [B, D]
    neg_score_city = jnp.sum(neg_embed_v_city * embed_u, axis=1)     # [1, D]
    sum_log_neg_score_city = jnp.squeeze(jax.nn.log_sigmoid(-1.0 * neg_score_city))
    neg_embed_v_country = jnp.take(v_weight, v_neg_country, axis=0)  # [B, D]
    neg_score_country = jnp.sum(neg_embed_v_country * embed_u, axis=1)
    sum_log_neg_score_country = jnp.squeeze(jax.nn.log_sigmoid(-1.0 * neg_score_country))
    loss = log_target.sum() + sum_log_neg_score_city.sum() + sum_log_neg_score_country.sum()
    return -1.0 * loss

if __name__ == "__main__":
    import jax
    _d = setup_inputs()
    print(jax.jit(kernel)(*tuple(_d.values())))

</pallas_src>

<mosaic_0001>
#map = affine_map<(d0, d1) -> (0, 0)>
#map1 = affine_map<(d0, d1) -> (0)>
#map2 = affine_map<(d0, d1) -> (0, 0, 0)>
module attributes {stable_mosaic.version = 14 : i64} {
  func.func @_sc_body(%arg0: i32, %arg1: i32, %arg2: memref<253952x128xi32, #tpu.memory_space<hbm>>, %arg3: memref<253952x128xi32, #tpu.memory_space<hbm>>, %arg4: memref<16384xi32, #tpu.memory_space<hbm>>, %arg5: memref<16384xi32, #tpu.memory_space<hbm>>, %arg6: memref<16384xi32, #tpu.memory_space<hbm>>, %arg7: memref<16384xi32, #tpu.memory_space<hbm>>, %arg8: memref<4x16384x128xi32, #tpu.memory_space<hbm>>, %arg9: memref<128xi32, #tpu.memory_space<vmem>>, %arg10: memref<128xi32, #tpu.memory_space<vmem>>, %arg11: memref<128xi32, #tpu.memory_space<vmem>>, %arg12: memref<128xi32, #tpu.memory_space<vmem>>, %arg13: memref<128xi32, #tpu.memory_space<vmem>>, %arg14: memref<128xi32, #tpu.memory_space<vmem>>, %arg15: memref<128xi32, #tpu.memory_space<vmem>>, %arg16: memref<128xi32, #tpu.memory_space<vmem>>, %arg17: memref<128x128xi32, #tpu.memory_space<vmem>>, %arg18: memref<128x128xi32, #tpu.memory_space<vmem>>, %arg19: memref<128x128xi32, #tpu.memory_space<vmem>>, %arg20: memref<128x128xi32, #tpu.memory_space<vmem>>, %arg21: memref<!tpu.dma_semaphore, #tpu.memory_space<semaphore_mem>>) attributes {dimension_semantics = [#tpu.dimension_semantics<core_parallel>, #tpu.dimension_semantics<subcore_parallel>], iteration_bounds = array<i64: 2, 16>, scalar_prefetch = 0 : i64, scratch_operands = 13 : i64, tpu.core_type = #tpu.core_type<sc_vector_subcore>, window_params = [{transform_indices = #map}, {transform_indices = #map}, {transform_indices = #map1}, {transform_indices = #map1}, {transform_indices = #map1}, {transform_indices = #map1}, {transform_indices = #map2}]} {
    %mul3A = arith.constant 16 : i32
    %mul3A_0 = arith.muli %arg0, %mul3A : i32
    %add3A = arith.addi %mul3A_0, %arg1 : i32
    %mul3A_1 = arith.constant 512 : i32
    %mul3A_2 = arith.muli %add3A, %mul3A_1 : i32
    %add3A_3 = arith.constant 0 : i32
    %add3A_4 = arith.addi %mul3A_2, %add3A_3 : i32
    "tpu.region"() ({
      %run_scoped3A_2419 = tpu.sem_alloc : memref<!tpu.dma_semaphore, #tpu.memory_space<semaphore_mem>>
      %dma_start3A_2420 = tpu.memref_slice %arg4[%add3A_4] : memref<16384xi32, #tpu.memory_space<hbm>> -> memref<128xi32, #tpu.memory_space<hbm>>
      %dma_start3A_2421 = tpu.memref_slice %arg4[%add3A_4] : memref<16384xi32, #tpu.memory_space<hbm>> -> memref<128xi32, #tpu.memory_space<hbm>>
      tpu.enqueue_dma source(%dma_start3A_2421 : memref<128xi32, #tpu.memory_space<hbm>>) target(%arg9 : memref<128xi32, #tpu.memory_space<vmem>>) target_semaphore(%run_scoped3A_2419 : memref<!tpu.dma_semaphore, #tpu.memory_space<semaphore_mem>>)
      %dma_wait3A_2422 = tpu.memref_slice %arg4[%add3A_4] : memref<16384xi32, #tpu.memory_space<hbm>> -> memref<128xi32, #tpu.memory_space<hbm>>
      %dma_wait3A_2423 = tpu.memref_slice %arg4[%add3A_4] : memref<16384xi32, #tpu.memory_space<hbm>> -> memref<128xi32, #tpu.memory_space<hbm>>
      tpu.wait_dma2 semaphore(%run_scoped3A_2419 : memref<!tpu.dma_semaphore, #tpu.memory_space<semaphore_mem>>) src(%dma_wait3A_2423 : memref<128xi32, #tpu.memory_space<hbm>>) dst(%arg9 : memref<128xi32, #tpu.memory_space<vmem>>)
      tpu.yield
    }) : () -> ()
    "tpu.region"() ({
      %run_scoped3A_2419 = tpu.sem_alloc : memref<!tpu.dma_semaphore, #tpu.memory_space<semaphore_mem>>
      %dma_start3A_2420 = tpu.memref_slice %arg5[%add3A_4] : memref<16384xi32, #tpu.memory_space<hbm>> -> memref<128xi32, #tpu.memory_space<hbm>>
      %dma_start3A_2421 = tpu.memref_slice %arg5[%add3A_4] : memref<16384xi32, #tpu.memory_space<hbm>> -> memref<128xi32, #tpu.memory_space<hbm>>
      tpu.enqueue_dma source(%dma_start3A_2421 : memref<128xi32, #tpu.memory_space<hbm>>) target(%arg10 : memref<128xi32, #tpu.memory_space<vmem>>) target_semaphore(%run_scoped3A_2419 : memref<!tpu.dma_semaphore, #tpu.memory_space<semaphore_mem>>)
      %dma_wait3A_2422 = tpu.memref_slice %arg5[%add3A_4] : memref<16384xi32, #tpu.memory_space<hbm>> -> memref<128xi32, #tpu.memory_space<hbm>>
      %dma_wait3A_2423 = tpu.memref_slice %arg5[%add3A_4] : memref<16384xi32, #tpu.memory_space<hbm>> -> memref<128xi32, #tpu.memory_space<hbm>>
      tpu.wait_dma2 semaphore(%run_scoped3A_2419 : memref<!tpu.dma_semaphore, #tpu.memory_space<semaphore_mem>>) src(%dma_wait3A_2423 : memref<128xi32, #tpu.memory_space<hbm>>) dst(%arg10 : memref<128xi32, #tpu.memory_space<vmem>>)
      tpu.yield
    }) : () -> ()
    "tpu.region"() ({
      %run_scoped3A_2419 = tpu.sem_alloc : memref<!tpu.dma_semaphore, #tpu.memory_space<semaphore_mem>>
      %dma_start3A_2420 = tpu.memref_slice %arg6[%add3A_4] : memref<16384xi32, #tpu.memory_space<hbm>> -> memref<128xi32, #tpu.memory_space<hbm>>
      %dma_start3A_2421 = tpu.memref_slice %arg6[%add3A_4] : memref<16384xi32, #tpu.memory_space<hbm>> -> memref<128xi32, #tpu.memory_space<hbm>>
      tpu.enqueue_dma source(%dma_start3A_2421 : memref<128xi32, #tpu.memory_space<hbm>>) target(%arg11 : memref<128xi32, #tpu.memory_space<vmem>>) target_semaphore(%run_scoped3A_2419 : memref<!tpu.dma_semaphore, #tpu.memory_space<semaphore_mem>>)
      %dma_wait3A_2422 = tpu.memref_slice %arg6[%add3A_4] : memref<16384xi32, #tpu.memory_space<hbm>> -> memref<128xi32, #tpu.memory_space<hbm>>
      %dma_wait3A_2423 = tpu.memref_slice %arg6[%add3A_4] : memref<16384xi32, #tpu.memory_space<hbm>> -> memref<128xi32, #tpu.memory_space<hbm>>
      tpu.wait_dma2 semaphore(%run_scoped3A_2419 : memref<!tpu.dma_semaphore, #tpu.memory_space<semaphore_mem>>) src(%dma_wait3A_2423 : memref<128xi32, #tpu.memory_space<hbm>>) dst(%arg11 : memref<128xi32, #tpu.memory_space<vmem>>)
      tpu.yield
    }) : () -> ()
    "tpu.region"() ({
      %run_scoped3A_2419 = tpu.sem_alloc : memref<!tpu.dma_semaphore, #tpu.memory_space<semaphore_mem>>
      %dma_start3A_2420 = tpu.memref_slice %arg7[%add3A_4] : memref<16384xi32, #tpu.memory_space<hbm>> -> memref<128xi32, #tpu.memory_space<hbm>>
      %dma_start3A_2421 = tpu.memref_slice %arg7[%add3A_4] : memref<16384xi32, #tpu.memory_space<hbm>> -> memref<128xi32, #tpu.memory_space<hbm>>
      tpu.enqueue_dma source(%dma_start3A_2421 : memref<128xi32, #tpu.memory_space<hbm>>) target(%arg12 : memref<128xi32, #tpu.memory_space<vmem>>) target_semaphore(%run_scoped3A_2419 : memref<!tpu.dma_semaphore, #tpu.memory_space<semaphore_mem>>)
      %dma_wait3A_2422 = tpu.memref_slice %arg7[%add3A_4] : memref<16384xi32, #tpu.memory_space<hbm>> -> memref<128xi32, #tpu.memory_space<hbm>>
      %dma_wait3A_2423 = tpu.memref_slice %arg7[%add3A_4] : memref<16384xi32, #tpu.memory_space<hbm>> -> memref<128xi32, #tpu.memory_space<hbm>>
      tpu.wait_dma2 semaphore(%run_scoped3A_2419 : memref<!tpu.dma_semaphore, #tpu.memory_space<semaphore_mem>>) src(%dma_wait3A_2423 : memref<128xi32, #tpu.memory_space<hbm>>) dst(%arg12 : memref<128xi32, #tpu.memory_space<vmem>>)
      tpu.yield
    }) : () -> ()
    %get3A = arith.constant 0 : index
    %get3A_5 = tpu.vector_load %arg9[%get3A] {strides = array<i32>} : memref<128xi32, #tpu.memory_space<vmem>>, vector<16xi32>,
    %ge3A = arith.constant 507904 : i32
    %ge3A_6 = vector.broadcast %ge3A : i32 to vector<16xi32>
    %ge3A_7 = arith.cmpi sge, %get3A_5, %ge3A_6 : vector<16xi32>
    %sub3A = arith.constant 507904 : i32
    %sub3A_8 = vector.broadcast %sub3A : i32 to vector<16xi32>
    %sub3A_9 = arith.subi %get3A_5, %sub3A_8 : vector<16xi32>
    %select_n3A = arith.select %ge3A_7, %sub3A_9, %get3A_5 : vector<16xi1>, vector<16xi32>
    %ge3A_10 = arith.constant 253952 : i32
    %ge3A_11 = vector.broadcast %ge3A_10 : i32 to vector<16xi32>
    %ge3A_12 = arith.cmpi sge, %select_n3A, %ge3A_11 : vector<16xi32>
    %sub3A_13 = arith.constant 253952 : i32
    %sub3A_14 = vector.broadcast %sub3A_13 : i32 to vector<16xi32>
    %sub3A_15 = arith.subi %select_n3A, %sub3A_14 : vector<16xi32>
    %select_n3A_16 = arith.select %ge3A_12, %sub3A_15, %select_n3A : vector<16xi1>, vector<16xi32>
    %swap3A = arith.constant 0 : index
    %swap3A_17 = tpu.vector_load %arg13[%swap3A] {strides = array<i32>} : memref<128xi32, #tpu.memory_space<vmem>>, vector<16xi32>,
    tpu.vector_store %arg13[%swap3A], %select_n3A_16 {strides = array<i32>} : memref<128xi32, #tpu.memory_space<vmem>>, vector<16xi32>,
    %get3A_18 = arith.constant 0 : index
    %get3A_19 = tpu.vector_load %arg10[%get3A_18] {strides = array<i32>} : memref<128xi32, #tpu.memory_space<vmem>>, vector<16xi32>,
    %ge3A_20 = arith.constant 507904 : i32
    %ge3A_21 = vector.broadcast %ge3A_20 : i32 to vector<16xi32>
    %ge3A_22 = arith.cmpi sge, %get3A_19, %ge3A_21 : vector<16xi32>
    %sub3A_23 = arith.constant 507904 : i32
    %sub3A_24 = vector.broadcast %sub3A_23 : i32 to vector<16xi32>
    %sub3A_25 = arith.subi %get3A_19, %sub3A_24 : vector<16xi32>
    %select_n3A_26 = arith.select %ge3A_22, %sub3A_25, %get3A_19 : vector<16xi1>, vector<16xi32>
    %ge3A_27 = arith.constant 253952 : i32
    %ge3A_28 = vector.broadcast %ge3A_27 : i32 to vector<16xi32>
    %ge3A_29 = arith.cmpi sge, %select_n3A_26, %ge3A_28 : vector<16xi32>
    %sub3A_30 = arith.constant 253952 : i32
    %sub3A_31 = vector.broadcast %sub3A_30 : i32 to vector<16xi32>
    %sub3A_32 = arith.subi %select_n3A_26, %sub3A_31 : vector<16xi32>
    %select_n3A_33 = arith.select %ge3A_29, %sub3A_32, %select_n3A_26 : vector<16xi1>, vector<16xi32>
    %swap3A_34 = arith.constant 0 : index
    %swap3A_35 = tpu.vector_load %arg14[%swap3A_34] {strides = array<i32>} : memref<128xi32, #tpu.memory_space<vmem>>, vector<16xi32>,
    tpu.vector_store %arg14[%swap3A_34], %select_n3A_33 {strides = array<i32>} : memref<128xi32, #tpu.memory_space<vmem>>, vector<16xi32>,
    %get3A_36 = arith.constant 0 : index
    %get3A_37 = tpu.vector_load %arg11[%get3A_36] {strides = array<i32>} : memref<128xi32, #tpu.memory_space<vmem>>, vector<16xi32>,
    %ge3A_38 = arith.constant 507904 : i32
    %ge3A_39 = vector.broadcast %ge3A_38 : i32 to vector<16xi32>
    %ge3A_40 = arith.cmpi sge, %get3A_37, %ge3A_39 : vector<16xi32>
    %sub3A_41 = arith.constant 507904 : i32
    %sub3A_42 = vector.broadcast %sub3A_41 : i32 to vector<16xi32>
    %sub3A_43 = arith.subi %get3A_37, %sub3A_42 : vector<16xi32>
    %select_n3A_44 = arith.select %ge3A_40, %sub3A_43, %get3A_37 : vector<16xi1>, vector<16xi32>
    %ge3A_45 = arith.constant 253952 : i32
    %ge3A_46 = vector.broadcast %ge3A_45 : i32 to vector<16xi32>
    %ge3A_47 = arith.cmpi sge, %select_n3A_44, %ge3A_46 : vector<16xi32>
    %sub3A_48 = arith.constant 253952 : i32
    %sub3A_49 = vector.broadcast %sub3A_48 : i32 to vector<16xi32>
    %sub3A_50 = arith.subi %select_n3A_44, %sub3A_49 : vector<16xi32>
    %select_n3A_51 = arith.select %ge3A_47, %sub3A_50, %select_n3A_44 : vector<16xi1>, vector<16xi32>
    %swap3A_52 = arith.constant 0 : index
    %swap3A_53 = tpu.vector_load %arg15[%swap3A_52] {strides = array<i32>} : memref<128xi32, #tpu.memory_space<vmem>>, vector<16xi32>,
    tpu.vector_store %arg15[%swap3A_52], %select_n3A_51 {strides = array<i32>} : memref<128xi32, #tpu.memory_space<vmem>>, vector<16xi32>,
    %get3A_54 = arith.constant 0 : index
    %get3A_55 = tpu.vector_load %arg12[%get3A_54] {strides = array<i32>} : memref<128xi32, #tpu.memory_space<vmem>>, vector<16xi32>,
    %ge3A_56 = arith.constant 507904 : i32
    %ge3A_57 = vector.broadcast %ge3A_56 : i32 to vector<16xi32>
    %ge3A_58 = arith.cmpi sge, %get3A_55, %ge3A_57 : vector<16xi32>
    %sub3A_59 = arith.constant 507904 : i32
    %sub3A_60 = vector.broadcast %sub3A_59 : i32 to vector<16xi32>
    %sub3A_61 = arith.subi %get3A_55, %sub3A_60 : vector<16xi32>
    %select_n3A_62 = arith.select %ge3A_58, %sub3A_61, %get3A_55 : vector<16xi1>, vector<16xi32>
    %ge3A_63 = arith.constant 253952 : i32
    %ge3A_64 = vector.broadcast %ge3A_63 : i32 to vector<16xi32>
    %ge3A_65 = arith.cmpi sge, %select_n3A_62, %ge3A_64 : vector<16xi32>
    %sub3A_66 = arith.constant 253952 : i32
    %sub3A_67 = vector.broadcast %sub3A_66 : i32 to vector<16xi32>
    %sub3A_68 = arith.subi %select_n3A_62, %sub3A_67 : vector<16xi32>
    %select_n3A_69 = arith.select %ge3A_65, %sub3A_68, %select_n3A_62 : vector<16xi1>, vector<16xi32>
    %swap3A_70 = arith.constant 0 : index
    %swap3A_71 = tpu.vector_load %arg16[%swap3A_70] {strides = array<i32>} : memref<128xi32, #tpu.memory_space<vmem>>, vector<16xi32>,
    tpu.vector_store %arg16[%swap3A_70], %select_n3A_69 {strides = array<i32>} : memref<128xi32, #tpu.memory_space<vmem>>, vector<16xi32>,
    %get3A_72 = arith.constant 16 : index
    %get3A_73 = tpu.vector_load %arg9[%get3A_72] {strides = array<i32>} : memref<128xi32, #tpu.memory_space<vmem>>, vector<16xi32>,
    %ge3A_74 = arith.constant 507904 : i32
    %ge3A_75 = vector.broadcast %ge3A_74 : i32 to vector<16xi32>
    %ge3A_76 = arith.cmpi sge, %get3A_73, %ge3A_75 : vector<16xi32>
    %sub3A_77 = arith.constant 507904 : i32
    %sub3A_78 = vector.broadcast %sub3A_77 : i32 to vector<16xi32>
    %sub3A_79 = arith.subi %get3A_73, %sub3A_78 : vector<16xi32>
    %select_n3A_80 = arith.select %ge3A_76, %sub3A_79, %get3A_73 : vector<16xi1>, vector<16xi32>
    %ge3A_81 = arith.constant 253952 : i32
    %ge3A_82 = vector.broadcast %ge3A_81 : i32 to vector<16xi32>
    %ge3A_83 = arith.cmpi sge, %select_n3A_80, %ge3A_82 : vector<16xi32>
    %sub3A_84 = arith.constant 253952 : i32
    %sub3A_85 = vector.broadcast %sub3A_84 : i32 to vector<16xi32>
    %sub3A_86 = arith.subi %select_n3A_80, %sub3A_85 : vector<16xi32>
    %select_n3A_87 = arith.select %ge3A_83, %sub3A_86, %select_n3A_80 : vector<16xi1>, vector<16xi32>
    %swap3A_88 = arith.constant 16 : index
    %swap3A_89 = tpu.vector_load %arg13[%swap3A_88] {strides = array<i32>} : memref<128xi32, #tpu.memory_space<vmem>>, vector<16xi32>,
    tpu.vector_store %arg13[%swap3A_88], %select_n3A_87 {strides = array<i32>} : memref<128xi32, #tpu.memory_space<vmem>>, vector<16xi32>,
    %get3A_90 = arith.constant 16 : index
    %get3A_91 = tpu.vector_load %arg10[%get3A_90] {strides = array<i32>} : memref<128xi32, #tpu.memory_space<vmem>>, vector<16xi32>,
    %ge3A_92 = arith.constant 507904 : i32
    %ge3A_93 = vector.broadcast %ge3A_92 : i32 to vector<16xi32>
    %ge3A_94 = arith.cmpi sge, %get3A_91, %ge3A_93 : vector<16xi32>
    %sub3A_95 = arith.constant 507904 : i32
    %sub3A_96 = vector.broadcast %sub3A_95 : i32 to vector<16xi32>
    %sub3A_97 = arith.subi %get3A_91, %sub3A_96 : vector<16xi32>
    %select_n3A_98 = arith.select %ge3A_94, %sub3A_97, %get3A_91 : vector<16xi1>, vector<16xi32>
    %ge3A_99 = arith.constant 253952 : i32
    %ge3A_100 = vector.broadcast %ge3A_99 : i32 to vector<16xi32>
    %ge3A_101 = arith.cmpi sge, %select_n3A_98, %ge3A_100 : vector<16xi32>
    %sub3A_102 = arith.constant 253952 : i32
    %sub3A_103 = vector.broadcast %sub3A_102 : i32 to vector<16xi32>
    %sub3A_104 = arith.subi %select_n3A_98, %sub3A_103 : vector<16xi32>
    %select_n3A_105 = arith.select %ge3A_101, %sub3A_104, %select_n3A_98 : vector<16xi1>, vector<16xi32>
    %swap3A_106 = arith.constant 16 : index
    %swap3A_107 = tpu.vector_load %arg14[%swap3A_106] {strides = array<i32>} : memref<128xi32, #tpu.memory_space<vmem>>, vector<16xi32>,
    tpu.vector_store %arg14[%swap3A_106], %select_n3A_105 {strides = array<i32>} : memref<128xi32, #tpu.memory_space<vmem>>, vector<16xi32>,
    %get3A_108 = arith.constant 16 : index
    %get3A_109 = tpu.vector_load %arg11[%get3A_108] {strides = array<i32>} : memref<128xi32, #tpu.memory_space<vmem>>, vector<16xi32>,
    %ge3A_110 = arith.constant 507904 : i32
    %ge3A_111 = vector.broadcast %ge3A_110 : i32 to vector<16xi32>
    %ge3A_112 = arith.cmpi sge, %get3A_109, %ge3A_111 : vector<16xi32>
    %sub3A_113 = arith.constant 507904 : i32
    %sub3A_114 = vector.broadcast %sub3A_113 : i32 to vector<16xi32>
    %sub3A_115 = arith.subi %get3A_109, %sub3A_114 : vector<16xi32>
    %select_n3A_116 = arith.select %ge3A_112, %sub3A_115, %get3A_109 : vector<16xi1>, vector<16xi32>
    %ge3A_117 = arith.constant 253952 : i32
    %ge3A_118 = vector.broadcast %ge3A_117 : i32 to vector<16xi32>
    %ge3A_119 = arith.cmpi sge, %select_n3A_116, %ge3A_118 : vector<16xi32>
    %sub3A_120 = arith.constant 253952 : i32
    %sub3A_121 = vector.broadcast %sub3A_120 : i32 to vector<16xi32>
    %sub3A_122 = arith.subi %select_n3A_116, %sub3A_121 : vector<16xi32>
    %select_n3A_123 = arith.select %ge3A_119, %sub3A_122, %select_n3A_116 : vector<16xi1>, vector<16xi32>
    %swap3A_124 = arith.constant 16 : index
    %swap3A_125 = tpu.vector_load %arg15[%swap3A_124] {strides = array<i32>} : memref<128xi32, #tpu.memory_space<vmem>>, vector<16xi32>,
    tpu.vector_store %arg15[%swap3A_124], %select_n3A_123 {strides = array<i32>} : memref<128xi32, #tpu.memory_space<vmem>>, vector<16xi32>,
    %get3A_126 = arith.constant 16 : index
    %get3A_127 = tpu.vector_load %arg12[%get3A_126] {strides = array<i32>} : memref<128xi32, #tpu.memory_space<vmem>>, vector<16xi32>,
    %ge3A_128 = arith.constant 507904 : i32
    %ge3A_129 = vector.broadcast %ge3A_128 : i32 to vector<16xi32>
    %ge3A_130 = arith.cmpi sge, %get3A_127, %ge3A_129 : vector<16xi32>
    %sub3A_131 = arith.constant 507904 : i32
    %sub3A_132 = vector.broadcast %sub3A_131 : i32 to vector<16xi32>
    %sub3A_133 = arith.subi %get3A_127, %sub3A_132 : vector<16xi32>
    %select_n3A_134 = arith.select %ge3A_130, %sub3A_133, %get3A_127 : vector<16xi1>, vector<16xi32>
    %ge3A_135 = arith.constant 253952 : i32
    %ge3A_136 = vector.broadcast %ge3A_135 : i32 to vector<16xi32>
    %ge3A_137 = arith.cmpi sge, %select_n3A_134, %ge3A_136 : vector<16xi32>
    %sub3A_138 = arith.constant 253952 : i32
    %sub3A_139 = vector.broadcast %sub3A_138 : i32 to vector<16xi32>
    %sub3A_140 = arith.subi %select_n3A_134, %sub3A_139 : vector<16xi32>
    %select_n3A_141 = arith.select %ge3A_137, %sub3A_140, %select_n3A_134 : vector<16xi1>, vector<16xi32>
    %swap3A_142 = arith.constant 16 : index
    %swap3A_143 = tpu.vector_load %arg16[%swap3A_142] {strides = array<i32>} : memref<128xi32, #tpu.memory_space<vmem>>, vector<16xi32>,
    tpu.vector_store %arg16[%swap3A_142], %select_n3A_141 {strides = array<i32>} : memref<128xi32, #tpu.memory_space<vmem>>, vector<16xi32>,
    %get3A_144 = arith.constant 32 : index
    %get3A_145 = tpu.vector_load %arg9[%get3A_144] {strides = array<i32>} : memref<128xi32, #tpu.memory_space<vmem>>, vector<16xi32>,
    %ge3A_146 = arith.constant 507904 : i32
    %ge3A_147 = vector.broadcast %ge3A_146 : i32 to vector<16xi32>
    %ge3A_148 = arith.cmpi sge, %get3A_145, %ge3A_147 : vector<16xi32>
    %sub3A_149 = arith.constant 507904 : i32
    %sub3A_150 = vector.broadcast %sub3A_149 : i32 to vector<16xi32>
    %sub3A_151 = arith.subi %get3A_145, %sub3A_150 : vector<16xi32>
    %select_n3A_152 = arith.select %ge3A_148, %sub3A_151, %get3A_145 : vector<16xi1>, vector<16xi32>
    %ge3A_153 = arith.constant 253952 : i32
    %ge3A_154 = vector.broadcast %ge3A_153 : i32 to vector<16xi32>
    %ge3A_155 = arith.cmpi sge, %select_n3A_152, %ge3A_154 : vector<16xi32>
    %sub3A_156 = arith.constant 253952 : i32
    %sub3A_157 = vector.broadcast %sub3A_156 : i32 to vector<16xi32>
    %sub3A_158 = arith.subi %select_n3A_152, %sub3A_157 : vector<16xi32>
    %select_n3A_159 = arith.select %ge3A_155, %sub3A_158, %select_n3A_152 : vector<16xi1>, vector<16xi32>
    %swap3A_160 = arith.constant 32 : index
    %swap3A_161 = tpu.vector_load %arg13[%swap3A_160] {strides = array<i32>} : memref<128xi32, #tpu.memory_space<vmem>>, vector<16xi32>,
    tpu.vector_store %arg13[%swap3A_160], %select_n3A_159 {strides = array<i32>} : memref<128xi32, #tpu.memory_space<vmem>>, vector<16xi32>,
    %get3A_162 = arith.constant 32 : index
    %get3A_163 = tpu.vector_load %arg10[%get3A_162] {strides = array<i32>} : memref<128xi32, #tpu.memory_space<vmem>>, vector<16xi32>,
    %ge3A_164 = arith.constant 507904 : i32
    %ge3A_165 = vector.broadcast %ge3A_164 : i32 to vector<16xi32>
    %ge3A_166 = arith.cmpi sge, %get3A_163, %ge3A_165 : vector<16xi32>
    %sub3A_167 = arith.constant 507904 : i32
    %sub3A_168 = vector.broadcast %sub3A_167 : i32 to vector<16xi32>
    %sub3A_169 = arith.subi %get3A_163, %sub3A_168 : vector<16xi32>
    %select_n3A_170 = arith.select %ge3A_166, %sub3A_169, %get3A_163 : vector<16xi1>, vector<16xi32>
    %ge3A_171 = arith.constant 253952 : i32
    %ge3A_172 = vector.broadcast %ge3A_171 : i32 to vector<16xi32>
    %ge3A_173 = arith.cmpi sge, %select_n3A_170, %ge3A_172 : vector<16xi32>
    %sub3A_174 = arith.constant 253952 : i32
    %sub3A_175 = vector.broadcast %sub3A_174 : i32 to vector<16xi32>
    %sub3A_176 = arith.subi %select_n3A_170, %sub3A_175 : vector<16xi32>
    %select_n3A_177 = arith.select %ge3A_173, %sub3A_176, %select_n3A_170 : vector<16xi1>, vector<16xi32>
    %swap3A_178 = arith.constant 32 : index
    %swap3A_179 = tpu.vector_load %arg14[%swap3A_178] {strides = array<i32>} : memref<128xi32, #tpu.memory_space<vmem>>, vector<16xi32>,
    tpu.vector_store %arg14[%swap3A_178], %select_n3A_177 {strides = array<i32>} : memref<128xi32, #tpu.memory_space<vmem>>, vector<16xi32>,
    %get3A_180 = arith.constant 32 : index
    %get3A_181 = tpu.vector_load %arg11[%get3A_180] {strides = array<i32>} : memref<128xi32, #tpu.memory_space<vmem>>, vector<16xi32>,
    %ge3A_182 = arith.constant 507904 : i32
    %ge3A_183 = vector.broadcast %ge3A_182 : i32 to vector<16xi32>
    %ge3A_184 = arith.cmpi sge, %get3A_181, %ge3A_183 : vector<16xi32>
    %sub3A_185 = arith.constant 507904 : i32
    %sub3A_186 = vector.broadcast %sub3A_185 : i32 to vector<16xi32>
    %sub3A_187 = arith.subi %get3A_181, %sub3A_186 : vector<16xi32>
    %select_n3A_188 = arith.select %ge3A_184, %sub3A_187, %get3A_181 : vector<16xi1>, vector<16xi32>
    %ge3A_189 = arith.constant 253952 : i32
    %ge3A_190 = vector.broadcast %ge3A_189 : i32 to vector<16xi32>
    %ge3A_191 = arith.cmpi sge, %select_n3A_188, %ge3A_190 : vector<16xi32>
    %sub3A_192 = arith.constant 253952 : i32
    %sub3A_193 = vector.broadcast %sub3A_192 : i32 to vector<16xi32>
    %sub3A_194 = arith.subi %select_n3A_188, %sub3A_193 : vector<16xi32>
    %select_n3A_195 = arith.select %ge3A_191, %sub3A_194, %select_n3A_188 : vector<16xi1>, vector<16xi32>
    %swap3A_196 = arith.constant 32 : index
    %swap3A_197 = tpu.vector_load %arg15[%swap3A_196] {strides = array<i32>} : memref<128xi32, #tpu.memory_space<vmem>>, vector<16xi32>,
    tpu.vector_store %arg15[%swap3A_196], %select_n3A_195 {strides = array<i32>} : memref<128xi32, #tpu.memory_space<vmem>>, vector<16xi32>,
    %get3A_198 = arith.constant 32 : index
    %get3A_199 = tpu.vector_load %arg12[%get3A_198] {strides = array<i32>} : memref<128xi32, #tpu.memory_space<vmem>>, vector<16xi32>,
    %ge3A_200 = arith.constant 507904 : i32
    %ge3A_201 = vector.broadcast %ge3A_200 : i32 to vector<16xi32>
    %ge3A_202 = arith.cmpi sge, %get3A_199, %ge3A_201 : vector<16xi32>
    %sub3A_203 = arith.constant 507904 : i32
    %sub3A_204 = vector.broadcast %sub3A_203 : i32 to vector<16xi32>
    %sub3A_205 = arith.subi %get3A_199, %sub3A_204 : vector<16xi32>
    %select_n3A_206 = arith.select %ge3A_202, %sub3A_205, %get3A_199 : vector<16xi1>, vector<16xi32>
    %ge3A_207 = arith.constant 253952 : i32
    %ge3A_208 = vector.broadcast %ge3A_207 : i32 to vector<16xi32>
    %ge3A_209 = arith.cmpi sge, %select_n3A_206, %ge3A_208 : vector<16xi32>
    %sub3A_210 = arith.constant 253952 : i32
    %sub3A_211 = vector.broadcast %sub3A_210 : i32 to vector<16xi32>
    %sub3A_212 = arith.subi %select_n3A_206, %sub3A_211 : vector<16xi32>
    %select_n3A_213 = arith.select %ge3A_209, %sub3A_212, %select_n3A_206 : vector<16xi1>, vector<16xi32>
    %swap3A_214 = arith.constant 32 : index
    %swap3A_215 = tpu.vector_load %arg16[%swap3A_214] {strides = array<i32>} : memref<128xi32, #tpu.memory_space<vmem>>, vector<16xi32>,
    tpu.vector_store %arg16[%swap3A_214], %select_n3A_213 {strides = array<i32>} : memref<128xi32, #tpu.memory_space<vmem>>, vector<16xi32>,
    %get3A_216 = arith.constant 48 : index
    %get3A_217 = tpu.vector_load %arg9[%get3A_216] {strides = array<i32>} : memref<128xi32, #tpu.memory_space<vmem>>, vector<16xi32>,
    %ge3A_218 = arith.constant 507904 : i32
    %ge3A_219 = vector.broadcast %ge3A_218 : i32 to vector<16xi32>
    %ge3A_220 = arith.cmpi sge, %get3A_217, %ge3A_219 : vector<16xi32>
    %sub3A_221 = arith.constant 507904 : i32
    %sub3A_222 = vector.broadcast %sub3A_221 : i32 to vector<16xi32>
    %sub3A_223 = arith.subi %get3A_217, %sub3A_222 : vector<16xi32>
    %select_n3A_224 = arith.select %ge3A_220, %sub3A_223, %get3A_217 : vector<16xi1>, vector<16xi32>
    %ge3A_225 = arith.constant 253952 : i32
    %ge3A_226 = vector.broadcast %ge3A_225 : i32 to vector<16xi32>
    %ge3A_227 = arith.cmpi sge, %select_n3A_224, %ge3A_226 : vector<16xi32>
    %sub3A_228 = arith.constant 253952 : i32
    %sub3A_229 = vector.broadcast %sub3A_228 : i32 to vector<16xi32>
    %sub3A_230 = arith.subi %select_n3A_224, %sub3A_229 : vector<16xi32>
    %select_n3A_231 = arith.select %ge3A_227, %sub3A_230, %select_n3A_224 : vector<16xi1>, vector<16xi32>
    %swap3A_232 = arith.constant 48 : index
    %swap3A_233 = tpu.vector_load %arg13[%swap3A_232] {strides = array<i32>} : memref<128xi32, #tpu.memory_space<vmem>>, vector<16xi32>,
    tpu.vector_store %arg13[%swap3A_232], %select_n3A_231 {strides = array<i32>} : memref<128xi32, #tpu.memory_space<vmem>>, vector<16xi32>,
    %get3A_234 = arith.constant 48 : index
    %get3A_235 = tpu.vector_load %arg10[%get3A_234] {strides = array<i32>} : memref<128xi32, #tpu.memory_space<vmem>>, vector<16xi32>,
    %ge3A_236 = arith.constant 507904 : i32
    %ge3A_237 = vector.broadcast %ge3A_236 : i32 to vector<16xi32>
    %ge3A_238 = arith.cmpi sge, %get3A_235, %ge3A_237 : vector<16xi32>
    %sub3A_239 = arith.constant 507904 : i32
    %sub3A_240 = vector.broadcast %sub3A_239 : i32 to vector<16xi32>
    %sub3A_241 = arith.subi %get3A_235, %sub3A_240 : vector<16xi32>
    %select_n3A_242 = arith.select %ge3A_238, %sub3A_241, %get3A_235 : vector<16xi1>, vector<16xi32>
    %ge3A_243 = arith.constant 253952 : i32
    %ge3A_244 = vector.broadcast %ge3A_243 : i32 to vector<16xi32>
    %ge3A_245 = arith.cmpi sge, %select_n3A_242, %ge3A_244 : vector<16xi32>
    %sub3A_246 = arith.constant 253952 : i32
    %sub3A_247 = vector.broadcast %sub3A_246 : i32 to vector<16xi32>
    %sub3A_248 = arith.subi %select_n3A_242, %sub3A_247 : vector<16xi32>
    %select_n3A_249 = arith.select %ge3A_245, %sub3A_248, %select_n3A_242 : vector<16xi1>, vector<16xi32>
    %swap3A_250 = arith.constant 48 : index
    %swap3A_251 = tpu.vector_load %arg14[%swap3A_250] {strides = array<i32>} : memref<128xi32, #tpu.memory_space<vmem>>, vector<16xi32>,
    tpu.vector_store %arg14[%swap3A_250], %select_n3A_249 {strides = array<i32>} : memref<128xi32, #tpu.memory_space<vmem>>, vector<16xi32>,
    %get3A_252 = arith.constant 48 : index
    %get3A_253 = tpu.vector_load %arg11[%get3A_252] {strides = array<i32>} : memref<128xi32, #tpu.memory_space<vmem>>, vector<16xi32>,
    %ge3A_254 = arith.constant 507904 : i32
    %ge3A_255 = vector.broadcast %ge3A_254 : i32 to vector<16xi32>
    %ge3A_256 = arith.cmpi sge, %get3A_253, %ge3A_255 : vector<16xi32>
    %sub3A_257 = arith.constant 507904 : i32
    %sub3A_258 = vector.broadcast %sub3A_257 : i32 to vector<16xi32>
    %sub3A_259 = arith.subi %get3A_253, %sub3A_258 : vector<16xi32>
    %select_n3A_260 = arith.select %ge3A_256, %sub3A_259, %get3A_253 : vector<16xi1>, vector<16xi32>
    %ge3A_261 = arith.constant 253952 : i32
    %ge3A_262 = vector.broadcast %ge3A_261 : i32 to vector<16xi32>
    %ge3A_263 = arith.cmpi sge, %select_n3A_260, %ge3A_262 : vector<16xi32>
    %sub3A_264 = arith.constant 253952 : i32
    %sub3A_265 = vector.broadcast %sub3A_264 : i32 to vector<16xi32>
    %sub3A_266 = arith.subi %select_n3A_260, %sub3A_265 : vector<16xi32>
    %select_n3A_267 = arith.select %ge3A_263, %sub3A_266, %select_n3A_260 : vector<16xi1>, vector<16xi32>
    %swap3A_268 = arith.constant 48 : index
    %swap3A_269 = tpu.vector_load %arg15[%swap3A_268] {strides = array<i32>} : memref<128xi32, #tpu.memory_space<vmem>>, vector<16xi32>,
    tpu.vector_store %arg15[%swap3A_268], %select_n3A_267 {strides = array<i32>} : memref<128xi32, #tpu.memory_space<vmem>>, vector<16xi32>,
    %get3A_270 = arith.constant 48 : index
    %get3A_271 = tpu.vector_load %arg12[%get3A_270] {strides = array<i32>} : memref<128xi32, #tpu.memory_space<vmem>>, vector<16xi32>,
    %ge3A_272 = arith.constant 507904 : i32
    %ge3A_273 = vector.broadcast %ge3A_272 : i32 to vector<16xi32>
    %ge3A_274 = arith.cmpi sge, %get3A_271, %ge3A_273 : vector<16xi32>
    %sub3A_275 = arith.constant 507904 : i32
    %sub3A_276 = vector.broadcast %sub3A_275 : i32 to vector<16xi32>
    %sub3A_277 = arith.subi %get3A_271, %sub3A_276 : vector<16xi32>
    %select_n3A_278 = arith.select %ge3A_274, %sub3A_277, %get3A_271 : vector<16xi1>, vector<16xi32>
    %ge3A_279 = arith.constant 253952 : i32
    %ge3A_280 = vector.broadcast %ge3A_279 : i32 to vector<16xi32>
    %ge3A_281 = arith.cmpi sge, %select_n3A_278, %ge3A_280 : vector<16xi32>
    %sub3A_282 = arith.constant 253952 : i32
    %sub3A_283 = vector.broadcast %sub3A_282 : i32 to vector<16xi32>
    %sub3A_284 = arith.subi %select_n3A_278, %sub3A_283 : vector<16xi32>
    %select_n3A_285 = arith.select %ge3A_281, %sub3A_284, %select_n3A_278 : vector<16xi1>, vector<16xi32>
    %swap3A_286 = arith.constant 48 : index
    %swap3A_287 = tpu.vector_load %arg16[%swap3A_286] {strides = array<i32>} : memref<128xi32, #tpu.memory_space<vmem>>, vector<16xi32>,
    tpu.vector_store %arg16[%swap3A_286], %select_n3A_285 {strides = array<i32>} : memref<128xi32, #tpu.memory_space<vmem>>, vector<16xi32>,
    %get3A_288 = arith.constant 64 : index
    %get3A_289 = tpu.vector_load %arg9[%get3A_288] {strides = array<i32>} : memref<128xi32, #tpu.memory_space<vmem>>, vector<16xi32>,
    %ge3A_290 = arith.constant 507904 : i32
    %ge3A_291 = vector.broadcast %ge3A_290 : i32 to vector<16xi32>
    %ge3A_292 = arith.cmpi sge, %get3A_289, %ge3A_291 : vector<16xi32>
    %sub3A_293 = arith.constant 507904 : i32
    %sub3A_294 = vector.broadcast %sub3A_293 : i32 to vector<16xi32>
    %sub3A_295 = arith.subi %get3A_289, %sub3A_294 : vector<16xi32>
    %select_n3A_296 = arith.select %ge3A_292, %sub3A_295, %get3A_289 : vector<16xi1>, vector<16xi32>
    %ge3A_297 = arith.constant 253952 : i32
    %ge3A_298 = vector.broadcast %ge3A_297 : i32 to vector<16xi32>
    %ge3A_299 = arith.cmpi sge, %select_n3A_296, %ge3A_298 : vector<16xi32>
    %sub3A_300 = arith.constant 253952 : i32
    %sub3A_301 = vector.broadcast %sub3A_300 : i32 to vector<16xi32>
    %sub3A_302 = arith.subi %select_n3A_296, %sub3A_301 : vector<16xi32>
    %select_n3A_303 = arith.select %ge3A_299, %sub3A_302, %select_n3A_296 : vector<16xi1>, vector<16xi32>
    %swap3A_304 = arith.constant 64 : index
    %swap3A_305 = tpu.vector_load %arg13[%swap3A_304] {strides = array<i32>} : memref<128xi32, #tpu.memory_space<vmem>>, vector<16xi32>,
    tpu.vector_store %arg13[%swap3A_304], %select_n3A_303 {strides = array<i32>} : memref<128xi32, #tpu.memory_space<vmem>>, vector<16xi32>,
    %get3A_306 = arith.constant 64 : index
    %get3A_307 = tpu.vector_load %arg10[%get3A_306] {strides = array<i32>} : memref<128xi32, #tpu.memory_space<vmem>>, vector<16xi32>,
    %ge3A_308 = arith.constant 507904 : i32
    %ge3A_309 = vector.broadcast %ge3A_308 : i32 to vector<16xi32>
    %ge3A_310 = arith.cmpi sge, %get3A_307, %ge3A_309 : vector<16xi32>
    %sub3A_311 = arith.constant 507904 : i32
    %sub3A_312 = vector.broadcast %sub3A_311 : i32 to vector<16xi32>
    %sub3A_313 = arith.subi %get3A_307, %sub3A_312 : vector<16xi32>
    %select_n3A_314 = arith.select %ge3A_310, %sub3A_313, %get3A_307 : vector<16xi1>, vector<16xi32>
    %ge3A_315 = arith.constant 253952 : i32
    %ge3A_316 = vector.broadcast %ge3A_315 : i32 to vector<16xi32>
    %ge3A_317 = arith.cmpi sge, %select_n3A_314, %ge3A_316 : vector<16xi32>
    %sub3A_318 = arith.constant 253952 : i32
    %sub3A_319 = vector.broadcast %sub3A_318 : i32 to vector<16xi32>
    %sub3A_320 = arith.subi %select_n3A_314, %sub3A_319 : vector<16xi32>
    %select_n3A_321 = arith.select %ge3A_317, %sub3A_320, %select_n3A_314 : vector<16xi1>, vector<16xi32>
    %swap3A_322 = arith.constant 64 : index
    %swap3A_323 = tpu.vector_load %arg14[%swap3A_322] {strides = array<i32>} : memref<128xi32, #tpu.memory_space<vmem>>, vector<16xi32>,
    tpu.vector_store %arg14[%swap3A_322], %select_n3A_321 {strides = array<i32>} : memref<128xi32, #tpu.memory_space<vmem>>, vector<16xi32>,
    %get3A_324 = arith.constant 64 : index
    %get3A_325 = tpu.vector_load %arg11[%get3A_324] {strides = array<i32>} : memref<128xi32, #tpu.memory_space<vmem>>, vector<16xi32>,
    %ge3A_326 = arith.constant 507904 : i32
    %ge3A_327 = vector.broadcast %ge3A_326 : i32 to vector<16xi32>
    %ge3A_328 = arith.cmpi sge, %get3A_325, %ge3A_327 : vector<16xi32>
    %sub3A_329 = arith.constant 507904 : i32
    %sub3A_330 = vector.broadcast %sub3A_329 : i32 to vector<16xi32>
    %sub3A_331 = arith.subi %get3A_325, %sub3A_330 : vector<16xi32>
    %select_n3A_332 = arith.select %ge3A_328, %sub3A_331, %get3A_325 : vector<16xi1>, vector<16xi32>
    %ge3A_333 = arith.constant 253952 : i32
    %ge3A_334 = vector.broadcast %ge3A_333 : i32 to vector<16xi32>
    %ge3A_335 = arith.cmpi sge, %select_n3A_332, %ge3A_334 : vector<16xi32>
    %sub3A_336 = arith.constant 253952 : i32
    %sub3A_337 = vector.broadcast %sub3A_336 : i32 to vector<16xi32>
    %sub3A_338 = arith.subi %select_n3A_332, %sub3A_337 : vector<16xi32>
    %select_n3A_339 = arith.select %ge3A_335, %sub3A_338, %select_n3A_332 : vector<16xi1>, vector<16xi32>
    %swap3A_340 = arith.constant 64 : index
    %swap3A_341 = tpu.vector_load %arg15[%swap3A_340] {strides = array<i32>} : memref<128xi32, #tpu.memory_space<vmem>>, vector<16xi32>,
    tpu.vector_store %arg15[%swap3A_340], %select_n3A_339 {strides = array<i32>} : memref<128xi32, #tpu.memory_space<vmem>>, vector<16xi32>,
    %get3A_342 = arith.constant 64 : index
    %get3A_343 = tpu.vector_load %arg12[%get3A_342] {strides = array<i32>} : memref<128xi32, #tpu.memory_space<vmem>>, vector<16xi32>,
    %ge3A_344 = arith.constant 507904 : i32
    %ge3A_345 = vector.broadcast %ge3A_344 : i32 to vector<16xi32>
    %ge3A_346 = arith.cmpi sge, %get3A_343, %ge3A_345 : vector<16xi32>
    %sub3A_347 = arith.constant 507904 : i32
    %sub3A_348 = vector.broadcast %sub3A_347 : i32 to vector<16xi32>
    %sub3A_349 = arith.subi %get3A_343, %sub3A_348 : vector<16xi32>
    %select_n3A_350 = arith.select %ge3A_346, %sub3A_349, %get3A_343 : vector<16xi1>, vector<16xi32>
    %ge3A_351 = arith.constant 253952 : i32
    %ge3A_352 = vector.broadcast %ge3A_351 : i32 to vector<16xi32>
    %ge3A_353 = arith.cmpi sge, %select_n3A_350, %ge3A_352 : vector<16xi32>
    %sub3A_354 = arith.constant 253952 : i32
    %sub3A_355 = vector.broadcast %sub3A_354 : i32 to vector<16xi32>
    %sub3A_356 = arith.subi %select_n3A_350, %sub3A_355 : vector<16xi32>
    %select_n3A_357 = arith.select %ge3A_353, %sub3A_356, %select_n3A_350 : vector<16xi1>, vector<16xi32>
    %swap3A_358 = arith.constant 64 : index
    %swap3A_359 = tpu.vector_load %arg16[%swap3A_358] {strides = array<i32>} : memref<128xi32, #tpu.memory_space<vmem>>, vector<16xi32>,
    tpu.vector_store %arg16[%swap3A_358], %select_n3A_357 {strides = array<i32>} : memref<128xi32, #tpu.memory_space<vmem>>, vector<16xi32>,
    %get3A_360 = arith.constant 80 : index
    %get3A_361 = tpu.vector_load %arg9[%get3A_360] {strides = array<i32>} : memref<128xi32, #tpu.memory_space<vmem>>, vector<16xi32>,
    %ge3A_362 = arith.constant 507904 : i32
    %ge3A_363 = vector.broadcast %ge3A_362 : i32 to vector<16xi32>
    %ge3A_364 = arith.cmpi sge, %get3A_361, %ge3A_363 : vector<16xi32>
    %sub3A_365 = arith.constant 507904 : i32
    %sub3A_366 = vector.broadcast %sub3A_365 : i32 to vector<16xi32>
    %sub3A_367 = arith.subi %get3A_361, %sub3A_366 : vector<16xi32>
    %select_n3A_368 = arith.select %ge3A_364, %sub3A_367, %get3A_361 : vector<16xi1>, vector<16xi32>
    %ge3A_369 = arith.constant 253952 : i32
    %ge3A_370 = vector.broadcast %ge3A_369 : i32 to vector<16xi32>
    %ge3A_371 = arith.cmpi sge, %select_n3A_368, %ge3A_370 : vector<16xi32>
    %sub3A_372 = arith.constant 253952 : i32
    %sub3A_373 = vector.broadcast %sub3A_372 : i32 to vector<16xi32>
    %sub3A_374 = arith.subi %select_n3A_368, %sub3A_373 : vector<16xi32>
    %select_n3A_375 = arith.select %ge3A_371, %sub3A_374, %select_n3A_368 : vector<16xi1>, vector<16xi32>
    %swap3A_376 = arith.constant 80 : index
    %swap3A_377 = tpu.vector_load %arg13[%swap3A_376] {strides = array<i32>} : memref<128xi32, #tpu.memory_space<vmem>>, vector<16xi32>,
    tpu.vector_store %arg13[%swap3A_376], %select_n3A_375 {strides = array<i32>} : memref<128xi32, #tpu.memory_space<vmem>>, vector<16xi32>,
    %get3A_378 = arith.constant 80 : index
    %get3A_379 = tpu.vector_load %arg10[%get3A_378] {strides = array<i32>} : memref<128xi32, #tpu.memory_space<vmem>>, vector<16xi32>,
    %ge3A_380 = arith.constant 507904 : i32
    %ge3A_381 = vector.broadcast %ge3A_380 : i32 to vector<16xi32>
    %ge3A_382 = arith.cmpi sge, %get3A_379, %ge3A_381 : vector<16xi32>
    %sub3A_383 = arith.constant 507904 : i32
    %sub3A_384 = vector.broadcast %sub3A_383 : i32 to vector<16xi32>
    %sub3A_385 = arith.subi %get3A_379, %sub3A_384 : vector<16xi32>
    %select_n3A_386 = arith.select %ge3A_382, %sub3A_385, %get3A_379 : vector<16xi1>, vector<16xi32>
    %ge3A_387 = arith.constant 253952 : i32
    %ge3A_388 = vector.broadcast %ge3A_387 : i32 to vector<16xi32>
    %ge3A_389 = arith.cmpi sge, %select_n3A_386, %ge3A_388 : vector<16xi32>
    %sub3A_390 = arith.constant 253952 : i32
    %sub3A_391 = vector.broadcast %sub3A_390 : i32 to vector<16xi32>
    %sub3A_392 = arith.subi %select_n3A_386, %sub3A_391 : vector<16xi32>
    %select_n3A_393 = arith.select %ge3A_389, %sub3A_392, %select_n3A_386 : vector<16xi1>, vector<16xi32>
    %swap3A_394 = arith.constant 80 : index
    %swap3A_395 = tpu.vector_load %arg14[%swap3A_394] {strides = array<i32>} : memref<128xi32, #tpu.memory_space<vmem>>, vector<16xi32>,
    tpu.vector_store %arg14[%swap3A_394], %select_n3A_393 {strides = array<i32>} : memref<128xi32, #tpu.memory_space<vmem>>, vector<16xi32>,
    %get3A_396 = arith.constant 80 : index
    %get3A_397 = tpu.vector_load %arg11[%get3A_396] {strides = array<i32>} : memref<128xi32, #tpu.memory_space<vmem>>, vector<16xi32>,
    %ge3A_398 = arith.constant 507904 : i32
    %ge3A_399 = vector.broadcast %ge3A_398 : i32 to vector<16xi32>
    %ge3A_400 = arith.cmpi sge, %get3A_397, %ge3A_399 : vector<16xi32>
    %sub3A_401 = arith.constant 507904 : i32
    %sub3A_402 = vector.broadcast %sub3A_401 : i32 to vector<16xi32>
    %sub3A_403 = arith.subi %get3A_397, %sub3A_402 : vector<16xi32>
    %select_n3A_404 = arith.select %ge3A_400, %sub3A_403, %get3A_397 : vector<16xi1>, vector<16xi32>
    %ge3A_405 = arith.constant 253952 : i32
    %ge3A_406 = vector.broadcast %ge3A_405 : i32 to vector<16xi32>
    %ge3A_407 = arith.cmpi sge, %select_n3A_404, %ge3A_406 : vector<16xi32>
    %sub3A_408 = arith.constant 253952 : i32
    %sub3A_409 = vector.broadcast %sub3A_408 : i32 to vector<16xi32>
    %sub3A_410 = arith.subi %select_n3A_404, %sub3A_409 : vector<16xi32>
    %select_n3A_411 = arith.select %ge3A_407, %sub3A_410, %select_n3A_404 : vector<16xi1>, vector<16xi32>
    %swap3A_412 = arith.constant 80 : index
    %swap3A_413 = tpu.vector_load %arg15[%swap3A_412] {strides = array<i32>} : memref<128xi32, #tpu.memory_space<vmem>>, vector<16xi32>,
    tpu.vector_store %arg15[%swap3A_412], %select_n3A_411 {strides = array<i32>} : memref<128xi32, #tpu.memory_space<vmem>>, vector<16xi32>,
    %get3A_414 = arith.constant 80 : index
    %get3A_415 = tpu.vector_load %arg12[%get3A_414] {strides = array<i32>} : memref<128xi32, #tpu.memory_space<vmem>>, vector<16xi32>,
    %ge3A_416 = arith.constant 507904 : i32
    %ge3A_417 = vector.broadcast %ge3A_416 : i32 to vector<16xi32>
    %ge3A_418 = arith.cmpi sge, %get3A_415, %ge3A_417 : vector<16xi32>
    %sub3A_419 = arith.constant 507904 : i32
    %sub3A_420 = vector.broadcast %sub3A_419 : i32 to vector<16xi32>
    %sub3A_421 = arith.subi %get3A_415, %sub3A_420 : vector<16xi32>
    %select_n3A_422 = arith.select %ge3A_418, %sub3A_421, %get3A_415 : vector<16xi1>, vector<16xi32>
    %ge3A_423 = arith.constant 253952 : i32
    %ge3A_424 = vector.broadcast %ge3A_423 : i32 to vector<16xi32>
    %ge3A_425 = arith.cmpi sge, %select_n3A_422, %ge3A_424 : vector<16xi32>
    %sub3A_426 = arith.constant 253952 : i32
    %sub3A_427 = vector.broadcast %sub3A_426 : i32 to vector<16xi32>
    %sub3A_428 = arith.subi %select_n3A_422, %sub3A_427 : vector<16xi32>
    %select_n3A_429 = arith.select %ge3A_425, %sub3A_428, %select_n3A_422 : vector<16xi1>, vector<16xi32>
    %swap3A_430 = arith.constant 80 : index
    %swap3A_431 = tpu.vector_load %arg16[%swap3A_430] {strides = array<i32>} : memref<128xi32, #tpu.memory_space<vmem>>, vector<16xi32>,
    tpu.vector_store %arg16[%swap3A_430], %select_n3A_429 {strides = array<i32>} : memref<128xi32, #tpu.memory_space<vmem>>, vector<16xi32>,
    %get3A_432 = arith.constant 96 : index
    %get3A_433 = tpu.vector_load %arg9[%get3A_432] {strides = array<i32>} : memref<128xi32, #tpu.memory_space<vmem>>, vector<16xi32>,
    %ge3A_434 = arith.constant 507904 : i32
    %ge3A_435 = vector.broadcast %ge3A_434 : i32 to vector<16xi32>
    %ge3A_436 = arith.cmpi sge, %get3A_433, %ge3A_435 : vector<16xi32>
    %sub3A_437 = arith.constant 507904 : i32
    %sub3A_438 = vector.broadcast %sub3A_437 : i32 to vector<16xi32>
    %sub3A_439 = arith.subi %get3A_433, %sub3A_438 : vector<16xi32>
    %select_n3A_440 = arith.select %ge3A_436, %sub3A_439, %get3A_433 : vector<16xi1>, vector<16xi32>
    %ge3A_441 = arith.constant 253952 : i32
    %ge3A_442 = vector.broadcast %ge3A_441 : i32 to vector<16xi32>
    %ge3A_443 = arith.cmpi sge, %select_n3A_440, %ge3A_442 : vector<16xi32>
    %sub3A_444 = arith.constant 253952 : i32
    %sub3A_445 = vector.broadcast %sub3A_444 : i32 to vector<16xi32>
    %sub3A_446 = arith.subi %select_n3A_440, %sub3A_445 : vector<16xi32>
    %select_n3A_447 = arith.select %ge3A_443, %sub3A_446, %select_n3A_440 : vector<16xi1>, vector<16xi32>
    %swap3A_448 = arith.constant 96 : index
    %swap3A_449 = tpu.vector_load %arg13[%swap3A_448] {strides = array<i32>} : memref<128xi32, #tpu.memory_space<vmem>>, vector<16xi32>,
    tpu.vector_store %arg13[%swap3A_448], %select_n3A_447 {strides = array<i32>} : memref<128xi32, #tpu.memory_space<vmem>>, vector<16xi32>,
    %get3A_450 = arith.constant 96 : index
    %get3A_451 = tpu.vector_load %arg10[%get3A_450] {strides = array<i32>} : memref<128xi32, #tpu.memory_space<vmem>>, vector<16xi32>,
    %ge3A_452 = arith.constant 507904 : i32
    %ge3A_453 = vector.broadcast %ge3A_452 : i32 to vector<16xi32>
    %ge3A_454 = arith.cmpi sge, %get3A_451, %ge3A_453 : vector<16xi32>
    %sub3A_455 = arith.constant 507904 : i32
    %sub3A_456 = vector.broadcast %sub3A_455 : i32 to vector<16xi32>
    %sub3A_457 = arith.subi %get3A_451, %sub3A_456 : vector<16xi32>
    %select_n3A_458 = arith.select %ge3A_454, %sub3A_457, %get3A_451 : vector<16xi1>, vector<16xi32>
    %ge3A_459 = arith.constant 253952 : i32
    %ge3A_460 = vector.broadcast %ge3A_459 : i32 to vector<16xi32>
    %ge3A_461 = arith.cmpi sge, %select_n3A_458, %ge3A_460 : vector<16xi32>
    %sub3A_462 = arith.constant 253952 : i32
    %sub3A_463 = vector.broadcast %sub3A_462 : i32 to vector<16xi32>
    %sub3A_464 = arith.subi %select_n3A_458, %sub3A_463 : vector<16xi32>
    %select_n3A_465 = arith.select %ge3A_461, %sub3A_464, %select_n3A_458 : vector<16xi1>, vector<16xi32>
    %swap3A_466 = arith.constant 96 : index
    %swap3A_467 = tpu.vector_load %arg14[%swap3A_466] {strides = array<i32>} : memref<128xi32, #tpu.memory_space<vmem>>, vector<16xi32>,
    tpu.vector_store %arg14[%swap3A_466], %select_n3A_465 {strides = array<i32>} : memref<128xi32, #tpu.memory_space<vmem>>, vector<16xi32>,
    %get3A_468 = arith.constant 96 : index
    %get3A_469 = tpu.vector_load %arg11[%get3A_468] {strides = array<i32>} : memref<128xi32, #tpu.memory_space<vmem>>, vector<16xi32>,
    %ge3A_470 = arith.constant 507904 : i32
    %ge3A_471 = vector.broadcast %ge3A_470 : i32 to vector<16xi32>
    %ge3A_472 = arith.cmpi sge, %get3A_469, %ge3A_471 : vector<16xi32>
    %sub3A_473 = arith.constant 507904 : i32
    %sub3A_474 = vector.broadcast %sub3A_473 : i32 to vector<16xi32>
    %sub3A_475 = arith.subi %get3A_469, %sub3A_474 : vector<16xi32>
    %select_n3A_476 = arith.select %ge3A_472, %sub3A_475, %get3A_469 : vector<16xi1>, vector<16xi32>
    %ge3A_477 = arith.constant 253952 : i32
    %ge3A_478 = vector.broadcast %ge3A_477 : i32 to vector<16xi32>
    %ge3A_479 = arith.cmpi sge, %select_n3A_476, %ge3A_478 : vector<16xi32>
    %sub3A_480 = arith.constant 253952 : i32
    %sub3A_481 = vector.broadcast %sub3A_480 : i32 to vector<16xi32>
    %sub3A_482 = arith.subi %select_n3A_476, %sub3A_481 : vector<16xi32>
    %select_n3A_483 = arith.select %ge3A_479, %sub3A_482, %select_n3A_476 : vector<16xi1>, vector<16xi32>
    %swap3A_484 = arith.constant 96 : index
    %swap3A_485 = tpu.vector_load %arg15[%swap3A_484] {strides = array<i32>} : memref<128xi32, #tpu.memory_space<vmem>>, vector<16xi32>,
    tpu.vector_store %arg15[%swap3A_484], %select_n3A_483 {strides = array<i32>} : memref<128xi32, #tpu.memory_space<vmem>>, vector<16xi32>,
    %get3A_486 = arith.constant 96 : index
    %get3A_487 = tpu.vector_load %arg12[%get3A_486] {strides = array<i32>} : memref<128xi32, #tpu.memory_space<vmem>>, vector<16xi32>,
    %ge3A_488 = arith.constant 507904 : i32
    %ge3A_489 = vector.broadcast %ge3A_488 : i32 to vector<16xi32>
    %ge3A_490 = arith.cmpi sge, %get3A_487, %ge3A_489 : vector<16xi32>
    %sub3A_491 = arith.constant 507904 : i32
    %sub3A_492 = vector.broadcast %sub3A_491 : i32 to vector<16xi32>
    %sub3A_493 = arith.subi %get3A_487, %sub3A_492 : vector<16xi32>
    %select_n3A_494 = arith.select %ge3A_490, %sub3A_493, %get3A_487 : vector<16xi1>, vector<16xi32>
    %ge3A_495 = arith.constant 253952 : i32
    %ge3A_496 = vector.broadcast %ge3A_495 : i32 to vector<16xi32>
    %ge3A_497 = arith.cmpi sge, %select_n3A_494, %ge3A_496 : vector<16xi32>
    %sub3A_498 = arith.constant 253952 : i32
    %sub3A_499 = vector.broadcast %sub3A_498 : i32 to vector<16xi32>
    %sub3A_500 = arith.subi %select_n3A_494, %sub3A_499 : vector<16xi32>
    %select_n3A_501 = arith.select %ge3A_497, %sub3A_500, %select_n3A_494 : vector<16xi1>, vector<16xi32>
    %swap3A_502 = arith.constant 96 : index
    %swap3A_503 = tpu.vector_load %arg16[%swap3A_502] {strides = array<i32>} : memref<128xi32, #tpu.memory_space<vmem>>, vector<16xi32>,
    tpu.vector_store %arg16[%swap3A_502], %select_n3A_501 {strides = array<i32>} : memref<128xi32, #tpu.memory_space<vmem>>, vector<16xi32>,
    %get3A_504 = arith.constant 112 : index
    %get3A_505 = tpu.vector_load %arg9[%get3A_504] {strides = array<i32>} : memref<128xi32, #tpu.memory_space<vmem>>, vector<16xi32>,
    %ge3A_506 = arith.constant 507904 : i32
    %ge3A_507 = vector.broadcast %ge3A_506 : i32 to vector<16xi32>
    %ge3A_508 = arith.cmpi sge, %get3A_505, %ge3A_507 : vector<16xi32>
    %sub3A_509 = arith.constant 507904 : i32
    %sub3A_510 = vector.broadcast %sub3A_509 : i32 to vector<16xi32>
    %sub3A_511 = arith.subi %get3A_505, %sub3A_510 : vector<16xi32>
    %select_n3A_512 = arith.select %ge3A_508, %sub3A_511, %get3A_505 : vector<16xi1>, vector<16xi32>
    %ge3A_513 = arith.constant 253952 : i32
    %ge3A_514 = vector.broadcast %ge3A_513 : i32 to vector<16xi32>
    %ge3A_515 = arith.cmpi sge, %select_n3A_512, %ge3A_514 : vector<16xi32>
    %sub3A_516 = arith.constant 253952 : i32
    %sub3A_517 = vector.broadcast %sub3A_516 : i32 to vector<16xi32>
    %sub3A_518 = arith.subi %select_n3A_512, %sub3A_517 : vector<16xi32>
    %select_n3A_519 = arith.select %ge3A_515, %sub3A_518, %select_n3A_512 : vector<16xi1>, vector<16xi32>
    %swap3A_520 = arith.constant 112 : index
    %swap3A_521 = tpu.vector_load %arg13[%swap3A_520] {strides = array<i32>} : memref<128xi32, #tpu.memory_space<vmem>>, vector<16xi32>,
    tpu.vector_store %arg13[%swap3A_520], %select_n3A_519 {strides = array<i32>} : memref<128xi32, #tpu.memory_space<vmem>>, vector<16xi32>,
    %get3A_522 = arith.constant 112 : index
    %get3A_523 = tpu.vector_load %arg10[%get3A_522] {strides = array<i32>} : memref<128xi32, #tpu.memory_space<vmem>>, vector<16xi32>,
    %ge3A_524 = arith.constant 507904 : i32
    %ge3A_525 = vector.broadcast %ge3A_524 : i32 to vector<16xi32>
    %ge3A_526 = arith.cmpi sge, %get3A_523, %ge3A_525 : vector<16xi32>
    %sub3A_527 = arith.constant 507904 : i32
    %sub3A_528 = vector.broadcast %sub3A_527 : i32 to vector<16xi32>
    %sub3A_529 = arith.subi %get3A_523, %sub3A_528 : vector<16xi32>
    %select_n3A_530 = arith.select %ge3A_526, %sub3A_529, %get3A_523 : vector<16xi1>, vector<16xi32>
    %ge3A_531 = arith.constant 253952 : i32
    %ge3A_532 = vector.broadcast %ge3A_531 : i32 to vector<16xi32>
    %ge3A_533 = arith.cmpi sge, %select_n3A_530, %ge3A_532 : vector<16xi32>
    %sub3A_534 = arith.constant 253952 : i32
    %sub3A_535 = vector.broadcast %sub3A_534 : i32 to vector<16xi32>
    %sub3A_536 = arith.subi %select_n3A_530, %sub3A_535 : vector<16xi32>
    %select_n3A_537 = arith.select %ge3A_533, %sub3A_536, %select_n3A_530 : vector<16xi1>, vector<16xi32>
    %swap3A_538 = arith.constant 112 : index
    %swap3A_539 = tpu.vector_load %arg14[%swap3A_538] {strides = array<i32>} : memref<128xi32, #tpu.memory_space<vmem>>, vector<16xi32>,
    tpu.vector_store %arg14[%swap3A_538], %select_n3A_537 {strides = array<i32>} : memref<128xi32, #tpu.memory_space<vmem>>, vector<16xi32>,
    %get3A_540 = arith.constant 112 : index
    %get3A_541 = tpu.vector_load %arg11[%get3A_540] {strides = array<i32>} : memref<128xi32, #tpu.memory_space<vmem>>, vector<16xi32>,
    %ge3A_542 = arith.constant 507904 : i32
    %ge3A_543 = vector.broadcast %ge3A_542 : i32 to vector<16xi32>
    %ge3A_544 = arith.cmpi sge, %get3A_541, %ge3A_543 : vector<16xi32>
    %sub3A_545 = arith.constant 507904 : i32
    %sub3A_546 = vector.broadcast %sub3A_545 : i32 to vector<16xi32>
    %sub3A_547 = arith.subi %get3A_541, %sub3A_546 : vector<16xi32>
    %select_n3A_548 = arith.select %ge3A_544, %sub3A_547, %get3A_541 : vector<16xi1>, vector<16xi32>
    %ge3A_549 = arith.constant 253952 : i32
    %ge3A_550 = vector.broadcast %ge3A_549 : i32 to vector<16xi32>
    %ge3A_551 = arith.cmpi sge, %select_n3A_548, %ge3A_550 : vector<16xi32>
    %sub3A_552 = arith.constant 253952 : i32
    %sub3A_553 = vector.broadcast %sub3A_552 : i32 to vector<16xi32>
    %sub3A_554 = arith.subi %select_n3A_548, %sub3A_553 : vector<16xi32>
    %select_n3A_555 = arith.select %ge3A_551, %sub3A_554, %select_n3A_548 : vector<16xi1>, vector<16xi32>
    %swap3A_556 = arith.constant 112 : index
    %swap3A_557 = tpu.vector_load %arg15[%swap3A_556] {strides = array<i32>} : memref<128xi32, #tpu.memory_space<vmem>>, vector<16xi32>,
    tpu.vector_store %arg15[%swap3A_556], %select_n3A_555 {strides = array<i32>} : memref<128xi32, #tpu.memory_space<vmem>>, vector<16xi32>,
    %get3A_558 = arith.constant 112 : index
    %get3A_559 = tpu.vector_load %arg12[%get3A_558] {strides = array<i32>} : memref<128xi32, #tpu.memory_space<vmem>>, vector<16xi32>,
    %ge3A_560 = arith.constant 507904 : i32
    %ge3A_561 = vector.broadcast %ge3A_560 : i32 to vector<16xi32>
    %ge3A_562 = arith.cmpi sge, %get3A_559, %ge3A_561 : vector<16xi32>
    %sub3A_563 = arith.constant 507904 : i32
    %sub3A_564 = vector.broadcast %sub3A_563 : i32 to vector<16xi32>
    %sub3A_565 = arith.subi %get3A_559, %sub3A_564 : vector<16xi32>
    %select_n3A_566 = arith.select %ge3A_562, %sub3A_565, %get3A_559 : vector<16xi1>, vector<16xi32>
    %ge3A_567 = arith.constant 253952 : i32
    %ge3A_568 = vector.broadcast %ge3A_567 : i32 to vector<16xi32>
    %ge3A_569 = arith.cmpi sge, %select_n3A_566, %ge3A_568 : vector<16xi32>
    %sub3A_570 = arith.constant 253952 : i32
    %sub3A_571 = vector.broadcast %sub3A_570 : i32 to vector<16xi32>
    %sub3A_572 = arith.subi %select_n3A_566, %sub3A_571 : vector<16xi32>
    %select_n3A_573 = arith.select %ge3A_569, %sub3A_572, %select_n3A_566 : vector<16xi1>, vector<16xi32>
    %swap3A_574 = arith.constant 112 : index
    %swap3A_575 = tpu.vector_load %arg16[%swap3A_574] {strides = array<i32>} : memref<128xi32, #tpu.memory_space<vmem>>, vector<16xi32>,
    tpu.vector_store %arg16[%swap3A_574], %select_n3A_573 {strides = array<i32>} : memref<128xi32, #tpu.memory_space<vmem>>, vector<16xi32>,
    %dma_start3A = arith.constant 0 : i32
    %dma_start3A_576 = arith.constant 0 : i32
    %dma_start3A_577 = tpu.memref_slice %arg2[%dma_start3A, %dma_start3A_576] : memref<253952x128xi32, #tpu.memory_space<hbm>> -> memref<253952x128xi32, #tpu.memory_space<hbm>>
    tpu.enqueue_indirect_dma source(%dma_start3A_577 : memref<253952x128xi32, #tpu.memory_space<hbm>>) target(%arg17 : memref<128x128xi32, #tpu.memory_space<vmem>>) offsets(%arg13 : memref<128xi32, #tpu.memory_space<vmem>>) semaphore(%arg21 : memref<!tpu.dma_semaphore, #tpu.memory_space<semaphore_mem>>)
    %dma_start3A_578 = arith.constant 0 : i32
    %dma_start3A_579 = arith.constant 0 : i32
    %dma_start3A_580 = tpu.memref_slice %arg3[%dma_start3A_578, %dma_start3A_579] : memref<253952x128xi32, #tpu.memory_space<hbm>> -> memref<253952x128xi32, #tpu.memory_space<hbm>>
    tpu.enqueue_indirect_dma source(%dma_start3A_580 : memref<253952x128xi32, #tpu.memory_space<hbm>>) target(%arg18 : memref<128x128xi32, #tpu.memory_space<vmem>>) offsets(%arg14 : memref<128xi32, #tpu.memory_space<vmem>>) semaphore(%arg21 : memref<!tpu.dma_semaphore, #tpu.memory_space<semaphore_mem>>)
    %dma_start3A_581 = arith.constant 0 : i32
    %dma_start3A_582 = arith.constant 0 : i32
    %dma_start3A_583 = tpu.memref_slice %arg3[%dma_start3A_581, %dma_start3A_582] : memref<253952x128xi32, #tpu.memory_space<hbm>> -> memref<253952x128xi32, #tpu.memory_space<hbm>>
    tpu.enqueue_indirect_dma source(%dma_start3A_583 : memref<253952x128xi32, #tpu.memory_space<hbm>>) target(%arg19 : memref<128x128xi32, #tpu.memory_space<vmem>>) offsets(%arg15 : memref<128xi32, #tpu.memory_space<vmem>>) semaphore(%arg21 : memref<!tpu.dma_semaphore, #tpu.memory_space<semaphore_mem>>)
    %dma_start3A_584 = arith.constant 0 : i32
    %dma_start3A_585 = arith.constant 0 : i32
    %dma_start3A_586 = tpu.memref_slice %arg3[%dma_start3A_584, %dma_start3A_585] : memref<253952x128xi32, #tpu.memory_space<hbm>> -> memref<253952x128xi32, #tpu.memory_space<hbm>>
    tpu.enqueue_indirect_dma source(%dma_start3A_586 : memref<253952x128xi32, #tpu.memory_space<hbm>>) target(%arg20 : memref<128x128xi32, #tpu.memory_space<vmem>>) offsets(%arg16 : memref<128xi32, #tpu.memory_space<vmem>>) semaphore(%arg21 : memref<!tpu.dma_semaphore, #tpu.memory_space<semaphore_mem>>)
    %dma_wait3A = arith.constant 0 : i32
    %dma_wait3A_587 = arith.constant 0 : i32
    %dma_wait3A_588 = tpu.memref_slice %arg2[%dma_wait3A, %dma_wait3A_587] : memref<253952x128xi32, #tpu.memory_space<hbm>> -> memref<253952x128xi32, #tpu.memory_space<hbm>>
    tpu.wait_indirect_dma semaphore(%arg21 : memref<!tpu.dma_semaphore, #tpu.memory_space<semaphore_mem>>) src(%dma_wait3A_588 : memref<253952x128xi32, #tpu.memory_space<hbm>>) dst(%arg17 : memref<128x128xi32, #tpu.memory_space<vmem>>)
    %dma_wait3A_589 = arith.constant 0 : i32
    %dma_wait3A_590 = arith.constant 0 : i32
    %dma_wait3A_591 = tpu.memref_slice %arg3[%dma_wait3A_589, %dma_wait3A_590] : memref<253952x128xi32, #tpu.memory_space<hbm>> -> memref<253952x128xi32, #tpu.memory_space<hbm>>
    tpu.wait_indirect_dma semaphore(%arg21 : memref<!tpu.dma_semaphore, #tpu.memory_space<semaphore_mem>>) src(%dma_wait3A_591 : memref<253952x128xi32, #tpu.memory_space<hbm>>) dst(%arg18 : memref<128x128xi32, #tpu.memory_space<vmem>>)
    %dma_wait3A_592 = arith.constant 0 : i32
    %dma_wait3A_593 = arith.constant 0 : i32
    %dma_wait3A_594 = tpu.memref_slice %arg3[%dma_wait3A_592, %dma_wait3A_593] : memref<253952x128xi32, #tpu.memory_space<hbm>> -> memref<253952x128xi32, #tpu.memory_space<hbm>>
    tpu.wait_indirect_dma semaphore(%arg21 : memref<!tpu.dma_semaphore, #tpu.memory_space<semaphore_mem>>) src(%dma_wait3A_594 : memref<253952x128xi32, #tpu.memory_space<hbm>>) dst(%arg19 : memref<128x128xi32, #tpu.memory_space<vmem>>)
    %dma_wait3A_595 = arith.constant 0 : i32
    %dma_wait3A_596 = arith.constant 0 : i32
    %dma_wait3A_597 = tpu.memref_slice %arg3[%dma_wait3A_595, %dma_wait3A_596] : memref<253952x128xi32, #tpu.memory_space<hbm>> -> memref<253952x128xi32, #tpu.memory_space<hbm>>
    tpu.wait_indirect_dma semaphore(%arg21 : memref<!tpu.dma_semaphore, #tpu.memory_space<semaphore_mem>>) src(%dma_wait3A_597 : memref<253952x128xi32, #tpu.memory_space<hbm>>) dst(%arg20 : memref<128x128xi32, #tpu.memory_space<vmem>>)
    %run_scoped3A = arith.constant 0 : i32
    "tpu.region"() ({
      %run_scoped3A_2419 = tpu.sem_alloc : memref<!tpu.dma_semaphore, #tpu.memory_space<semaphore_mem>>
      %dma_start3A_2420 = arith.constant 0 : i32
      %dma_start3A_2421 = tpu.memref_slice %arg8[%run_scoped3A, %add3A_4, %dma_start3A_2420] : memref<4x16384x128xi32, #tpu.memory_space<hbm>> -> memref<1x128x128xi32, #tpu.memory_space<hbm>>
      %dma_start3A_2422 = tpu.memref_squeeze %dma_start3A_2421 : memref<1x128x128xi32, #tpu.memory_space<hbm>> -> memref<128x128xi32, #tpu.memory_space<hbm>>
      %dma_start3A_2423 = arith.constant 0 : i32
      %dma_start3A_2424 = tpu.memref_slice %arg8[%run_scoped3A, %add3A_4, %dma_start3A_2423] : memref<4x16384x128xi32, #tpu.memory_space<hbm>> -> memref<1x128x128xi32, #tpu.memory_space<hbm>>
      %dma_start3A_2425 = tpu.memref_squeeze %dma_start3A_2424 : memref<1x128x128xi32, #tpu.memory_space<hbm>> -> memref<128x128xi32, #tpu.memory_space<hbm>>
      tpu.enqueue_dma source(%arg17 : memref<128x128xi32, #tpu.memory_space<vmem>>) target(%dma_start3A_2425 : memref<128x128xi32, #tpu.memory_space<hbm>>) target_semaphore(%run_scoped3A_2419 : memref<!tpu.dma_semaphore, #tpu.memory_space<semaphore_mem>>)
      %dma_wait3A_2426 = arith.constant 0 : i32
      %dma_wait3A_2427 = tpu.memref_slice %arg8[%run_scoped3A, %add3A_4, %dma_wait3A_2426] : memref<4x16384x128xi32, #tpu.memory_space<hbm>> -> memref<1x128x128xi32, #tpu.memory_space<hbm>>
      %dma_wait3A_2428 = tpu.memref_squeeze %dma_wait3A_2427 : memref<1x128x128xi32, #tpu.memory_space<hbm>> -> memref<128x128xi32, #tpu.memory_space<hbm>>
      %dma_wait3A_2429 = arith.constant 0 : i32
      %dma_wait3A_2430 = tpu.memref_slice %arg8[%run_scoped3A, %add3A_4, %dma_wait3A_2429] : memref<4x16384x128xi32, #tpu.memory_space<hbm>> -> memref<1x128x128xi32, #tpu.memory_space<hbm>>
      %dma_wait3A_2431 = tpu.memref_squeeze %dma_wait3A_2430 : memref<1x128x128xi32, #tpu.memory_space<hbm>> -> memref<128x128xi32, #tpu.memory_space<hbm>>
      tpu.wait_dma2 semaphore(%run_scoped3A_2419 : memref<!tpu.dma_semaphore, #tpu.memory_space<semaphore_mem>>) src(%arg17 : memref<128x128xi32, #tpu.memory_space<vmem>>) dst(%dma_wait3A_2431 : memref<128x128xi32, #tpu.memory_space<hbm>>)
      tpu.yield
    }) : () -> ()
    %run_scoped3A_598 = arith.constant 1 : i32
    "tpu.region"() ({
      %run_scoped3A_2419 = tpu.sem_alloc : memref<!tpu.dma_semaphore, #tpu.memory_space<semaphore_mem>>
      %dma_start3A_2420 = arith.constant 0 : i32
      %dma_start3A_2421 = tpu.memref_slice %arg8[%run_scoped3A_598, %add3A_4, %dma_start3A_2420] : memref<4x16384x128xi32, #tpu.memory_space<hbm>> -> memref<1x128x128xi32, #tpu.memory_space<hbm>>
      %dma_start3A_2422 = tpu.memref_squeeze %dma_start3A_2421 : memref<1x128x128xi32, #tpu.memory_space<hbm>> -> memref<128x128xi32, #tpu.memory_space<hbm>>
      %dma_start3A_2423 = arith.constant 0 : i32
      %dma_start3A_2424 = tpu.memref_slice %arg8[%run_scoped3A_598, %add3A_4, %dma_start3A_2423] : memref<4x16384x128xi32, #tpu.memory_space<hbm>> -> memref<1x128x128xi32, #tpu.memory_space<hbm>>
      %dma_start3A_2425 = tpu.memref_squeeze %dma_start3A_2424 : memref<1x128x128xi32, #tpu.memory_space<hbm>> -> memref<128x128xi32, #tpu.memory_space<hbm>>
      tpu.enqueue_dma source(%arg18 : memref<128x128xi32, #tpu.memory_space<vmem>>) target(%dma_start3A_2425 : memref<128x128xi32, #tpu.memory_space<hbm>>) target_semaphore(%run_scoped3A_2419 : memref<!tpu.dma_semaphore, #tpu.memory_space<semaphore_mem>>)
      %dma_wait3A_2426 = arith.constant 0 : i32
      %dma_wait3A_2427 = tpu.memref_slice %arg8[%run_scoped3A_598, %add3A_4, %dma_wait3A_2426] : memref<4x16384x128xi32, #tpu.memory_space<hbm>> -> memref<1x128x128xi32, #tpu.memory_space<hbm>>
      %dma_wait3A_2428 = tpu.memref_squeeze %dma_wait3A_2427 : memref<1x128x128xi32, #tpu.memory_space<hbm>> -> memref<128x128xi32, #tpu.memory_space<hbm>>
      %dma_wait3A_2429 = arith.constant 0 : i32
      %dma_wait3A_2430 = tpu.memref_slice %arg8[%run_scoped3A_598, %add3A_4, %dma_wait3A_2429] : memref<4x16384x128xi32, #tpu.memory_space<hbm>> -> memref<1x128x128xi32, #tpu.memory_space<hbm>>
      %dma_wait3A_2431 = tpu.memref_squeeze %dma_wait3A_2430 : memref<1x128x128xi32, #tpu.memory_space<hbm>> -> memref<128x128xi32, #tpu.memory_space<hbm>>
      tpu.wait_dma2 semaphore(%run_scoped3A_2419 : memref<!tpu.dma_semaphore, #tpu.memory_space<semaphore_mem>>) src(%arg18 : memref<128x128xi32, #tpu.memory_space<vmem>>) dst(%dma_wait3A_2431 : memref<128x128xi32, #tpu.memory_space<hbm>>)
      tpu.yield
    }) : () -> ()
    %run_scoped3A_599 = arith.constant 2 : i32
    "tpu.region"() ({
      %run_scoped3A_2419 = tpu.sem_alloc : memref<!tpu.dma_semaphore, #tpu.memory_space<semaphore_mem>>
      %dma_start3A_2420 = arith.constant 0 : i32
      %dma_start3A_2421 = tpu.memref_slice %arg8[%run_scoped3A_599, %add3A_4, %dma_start3A_2420] : memref<4x16384x128xi32, #tpu.memory_space<hbm>> -> memref<1x128x128xi32, #tpu.memory_space<hbm>>
      %dma_start3A_2422 = tpu.memref_squeeze %dma_start3A_2421 : memref<1x128x128xi32, #tpu.memory_space<hbm>> -> memref<128x128xi32, #tpu.memory_space<hbm>>
      %dma_start3A_2423 = arith.constant 0 : i32
      %dma_start3A_2424 = tpu.memref_slice %arg8[%run_scoped3A_599, %add3A_4, %dma_start3A_2423] : memref<4x16384x128xi32, #tpu.memory_space<hbm>> -> memref<1x128x128xi32, #tpu.memory_space<hbm>>
      %dma_start3A_2425 = tpu.memref_squeeze %dma_start3A_2424 : memref<1x128x128xi32, #tpu.memory_space<hbm>> -> memref<128x128xi32, #tpu.memory_space<hbm>>
      tpu.enqueue_dma source(%arg19 : memref<128x128xi32, #tpu.memory_space<vmem>>) target(%dma_start3A_2425 : memref<128x128xi32, #tpu.memory_space<hbm>>) target_semaphore(%run_scoped3A_2419 : memref<!tpu.dma_semaphore, #tpu.memory_space<semaphore_mem>>)
      %dma_wait3A_2426 = arith.constant 0 : i32
      %dma_wait3A_2427 = tpu.memref_slice %arg8[%run_scoped3A_599, %add3A_4, %dma_wait3A_2426] : memref<4x16384x128xi32, #tpu.memory_space<hbm>> -> memref<1x128x128xi32, #tpu.memory_space<hbm>>
      %dma_wait3A_2428 = tpu.memref_squeeze %dma_wait3A_2427 : memref<1x128x128xi32, #tpu.memory_space<hbm>> -> memref<128x128xi32, #tpu.memory_space<hbm>>
      %dma_wait3A_2429 = arith.constant 0 : i32
      %dma_wait3A_2430 = tpu.memref_slice %arg8[%run_scoped3A_599, %add3A_4, %dma_wait3A_2429] : memref<4x16384x128xi32, #tpu.memory_space<hbm>> -> memref<1x128x128xi32, #tpu.memory_space<hbm>>
      %dma_wait3A_2431 = tpu.memref_squeeze %dma_wait3A_2430 : memref<1x128x128xi32, #tpu.memory_space<hbm>> -> memref<128x128xi32, #tpu.memory_space<hbm>>
      tpu.wait_dma2 semaphore(%run_scoped3A_2419 : memref<!tpu.dma_semaphore, #tpu.memory_space<semaphore_mem>>) src(%arg19 : memref<128x128xi32, #tpu.memory_space<vmem>>) dst(%dma_wait3A_2431 : memref<128x128xi32, #tpu.memory_space<hbm>>)
      tpu.yield
    }) : () -> ()
    %run_scoped3A_600 = arith.constant 3 : i32
    "tpu.region"() ({
      %run_scoped3A_2419 = tpu.sem_alloc : memref<!tpu.dma_semaphore, #tpu.memory_space<semaphore_mem>>
      %dma_start3A_2420 = arith.constant 0 : i32
      %dma_start3A_2421 = tpu.memref_slice %arg8[%run_scoped3A_600, %add3A_4, %dma_start3A_2420] : memref<4x16384x128xi32, #tpu.memory_space<hbm>> -> memref<1x128x128xi32, #tpu.memory_space<hbm>>
      %dma_start3A_2422 = tpu.memref_squeeze %dma_start3A_2421 : memref<1x128x128xi32, #tpu.memory_space<hbm>> -> memref<128x128xi32, #tpu.memory_space<hbm>>
      %dma_start3A_2423 = arith.constant 0 : i32
      %dma_start3A_2424 = tpu.memref_slice %arg8[%run_scoped3A_600, %add3A_4, %dma_start3A_2423] : memref<4x16384x128xi32, #tpu.memory_space<hbm>> -> memref<1x128x128xi32, #tpu.memory_space<hbm>>
      %dma_start3A_2425 = tpu.memref_squeeze %dma_start3A_2424 : memref<1x128x128xi32, #tpu.memory_space<hbm>> -> memref<128x128xi32, #tpu.memory_space<hbm>>
      tpu.enqueue_dma source(%arg20 : memref<128x128xi32, #tpu.memory_space<vmem>>) target(%dma_start3A_2425 : memref<128x128xi32, #tpu.memory_space<hbm>>) target_semaphore(%run_scoped3A_2419 : memref<!tpu.dma_semaphore, #tpu.memory_space<semaphore_mem>>)
      %dma_wait3A_2426 = arith.constant 0 : i32
      %dma_wait3A_2427 = tpu.memref_slice %arg8[%run_scoped3A_600, %add3A_4, %dma_wait3A_2426] : memref<4x16384x128xi32, #tpu.memory_space<hbm>> -> memref<1x128x128xi32, #tpu.memory_space<hbm>>
      %dma_wait3A_2428 = tpu.memref_squeeze %dma_wait3A_2427 : memref<1x128x128xi32, #tpu.memory_space<hbm>> -> memref<128x128xi32, #tpu.memory_space<hbm>>
      %dma_wait3A_2429 = arith.constant 0 : i32
      %dma_wait3A_2430 = tpu.memref_slice %arg8[%run_scoped3A_600, %add3A_4, %dma_wait3A_2429] : memref<4x16384x128xi32, #tpu.memory_space<hbm>> -> memref<1x128x128xi32, #tpu.memory_space<hbm>>
      %dma_wait3A_2431 = tpu.memref_squeeze %dma_wait3A_2430 : memref<1x128x128xi32, #tpu.memory_space<hbm>> -> memref<128x128xi32, #tpu.memory_space<hbm>>
      tpu.wait_dma2 semaphore(%run_scoped3A_2419 : memref<!tpu.dma_semaphore, #tpu.memory_space<semaphore_mem>>) src(%arg20 : memref<128x128xi32, #tpu.memory_space<vmem>>) dst(%dma_wait3A_2431 : memref<128x128xi32, #tpu.memory_space<hbm>>)
      tpu.yield
    }) : () -> ()
    %add3A_601 = arith.constant 128 : i32
    %add3A_602 = arith.addi %mul3A_2, %add3A_601 : i32
    "tpu.region"() ({
      %run_scoped3A_2419 = tpu.sem_alloc : memref<!tpu.dma_semaphore, #tpu.memory_space<semaphore_mem>>
      %dma_start3A_2420 = tpu.memref_slice %arg4[%add3A_602] : memref<16384xi32, #tpu.memory_space<hbm>> -> memref<128xi32, #tpu.memory_space<hbm>>
      %dma_start3A_2421 = tpu.memref_slice %arg4[%add3A_602] : memref<16384xi32, #tpu.memory_space<hbm>> -> memref<128xi32, #tpu.memory_space<hbm>>
      tpu.enqueue_dma source(%dma_start3A_2421 : memref<128xi32, #tpu.memory_space<hbm>>) target(%arg9 : memref<128xi32, #tpu.memory_space<vmem>>) target_semaphore(%run_scoped3A_2419 : memref<!tpu.dma_semaphore, #tpu.memory_space<semaphore_mem>>)
      %dma_wait3A_2422 = tpu.memref_slice %arg4[%add3A_602] : memref<16384xi32, #tpu.memory_space<hbm>> -> memref<128xi32, #tpu.memory_space<hbm>>
      %dma_wait3A_2423 = tpu.memref_slice %arg4[%add3A_602] : memref<16384xi32, #tpu.memory_space<hbm>> -> memref<128xi32, #tpu.memory_space<hbm>>
      tpu.wait_dma2 semaphore(%run_scoped3A_2419 : memref<!tpu.dma_semaphore, #tpu.memory_space<semaphore_mem>>) src(%dma_wait3A_2423 : memref<128xi32, #tpu.memory_space<hbm>>) dst(%arg9 : memref<128xi32, #tpu.memory_space<vmem>>)
      tpu.yield
    }) : () -> ()
    "tpu.region"() ({
      %run_scoped3A_2419 = tpu.sem_alloc : memref<!tpu.dma_semaphore, #tpu.memory_space<semaphore_mem>>
      %dma_start3A_2420 = tpu.memref_slice %arg5[%add3A_602] : memref<16384xi32, #tpu.memory_space<hbm>> -> memref<128xi32, #tpu.memory_space<hbm>>
      %dma_start3A_2421 = tpu.memref_slice %arg5[%add3A_602] : memref<16384xi32, #tpu.memory_space<hbm>> -> memref<128xi32, #tpu.memory_space<hbm>>
      tpu.enqueue_dma source(%dma_start3A_2421 : memref<128xi32, #tpu.memory_space<hbm>>) target(%arg10 : memref<128xi32, #tpu.memory_space<vmem>>) target_semaphore(%run_scoped3A_2419 : memref<!tpu.dma_semaphore, #tpu.memory_space<semaphore_mem>>)
      %dma_wait3A_2422 = tpu.memref_slice %arg5[%add3A_602] : memref<16384xi32, #tpu.memory_space<hbm>> -> memref<128xi32, #tpu.memory_space<hbm>>
      %dma_wait3A_2423 = tpu.memref_slice %arg5[%add3A_602] : memref<16384xi32, #tpu.memory_space<hbm>> -> memref<128xi32, #tpu.memory_space<hbm>>
      tpu.wait_dma2 semaphore(%run_scoped3A_2419 : memref<!tpu.dma_semaphore, #tpu.memory_space<semaphore_mem>>) src(%dma_wait3A_2423 : memref<128xi32, #tpu.memory_space<hbm>>) dst(%arg10 : memref<128xi32, #tpu.memory_space<vmem>>)
      tpu.yield
    }) : () -> ()
    "tpu.region"() ({
      %run_scoped3A_2419 = tpu.sem_alloc : memref<!tpu.dma_semaphore, #tpu.memory_space<semaphore_mem>>
      %dma_start3A_2420 = tpu.memref_slice %arg6[%add3A_602] : memref<16384xi32, #tpu.memory_space<hbm>> -> memref<128xi32, #tpu.memory_space<hbm>>
      %dma_start3A_2421 = tpu.memref_slice %arg6[%add3A_602] : memref<16384xi32, #tpu.memory_space<hbm>> -> memref<128xi32, #tpu.memory_space<hbm>>
      tpu.enqueue_dma source(%dma_start3A_2421 : memref<128xi32, #tpu.memory_space<hbm>>) target(%arg11 : memref<128xi32, #tpu.memory_space<vmem>>) target_semaphore(%run_scoped3A_2419 : memref<!tpu.dma_semaphore, #tpu.memory_space<semaphore_mem>>)
      %dma_wait3A_2422 = tpu.memref_slice %arg6[%add3A_602] : memref<16384xi32, #tpu.memory_space<hbm>> -> memref<128xi32, #tpu.memory_space<hbm>>
      %dma_wait3A_2423 = tpu.memref_slice %arg6[%add3A_602] : memref<16384xi32, #tpu.memory_space<hbm>> -> memref<128xi32, #tpu.memory_space<hbm>>
      tpu.wait_dma2 semaphore(%run_scoped3A_2419 : memref<!tpu.dma_semaphore, #tpu.memory_space<semaphore_mem>>) src(%dma_wait3A_2423 : memref<128xi32, #tpu.memory_space<hbm>>) dst(%arg11 : memref<128xi32, #tpu.memory_space<vmem>>)
      tpu.yield
    }) : () -> ()
    "tpu.region"() ({
      %run_scoped3A_2419 = tpu.sem_alloc : memref<!tpu.dma_semaphore, #tpu.memory_space<semaphore_mem>>
      %dma_start3A_2420 = tpu.memref_slice %arg7[%add3A_602] : memref<16384xi32, #tpu.memory_space<hbm>> -> memref<128xi32, #tpu.memory_space<hbm>>
      %dma_start3A_2421 = tpu.memref_slice %arg7[%add3A_602] : memref<16384xi32, #tpu.memory_space<hbm>> -> memref<128xi32, #tpu.memory_space<hbm>>
      tpu.enqueue_dma source(%dma_start3A_2421 : memref<128xi32, #tpu.memory_space<hbm>>) target(%arg12 : memref<128xi32, #tpu.memory_space<vmem>>) target_semaphore(%run_scoped3A_2419 : memref<!tpu.dma_semaphore, #tpu.memory_space<semaphore_mem>>)
      %dma_wait3A_2422 = tpu.memref_slice %arg7[%add3A_602] : memref<16384xi32, #tpu.memory_space<hbm>> -> memref<128xi32, #tpu.memory_space<hbm>>
      %dma_wait3A_2423 = tpu.memref_slice %arg7[%add3A_602] : memref<16384xi32, #tpu.memory_space<hbm>> -> memref<128xi32, #tpu.memory_space<hbm>>
      tpu.wait_dma2 semaphore(%run_scoped3A_2419 : memref<!tpu.dma_semaphore, #tpu.memory_space<semaphore_mem>>) src(%dma_wait3A_2423 : memref<128xi32, #tpu.memory_space<hbm>>) dst(%arg12 : memref<128xi32, #tpu.memory_space<vmem>>)
      tpu.yield
    }) : () -> ()
    %get3A_603 = arith.constant 0 : index
    %get3A_604 = tpu.vector_load %arg9[%get3A_603] {strides = array<i32>} : memref<128xi32, #tpu.memory_space<vmem>>, vector<16xi32>,
    %ge3A_605 = arith.constant 507904 : i32
    %ge3A_606 = vector.broadcast %ge3A_605 : i32 to vector<16xi32>
    %ge3A_607 = arith.cmpi sge, %get3A_604, %ge3A_606 : vector<16xi32>
    %sub3A_608 = arith.constant 507904 : i32
    %sub3A_609 = vector.broadcast %sub3A_608 : i32 to vector<16xi32>
    %sub3A_610 = arith.subi %get3A_604, %sub3A_609 : vector<16xi32>
    %select_n3A_611 = arith.select %ge3A_607, %sub3A_610, %get3A_604 : vector<16xi1>, vector<16xi32>
    %ge3A_612 = arith.constant 253952 : i32
    %ge3A_613 = vector.broadcast %ge3A_612 : i32 to vector<16xi32>
    %ge3A_614 = arith.cmpi sge, %select_n3A_611, %ge3A_613 : vector<16xi32>
    %sub3A_615 = arith.constant 253952 : i32
    %sub3A_616 = vector.broadcast %sub3A_615 : i32 to vector<16xi32>
    %sub3A_617 = arith.subi %select_n3A_611, %sub3A_616 : vector<16xi32>
    %select_n3A_618 = arith.select %ge3A_614, %sub3A_617, %select_n3A_611 : vector<16xi1>, vector<16xi32>
    %swap3A_619 = arith.constant 0 : index
    %swap3A_620 = tpu.vector_load %arg13[%swap3A_619] {strides = array<i32>} : memref<128xi32, #tpu.memory_space<vmem>>, vector<16xi32>,
    tpu.vector_store %arg13[%swap3A_619], %select_n3A_618 {strides = array<i32>} : memref<128xi32, #tpu.memory_space<vmem>>, vector<16xi32>,
    %get3A_621 = arith.constant 0 : index
    %get3A_622 = tpu.vector_load %arg10[%get3A_621] {strides = array<i32>} : memref<128xi32, #tpu.memory_space<vmem>>, vector<16xi32>,
    %ge3A_623 = arith.constant 507904 : i32
    %ge3A_624 = vector.broadcast %ge3A_623 : i32 to vector<16xi32>
    %ge3A_625 = arith.cmpi sge, %get3A_622, %ge3A_624 : vector<16xi32>
    %sub3A_626 = arith.constant 507904 : i32
    %sub3A_627 = vector.broadcast %sub3A_626 : i32 to vector<16xi32>
    %sub3A_628 = arith.subi %get3A_622, %sub3A_627 : vector<16xi32>
    %select_n3A_629 = arith.select %ge3A_625, %sub3A_628, %get3A_622 : vector<16xi1>, vector<16xi32>
    %ge3A_630 = arith.constant 253952 : i32
    %ge3A_631 = vector.broadcast %ge3A_630 : i32 to vector<16xi32>
    %ge3A_632 = arith.cmpi sge, %select_n3A_629, %ge3A_631 : vector<16xi32>
    %sub3A_633 = arith.constant 253952 : i32
    %sub3A_634 = vector.broadcast %sub3A_633 : i32 to vector<16xi32>
    %sub3A_635 = arith.subi %select_n3A_629, %sub3A_634 : vector<16xi32>
    %select_n3A_636 = arith.select %ge3A_632, %sub3A_635, %select_n3A_629 : vector<16xi1>, vector<16xi32>
    %swap3A_637 = arith.constant 0 : index
    %swap3A_638 = tpu.vector_load %arg14[%swap3A_637] {strides = array<i32>} : memref<128xi32, #tpu.memory_space<vmem>>, vector<16xi32>,
    tpu.vector_store %arg14[%swap3A_637], %select_n3A_636 {strides = array<i32>} : memref<128xi32, #tpu.memory_space<vmem>>, vector<16xi32>,
    %get3A_639 = arith.constant 0 : index
    %get3A_640 = tpu.vector_load %arg11[%get3A_639] {strides = array<i32>} : memref<128xi32, #tpu.memory_space<vmem>>, vector<16xi32>,
    %ge3A_641 = arith.constant 507904 : i32
    %ge3A_642 = vector.broadcast %ge3A_641 : i32 to vector<16xi32>
    %ge3A_643 = arith.cmpi sge, %get3A_640, %ge3A_642 : vector<16xi32>
    %sub3A_644 = arith.constant 507904 : i32
    %sub3A_645 = vector.broadcast %sub3A_644 : i32 to vector<16xi32>
    %sub3A_646 = arith.subi %get3A_640, %sub3A_645 : vector<16xi32>
    %select_n3A_647 = arith.select %ge3A_643, %sub3A_646, %get3A_640 : vector<16xi1>, vector<16xi32>
    %ge3A_648 = arith.constant 253952 : i32
    %ge3A_649 = vector.broadcast %ge3A_648 : i32 to vector<16xi32>
    %ge3A_650 = arith.cmpi sge, %select_n3A_647, %ge3A_649 : vector<16xi32>
    %sub3A_651 = arith.constant 253952 : i32
    %sub3A_652 = vector.broadcast %sub3A_651 : i32 to vector<16xi32>
    %sub3A_653 = arith.subi %select_n3A_647, %sub3A_652 : vector<16xi32>
    %select_n3A_654 = arith.select %ge3A_650, %sub3A_653, %select_n3A_647 : vector<16xi1>, vector<16xi32>
    %swap3A_655 = arith.constant 0 : index
    %swap3A_656 = tpu.vector_load %arg15[%swap3A_655] {strides = array<i32>} : memref<128xi32, #tpu.memory_space<vmem>>, vector<16xi32>,
    tpu.vector_store %arg15[%swap3A_655], %select_n3A_654 {strides = array<i32>} : memref<128xi32, #tpu.memory_space<vmem>>, vector<16xi32>,
    %get3A_657 = arith.constant 0 : index
    %get3A_658 = tpu.vector_load %arg12[%get3A_657] {strides = array<i32>} : memref<128xi32, #tpu.memory_space<vmem>>, vector<16xi32>,
    %ge3A_659 = arith.constant 507904 : i32
    %ge3A_660 = vector.broadcast %ge3A_659 : i32 to vector<16xi32>
    %ge3A_661 = arith.cmpi sge, %get3A_658, %ge3A_660 : vector<16xi32>
    %sub3A_662 = arith.constant 507904 : i32
    %sub3A_663 = vector.broadcast %sub3A_662 : i32 to vector<16xi32>
    %sub3A_664 = arith.subi %get3A_658, %sub3A_663 : vector<16xi32>
    %select_n3A_665 = arith.select %ge3A_661, %sub3A_664, %get3A_658 : vector<16xi1>, vector<16xi32>
    %ge3A_666 = arith.constant 253952 : i32
    %ge3A_667 = vector.broadcast %ge3A_666 : i32 to vector<16xi32>
    %ge3A_668 = arith.cmpi sge, %select_n3A_665, %ge3A_667 : vector<16xi32>
    %sub3A_669 = arith.constant 253952 : i32
    %sub3A_670 = vector.broadcast %sub3A_669 : i32 to vector<16xi32>
    %sub3A_671 = arith.subi %select_n3A_665, %sub3A_670 : vector<16xi32>
    %select_n3A_672 = arith.select %ge3A_668, %sub3A_671, %select_n3A_665 : vector<16xi1>, vector<16xi32>
    %swap3A_673 = arith.constant 0 : index
    %swap3A_674 = tpu.vector_load %arg16[%swap3A_673] {strides = array<i32>} : memref<128xi32, #tpu.memory_space<vmem>>, vector<16xi32>,
    tpu.vector_store %arg16[%swap3A_673], %select_n3A_672 {strides = array<i32>} : memref<128xi32, #tpu.memory_space<vmem>>, vector<16xi32>,
    %get3A_675 = arith.constant 16 : index
    %get3A_676 = tpu.vector_load %arg9[%get3A_675] {strides = array<i32>} : memref<128xi32, #tpu.memory_space<vmem>>, vector<16xi32>,
    %ge3A_677 = arith.constant 507904 : i32
    %ge3A_678 = vector.broadcast %ge3A_677 : i32 to vector<16xi32>
    %ge3A_679 = arith.cmpi sge, %get3A_676, %ge3A_678 : vector<16xi32>
    %sub3A_680 = arith.constant 507904 : i32
    %sub3A_681 = vector.broadcast %sub3A_680 : i32 to vector<16xi32>
    %sub3A_682 = arith.subi %get3A_676, %sub3A_681 : vector<16xi32>
    %select_n3A_683 = arith.select %ge3A_679, %sub3A_682, %get3A_676 : vector<16xi1>, vector<16xi32>
    %ge3A_684 = arith.constant 253952 : i32
    %ge3A_685 = vector.broadcast %ge3A_684 : i32 to vector<16xi32>
    %ge3A_686 = arith.cmpi sge, %select_n3A_683, %ge3A_685 : vector<16xi32>
    %sub3A_687 = arith.constant 253952 : i32
    %sub3A_688 = vector.broadcast %sub3A_687 : i32 to vector<16xi32>
    %sub3A_689 = arith.subi %select_n3A_683, %sub3A_688 : vector<16xi32>
    %select_n3A_690 = arith.select %ge3A_686, %sub3A_689, %select_n3A_683 : vector<16xi1>, vector<16xi32>
    %swap3A_691 = arith.constant 16 : index
    %swap3A_692 = tpu.vector_load %arg13[%swap3A_691] {strides = array<i32>} : memref<128xi32, #tpu.memory_space<vmem>>, vector<16xi32>,
    tpu.vector_store %arg13[%swap3A_691], %select_n3A_690 {strides = array<i32>} : memref<128xi32, #tpu.memory_space<vmem>>, vector<16xi32>,
    %get3A_693 = arith.constant 16 : index
    %get3A_694 = tpu.vector_load %arg10[%get3A_693] {strides = array<i32>} : memref<128xi32, #tpu.memory_space<vmem>>, vector<16xi32>,
    %ge3A_695 = arith.constant 507904 : i32
    %ge3A_696 = vector.broadcast %ge3A_695 : i32 to vector<16xi32>
    %ge3A_697 = arith.cmpi sge, %get3A_694, %ge3A_696 : vector<16xi32>
    %sub3A_698 = arith.constant 507904 : i32
    %sub3A_699 = vector.broadcast %sub3A_698 : i32 to vector<16xi32>
    %sub3A_700 = arith.subi %get3A_694, %sub3A_699 : vector<16xi32>
    %select_n3A_701 = arith.select %ge3A_697, %sub3A_700, %get3A_694 : vector<16xi1>, vector<16xi32>
    %ge3A_702 = arith.constant 253952 : i32
    %ge3A_703 = vector.broadcast %ge3A_702 : i32 to vector<16xi32>
    %ge3A_704 = arith.cmpi sge, %select_n3A_701, %ge3A_703 : vector<16xi32>
    %sub3A_705 = arith.constant 253952 : i32
    %sub3A_706 = vector.broadcast %sub3A_705 : i32 to vector<16xi32>
    %sub3A_707 = arith.subi %select_n3A_701, %sub3A_706 : vector<16xi32>
    %select_n3A_708 = arith.select %ge3A_704, %sub3A_707, %select_n3A_701 : vector<16xi1>, vector<16xi32>
    %swap3A_709 = arith.constant 16 : index
    %swap3A_710 = tpu.vector_load %arg14[%swap3A_709] {strides = array<i32>} : memref<128xi32, #tpu.memory_space<vmem>>, vector<16xi32>,
    tpu.vector_store %arg14[%swap3A_709], %select_n3A_708 {strides = array<i32>} : memref<128xi32, #tpu.memory_space<vmem>>, vector<16xi32>,
    %get3A_711 = arith.constant 16 : index
    %get3A_712 = tpu.vector_load %arg11[%get3A_711] {strides = array<i32>} : memref<128xi32, #tpu.memory_space<vmem>>, vector<16xi32>,
    %ge3A_713 = arith.constant 507904 : i32
    %ge3A_714 = vector.broadcast %ge3A_713 : i32 to vector<16xi32>
    %ge3A_715 = arith.cmpi sge, %get3A_712, %ge3A_714 : vector<16xi32>
    %sub3A_716 = arith.constant 507904 : i32
    %sub3A_717 = vector.broadcast %sub3A_716 : i32 to vector<16xi32>
    %sub3A_718 = arith.subi %get3A_712, %sub3A_717 : vector<16xi32>
    %select_n3A_719 = arith.select %ge3A_715, %sub3A_718, %get3A_712 : vector<16xi1>, vector<16xi32>
    %ge3A_720 = arith.constant 253952 : i32
    %ge3A_721 = vector.broadcast %ge3A_720 : i32 to vector<16xi32>
    %ge3A_722 = arith.cmpi sge, %select_n3A_719, %ge3A_721 : vector<16xi32>
    %sub3A_723 = arith.constant 253952 : i32
    %sub3A_724 = vector.broadcast %sub3A_723 : i32 to vector<16xi32>
    %sub3A_725 = arith.subi %select_n3A_719, %sub3A_724 : vector<16xi32>
    %select_n3A_726 = arith.select %ge3A_722, %sub3A_725, %select_n3A_719 : vector<16xi1>, vector<16xi32>
    %swap3A_727 = arith.constant 16 : index
    %swap3A_728 = tpu.vector_load %arg15[%swap3A_727] {strides = array<i32>} : memref<128xi32, #tpu.memory_space<vmem>>, vector<16xi32>,
    tpu.vector_store %arg15[%swap3A_727], %select_n3A_726 {strides = array<i32>} : memref<128xi32, #tpu.memory_space<vmem>>, vector<16xi32>,
    %get3A_729 = arith.constant 16 : index
    %get3A_730 = tpu.vector_load %arg12[%get3A_729] {strides = array<i32>} : memref<128xi32, #tpu.memory_space<vmem>>, vector<16xi32>,
    %ge3A_731 = arith.constant 507904 : i32
    %ge3A_732 = vector.broadcast %ge3A_731 : i32 to vector<16xi32>
    %ge3A_733 = arith.cmpi sge, %get3A_730, %ge3A_732 : vector<16xi32>
    %sub3A_734 = arith.constant 507904 : i32
    %sub3A_735 = vector.broadcast %sub3A_734 : i32 to vector<16xi32>
    %sub3A_736 = arith.subi %get3A_730, %sub3A_735 : vector<16xi32>
    %select_n3A_737 = arith.select %ge3A_733, %sub3A_736, %get3A_730 : vector<16xi1>, vector<16xi32>
    %ge3A_738 = arith.constant 253952 : i32
    %ge3A_739 = vector.broadcast %ge3A_738 : i32 to vector<16xi32>
    %ge3A_740 = arith.cmpi sge, %select_n3A_737, %ge3A_739 : vector<16xi32>
    %sub3A_741 = arith.constant 253952 : i32
    %sub3A_742 = vector.broadcast %sub3A_741 : i32 to vector<16xi32>
    %sub3A_743 = arith.subi %select_n3A_737, %sub3A_742 : vector<16xi32>
    %select_n3A_744 = arith.select %ge3A_740, %sub3A_743, %select_n3A_737 : vector<16xi1>, vector<16xi32>
    %swap3A_745 = arith.constant 16 : index
    %swap3A_746 = tpu.vector_load %arg16[%swap3A_745] {strides = array<i32>} : memref<128xi32, #tpu.memory_space<vmem>>, vector<16xi32>,
    tpu.vector_store %arg16[%swap3A_745], %select_n3A_744 {strides = array<i32>} : memref<128xi32, #tpu.memory_space<vmem>>, vector<16xi32>,
    %get3A_747 = arith.constant 32 : index
    %get3A_748 = tpu.vector_load %arg9[%get3A_747] {strides = array<i32>} : memref<128xi32, #tpu.memory_space<vmem>>, vector<16xi32>,
    %ge3A_749 = arith.constant 507904 : i32
    %ge3A_750 = vector.broadcast %ge3A_749 : i32 to vector<16xi32>
    %ge3A_751 = arith.cmpi sge, %get3A_748, %ge3A_750 : vector<16xi32>
    %sub3A_752 = arith.constant 507904 : i32
    %sub3A_753 = vector.broadcast %sub3A_752 : i32 to vector<16xi32>
    %sub3A_754 = arith.subi %get3A_748, %sub3A_753 : vector<16xi32>
    %select_n3A_755 = arith.select %ge3A_751, %sub3A_754, %get3A_748 : vector<16xi1>, vector<16xi32>
    %ge3A_756 = arith.constant 253952 : i32
    %ge3A_757 = vector.broadcast %ge3A_756 : i32 to vector<16xi32>
    %ge3A_758 = arith.cmpi sge, %select_n3A_755, %ge3A_757 : vector<16xi32>
    %sub3A_759 = arith.constant 253952 : i32
    %sub3A_760 = vector.broadcast %sub3A_759 : i32 to vector<16xi32>
    %sub3A_761 = arith.subi %select_n3A_755, %sub3A_760 : vector<16xi32>
    %select_n3A_762 = arith.select %ge3A_758, %sub3A_761, %select_n3A_755 : vector<16xi1>, vector<16xi32>
    %swap3A_763 = arith.constant 32 : index
    %swap3A_764 = tpu.vector_load %arg13[%swap3A_763] {strides = array<i32>} : memref<128xi32, #tpu.memory_space<vmem>>, vector<16xi32>,
    tpu.vector_store %arg13[%swap3A_763], %select_n3A_762 {strides = array<i32>} : memref<128xi32, #tpu.memory_space<vmem>>, vector<16xi32>,
    %get3A_765 = arith.constant 32 : index
    %get3A_766 = tpu.vector_load %arg10[%get3A_765] {strides = array<i32>} : memref<128xi32, #tpu.memory_space<vmem>>, vector<16xi32>,
    %ge3A_767 = arith.constant 507904 : i32
    %ge3A_768 = vector.broadcast %ge3A_767 : i32 to vector<16xi32>
    %ge3A_769 = arith.cmpi sge, %get3A_766, %ge3A_768 : vector<16xi32>
    %sub3A_770 = arith.constant 507904 : i32
    %sub3A_771 = vector.broadcast %sub3A_770 : i32 to vector<16xi32>
    %sub3A_772 = arith.subi %get3A_766, %sub3A_771 : vector<16xi32>
    %select_n3A_773 = arith.select %ge3A_769, %sub3A_772, %get3A_766 : vector<16xi1>, vector<16xi32>
    %ge3A_774 = arith.constant 253952 : i32
    %ge3A_775 = vector.broadcast %ge3A_774 : i32 to vector<16xi32>
    %ge3A_776 = arith.cmpi sge, %select_n3A_773, %ge3A_775 : vector<16xi32>
    %sub3A_777 = arith.constant 253952 : i32
    %sub3A_778 = vector.broadcast %sub3A_777 : i32 to vector<16xi32>
    %sub3A_779 = arith.subi %select_n3A_773, %sub3A_778 : vector<16xi32>
    %select_n3A_780 = arith.select %ge3A_776, %sub3A_779, %select_n3A_773 : vector<16xi1>, vector<16xi32>
    %swap3A_781 = arith.constant 32 : index
    %swap3A_782 = tpu.vector_load %arg14[%swap3A_781] {strides = array<i32>} : memref<128xi32, #tpu.memory_space<vmem>>, vector<16xi32>,
    tpu.vector_store %arg14[%swap3A_781], %select_n3A_780 {strides = array<i32>} : memref<128xi32, #tpu.memory_space<vmem>>, vector<16xi32>,
    %get3A_783 = arith.constant 32 : index
    %get3A_784 = tpu.vector_load %arg11[%get3A_783] {strides = array<i32>} : memref<128xi32, #tpu.memory_space<vmem>>, vector<16xi32>,
    %ge3A_785 = arith.constant 507904 : i32
    %ge3A_786 = vector.broadcast %ge3A_785 : i32 to vector<16xi32>
    %ge3A_787 = arith.cmpi sge, %get3A_784, %ge3A_786 : vector<16xi32>
    %sub3A_788 = arith.constant 507904 : i32
    %sub3A_789 = vector.broadcast %sub3A_788 : i32 to vector<16xi32>
    %sub3A_790 = arith.subi %get3A_784, %sub3A_789 : vector<16xi32>
    %select_n3A_791 = arith.select %ge3A_787, %sub3A_790, %get3A_784 : vector<16xi1>, vector<16xi32>
    %ge3A_792 = arith.constant 253952 : i32
    %ge3A_793 = vector.broadcast %ge3A_792 : i32 to vector<16xi32>
    %ge3A_794 = arith.cmpi sge, %select_n3A_791, %ge3A_793 : vector<16xi32>
    %sub3A_795 = arith.constant 253952 : i32
    %sub3A_796 = vector.broadcast %sub3A_795 : i32 to vector<16xi32>
    %sub3A_797 = arith.subi %select_n3A_791, %sub3A_796 : vector<16xi32>
    %select_n3A_798 = arith.select %ge3A_794, %sub3A_797, %select_n3A_791 : vector<16xi1>, vector<16xi32>
    %swap3A_799 = arith.constant 32 : index
    %swap3A_800 = tpu.vector_load %arg15[%swap3A_799] {strides = array<i32>} : memref<128xi32, #tpu.memory_space<vmem>>, vector<16xi32>,
    tpu.vector_store %arg15[%swap3A_799], %select_n3A_798 {strides = array<i32>} : memref<128xi32, #tpu.memory_space<vmem>>, vector<16xi32>,
    %get3A_801 = arith.constant 32 : index
    %get3A_802 = tpu.vector_load %arg12[%get3A_801] {strides = array<i32>} : memref<128xi32, #tpu.memory_space<vmem>>, vector<16xi32>,
    %ge3A_803 = arith.constant 507904 : i32
    %ge3A_804 = vector.broadcast %ge3A_803 : i32 to vector<16xi32>
    %ge3A_805 = arith.cmpi sge, %get3A_802, %ge3A_804 : vector<16xi32>
    %sub3A_806 = arith.constant 507904 : i32
    %sub3A_807 = vector.broadcast %sub3A_806 : i32 to vector<16xi32>
    %sub3A_808 = arith.subi %get3A_802, %sub3A_807 : vector<16xi32>
    %select_n3A_809 = arith.select %ge3A_805, %sub3A_808, %get3A_802 : vector<16xi1>, vector<16xi32>
    %ge3A_810 = arith.constant 253952 : i32
    %ge3A_811 = vector.broadcast %ge3A_810 : i32 to vector<16xi32>
    %ge3A_812 = arith.cmpi sge, %select_n3A_809, %ge3A_811 : vector<16xi32>
    %sub3A_813 = arith.constant 253952 : i32
    %sub3A_814 = vector.broadcast %sub3A_813 : i32 to vector<16xi32>
    %sub3A_815 = arith.subi %select_n3A_809, %sub3A_814 : vector<16xi32>
    %select_n3A_816 = arith.select %ge3A_812, %sub3A_815, %select_n3A_809 : vector<16xi1>, vector<16xi32>
    %swap3A_817 = arith.constant 32 : index
    %swap3A_818 = tpu.vector_load %arg16[%swap3A_817] {strides = array<i32>} : memref<128xi32, #tpu.memory_space<vmem>>, vector<16xi32>,
    tpu.vector_store %arg16[%swap3A_817], %select_n3A_816 {strides = array<i32>} : memref<128xi32, #tpu.memory_space<vmem>>, vector<16xi32>,
    %get3A_819 = arith.constant 48 : index
    %get3A_820 = tpu.vector_load %arg9[%get3A_819] {strides = array<i32>} : memref<128xi32, #tpu.memory_space<vmem>>, vector<16xi32>,
    %ge3A_821 = arith.constant 507904 : i32
    %ge3A_822 = vector.broadcast %ge3A_821 : i32 to vector<16xi32>
    %ge3A_823 = arith.cmpi sge, %get3A_820, %ge3A_822 : vector<16xi32>
    %sub3A_824 = arith.constant 507904 : i32
    %sub3A_825 = vector.broadcast %sub3A_824 : i32 to vector<16xi32>
    %sub3A_826 = arith.subi %get3A_820, %sub3A_825 : vector<16xi32>
    %select_n3A_827 = arith.select %ge3A_823, %sub3A_826, %get3A_820 : vector<16xi1>, vector<16xi32>
    %ge3A_828 = arith.constant 253952 : i32
    %ge3A_829 = vector.broadcast %ge3A_828 : i32 to vector<16xi32>
    %ge3A_830 = arith.cmpi sge, %select_n3A_827, %ge3A_829 : vector<16xi32>
    %sub3A_831 = arith.constant 253952 : i32
    %sub3A_832 = vector.broadcast %sub3A_831 : i32 to vector<16xi32>
    %sub3A_833 = arith.subi %select_n3A_827, %sub3A_832 : vector<16xi32>
    %select_n3A_834 = arith.select %ge3A_830, %sub3A_833, %select_n3A_827 : vector<16xi1>, vector<16xi32>
    %swap3A_835 = arith.constant 48 : index
    %swap3A_836 = tpu.vector_load %arg13[%swap3A_835] {strides = array<i32>} : memref<128xi32, #tpu.memory_space<vmem>>, vector<16xi32>,
    tpu.vector_store %arg13[%swap3A_835], %select_n3A_834 {strides = array<i32>} : memref<128xi32, #tpu.memory_space<vmem>>, vector<16xi32>,
    %get3A_837 = arith.constant 48 : index
    %get3A_838 = tpu.vector_load %arg10[%get3A_837] {strides = array<i32>} : memref<128xi32, #tpu.memory_space<vmem>>, vector<16xi32>,
    %ge3A_839 = arith.constant 507904 : i32
    %ge3A_840 = vector.broadcast %ge3A_839 : i32 to vector<16xi32>
    %ge3A_841 = arith.cmpi sge, %get3A_838, %ge3A_840 : vector<16xi32>
    %sub3A_842 = arith.constant 507904 : i32
    %sub3A_843 = vector.broadcast %sub3A_842 : i32 to vector<16xi32>
    %sub3A_844 = arith.subi %get3A_838, %sub3A_843 : vector<16xi32>
    %select_n3A_845 = arith.select %ge3A_841, %sub3A_844, %get3A_838 : vector<16xi1>, vector<16xi32>
    %ge3A_846 = arith.constant 253952 : i32
    %ge3A_847 = vector.broadcast %ge3A_846 : i32 to vector<16xi32>
    %ge3A_848 = arith.cmpi sge, %select_n3A_845, %ge3A_847 : vector<16xi32>
    %sub3A_849 = arith.constant 253952 : i32
    %sub3A_850 = vector.broadcast %sub3A_849 : i32 to vector<16xi32>
    %sub3A_851 = arith.subi %select_n3A_845, %sub3A_850 : vector<16xi32>
    %select_n3A_852 = arith.select %ge3A_848, %sub3A_851, %select_n3A_845 : vector<16xi1>, vector<16xi32>
    %swap3A_853 = arith.constant 48 : index
    %swap3A_854 = tpu.vector_load %arg14[%swap3A_853] {strides = array<i32>} : memref<128xi32, #tpu.memory_space<vmem>>, vector<16xi32>,
    tpu.vector_store %arg14[%swap3A_853], %select_n3A_852 {strides = array<i32>} : memref<128xi32, #tpu.memory_space<vmem>>, vector<16xi32>,
    %get3A_855 = arith.constant 48 : index
    %get3A_856 = tpu.vector_load %arg11[%get3A_855] {strides = array<i32>} : memref<128xi32, #tpu.memory_space<vmem>>, vector<16xi32>,
    %ge3A_857 = arith.constant 507904 : i32
    %ge3A_858 = vector.broadcast %ge3A_857 : i32 to vector<16xi32>
    %ge3A_859 = arith.cmpi sge, %get3A_856, %ge3A_858 : vector<16xi32>
    %sub3A_860 = arith.constant 507904 : i32
    %sub3A_861 = vector.broadcast %sub3A_860 : i32 to vector<16xi32>
    %sub3A_862 = arith.subi %get3A_856, %sub3A_861 : vector<16xi32>
    %select_n3A_863 = arith.select %ge3A_859, %sub3A_862, %get3A_856 : vector<16xi1>, vector<16xi32>
    %ge3A_864 = arith.constant 253952 : i32
    %ge3A_865 = vector.broadcast %ge3A_864 : i32 to vector<16xi32>
    %ge3A_866 = arith.cmpi sge, %select_n3A_863, %ge3A_865 : vector<16xi32>
    %sub3A_867 = arith.constant 253952 : i32
    %sub3A_868 = vector.broadcast %sub3A_867 : i32 to vector<16xi32>
    %sub3A_869 = arith.subi %select_n3A_863, %sub3A_868 : vector<16xi32>
    %select_n3A_870 = arith.select %ge3A_866, %sub3A_869, %select_n3A_863 : vector<16xi1>, vector<16xi32>
    %swap3A_871 = arith.constant 48 : index
    %swap3A_872 = tpu.vector_load %arg15[%swap3A_871] {strides = array<i32>} : memref<128xi32, #tpu.memory_space<vmem>>, vector<16xi32>,
    tpu.vector_store %arg15[%swap3A_871], %select_n3A_870 {strides = array<i32>} : memref<128xi32, #tpu.memory_space<vmem>>, vector<16xi32>,
    %get3A_873 = arith.constant 48 : index
    %get3A_874 = tpu.vector_load %arg12[%get3A_873] {strides = array<i32>} : memref<128xi32, #tpu.memory_space<vmem>>, vector<16xi32>,
    %ge3A_875 = arith.constant 507904 : i32
    %ge3A_876 = vector.broadcast %ge3A_875 : i32 to vector<16xi32>
    %ge3A_877 = arith.cmpi sge, %get3A_874, %ge3A_876 : vector<16xi32>
    %sub3A_878 = arith.constant 507904 : i32
    %sub3A_879 = vector.broadcast %sub3A_878 : i32 to vector<16xi32>
    %sub3A_880 = arith.subi %get3A_874, %sub3A_879 : vector<16xi32>
    %select_n3A_881 = arith.select %ge3A_877, %sub3A_880, %get3A_874 : vector<16xi1>, vector<16xi32>
    %ge3A_882 = arith.constant 253952 : i32
    %ge3A_883 = vector.broadcast %ge3A_882 : i32 to vector<16xi32>
    %ge3A_884 = arith.cmpi sge, %select_n3A_881, %ge3A_883 : vector<16xi32>
    %sub3A_885 = arith.constant 253952 : i32
    %sub3A_886 = vector.broadcast %sub3A_885 : i32 to vector<16xi32>
    %sub3A_887 = arith.subi %select_n3A_881, %sub3A_886 : vector<16xi32>
    %select_n3A_888 = arith.select %ge3A_884, %sub3A_887, %select_n3A_881 : vector<16xi1>, vector<16xi32>
    %swap3A_889 = arith.constant 48 : index
    %swap3A_890 = tpu.vector_load %arg16[%swap3A_889] {strides = array<i32>} : memref<128xi32, #tpu.memory_space<vmem>>, vector<16xi32>,
    tpu.vector_store %arg16[%swap3A_889], %select_n3A_888 {strides = array<i32>} : memref<128xi32, #tpu.memory_space<vmem>>, vector<16xi32>,
    %get3A_891 = arith.constant 64 : index
    %get3A_892 = tpu.vector_load %arg9[%get3A_891] {strides = array<i32>} : memref<128xi32, #tpu.memory_space<vmem>>, vector<16xi32>,
    %ge3A_893 = arith.constant 507904 : i32
    %ge3A_894 = vector.broadcast %ge3A_893 : i32 to vector<16xi32>
    %ge3A_895 = arith.cmpi sge, %get3A_892, %ge3A_894 : vector<16xi32>
    %sub3A_896 = arith.constant 507904 : i32
    %sub3A_897 = vector.broadcast %sub3A_896 : i32 to vector<16xi32>
    %sub3A_898 = arith.subi %get3A_892, %sub3A_897 : vector<16xi32>
    %select_n3A_899 = arith.select %ge3A_895, %sub3A_898, %get3A_892 : vector<16xi1>, vector<16xi32>
    %ge3A_900 = arith.constant 253952 : i32
    %ge3A_901 = vector.broadcast %ge3A_900 : i32 to vector<16xi32>
    %ge3A_902 = arith.cmpi sge, %select_n3A_899, %ge3A_901 : vector<16xi32>
    %sub3A_903 = arith.constant 253952 : i32
    %sub3A_904 = vector.broadcast %sub3A_903 : i32 to vector<16xi32>
    %sub3A_905 = arith.subi %select_n3A_899, %sub3A_904 : vector<16xi32>
    %select_n3A_906 = arith.select %ge3A_902, %sub3A_905, %select_n3A_899 : vector<16xi1>, vector<16xi32>
    %swap3A_907 = arith.constant 64 : index
    %swap3A_908 = tpu.vector_load %arg13[%swap3A_907] {strides = array<i32>} : memref<128xi32, #tpu.memory_space<vmem>>, vector<16xi32>,
    tpu.vector_store %arg13[%swap3A_907], %select_n3A_906 {strides = array<i32>} : memref<128xi32, #tpu.memory_space<vmem>>, vector<16xi32>,
    %get3A_909 = arith.constant 64 : index
    %get3A_910 = tpu.vector_load %arg10[%get3A_909] {strides = array<i32>} : memref<128xi32, #tpu.memory_space<vmem>>, vector<16xi32>,
    %ge3A_911 = arith.constant 507904 : i32
    %ge3A_912 = vector.broadcast %ge3A_911 : i32 to vector<16xi32>
    %ge3A_913 = arith.cmpi sge, %get3A_910, %ge3A_912 : vector<16xi32>
    %sub3A_914 = arith.constant 507904 : i32
    %sub3A_915 = vector.broadcast %sub3A_914 : i32 to vector<16xi32>
    %sub3A_916 = arith.subi %get3A_910, %sub3A_915 : vector<16xi32>
    %select_n3A_917 = arith.select %ge3A_913, %sub3A_916, %get3A_910 : vector<16xi1>, vector<16xi32>
    %ge3A_918 = arith.constant 253952 : i32
    %ge3A_919 = vector.broadcast %ge3A_918 : i32 to vector<16xi32>
    %ge3A_920 = arith.cmpi sge, %select_n3A_917, %ge3A_919 : vector<16xi32>
    %sub3A_921 = arith.constant 253952 : i32
    %sub3A_922 = vector.broadcast %sub3A_921 : i32 to vector<16xi32>
    %sub3A_923 = arith.subi %select_n3A_917, %sub3A_922 : vector<16xi32>
    %select_n3A_924 = arith.select %ge3A_920, %sub3A_923, %select_n3A_917 : vector<16xi1>, vector<16xi32>
    %swap3A_925 = arith.constant 64 : index
    %swap3A_926 = tpu.vector_load %arg14[%swap3A_925] {strides = array<i32>} : memref<128xi32, #tpu.memory_space<vmem>>, vector<16xi32>,
    tpu.vector_store %arg14[%swap3A_925], %select_n3A_924 {strides = array<i32>} : memref<128xi32, #tpu.memory_space<vmem>>, vector<16xi32>,
    %get3A_927 = arith.constant 64 : index
    %get3A_928 = tpu.vector_load %arg11[%get3A_927] {strides = array<i32>} : memref<128xi32, #tpu.memory_space<vmem>>, vector<16xi32>,
    %ge3A_929 = arith.constant 507904 : i32
    %ge3A_930 = vector.broadcast %ge3A_929 : i32 to vector<16xi32>
    %ge3A_931 = arith.cmpi sge, %get3A_928, %ge3A_930 : vector<16xi32>
    %sub3A_932 = arith.constant 507904 : i32
    %sub3A_933 = vector.broadcast %sub3A_932 : i32 to vector<16xi32>
    %sub3A_934 = arith.subi %get3A_928, %sub3A_933 : vector<16xi32>
    %select_n3A_935 = arith.select %ge3A_931, %sub3A_934, %get3A_928 : vector<16xi1>, vector<16xi32>
    %ge3A_936 = arith.constant 253952 : i32
    %ge3A_937 = vector.broadcast %ge3A_936 : i32 to vector<16xi32>
    %ge3A_938 = arith.cmpi sge, %select_n3A_935, %ge3A_937 : vector<16xi32>
    %sub3A_939 = arith.constant 253952 : i32
    %sub3A_940 = vector.broadcast %sub3A_939 : i32 to vector<16xi32>
    %sub3A_941 = arith.subi %select_n3A_935, %sub3A_940 : vector<16xi32>
    %select_n3A_942 = arith.select %ge3A_938, %sub3A_941, %select_n3A_935 : vector<16xi1>, vector<16xi32>
    %swap3A_943 = arith.constant 64 : index
    %swap3A_944 = tpu.vector_load %arg15[%swap3A_943] {strides = array<i32>} : memref<128xi32, #tpu.memory_space<vmem>>, vector<16xi32>,
    tpu.vector_store %arg15[%swap3A_943], %select_n3A_942 {strides = array<i32>} : memref<128xi32, #tpu.memory_space<vmem>>, vector<16xi32>,
    %get3A_945 = arith.constant 64 : index
    %get3A_946 = tpu.vector_load %arg12[%get3A_945] {strides = array<i32>} : memref<128xi32, #tpu.memory_space<vmem>>, vector<16xi32>,
    %ge3A_947 = arith.constant 507904 : i32
    %ge3A_948 = vector.broadcast %ge3A_947 : i32 to vector<16xi32>
    %ge3A_949 = arith.cmpi sge, %get3A_946, %ge3A_948 : vector<16xi32>
    %sub3A_950 = arith.constant 507904 : i32
    %sub3A_951 = vector.broadcast %sub3A_950 : i32 to vector<16xi32>
    %sub3A_952 = arith.subi %get3A_946, %sub3A_951 : vector<16xi32>
    %select_n3A_953 = arith.select %ge3A_949, %sub3A_952, %get3A_946 : vector<16xi1>, vector<16xi32>
    %ge3A_954 = arith.constant 253952 : i32
    %ge3A_955 = vector.broadcast %ge3A_954 : i32 to vector<16xi32>
    %ge3A_956 = arith.cmpi sge, %select_n3A_953, %ge3A_955 : vector<16xi32>
    %sub3A_957 = arith.constant 253952 : i32
    %sub3A_958 = vector.broadcast %sub3A_957 : i32 to vector<16xi32>
    %sub3A_959 = arith.subi %select_n3A_953, %sub3A_958 : vector<16xi32>
    %select_n3A_960 = arith.select %ge3A_956, %sub3A_959, %select_n3A_953 : vector<16xi1>, vector<16xi32>
    %swap3A_961 = arith.constant 64 : index
    %swap3A_962 = tpu.vector_load %arg16[%swap3A_961] {strides = array<i32>} : memref<128xi32, #tpu.memory_space<vmem>>, vector<16xi32>,
    tpu.vector_store %arg16[%swap3A_961], %select_n3A_960 {strides = array<i32>} : memref<128xi32, #tpu.memory_space<vmem>>, vector<16xi32>,
    %get3A_963 = arith.constant 80 : index
    %get3A_964 = tpu.vector_load %arg9[%get3A_963] {strides = array<i32>} : memref<128xi32, #tpu.memory_space<vmem>>, vector<16xi32>,
    %ge3A_965 = arith.constant 507904 : i32
    %ge3A_966 = vector.broadcast %ge3A_965 : i32 to vector<16xi32>
    %ge3A_967 = arith.cmpi sge, %get3A_964, %ge3A_966 : vector<16xi32>
    %sub3A_968 = arith.constant 507904 : i32
    %sub3A_969 = vector.broadcast %sub3A_968 : i32 to vector<16xi32>
    %sub3A_970 = arith.subi %get3A_964, %sub3A_969 : vector<16xi32>
    %select_n3A_971 = arith.select %ge3A_967, %sub3A_970, %get3A_964 : vector<16xi1>, vector<16xi32>
    %ge3A_972 = arith.constant 253952 : i32
    %ge3A_973 = vector.broadcast %ge3A_972 : i32 to vector<16xi32>
    %ge3A_974 = arith.cmpi sge, %select_n3A_971, %ge3A_973 : vector<16xi32>
    %sub3A_975 = arith.constant 253952 : i32
    %sub3A_976 = vector.broadcast %sub3A_975 : i32 to vector<16xi32>
    %sub3A_977 = arith.subi %select_n3A_971, %sub3A_976 : vector<16xi32>
    %select_n3A_978 = arith.select %ge3A_974, %sub3A_977, %select_n3A_971 : vector<16xi1>, vector<16xi32>
    %swap3A_979 = arith.constant 80 : index
    %swap3A_980 = tpu.vector_load %arg13[%swap3A_979] {strides = array<i32>} : memref<128xi32, #tpu.memory_space<vmem>>, vector<16xi32>,
    tpu.vector_store %arg13[%swap3A_979], %select_n3A_978 {strides = array<i32>} : memref<128xi32, #tpu.memory_space<vmem>>, vector<16xi32>,
    %get3A_981 = arith.constant 80 : index
    %get3A_982 = tpu.vector_load %arg10[%get3A_981] {strides = array<i32>} : memref<128xi32, #tpu.memory_space<vmem>>, vector<16xi32>,
    %ge3A_983 = arith.constant 507904 : i32
    %ge3A_984 = vector.broadcast %ge3A_983 : i32 to vector<16xi32>
    %ge3A_985 = arith.cmpi sge, %get3A_982, %ge3A_984 : vector<16xi32>
    %sub3A_986 = arith.constant 507904 : i32
    %sub3A_987 = vector.broadcast %sub3A_986 : i32 to vector<16xi32>
    %sub3A_988 = arith.subi %get3A_982, %sub3A_987 : vector<16xi32>
    %select_n3A_989 = arith.select %ge3A_985, %sub3A_988, %get3A_982 : vector<16xi1>, vector<16xi32>
    %ge3A_990 = arith.constant 253952 : i32
    %ge3A_991 = vector.broadcast %ge3A_990 : i32 to vector<16xi32>
    %ge3A_992 = arith.cmpi sge, %select_n3A_989, %ge3A_991 : vector<16xi32>
    %sub3A_993 = arith.constant 253952 : i32
    %sub3A_994 = vector.broadcast %sub3A_993 : i32 to vector<16xi32>
    %sub3A_995 = arith.subi %select_n3A_989, %sub3A_994 : vector<16xi32>
    %select_n3A_996 = arith.select %ge3A_992, %sub3A_995, %select_n3A_989 : vector<16xi1>, vector<16xi32>
    %swap3A_997 = arith.constant 80 : index
    %swap3A_998 = tpu.vector_load %arg14[%swap3A_997] {strides = array<i32>} : memref<128xi32, #tpu.memory_space<vmem>>, vector<16xi32>,
    tpu.vector_store %arg14[%swap3A_997], %select_n3A_996 {strides = array<i32>} : memref<128xi32, #tpu.memory_space<vmem>>, vector<16xi32>,
    %get3A_999 = arith.constant 80 : index
    %get3A_1000 = tpu.vector_load %arg11[%get3A_999] {strides = array<i32>} : memref<128xi32, #tpu.memory_space<vmem>>, vector<16xi32>,
    %ge3A_1001 = arith.constant 507904 : i32
    %ge3A_1002 = vector.broadcast %ge3A_1001 : i32 to vector<16xi32>
    %ge3A_1003 = arith.cmpi sge, %get3A_1000, %ge3A_1002 : vector<16xi32>
    %sub3A_1004 = arith.constant 507904 : i32
    %sub3A_1005 = vector.broadcast %sub3A_1004 : i32 to vector<16xi32>
    %sub3A_1006 = arith.subi %get3A_1000, %sub3A_1005 : vector<16xi32>
    %select_n3A_1007 = arith.select %ge3A_1003, %sub3A_1006, %get3A_1000 : vector<16xi1>, vector<16xi32>
    %ge3A_1008 = arith.constant 253952 : i32
    %ge3A_1009 = vector.broadcast %ge3A_1008 : i32 to vector<16xi32>
    %ge3A_1010 = arith.cmpi sge, %select_n3A_1007, %ge3A_1009 : vector<16xi32>
    %sub3A_1011 = arith.constant 253952 : i32
    %sub3A_1012 = vector.broadcast %sub3A_1011 : i32 to vector<16xi32>
    %sub3A_1013 = arith.subi %select_n3A_1007, %sub3A_1012 : vector<16xi32>
    %select_n3A_1014 = arith.select %ge3A_1010, %sub3A_1013, %select_n3A_1007 : vector<16xi1>, vector<16xi32>
    %swap3A_1015 = arith.constant 80 : index
    %swap3A_1016 = tpu.vector_load %arg15[%swap3A_1015] {strides = array<i32>} : memref<128xi32, #tpu.memory_space<vmem>>, vector<16xi32>,
    tpu.vector_store %arg15[%swap3A_1015], %select_n3A_1014 {strides = array<i32>} : memref<128xi32, #tpu.memory_space<vmem>>, vector<16xi32>,
    %get3A_1017 = arith.constant 80 : index
    %get3A_1018 = tpu.vector_load %arg12[%get3A_1017] {strides = array<i32>} : memref<128xi32, #tpu.memory_space<vmem>>, vector<16xi32>,
    %ge3A_1019 = arith.constant 507904 : i32
    %ge3A_1020 = vector.broadcast %ge3A_1019 : i32 to vector<16xi32>
    %ge3A_1021 = arith.cmpi sge, %get3A_1018, %ge3A_1020 : vector<16xi32>
    %sub3A_1022 = arith.constant 507904 : i32
    %sub3A_1023 = vector.broadcast %sub3A_1022 : i32 to vector<16xi32>
    %sub3A_1024 = arith.subi %get3A_1018, %sub3A_1023 : vector<16xi32>
    %select_n3A_1025 = arith.select %ge3A_1021, %sub3A_1024, %get3A_1018 : vector<16xi1>, vector<16xi32>
    %ge3A_1026 = arith.constant 253952 : i32
    %ge3A_1027 = vector.broadcast %ge3A_1026 : i32 to vector<16xi32>
    %ge3A_1028 = arith.cmpi sge, %select_n3A_1025, %ge3A_1027 : vector<16xi32>
    %sub3A_1029 = arith.constant 253952 : i32
    %sub3A_1030 = vector.broadcast %sub3A_1029 : i32 to vector<16xi32>
    %sub3A_1031 = arith.subi %select_n3A_1025, %sub3A_1030 : vector<16xi32>
    %select_n3A_1032 = arith.select %ge3A_1028, %sub3A_1031, %select_n3A_1025 : vector<16xi1>, vector<16xi32>
    %swap3A_1033 = arith.constant 80 : index
    %swap3A_1034 = tpu.vector_load %arg16[%swap3A_1033] {strides = array<i32>} : memref<128xi32, #tpu.memory_space<vmem>>, vector<16xi32>,
    tpu.vector_store %arg16[%swap3A_1033], %select_n3A_1032 {strides = array<i32>} : memref<128xi32, #tpu.memory_space<vmem>>, vector<16xi32>,
    %get3A_1035 = arith.constant 96 : index
    %get3A_1036 = tpu.vector_load %arg9[%get3A_1035] {strides = array<i32>} : memref<128xi32, #tpu.memory_space<vmem>>, vector<16xi32>,
    %ge3A_1037 = arith.constant 507904 : i32
    %ge3A_1038 = vector.broadcast %ge3A_1037 : i32 to vector<16xi32>
    %ge3A_1039 = arith.cmpi sge, %get3A_1036, %ge3A_1038 : vector<16xi32>
    %sub3A_1040 = arith.constant 507904 : i32
    %sub3A_1041 = vector.broadcast %sub3A_1040 : i32 to vector<16xi32>
    %sub3A_1042 = arith.subi %get3A_1036, %sub3A_1041 : vector<16xi32>
    %select_n3A_1043 = arith.select %ge3A_1039, %sub3A_1042, %get3A_1036 : vector<16xi1>, vector<16xi32>
    %ge3A_1044 = arith.constant 253952 : i32
    %ge3A_1045 = vector.broadcast %ge3A_1044 : i32 to vector<16xi32>
    %ge3A_1046 = arith.cmpi sge, %select_n3A_1043, %ge3A_1045 : vector<16xi32>
    %sub3A_1047 = arith.constant 253952 : i32
    %sub3A_1048 = vector.broadcast %sub3A_1047 : i32 to vector<16xi32>
    %sub3A_1049 = arith.subi %select_n3A_1043, %sub3A_1048 : vector<16xi32>
    %select_n3A_1050 = arith.select %ge3A_1046, %sub3A_1049, %select_n3A_1043 : vector<16xi1>, vector<16xi32>
    %swap3A_1051 = arith.constant 96 : index
    %swap3A_1052 = tpu.vector_load %arg13[%swap3A_1051] {strides = array<i32>} : memref<128xi32, #tpu.memory_space<vmem>>, vector<16xi32>,
    tpu.vector_store %arg13[%swap3A_1051], %select_n3A_1050 {strides = array<i32>} : memref<128xi32, #tpu.memory_space<vmem>>, vector<16xi32>,
    %get3A_1053 = arith.constant 96 : index
    %get3A_1054 = tpu.vector_load %arg10[%get3A_1053] {strides = array<i32>} : memref<128xi32, #tpu.memory_space<vmem>>, vector<16xi32>,
    %ge3A_1055 = arith.constant 507904 : i32
    %ge3A_1056 = vector.broadcast %ge3A_1055 : i32 to vector<16xi32>
    %ge3A_1057 = arith.cmpi sge, %get3A_1054, %ge3A_1056 : vector<16xi32>
    %sub3A_1058 = arith.constant 507904 : i32
    %sub3A_1059 = vector.broadcast %sub3A_1058 : i32 to vector<16xi32>
    %sub3A_1060 = arith.subi %get3A_1054, %sub3A_1059 : vector<16xi32>
    %select_n3A_1061 = arith.select %ge3A_1057, %sub3A_1060, %get3A_1054 : vector<16xi1>, vector<16xi32>
    %ge3A_1062 = arith.constant 253952 : i32
    %ge3A_1063 = vector.broadcast %ge3A_1062 : i32 to vector<16xi32>
    %ge3A_1064 = arith.cmpi sge, %select_n3A_1061, %ge3A_1063 : vector<16xi32>
    %sub3A_1065 = arith.constant 253952 : i32
    %sub3A_1066 = vector.broadcast %sub3A_1065 : i32 to vector<16xi32>
    %sub3A_1067 = arith.subi %select_n3A_1061, %sub3A_1066 : vector<16xi32>
    %select_n3A_1068 = arith.select %ge3A_1064, %sub3A_1067, %select_n3A_1061 : vector<16xi1>, vector<16xi32>
    %swap3A_1069 = arith.constant 96 : index
    %swap3A_1070 = tpu.vector_load %arg14[%swap3A_1069] {strides = array<i32>} : memref<128xi32, #tpu.memory_space<vmem>>, vector<16xi32>,
    tpu.vector_store %arg14[%swap3A_1069], %select_n3A_1068 {strides = array<i32>} : memref<128xi32, #tpu.memory_space<vmem>>, vector<16xi32>,
    %get3A_1071 = arith.constant 96 : index
    %get3A_1072 = tpu.vector_load %arg11[%get3A_1071] {strides = array<i32>} : memref<128xi32, #tpu.memory_space<vmem>>, vector<16xi32>,
    %ge3A_1073 = arith.constant 507904 : i32
    %ge3A_1074 = vector.broadcast %ge3A_1073 : i32 to vector<16xi32>
    %ge3A_1075 = arith.cmpi sge, %get3A_1072, %ge3A_1074 : vector<16xi32>
    %sub3A_1076 = arith.constant 507904 : i32
    %sub3A_1077 = vector.broadcast %sub3A_1076 : i32 to vector<16xi32>
    %sub3A_1078 = arith.subi %get3A_1072, %sub3A_1077 : vector<16xi32>
    %select_n3A_1079 = arith.select %ge3A_1075, %sub3A_1078, %get3A_1072 : vector<16xi1>, vector<16xi32>
    %ge3A_1080 = arith.constant 253952 : i32
    %ge3A_1081 = vector.broadcast %ge3A_1080 : i32 to vector<16xi32>
    %ge3A_1082 = arith.cmpi sge, %select_n3A_1079, %ge3A_1081 : vector<16xi32>
    %sub3A_1083 = arith.constant 253952 : i32
    %sub3A_1084 = vector.broadcast %sub3A_1083 : i32 to vector<16xi32>
    %sub3A_1085 = arith.subi %select_n3A_1079, %sub3A_1084 : vector<16xi32>
    %select_n3A_1086 = arith.select %ge3A_1082, %sub3A_1085, %select_n3A_1079 : vector<16xi1>, vector<16xi32>
    %swap3A_1087 = arith.constant 96 : index
    %swap3A_1088 = tpu.vector_load %arg15[%swap3A_1087] {strides = array<i32>} : memref<128xi32, #tpu.memory_space<vmem>>, vector<16xi32>,
    tpu.vector_store %arg15[%swap3A_1087], %select_n3A_1086 {strides = array<i32>} : memref<128xi32, #tpu.memory_space<vmem>>, vector<16xi32>,
    %get3A_1089 = arith.constant 96 : index
    %get3A_1090 = tpu.vector_load %arg12[%get3A_1089] {strides = array<i32>} : memref<128xi32, #tpu.memory_space<vmem>>, vector<16xi32>,
    %ge3A_1091 = arith.constant 507904 : i32
    %ge3A_1092 = vector.broadcast %ge3A_1091 : i32 to vector<16xi32>
    %ge3A_1093 = arith.cmpi sge, %get3A_1090, %ge3A_1092 : vector<16xi32>
    %sub3A_1094 = arith.constant 507904 : i32
    %sub3A_1095 = vector.broadcast %sub3A_1094 : i32 to vector<16xi32>
    %sub3A_1096 = arith.subi %get3A_1090, %sub3A_1095 : vector<16xi32>
    %select_n3A_1097 = arith.select %ge3A_1093, %sub3A_1096, %get3A_1090 : vector<16xi1>, vector<16xi32>
    %ge3A_1098 = arith.constant 253952 : i32
    %ge3A_1099 = vector.broadcast %ge3A_1098 : i32 to vector<16xi32>
    %ge3A_1100 = arith.cmpi sge, %select_n3A_1097, %ge3A_1099 : vector<16xi32>
    %sub3A_1101 = arith.constant 253952 : i32
    %sub3A_1102 = vector.broadcast %sub3A_1101 : i32 to vector<16xi32>
    %sub3A_1103 = arith.subi %select_n3A_1097, %sub3A_1102 : vector<16xi32>
    %select_n3A_1104 = arith.select %ge3A_1100, %sub3A_1103, %select_n3A_1097 : vector<16xi1>, vector<16xi32>
    %swap3A_1105 = arith.constant 96 : index
    %swap3A_1106 = tpu.vector_load %arg16[%swap3A_1105] {strides = array<i32>} : memref<128xi32, #tpu.memory_space<vmem>>, vector<16xi32>,
    tpu.vector_store %arg16[%swap3A_1105], %select_n3A_1104 {strides = array<i32>} : memref<128xi32, #tpu.memory_space<vmem>>, vector<16xi32>,
    %get3A_1107 = arith.constant 112 : index
    %get3A_1108 = tpu.vector_load %arg9[%get3A_1107] {strides = array<i32>} : memref<128xi32, #tpu.memory_space<vmem>>, vector<16xi32>,
    %ge3A_1109 = arith.constant 507904 : i32
    %ge3A_1110 = vector.broadcast %ge3A_1109 : i32 to vector<16xi32>
    %ge3A_1111 = arith.cmpi sge, %get3A_1108, %ge3A_1110 : vector<16xi32>
    %sub3A_1112 = arith.constant 507904 : i32
    %sub3A_1113 = vector.broadcast %sub3A_1112 : i32 to vector<16xi32>
    %sub3A_1114 = arith.subi %get3A_1108, %sub3A_1113 : vector<16xi32>
    %select_n3A_1115 = arith.select %ge3A_1111, %sub3A_1114, %get3A_1108 : vector<16xi1>, vector<16xi32>
    %ge3A_1116 = arith.constant 253952 : i32
    %ge3A_1117 = vector.broadcast %ge3A_1116 : i32 to vector<16xi32>
    %ge3A_1118 = arith.cmpi sge, %select_n3A_1115, %ge3A_1117 : vector<16xi32>
    %sub3A_1119 = arith.constant 253952 : i32
    %sub3A_1120 = vector.broadcast %sub3A_1119 : i32 to vector<16xi32>
    %sub3A_1121 = arith.subi %select_n3A_1115, %sub3A_1120 : vector<16xi32>
    %select_n3A_1122 = arith.select %ge3A_1118, %sub3A_1121, %select_n3A_1115 : vector<16xi1>, vector<16xi32>
    %swap3A_1123 = arith.constant 112 : index
    %swap3A_1124 = tpu.vector_load %arg13[%swap3A_1123] {strides = array<i32>} : memref<128xi32, #tpu.memory_space<vmem>>, vector<16xi32>,
    tpu.vector_store %arg13[%swap3A_1123], %select_n3A_1122 {strides = array<i32>} : memref<128xi32, #tpu.memory_space<vmem>>, vector<16xi32>,
    %get3A_1125 = arith.constant 112 : index
    %get3A_1126 = tpu.vector_load %arg10[%get3A_1125] {strides = array<i32>} : memref<128xi32, #tpu.memory_space<vmem>>, vector<16xi32>,
    %ge3A_1127 = arith.constant 507904 : i32
    %ge3A_1128 = vector.broadcast %ge3A_1127 : i32 to vector<16xi32>
    %ge3A_1129 = arith.cmpi sge, %get3A_1126, %ge3A_1128 : vector<16xi32>
    %sub3A_1130 = arith.constant 507904 : i32
    %sub3A_1131 = vector.broadcast %sub3A_1130 : i32 to vector<16xi32>
    %sub3A_1132 = arith.subi %get3A_1126, %sub3A_1131 : vector<16xi32>
    %select_n3A_1133 = arith.select %ge3A_1129, %sub3A_1132, %get3A_1126 : vector<16xi1>, vector<16xi32>
    %ge3A_1134 = arith.constant 253952 : i32
    %ge3A_1135 = vector.broadcast %ge3A_1134 : i32 to vector<16xi32>
    %ge3A_1136 = arith.cmpi sge, %select_n3A_1133, %ge3A_1135 : vector<16xi32>
    %sub3A_1137 = arith.constant 253952 : i32
    %sub3A_1138 = vector.broadcast %sub3A_1137 : i32 to vector<16xi32>
    %sub3A_1139 = arith.subi %select_n3A_1133, %sub3A_1138 : vector<16xi32>
    %select_n3A_1140 = arith.select %ge3A_1136, %sub3A_1139, %select_n3A_1133 : vector<16xi1>, vector<16xi32>
    %swap3A_1141 = arith.constant 112 : index
    %swap3A_1142 = tpu.vector_load %arg14[%swap3A_1141] {strides = array<i32>} : memref<128xi32, #tpu.memory_space<vmem>>, vector<16xi32>,
    tpu.vector_store %arg14[%swap3A_1141], %select_n3A_1140 {strides = array<i32>} : memref<128xi32, #tpu.memory_space<vmem>>, vector<16xi32>,
    %get3A_1143 = arith.constant 112 : index
    %get3A_1144 = tpu.vector_load %arg11[%get3A_1143] {strides = array<i32>} : memref<128xi32, #tpu.memory_space<vmem>>, vector<16xi32>,
    %ge3A_1145 = arith.constant 507904 : i32
    %ge3A_1146 = vector.broadcast %ge3A_1145 : i32 to vector<16xi32>
    %ge3A_1147 = arith.cmpi sge, %get3A_1144, %ge3A_1146 : vector<16xi32>
    %sub3A_1148 = arith.constant 507904 : i32
    %sub3A_1149 = vector.broadcast %sub3A_1148 : i32 to vector<16xi32>
    %sub3A_1150 = arith.subi %get3A_1144, %sub3A_1149 : vector<16xi32>
    %select_n3A_1151 = arith.select %ge3A_1147, %sub3A_1150, %get3A_1144 : vector<16xi1>, vector<16xi32>
    %ge3A_1152 = arith.constant 253952 : i32
    %ge3A_1153 = vector.broadcast %ge3A_1152 : i32 to vector<16xi32>
    %ge3A_1154 = arith.cmpi sge, %select_n3A_1151, %ge3A_1153 : vector<16xi32>
    %sub3A_1155 = arith.constant 253952 : i32
    %sub3A_1156 = vector.broadcast %sub3A_1155 : i32 to vector<16xi32>
    %sub3A_1157 = arith.subi %select_n3A_1151, %sub3A_1156 : vector<16xi32>
    %select_n3A_1158 = arith.select %ge3A_1154, %sub3A_1157, %select_n3A_1151 : vector<16xi1>, vector<16xi32>
    %swap3A_1159 = arith.constant 112 : index
    %swap3A_1160 = tpu.vector_load %arg15[%swap3A_1159] {strides = array<i32>} : memref<128xi32, #tpu.memory_space<vmem>>, vector<16xi32>,
    tpu.vector_store %arg15[%swap3A_1159], %select_n3A_1158 {strides = array<i32>} : memref<128xi32, #tpu.memory_space<vmem>>, vector<16xi32>,
    %get3A_1161 = arith.constant 112 : index
    %get3A_1162 = tpu.vector_load %arg12[%get3A_1161] {strides = array<i32>} : memref<128xi32, #tpu.memory_space<vmem>>, vector<16xi32>,
    %ge3A_1163 = arith.constant 507904 : i32
    %ge3A_1164 = vector.broadcast %ge3A_1163 : i32 to vector<16xi32>
    %ge3A_1165 = arith.cmpi sge, %get3A_1162, %ge3A_1164 : vector<16xi32>
    %sub3A_1166 = arith.constant 507904 : i32
    %sub3A_1167 = vector.broadcast %sub3A_1166 : i32 to vector<16xi32>
    %sub3A_1168 = arith.subi %get3A_1162, %sub3A_1167 : vector<16xi32>
    %select_n3A_1169 = arith.select %ge3A_1165, %sub3A_1168, %get3A_1162 : vector<16xi1>, vector<16xi32>
    %ge3A_1170 = arith.constant 253952 : i32
    %ge3A_1171 = vector.broadcast %ge3A_1170 : i32 to vector<16xi32>
    %ge3A_1172 = arith.cmpi sge, %select_n3A_1169, %ge3A_1171 : vector<16xi32>
    %sub3A_1173 = arith.constant 253952 : i32
    %sub3A_1174 = vector.broadcast %sub3A_1173 : i32 to vector<16xi32>
    %sub3A_1175 = arith.subi %select_n3A_1169, %sub3A_1174 : vector<16xi32>
    %select_n3A_1176 = arith.select %ge3A_1172, %sub3A_1175, %select_n3A_1169 : vector<16xi1>, vector<16xi32>
    %swap3A_1177 = arith.constant 112 : index
    %swap3A_1178 = tpu.vector_load %arg16[%swap3A_1177] {strides = array<i32>} : memref<128xi32, #tpu.memory_space<vmem>>, vector<16xi32>,
    tpu.vector_store %arg16[%swap3A_1177], %select_n3A_1176 {strides = array<i32>} : memref<128xi32, #tpu.memory_space<vmem>>, vector<16xi32>,
    %dma_start3A_1179 = arith.constant 0 : i32
    %dma_start3A_1180 = arith.constant 0 : i32
    %dma_start3A_1181 = tpu.memref_slice %arg2[%dma_start3A_1179, %dma_start3A_1180] : memref<253952x128xi32, #tpu.memory_space<hbm>> -> memref<253952x128xi32, #tpu.memory_space<hbm>>
    tpu.enqueue_indirect_dma source(%dma_start3A_1181 : memref<253952x128xi32, #tpu.memory_space<hbm>>) target(%arg17 : memref<128x128xi32, #tpu.memory_space<vmem>>) offsets(%arg13 : memref<128xi32, #tpu.memory_space<vmem>>) semaphore(%arg21 : memref<!tpu.dma_semaphore, #tpu.memory_space<semaphore_mem>>)
    %dma_start3A_1182 = arith.constant 0 : i32
    %dma_start3A_1183 = arith.constant 0 : i32
    %dma_start3A_1184 = tpu.memref_slice %arg3[%dma_start3A_1182, %dma_start3A_1183] : memref<253952x128xi32, #tpu.memory_space<hbm>> -> memref<253952x128xi32, #tpu.memory_space<hbm>>
    tpu.enqueue_indirect_dma source(%dma_start3A_1184 : memref<253952x128xi32, #tpu.memory_space<hbm>>) target(%arg18 : memref<128x128xi32, #tpu.memory_space<vmem>>) offsets(%arg14 : memref<128xi32, #tpu.memory_space<vmem>>) semaphore(%arg21 : memref<!tpu.dma_semaphore, #tpu.memory_space<semaphore_mem>>)
    %dma_start3A_1185 = arith.constant 0 : i32
    %dma_start3A_1186 = arith.constant 0 : i32
    %dma_start3A_1187 = tpu.memref_slice %arg3[%dma_start3A_1185, %dma_start3A_1186] : memref<253952x128xi32, #tpu.memory_space<hbm>> -> memref<253952x128xi32, #tpu.memory_space<hbm>>
    tpu.enqueue_indirect_dma source(%dma_start3A_1187 : memref<253952x128xi32, #tpu.memory_space<hbm>>) target(%arg19 : memref<128x128xi32, #tpu.memory_space<vmem>>) offsets(%arg15 : memref<128xi32, #tpu.memory_space<vmem>>) semaphore(%arg21 : memref<!tpu.dma_semaphore, #tpu.memory_space<semaphore_mem>>)
    %dma_start3A_1188 = arith.constant 0 : i32
    %dma_start3A_1189 = arith.constant 0 : i32
    %dma_start3A_1190 = tpu.memref_slice %arg3[%dma_start3A_1188, %dma_start3A_1189] : memref<253952x128xi32, #tpu.memory_space<hbm>> -> memref<253952x128xi32, #tpu.memory_space<hbm>>
    tpu.enqueue_indirect_dma source(%dma_start3A_1190 : memref<253952x128xi32, #tpu.memory_space<hbm>>) target(%arg20 : memref<128x128xi32, #tpu.memory_space<vmem>>) offsets(%arg16 : memref<128xi32, #tpu.memory_space<vmem>>) semaphore(%arg21 : memref<!tpu.dma_semaphore, #tpu.memory_space<semaphore_mem>>)
    %dma_wait3A_1191 = arith.constant 0 : i32
    %dma_wait3A_1192 = arith.constant 0 : i32
    %dma_wait3A_1193 = tpu.memref_slice %arg2[%dma_wait3A_1191, %dma_wait3A_1192] : memref<253952x128xi32, #tpu.memory_space<hbm>> -> memref<253952x128xi32, #tpu.memory_space<hbm>>
    tpu.wait_indirect_dma semaphore(%arg21 : memref<!tpu.dma_semaphore, #tpu.memory_space<semaphore_mem>>) src(%dma_wait3A_1193 : memref<253952x128xi32, #tpu.memory_space<hbm>>) dst(%arg17 : memref<128x128xi32, #tpu.memory_space<vmem>>)
    %dma_wait3A_1194 = arith.constant 0 : i32
    %dma_wait3A_1195 = arith.constant 0 : i32
    %dma_wait3A_1196 = tpu.memref_slice %arg3[%dma_wait3A_1194, %dma_wait3A_1195] : memref<253952x128xi32, #tpu.memory_space<hbm>> -> memref<253952x128xi32, #tpu.memory_space<hbm>>
    tpu.wait_indirect_dma semaphore(%arg21 : memref<!tpu.dma_semaphore, #tpu.memory_space<semaphore_mem>>) src(%dma_wait3A_1196 : memref<253952x128xi32, #tpu.memory_space<hbm>>) dst(%arg18 : memref<128x128xi32, #tpu.memory_space<vmem>>)
    %dma_wait3A_1197 = arith.constant 0 : i32
    %dma_wait3A_1198 = arith.constant 0 : i32
    %dma_wait3A_1199 = tpu.memref_slice %arg3[%dma_wait3A_1197, %dma_wait3A_1198] : memref<253952x128xi32, #tpu.memory_space<hbm>> -> memref<253952x128xi32, #tpu.memory_space<hbm>>
    tpu.wait_indirect_dma semaphore(%arg21 : memref<!tpu.dma_semaphore, #tpu.memory_space<semaphore_mem>>) src(%dma_wait3A_1199 : memref<253952x128xi32, #tpu.memory_space<hbm>>) dst(%arg19 : memref<128x128xi32, #tpu.memory_space<vmem>>)
    %dma_wait3A_1200 = arith.constant 0 : i32
    %dma_wait3A_1201 = arith.constant 0 : i32
    %dma_wait3A_1202 = tpu.memref_slice %arg3[%dma_wait3A_1200, %dma_wait3A_1201] : memref<253952x128xi32, #tpu.memory_space<hbm>> -> memref<253952x128xi32, #tpu.memory_space<hbm>>
    tpu.wait_indirect_dma semaphore(%arg21 : memref<!tpu.dma_semaphore, #tpu.memory_space<semaphore_mem>>) src(%dma_wait3A_1202 : memref<253952x128xi32, #tpu.memory_space<hbm>>) dst(%arg20 : memref<128x128xi32, #tpu.memory_space<vmem>>)
    %run_scoped3A_1203 = arith.constant 0 : i32
    "tpu.region"() ({
      %run_scoped3A_2419 = tpu.sem_alloc : memref<!tpu.dma_semaphore, #tpu.memory_space<semaphore_mem>>
      %dma_start3A_2420 = arith.constant 0 : i32
      %dma_start3A_2421 = tpu.memref_slice %arg8[%run_scoped3A_1203, %add3A_602, %dma_start3A_2420] : memref<4x16384x128xi32, #tpu.memory_space<hbm>> -> memref<1x128x128xi32, #tpu.memory_space<hbm>>
      %dma_start3A_2422 = tpu.memref_squeeze %dma_start3A_2421 : memref<1x128x128xi32, #tpu.memory_space<hbm>> -> memref<128x128xi32, #tpu.memory_space<hbm>>
      %dma_start3A_2423 = arith.constant 0 : i32
      %dma_start3A_2424 = tpu.memref_slice %arg8[%run_scoped3A_1203, %add3A_602, %dma_start3A_2423] : memref<4x16384x128xi32, #tpu.memory_space<hbm>> -> memref<1x128x128xi32, #tpu.memory_space<hbm>>
      %dma_start3A_2425 = tpu.memref_squeeze %dma_start3A_2424 : memref<1x128x128xi32, #tpu.memory_space<hbm>> -> memref<128x128xi32, #tpu.memory_space<hbm>>
      tpu.enqueue_dma source(%arg17 : memref<128x128xi32, #tpu.memory_space<vmem>>) target(%dma_start3A_2425 : memref<128x128xi32, #tpu.memory_space<hbm>>) target_semaphore(%run_scoped3A_2419 : memref<!tpu.dma_semaphore, #tpu.memory_space<semaphore_mem>>)
      %dma_wait3A_2426 = arith.constant 0 : i32
      %dma_wait3A_2427 = tpu.memref_slice %arg8[%run_scoped3A_1203, %add3A_602, %dma_wait3A_2426] : memref<4x16384x128xi32, #tpu.memory_space<hbm>> -> memref<1x128x128xi32, #tpu.memory_space<hbm>>
      %dma_wait3A_2428 = tpu.memref_squeeze %dma_wait3A_2427 : memref<1x128x128xi32, #tpu.memory_space<hbm>> -> memref<128x128xi32, #tpu.memory_space<hbm>>
      %dma_wait3A_2429 = arith.constant 0 : i32
      %dma_wait3A_2430 = tpu.memref_slice %arg8[%run_scoped3A_1203, %add3A_602, %dma_wait3A_2429] : memref<4x16384x128xi32, #tpu.memory_space<hbm>> -> memref<1x128x128xi32, #tpu.memory_space<hbm>>
      %dma_wait3A_2431 = tpu.memref_squeeze %dma_wait3A_2430 : memref<1x128x128xi32, #tpu.memory_space<hbm>> -> memref<128x128xi32, #tpu.memory_space<hbm>>
      tpu.wait_dma2 semaphore(%run_scoped3A_2419 : memref<!tpu.dma_semaphore, #tpu.memory_space<semaphore_mem>>) src(%arg17 : memref<128x128xi32, #tpu.memory_space<vmem>>) dst(%dma_wait3A_2431 : memref<128x128xi32, #tpu.memory_space<hbm>>)
      tpu.yield
    }) : () -> ()
    %run_scoped3A_1204 = arith.constant 1 : i32
    "tpu.region"() ({
      %run_scoped3A_2419 = tpu.sem_alloc : memref<!tpu.dma_semaphore, #tpu.memory_space<semaphore_mem>>
      %dma_start3A_2420 = arith.constant 0 : i32
      %dma_start3A_2421 = tpu.memref_slice %arg8[%run_scoped3A_1204, %add3A_602, %dma_start3A_2420] : memref<4x16384x128xi32, #tpu.memory_space<hbm>> -> memref<1x128x128xi32, #tpu.memory_space<hbm>>
      %dma_start3A_2422 = tpu.memref_squeeze %dma_start3A_2421 : memref<1x128x128xi32, #tpu.memory_space<hbm>> -> memref<128x128xi32, #tpu.memory_space<hbm>>
      %dma_start3A_2423 = arith.constant 0 : i32
      %dma_start3A_2424 = tpu.memref_slice %arg8[%run_scoped3A_1204, %add3A_602, %dma_start3A_2423] : memref<4x16384x128xi32, #tpu.memory_space<hbm>> -> memref<1x128x128xi32, #tpu.memory_space<hbm>>
      %dma_start3A_2425 = tpu.memref_squeeze %dma_start3A_2424 : memref<1x128x128xi32, #tpu.memory_space<hbm>> -> memref<128x128xi32, #tpu.memory_space<hbm>>
      tpu.enqueue_dma source(%arg18 : memref<128x128xi32, #tpu.memory_space<vmem>>) target(%dma_start3A_2425 : memref<128x128xi32, #tpu.memory_space<hbm>>) target_semaphore(%run_scoped3A_2419 : memref<!tpu.dma_semaphore, #tpu.memory_space<semaphore_mem>>)
      %dma_wait3A_2426 = arith.constant 0 : i32
      %dma_wait3A_2427 = tpu.memref_slice %arg8[%run_scoped3A_1204, %add3A_602, %dma_wait3A_2426] : memref<4x16384x128xi32, #tpu.memory_space<hbm>> -> memref<1x128x128xi32, #tpu.memory_space<hbm>>
      %dma_wait3A_2428 = tpu.memref_squeeze %dma_wait3A_2427 : memref<1x128x128xi32, #tpu.memory_space<hbm>> -> memref<128x128xi32, #tpu.memory_space<hbm>>
      %dma_wait3A_2429 = arith.constant 0 : i32
      %dma_wait3A_2430 = tpu.memref_slice %arg8[%run_scoped3A_1204, %add3A_602, %dma_wait3A_2429] : memref<4x16384x128xi32, #tpu.memory_space<hbm>> -> memref<1x128x128xi32, #tpu.memory_space<hbm>>
      %dma_wait3A_2431 = tpu.memref_squeeze %dma_wait3A_2430 : memref<1x128x128xi32, #tpu.memory_space<hbm>> -> memref<128x128xi32, #tpu.memory_space<hbm>>
      tpu.wait_dma2 semaphore(%run_scoped3A_2419 : memref<!tpu.dma_semaphore, #tpu.memory_space<semaphore_mem>>) src(%arg18 : memref<128x128xi32, #tpu.memory_space<vmem>>) dst(%dma_wait3A_2431 : memref<128x128xi32, #tpu.memory_space<hbm>>)
      tpu.yield
    }) : () -> ()
    %run_scoped3A_1205 = arith.constant 2 : i32
    "tpu.region"() ({
      %run_scoped3A_2419 = tpu.sem_alloc : memref<!tpu.dma_semaphore, #tpu.memory_space<semaphore_mem>>
      %dma_start3A_2420 = arith.constant 0 : i32
      %dma_start3A_2421 = tpu.memref_slice %arg8[%run_scoped3A_1205, %add3A_602, %dma_start3A_2420] : memref<4x16384x128xi32, #tpu.memory_space<hbm>> -> memref<1x128x128xi32, #tpu.memory_space<hbm>>
      %dma_start3A_2422 = tpu.memref_squeeze %dma_start3A_2421 : memref<1x128x128xi32, #tpu.memory_space<hbm>> -> memref<128x128xi32, #tpu.memory_space<hbm>>
      %dma_start3A_2423 = arith.constant 0 : i32
      %dma_start3A_2424 = tpu.memref_slice %arg8[%run_scoped3A_1205, %add3A_602, %dma_start3A_2423] : memref<4x16384x128xi32, #tpu.memory_space<hbm>> -> memref<1x128x128xi32, #tpu.memory_space<hbm>>
      %dma_start3A_2425 = tpu.memref_squeeze %dma_start3A_2424 : memref<1x128x128xi32, #tpu.memory_space<hbm>> -> memref<128x128xi32, #tpu.memory_space<hbm>>
      tpu.enqueue_dma source(%arg19 : memref<128x128xi32, #tpu.memory_space<vmem>>) target(%dma_start3A_2425 : memref<128x128xi32, #tpu.memory_space<hbm>>) target_semaphore(%run_scoped3A_2419 : memref<!tpu.dma_semaphore, #tpu.memory_space<semaphore_mem>>)
      %dma_wait3A_2426 = arith.constant 0 : i32
      %dma_wait3A_2427 = tpu.memref_slice %arg8[%run_scoped3A_1205, %add3A_602, %dma_wait3A_2426] : memref<4x16384x128xi32, #tpu.memory_space<hbm>> -> memref<1x128x128xi32, #tpu.memory_space<hbm>>
      %dma_wait3A_2428 = tpu.memref_squeeze %dma_wait3A_2427 : memref<1x128x128xi32, #tpu.memory_space<hbm>> -> memref<128x128xi32, #tpu.memory_space<hbm>>
      %dma_wait3A_2429 = arith.constant 0 : i32
      %dma_wait3A_2430 = tpu.memref_slice %arg8[%run_scoped3A_1205, %add3A_602, %dma_wait3A_2429] : memref<4x16384x128xi32, #tpu.memory_space<hbm>> -> memref<1x128x128xi32, #tpu.memory_space<hbm>>
      %dma_wait3A_2431 = tpu.memref_squeeze %dma_wait3A_2430 : memref<1x128x128xi32, #tpu.memory_space<hbm>> -> memref<128x128xi32, #tpu.memory_space<hbm>>
      tpu.wait_dma2 semaphore(%run_scoped3A_2419 : memref<!tpu.dma_semaphore, #tpu.memory_space<semaphore_mem>>) src(%arg19 : memref<128x128xi32, #tpu.memory_space<vmem>>) dst(%dma_wait3A_2431 : memref<128x128xi32, #tpu.memory_space<hbm>>)
      tpu.yield
    }) : () -> ()
    %run_scoped3A_1206 = arith.constant 3 : i32
    "tpu.region"() ({
      %run_scoped3A_2419 = tpu.sem_alloc : memref<!tpu.dma_semaphore, #tpu.memory_space<semaphore_mem>>
      %dma_start3A_2420 = arith.constant 0 : i32
      %dma_start3A_2421 = tpu.memref_slice %arg8[%run_scoped3A_1206, %add3A_602, %dma_start3A_2420] : memref<4x16384x128xi32, #tpu.memory_space<hbm>> -> memref<1x128x128xi32, #tpu.memory_space<hbm>>
      %dma_start3A_2422 = tpu.memref_squeeze %dma_start3A_2421 : memref<1x128x128xi32, #tpu.memory_space<hbm>> -> memref<128x128xi32, #tpu.memory_space<hbm>>
      %dma_start3A_2423 = arith.constant 0 : i32
      %dma_start3A_2424 = tpu.memref_slice %arg8[%run_scoped3A_1206, %add3A_602, %dma_start3A_2423] : memref<4x16384x128xi32, #tpu.memory_space<hbm>> -> memref<1x128x128xi32, #tpu.memory_space<hbm>>
      %dma_start3A_2425 = tpu.memref_squeeze %dma_start3A_2424 : memref<1x128x128xi32, #tpu.memory_space<hbm>> -> memref<128x128xi32, #tpu.memory_space<hbm>>
      tpu.enqueue_dma source(%arg20 : memref<128x128xi32, #tpu.memory_space<vmem>>) target(%dma_start3A_2425 : memref<128x128xi32, #tpu.memory_space<hbm>>) target_semaphore(%run_scoped3A_2419 : memref<!tpu.dma_semaphore, #tpu.memory_space<semaphore_mem>>)
      %dma_wait3A_2426 = arith.constant 0 : i32
      %dma_wait3A_2427 = tpu.memref_slice %arg8[%run_scoped3A_1206, %add3A_602, %dma_wait3A_2426] : memref<4x16384x128xi32, #tpu.memory_space<hbm>> -> memref<1x128x128xi32, #tpu.memory_space<hbm>>
      %dma_wait3A_2428 = tpu.memref_squeeze %dma_wait3A_2427 : memref<1x128x128xi32, #tpu.memory_space<hbm>> -> memref<128x128xi32, #tpu.memory_space<hbm>>
      %dma_wait3A_2429 = arith.constant 0 : i32
      %dma_wait3A_2430 = tpu.memref_slice %arg8[%run_scoped3A_1206, %add3A_602, %dma_wait3A_2429] : memref<4x16384x128xi32, #tpu.memory_space<hbm>> -> memref<1x128x128xi32, #tpu.memory_space<hbm>>
      %dma_wait3A_2431 = tpu.memref_squeeze %dma_wait3A_2430 : memref<1x128x128xi32, #tpu.memory_space<hbm>> -> memref<128x128xi32, #tpu.memory_space<hbm>>
      tpu.wait_dma2 semaphore(%run_scoped3A_2419 : memref<!tpu.dma_semaphore, #tpu.memory_space<semaphore_mem>>) src(%arg20 : memref<128x128xi32, #tpu.memory_space<vmem>>) dst(%dma_wait3A_2431 : memref<128x128xi32, #tpu.memory_space<hbm>>)
      tpu.yield
    }) : () -> ()
    %add3A_1207 = arith.constant 256 : i32
    %add3A_1208 = arith.addi %mul3A_2, %add3A_1207 : i32
    "tpu.region"() ({
      %run_scoped3A_2419 = tpu.sem_alloc : memref<!tpu.dma_semaphore, #tpu.memory_space<semaphore_mem>>
      %dma_start3A_2420 = tpu.memref_slice %arg4[%add3A_1208] : memref<16384xi32, #tpu.memory_space<hbm>> -> memref<128xi32, #tpu.memory_space<hbm>>
      %dma_start3A_2421 = tpu.memref_slice %arg4[%add3A_1208] : memref<16384xi32, #tpu.memory_space<hbm>> -> memref<128xi32, #tpu.memory_space<hbm>>
      tpu.enqueue_dma source(%dma_start3A_2421 : memref<128xi32, #tpu.memory_space<hbm>>) target(%arg9 : memref<128xi32, #tpu.memory_space<vmem>>) target_semaphore(%run_scoped3A_2419 : memref<!tpu.dma_semaphore, #tpu.memory_space<semaphore_mem>>)
      %dma_wait3A_2422 = tpu.memref_slice %arg4[%add3A_1208] : memref<16384xi32, #tpu.memory_space<hbm>> -> memref<128xi32, #tpu.memory_space<hbm>>
      %dma_wait3A_2423 = tpu.memref_slice %arg4[%add3A_1208] : memref<16384xi32, #tpu.memory_space<hbm>> -> memref<128xi32, #tpu.memory_space<hbm>>
      tpu.wait_dma2 semaphore(%run_scoped3A_2419 : memref<!tpu.dma_semaphore, #tpu.memory_space<semaphore_mem>>) src(%dma_wait3A_2423 : memref<128xi32, #tpu.memory_space<hbm>>) dst(%arg9 : memref<128xi32, #tpu.memory_space<vmem>>)
      tpu.yield
    }) : () -> ()
    "tpu.region"() ({
      %run_scoped3A_2419 = tpu.sem_alloc : memref<!tpu.dma_semaphore, #tpu.memory_space<semaphore_mem>>
      %dma_start3A_2420 = tpu.memref_slice %arg5[%add3A_1208] : memref<16384xi32, #tpu.memory_space<hbm>> -> memref<128xi32, #tpu.memory_space<hbm>>
      %dma_start3A_2421 = tpu.memref_slice %arg5[%add3A_1208] : memref<16384xi32, #tpu.memory_space<hbm>> -> memref<128xi32, #tpu.memory_space<hbm>>
      tpu.enqueue_dma source(%dma_start3A_2421 : memref<128xi32, #tpu.memory_space<hbm>>) target(%arg10 : memref<128xi32, #tpu.memory_space<vmem>>) target_semaphore(%run_scoped3A_2419 : memref<!tpu.dma_semaphore, #tpu.memory_space<semaphore_mem>>)
      %dma_wait3A_2422 = tpu.memref_slice %arg5[%add3A_1208] : memref<16384xi32, #tpu.memory_space<hbm>> -> memref<128xi32, #tpu.memory_space<hbm>>
      %dma_wait3A_2423 = tpu.memref_slice %arg5[%add3A_1208] : memref<16384xi32, #tpu.memory_space<hbm>> -> memref<128xi32, #tpu.memory_space<hbm>>
      tpu.wait_dma2 semaphore(%run_scoped3A_2419 : memref<!tpu.dma_semaphore, #tpu.memory_space<semaphore_mem>>) src(%dma_wait3A_2423 : memref<128xi32, #tpu.memory_space<hbm>>) dst(%arg10 : memref<128xi32, #tpu.memory_space<vmem>>)
      tpu.yield
    }) : () -> ()
    "tpu.region"() ({
      %run_scoped3A_2419 = tpu.sem_alloc : memref<!tpu.dma_semaphore, #tpu.memory_space<semaphore_mem>>
      %dma_start3A_2420 = tpu.memref_slice %arg6[%add3A_1208] : memref<16384xi32, #tpu.memory_space<hbm>> -> memref<128xi32, #tpu.memory_space<hbm>>
      %dma_start3A_2421 = tpu.memref_slice %arg6[%add3A_1208] : memref<16384xi32, #tpu.memory_space<hbm>> -> memref<128xi32, #tpu.memory_space<hbm>>
      tpu.enqueue_dma source(%dma_start3A_2421 : memref<128xi32, #tpu.memory_space<hbm>>) target(%arg11 : memref<128xi32, #tpu.memory_space<vmem>>) target_semaphore(%run_scoped3A_2419 : memref<!tpu.dma_semaphore, #tpu.memory_space<semaphore_mem>>)
      %dma_wait3A_2422 = tpu.memref_slice %arg6[%add3A_1208] : memref<16384xi32, #tpu.memory_space<hbm>> -> memref<128xi32, #tpu.memory_space<hbm>>
      %dma_wait3A_2423 = tpu.memref_slice %arg6[%add3A_1208] : memref<16384xi32, #tpu.memory_space<hbm>> -> memref<128xi32, #tpu.memory_space<hbm>>
      tpu.wait_dma2 semaphore(%run_scoped3A_2419 : memref<!tpu.dma_semaphore, #tpu.memory_space<semaphore_mem>>) src(%dma_wait3A_2423 : memref<128xi32, #tpu.memory_space<hbm>>) dst(%arg11 : memref<128xi32, #tpu.memory_space<vmem>>)
      tpu.yield
    }) : () -> ()
    "tpu.region"() ({
      %run_scoped3A_2419 = tpu.sem_alloc : memref<!tpu.dma_semaphore, #tpu.memory_space<semaphore_mem>>
      %dma_start3A_2420 = tpu.memref_slice %arg7[%add3A_1208] : memref<16384xi32, #tpu.memory_space<hbm>> -> memref<128xi32, #tpu.memory_space<hbm>>
      %dma_start3A_2421 = tpu.memref_slice %arg7[%add3A_1208] : memref<16384xi32, #tpu.memory_space<hbm>> -> memref<128xi32, #tpu.memory_space<hbm>>
      tpu.enqueue_dma source(%dma_start3A_2421 : memref<128xi32, #tpu.memory_space<hbm>>) target(%arg12 : memref<128xi32, #tpu.memory_space<vmem>>) target_semaphore(%run_scoped3A_2419 : memref<!tpu.dma_semaphore, #tpu.memory_space<semaphore_mem>>)
      %dma_wait3A_2422 = tpu.memref_slice %arg7[%add3A_1208] : memref<16384xi32, #tpu.memory_space<hbm>> -> memref<128xi32, #tpu.memory_space<hbm>>
      %dma_wait3A_2423 = tpu.memref_slice %arg7[%add3A_1208] : memref<16384xi32, #tpu.memory_space<hbm>> -> memref<128xi32, #tpu.memory_space<hbm>>
      tpu.wait_dma2 semaphore(%run_scoped3A_2419 : memref<!tpu.dma_semaphore, #tpu.memory_space<semaphore_mem>>) src(%dma_wait3A_2423 : memref<128xi32, #tpu.memory_space<hbm>>) dst(%arg12 : memref<128xi32, #tpu.memory_space<vmem>>)
      tpu.yield
    }) : () -> ()
    %get3A_1209 = arith.constant 0 : index
    %get3A_1210 = tpu.vector_load %arg9[%get3A_1209] {strides = array<i32>} : memref<128xi32, #tpu.memory_space<vmem>>, vector<16xi32>,
    %ge3A_1211 = arith.constant 507904 : i32
    %ge3A_1212 = vector.broadcast %ge3A_1211 : i32 to vector<16xi32>
    %ge3A_1213 = arith.cmpi sge, %get3A_1210, %ge3A_1212 : vector<16xi32>
    %sub3A_1214 = arith.constant 507904 : i32
    %sub3A_1215 = vector.broadcast %sub3A_1214 : i32 to vector<16xi32>
    %sub3A_1216 = arith.subi %get3A_1210, %sub3A_1215 : vector<16xi32>
    %select_n3A_1217 = arith.select %ge3A_1213, %sub3A_1216, %get3A_1210 : vector<16xi1>, vector<16xi32>
    %ge3A_1218 = arith.constant 253952 : i32
    %ge3A_1219 = vector.broadcast %ge3A_1218 : i32 to vector<16xi32>
    %ge3A_1220 = arith.cmpi sge, %select_n3A_1217, %ge3A_1219 : vector<16xi32>
    %sub3A_1221 = arith.constant 253952 : i32
    %sub3A_1222 = vector.broadcast %sub3A_1221 : i32 to vector<16xi32>
    %sub3A_1223 = arith.subi %select_n3A_1217, %sub3A_1222 : vector<16xi32>
    %select_n3A_1224 = arith.select %ge3A_1220, %sub3A_1223, %select_n3A_1217 : vector<16xi1>, vector<16xi32>
    %swap3A_1225 = arith.constant 0 : index
    %swap3A_1226 = tpu.vector_load %arg13[%swap3A_1225] {strides = array<i32>} : memref<128xi32, #tpu.memory_space<vmem>>, vector<16xi32>,
    tpu.vector_store %arg13[%swap3A_1225], %select_n3A_1224 {strides = array<i32>} : memref<128xi32, #tpu.memory_space<vmem>>, vector<16xi32>,
    %get3A_1227 = arith.constant 0 : index
    %get3A_1228 = tpu.vector_load %arg10[%get3A_1227] {strides = array<i32>} : memref<128xi32, #tpu.memory_space<vmem>>, vector<16xi32>,
    %ge3A_1229 = arith.constant 507904 : i32
    %ge3A_1230 = vector.broadcast %ge3A_1229 : i32 to vector<16xi32>
    %ge3A_1231 = arith.cmpi sge, %get3A_1228, %ge3A_1230 : vector<16xi32>
    %sub3A_1232 = arith.constant 507904 : i32
    %sub3A_1233 = vector.broadcast %sub3A_1232 : i32 to vector<16xi32>
    %sub3A_1234 = arith.subi %get3A_1228, %sub3A_1233 : vector<16xi32>
    %select_n3A_1235 = arith.select %ge3A_1231, %sub3A_1234, %get3A_1228 : vector<16xi1>, vector<16xi32>
    %ge3A_1236 = arith.constant 253952 : i32
    %ge3A_1237 = vector.broadcast %ge3A_1236 : i32 to vector<16xi32>
    %ge3A_1238 = arith.cmpi sge, %select_n3A_1235, %ge3A_1237 : vector<16xi32>
    %sub3A_1239 = arith.constant 253952 : i32
    %sub3A_1240 = vector.broadcast %sub3A_1239 : i32 to vector<16xi32>
    %sub3A_1241 = arith.subi %select_n3A_1235, %sub3A_1240 : vector<16xi32>
    %select_n3A_1242 = arith.select %ge3A_1238, %sub3A_1241, %select_n3A_1235 : vector<16xi1>, vector<16xi32>
    %swap3A_1243 = arith.constant 0 : index
    %swap3A_1244 = tpu.vector_load %arg14[%swap3A_1243] {strides = array<i32>} : memref<128xi32, #tpu.memory_space<vmem>>, vector<16xi32>,
    tpu.vector_store %arg14[%swap3A_1243], %select_n3A_1242 {strides = array<i32>} : memref<128xi32, #tpu.memory_space<vmem>>, vector<16xi32>,
    %get3A_1245 = arith.constant 0 : index
    %get3A_1246 = tpu.vector_load %arg11[%get3A_1245] {strides = array<i32>} : memref<128xi32, #tpu.memory_space<vmem>>, vector<16xi32>,
    %ge3A_1247 = arith.constant 507904 : i32
    %ge3A_1248 = vector.broadcast %ge3A_1247 : i32 to vector<16xi32>
    %ge3A_1249 = arith.cmpi sge, %get3A_1246, %ge3A_1248 : vector<16xi32>
    %sub3A_1250 = arith.constant 507904 : i32
    %sub3A_1251 = vector.broadcast %sub3A_1250 : i32 to vector<16xi32>
    %sub3A_1252 = arith.subi %get3A_1246, %sub3A_1251 : vector<16xi32>
    %select_n3A_1253 = arith.select %ge3A_1249, %sub3A_1252, %get3A_1246 : vector<16xi1>, vector<16xi32>
    %ge3A_1254 = arith.constant 253952 : i32
    %ge3A_1255 = vector.broadcast %ge3A_1254 : i32 to vector<16xi32>
    %ge3A_1256 = arith.cmpi sge, %select_n3A_1253, %ge3A_1255 : vector<16xi32>
    %sub3A_1257 = arith.constant 253952 : i32
    %sub3A_1258 = vector.broadcast %sub3A_1257 : i32 to vector<16xi32>
    %sub3A_1259 = arith.subi %select_n3A_1253, %sub3A_1258 : vector<16xi32>
    %select_n3A_1260 = arith.select %ge3A_1256, %sub3A_1259, %select_n3A_1253 : vector<16xi1>, vector<16xi32>
    %swap3A_1261 = arith.constant 0 : index
    %swap3A_1262 = tpu.vector_load %arg15[%swap3A_1261] {strides = array<i32>} : memref<128xi32, #tpu.memory_space<vmem>>, vector<16xi32>,
    tpu.vector_store %arg15[%swap3A_1261], %select_n3A_1260 {strides = array<i32>} : memref<128xi32, #tpu.memory_space<vmem>>, vector<16xi32>,
    %get3A_1263 = arith.constant 0 : index
    %get3A_1264 = tpu.vector_load %arg12[%get3A_1263] {strides = array<i32>} : memref<128xi32, #tpu.memory_space<vmem>>, vector<16xi32>,
    %ge3A_1265 = arith.constant 507904 : i32
    %ge3A_1266 = vector.broadcast %ge3A_1265 : i32 to vector<16xi32>
    %ge3A_1267 = arith.cmpi sge, %get3A_1264, %ge3A_1266 : vector<16xi32>
    %sub3A_1268 = arith.constant 507904 : i32
    %sub3A_1269 = vector.broadcast %sub3A_1268 : i32 to vector<16xi32>
    %sub3A_1270 = arith.subi %get3A_1264, %sub3A_1269 : vector<16xi32>
    %select_n3A_1271 = arith.select %ge3A_1267, %sub3A_1270, %get3A_1264 : vector<16xi1>, vector<16xi32>
    %ge3A_1272 = arith.constant 253952 : i32
    %ge3A_1273 = vector.broadcast %ge3A_1272 : i32 to vector<16xi32>
    %ge3A_1274 = arith.cmpi sge, %select_n3A_1271, %ge3A_1273 : vector<16xi32>
    %sub3A_1275 = arith.constant 253952 : i32
    %sub3A_1276 = vector.broadcast %sub3A_1275 : i32 to vector<16xi32>
    %sub3A_1277 = arith.subi %select_n3A_1271, %sub3A_1276 : vector<16xi32>
    %select_n3A_1278 = arith.select %ge3A_1274, %sub3A_1277, %select_n3A_1271 : vector<16xi1>, vector<16xi32>
    %swap3A_1279 = arith.constant 0 : index
    %swap3A_1280 = tpu.vector_load %arg16[%swap3A_1279] {strides = array<i32>} : memref<128xi32, #tpu.memory_space<vmem>>, vector<16xi32>,
    tpu.vector_store %arg16[%swap3A_1279], %select_n3A_1278 {strides = array<i32>} : memref<128xi32, #tpu.memory_space<vmem>>, vector<16xi32>,
    %get3A_1281 = arith.constant 16 : index
    %get3A_1282 = tpu.vector_load %arg9[%get3A_1281] {strides = array<i32>} : memref<128xi32, #tpu.memory_space<vmem>>, vector<16xi32>,
    %ge3A_1283 = arith.constant 507904 : i32
    %ge3A_1284 = vector.broadcast %ge3A_1283 : i32 to vector<16xi32>
    %ge3A_1285 = arith.cmpi sge, %get3A_1282, %ge3A_1284 : vector<16xi32>
    %sub3A_1286 = arith.constant 507904 : i32
    %sub3A_1287 = vector.broadcast %sub3A_1286 : i32 to vector<16xi32>
    %sub3A_1288 = arith.subi %get3A_1282, %sub3A_1287 : vector<16xi32>
    %select_n3A_1289 = arith.select %ge3A_1285, %sub3A_1288, %get3A_1282 : vector<16xi1>, vector<16xi32>
    %ge3A_1290 = arith.constant 253952 : i32
    %ge3A_1291 = vector.broadcast %ge3A_1290 : i32 to vector<16xi32>
    %ge3A_1292 = arith.cmpi sge, %select_n3A_1289, %ge3A_1291 : vector<16xi32>
    %sub3A_1293 = arith.constant 253952 : i32
    %sub3A_1294 = vector.broadcast %sub3A_1293 : i32 to vector<16xi32>
    %sub3A_1295 = arith.subi %select_n3A_1289, %sub3A_1294 : vector<16xi32>
    %select_n3A_1296 = arith.select %ge3A_1292, %sub3A_1295, %select_n3A_1289 : vector<16xi1>, vector<16xi32>
    %swap3A_1297 = arith.constant 16 : index
    %swap3A_1298 = tpu.vector_load %arg13[%swap3A_1297] {strides = array<i32>} : memref<128xi32, #tpu.memory_space<vmem>>, vector<16xi32>,
    tpu.vector_store %arg13[%swap3A_1297], %select_n3A_1296 {strides = array<i32>} : memref<128xi32, #tpu.memory_space<vmem>>, vector<16xi32>,
    %get3A_1299 = arith.constant 16 : index
    %get3A_1300 = tpu.vector_load %arg10[%get3A_1299] {strides = array<i32>} : memref<128xi32, #tpu.memory_space<vmem>>, vector<16xi32>,
    %ge3A_1301 = arith.constant 507904 : i32
    %ge3A_1302 = vector.broadcast %ge3A_1301 : i32 to vector<16xi32>
    %ge3A_1303 = arith.cmpi sge, %get3A_1300, %ge3A_1302 : vector<16xi32>
    %sub3A_1304 = arith.constant 507904 : i32
    %sub3A_1305 = vector.broadcast %sub3A_1304 : i32 to vector<16xi32>
    %sub3A_1306 = arith.subi %get3A_1300, %sub3A_1305 : vector<16xi32>
    %select_n3A_1307 = arith.select %ge3A_1303, %sub3A_1306, %get3A_1300 : vector<16xi1>, vector<16xi32>
    %ge3A_1308 = arith.constant 253952 : i32
    %ge3A_1309 = vector.broadcast %ge3A_1308 : i32 to vector<16xi32>
    %ge3A_1310 = arith.cmpi sge, %select_n3A_1307, %ge3A_1309 : vector<16xi32>
    %sub3A_1311 = arith.constant 253952 : i32
    %sub3A_1312 = vector.broadcast %sub3A_1311 : i32 to vector<16xi32>
    %sub3A_1313 = arith.subi %select_n3A_1307, %sub3A_1312 : vector<16xi32>
    %select_n3A_1314 = arith.select %ge3A_1310, %sub3A_1313, %select_n3A_1307 : vector<16xi1>, vector<16xi32>
    %swap3A_1315 = arith.constant 16 : index
    %swap3A_1316 = tpu.vector_load %arg14[%swap3A_1315] {strides = array<i32>} : memref<128xi32, #tpu.memory_space<vmem>>, vector<16xi32>,
    tpu.vector_store %arg14[%swap3A_1315], %select_n3A_1314 {strides = array<i32>} : memref<128xi32, #tpu.memory_space<vmem>>, vector<16xi32>,
    %get3A_1317 = arith.constant 16 : index
    %get3A_1318 = tpu.vector_load %arg11[%get3A_1317] {strides = array<i32>} : memref<128xi32, #tpu.memory_space<vmem>>, vector<16xi32>,
    %ge3A_1319 = arith.constant 507904 : i32
    %ge3A_1320 = vector.broadcast %ge3A_1319 : i32 to vector<16xi32>
    %ge3A_1321 = arith.cmpi sge, %get3A_1318, %ge3A_1320 : vector<16xi32>
    %sub3A_1322 = arith.constant 507904 : i32
    %sub3A_1323 = vector.broadcast %sub3A_1322 : i32 to vector<16xi32>
    %sub3A_1324 = arith.subi %get3A_1318, %sub3A_1323 : vector<16xi32>
    %select_n3A_1325 = arith.select %ge3A_1321, %sub3A_1324, %get3A_1318 : vector<16xi1>, vector<16xi32>
    %ge3A_1326 = arith.constant 253952 : i32
    %ge3A_1327 = vector.broadcast %ge3A_1326 : i32 to vector<16xi32>
    %ge3A_1328 = arith.cmpi sge, %select_n3A_1325, %ge3A_1327 : vector<16xi32>
    %sub3A_1329 = arith.constant 253952 : i32
    %sub3A_1330 = vector.broadcast %sub3A_1329 : i32 to vector<16xi32>
    %sub3A_1331 = arith.subi %select_n3A_1325, %sub3A_1330 : vector<16xi32>
    %select_n3A_1332 = arith.select %ge3A_1328, %sub3A_1331, %select_n3A_1325 : vector<16xi1>, vector<16xi32>
    %swap3A_1333 = arith.constant 16 : index
    %swap3A_1334 = tpu.vector_load %arg15[%swap3A_1333] {strides = array<i32>} : memref<128xi32, #tpu.memory_space<vmem>>, vector<16xi32>,
    tpu.vector_store %arg15[%swap3A_1333], %select_n3A_1332 {strides = array<i32>} : memref<128xi32, #tpu.memory_space<vmem>>, vector<16xi32>,
    %get3A_1335 = arith.constant 16 : index
    %get3A_1336 = tpu.vector_load %arg12[%get3A_1335] {strides = array<i32>} : memref<128xi32, #tpu.memory_space<vmem>>, vector<16xi32>,
    %ge3A_1337 = arith.constant 507904 : i32
    %ge3A_1338 = vector.broadcast %ge3A_1337 : i32 to vector<16xi32>
    %ge3A_1339 = arith.cmpi sge, %get3A_1336, %ge3A_1338 : vector<16xi32>
    %sub3A_1340 = arith.constant 507904 : i32
    %sub3A_1341 = vector.broadcast %sub3A_1340 : i32 to vector<16xi32>
    %sub3A_1342 = arith.subi %get3A_1336, %sub3A_1341 : vector<16xi32>
    %select_n3A_1343 = arith.select %ge3A_1339, %sub3A_1342, %get3A_1336 : vector<16xi1>, vector<16xi32>
    %ge3A_1344 = arith.constant 253952 : i32
    %ge3A_1345 = vector.broadcast %ge3A_1344 : i32 to vector<16xi32>
    %ge3A_1346 = arith.cmpi sge, %select_n3A_1343, %ge3A_1345 : vector<16xi32>
    %sub3A_1347 = arith.constant 253952 : i32
    %sub3A_1348 = vector.broadcast %sub3A_1347 : i32 to vector<16xi32>
    %sub3A_1349 = arith.subi %select_n3A_1343, %sub3A_1348 : vector<16xi32>
    %select_n3A_1350 = arith.select %ge3A_1346, %sub3A_1349, %select_n3A_1343 : vector<16xi1>, vector<16xi32>
    %swap3A_1351 = arith.constant 16 : index
    %swap3A_1352 = tpu.vector_load %arg16[%swap3A_1351] {strides = array<i32>} : memref<128xi32, #tpu.memory_space<vmem>>, vector<16xi32>,
    tpu.vector_store %arg16[%swap3A_1351], %select_n3A_1350 {strides = array<i32>} : memref<128xi32, #tpu.memory_space<vmem>>, vector<16xi32>,
    %get3A_1353 = arith.constant 32 : index
    %get3A_1354 = tpu.vector_load %arg9[%get3A_1353] {strides = array<i32>} : memref<128xi32, #tpu.memory_space<vmem>>, vector<16xi32>,
    %ge3A_1355 = arith.constant 507904 : i32
    %ge3A_1356 = vector.broadcast %ge3A_1355 : i32 to vector<16xi32>
    %ge3A_1357 = arith.cmpi sge, %get3A_1354, %ge3A_1356 : vector<16xi32>
    %sub3A_1358 = arith.constant 507904 : i32
    %sub3A_1359 = vector.broadcast %sub3A_1358 : i32 to vector<16xi32>
    %sub3A_1360 = arith.subi %get3A_1354, %sub3A_1359 : vector<16xi32>
    %select_n3A_1361 = arith.select %ge3A_1357, %sub3A_1360, %get3A_1354 : vector<16xi1>, vector<16xi32>
    %ge3A_1362 = arith.constant 253952 : i32
    %ge3A_1363 = vector.broadcast %ge3A_1362 : i32 to vector<16xi32>
    %ge3A_1364 = arith.cmpi sge, %select_n3A_1361, %ge3A_1363 : vector<16xi32>
    %sub3A_1365 = arith.constant 253952 : i32
    %sub3A_1366 = vector.broadcast %sub3A_1365 : i32 to vector<16xi32>
    %sub3A_1367 = arith.subi %select_n3A_1361, %sub3A_1366 : vector<16xi32>
    %select_n3A_1368 = arith.select %ge3A_1364, %sub3A_1367, %select_n3A_1361 : vector<16xi1>, vector<16xi32>
    %swap3A_1369 = arith.constant 32 : index
    %swap3A_1370 = tpu.vector_load %arg13[%swap3A_1369] {strides = array<i32>} : memref<128xi32, #tpu.memory_space<vmem>>, vector<16xi32>,
    tpu.vector_store %arg13[%swap3A_1369], %select_n3A_1368 {strides = array<i32>} : memref<128xi32, #tpu.memory_space<vmem>>, vector<16xi32>,
    %get3A_1371 = arith.constant 32 : index
    %get3A_1372 = tpu.vector_load %arg10[%get3A_1371] {strides = array<i32>} : memref<128xi32, #tpu.memory_space<vmem>>, vector<16xi32>,
    %ge3A_1373 = arith.constant 507904 : i32
    %ge3A_1374 = vector.broadcast %ge3A_1373 : i32 to vector<16xi32>
    %ge3A_1375 = arith.cmpi sge, %get3A_1372, %ge3A_1374 : vector<16xi32>
    %sub3A_1376 = arith.constant 507904 : i32
    %sub3A_1377 = vector.broadcast %sub3A_1376 : i32 to vector<16xi32>
    %sub3A_1378 = arith.subi %get3A_1372, %sub3A_1377 : vector<16xi32>
    %select_n3A_1379 = arith.select %ge3A_1375, %sub3A_1378, %get3A_1372 : vector<16xi1>, vector<16xi32>
    %ge3A_1380 = arith.constant 253952 : i32
    %ge3A_1381 = vector.broadcast %ge3A_1380 : i32 to vector<16xi32>
    %ge3A_1382 = arith.cmpi sge, %select_n3A_1379, %ge3A_1381 : vector<16xi32>
    %sub3A_1383 = arith.constant 253952 : i32
    %sub3A_1384 = vector.broadcast %sub3A_1383 : i32 to vector<16xi32>
    %sub3A_1385 = arith.subi %select_n3A_1379, %sub3A_1384 : vector<16xi32>
    %select_n3A_1386 = arith.select %ge3A_1382, %sub3A_1385, %select_n3A_1379 : vector<16xi1>, vector<16xi32>
    %swap3A_1387 = arith.constant 32 : index
    %swap3A_1388 = tpu.vector_load %arg14[%swap3A_1387] {strides = array<i32>} : memref<128xi32, #tpu.memory_space<vmem>>, vector<16xi32>,
    tpu.vector_store %arg14[%swap3A_1387], %select_n3A_1386 {strides = array<i32>} : memref<128xi32, #tpu.memory_space<vmem>>, vector<16xi32>,
    %get3A_1389 = arith.constant 32 : index
    %get3A_1390 = tpu.vector_load %arg11[%get3A_1389] {strides = array<i32>} : memref<128xi32, #tpu.memory_space<vmem>>, vector<16xi32>,
    %ge3A_1391 = arith.constant 507904 : i32
    %ge3A_1392 = vector.broadcast %ge3A_1391 : i32 to vector<16xi32>
    %ge3A_1393 = arith.cmpi sge, %get3A_1390, %ge3A_1392 : vector<16xi32>
    %sub3A_1394 = arith.constant 507904 : i32
    %sub3A_1395 = vector.broadcast %sub3A_1394 : i32 to vector<16xi32>
    %sub3A_1396 = arith.subi %get3A_1390, %sub3A_1395 : vector<16xi32>
    %select_n3A_1397 = arith.select %ge3A_1393, %sub3A_1396, %get3A_1390 : vector<16xi1>, vector<16xi32>
    %ge3A_1398 = arith.constant 253952 : i32
    %ge3A_1399 = vector.broadcast %ge3A_1398 : i32 to vector<16xi32>
    %ge3A_1400 = arith.cmpi sge, %select_n3A_1397, %ge3A_1399 : vector<16xi32>
    %sub3A_1401 = arith.constant 253952 : i32
    %sub3A_1402 = vector.broadcast %sub3A_1401 : i32 to vector<16xi32>
    %sub3A_1403 = arith.subi %select_n3A_1397, %sub3A_1402 : vector<16xi32>
    %select_n3A_1404 = arith.select %ge3A_1400, %sub3A_1403, %select_n3A_1397 : vector<16xi1>, vector<16xi32>
    %swap3A_1405 = arith.constant 32 : index
    %swap3A_1406 = tpu.vector_load %arg15[%swap3A_1405] {strides = array<i32>} : memref<128xi32, #tpu.memory_space<vmem>>, vector<16xi32>,
    tpu.vector_store %arg15[%swap3A_1405], %select_n3A_1404 {strides = array<i32>} : memref<128xi32, #tpu.memory_space<vmem>>, vector<16xi32>,
    %get3A_1407 = arith.constant 32 : index
    %get3A_1408 = tpu.vector_load %arg12[%get3A_1407] {strides = array<i32>} : memref<128xi32, #tpu.memory_space<vmem>>, vector<16xi32>,
    %ge3A_1409 = arith.constant 507904 : i32
    %ge3A_1410 = vector.broadcast %ge3A_1409 : i32 to vector<16xi32>
    %ge3A_1411 = arith.cmpi sge, %get3A_1408, %ge3A_1410 : vector<16xi32>
    %sub3A_1412 = arith.constant 507904 : i32
    %sub3A_1413 = vector.broadcast %sub3A_1412 : i32 to vector<16xi32>
    %sub3A_1414 = arith.subi %get3A_1408, %sub3A_1413 : vector<16xi32>
    %select_n3A_1415 = arith.select %ge3A_1411, %sub3A_1414, %get3A_1408 : vector<16xi1>, vector<16xi32>
    %ge3A_1416 = arith.constant 253952 : i32
    %ge3A_1417 = vector.broadcast %ge3A_1416 : i32 to vector<16xi32>
    %ge3A_1418 = arith.cmpi sge, %select_n3A_1415, %ge3A_1417 : vector<16xi32>
    %sub3A_1419 = arith.constant 253952 : i32
    %sub3A_1420 = vector.broadcast %sub3A_1419 : i32 to vector<16xi32>
    %sub3A_1421 = arith.subi %select_n3A_1415, %sub3A_1420 : vector<16xi32>
    %select_n3A_1422 = arith.select %ge3A_1418, %sub3A_1421, %select_n3A_1415 : vector<16xi1>, vector<16xi32>
    %swap3A_1423 = arith.constant 32 : index
    %swap3A_1424 = tpu.vector_load %arg16[%swap3A_1423] {strides = array<i32>} : memref<128xi32, #tpu.memory_space<vmem>>, vector<16xi32>,
    tpu.vector_store %arg16[%swap3A_1423], %select_n3A_1422 {strides = array<i32>} : memref<128xi32, #tpu.memory_space<vmem>>, vector<16xi32>,
    %get3A_1425 = arith.constant 48 : index
    %get3A_1426 = tpu.vector_load %arg9[%get3A_1425] {strides = array<i32>} : memref<128xi32, #tpu.memory_space<vmem>>, vector<16xi32>,
    %ge3A_1427 = arith.constant 507904 : i32
    %ge3A_1428 = vector.broadcast %ge3A_1427 : i32 to vector<16xi32>
    %ge3A_1429 = arith.cmpi sge, %get3A_1426, %ge3A_1428 : vector<16xi32>
    %sub3A_1430 = arith.constant 507904 : i32
    %sub3A_1431 = vector.broadcast %sub3A_1430 : i32 to vector<16xi32>
    %sub3A_1432 = arith.subi %get3A_1426, %sub3A_1431 : vector<16xi32>
    %select_n3A_1433 = arith.select %ge3A_1429, %sub3A_1432, %get3A_1426 : vector<16xi1>, vector<16xi32>
    %ge3A_1434 = arith.constant 253952 : i32
    %ge3A_1435 = vector.broadcast %ge3A_1434 : i32 to vector<16xi32>
    %ge3A_1436 = arith.cmpi sge, %select_n3A_1433, %ge3A_1435 : vector<16xi32>
    %sub3A_1437 = arith.constant 253952 : i32
    %sub3A_1438 = vector.broadcast %sub3A_1437 : i32 to vector<16xi32>
    %sub3A_1439 = arith.subi %select_n3A_1433, %sub3A_1438 : vector<16xi32>
    %select_n3A_1440 = arith.select %ge3A_1436, %sub3A_1439, %select_n3A_1433 : vector<16xi1>, vector<16xi32>
    %swap3A_1441 = arith.constant 48 : index
    %swap3A_1442 = tpu.vector_load %arg13[%swap3A_1441] {strides = array<i32>} : memref<128xi32, #tpu.memory_space<vmem>>, vector<16xi32>,
    tpu.vector_store %arg13[%swap3A_1441], %select_n3A_1440 {strides = array<i32>} : memref<128xi32, #tpu.memory_space<vmem>>, vector<16xi32>,
    %get3A_1443 = arith.constant 48 : index
    %get3A_1444 = tpu.vector_load %arg10[%get3A_1443] {strides = array<i32>} : memref<128xi32, #tpu.memory_space<vmem>>, vector<16xi32>,
    %ge3A_1445 = arith.constant 507904 : i32
    %ge3A_1446 = vector.broadcast %ge3A_1445 : i32 to vector<16xi32>
    %ge3A_1447 = arith.cmpi sge, %get3A_1444, %ge3A_1446 : vector<16xi32>
    %sub3A_1448 = arith.constant 507904 : i32
    %sub3A_1449 = vector.broadcast %sub3A_1448 : i32 to vector<16xi32>
    %sub3A_1450 = arith.subi %get3A_1444, %sub3A_1449 : vector<16xi32>
    %select_n3A_1451 = arith.select %ge3A_1447, %sub3A_1450, %get3A_1444 : vector<16xi1>, vector<16xi32>
    %ge3A_1452 = arith.constant 253952 : i32
    %ge3A_1453 = vector.broadcast %ge3A_1452 : i32 to vector<16xi32>
    %ge3A_1454 = arith.cmpi sge, %select_n3A_1451, %ge3A_1453 : vector<16xi32>
    %sub3A_1455 = arith.constant 253952 : i32
    %sub3A_1456 = vector.broadcast %sub3A_1455 : i32 to vector<16xi32>
    %sub3A_1457 = arith.subi %select_n3A_1451, %sub3A_1456 : vector<16xi32>
    %select_n3A_1458 = arith.select %ge3A_1454, %sub3A_1457, %select_n3A_1451 : vector<16xi1>, vector<16xi32>
    %swap3A_1459 = arith.constant 48 : index
    %swap3A_1460 = tpu.vector_load %arg14[%swap3A_1459] {strides = array<i32>} : memref<128xi32, #tpu.memory_space<vmem>>, vector<16xi32>,
    tpu.vector_store %arg14[%swap3A_1459], %select_n3A_1458 {strides = array<i32>} : memref<128xi32, #tpu.memory_space<vmem>>, vector<16xi32>,
    %get3A_1461 = arith.constant 48 : index
    %get3A_1462 = tpu.vector_load %arg11[%get3A_1461] {strides = array<i32>} : memref<128xi32, #tpu.memory_space<vmem>>, vector<16xi32>,
    %ge3A_1463 = arith.constant 507904 : i32
    %ge3A_1464 = vector.broadcast %ge3A_1463 : i32 to vector<16xi32>
    %ge3A_1465 = arith.cmpi sge, %get3A_1462, %ge3A_1464 : vector<16xi32>
    %sub3A_1466 = arith.constant 507904 : i32
    %sub3A_1467 = vector.broadcast %sub3A_1466 : i32 to vector<16xi32>
    %sub3A_1468 = arith.subi %get3A_1462, %sub3A_1467 : vector<16xi32>
    %select_n3A_1469 = arith.select %ge3A_1465, %sub3A_1468, %get3A_1462 : vector<16xi1>, vector<16xi32>
    %ge3A_1470 = arith.constant 253952 : i32
    %ge3A_1471 = vector.broadcast %ge3A_1470 : i32 to vector<16xi32>
    %ge3A_1472 = arith.cmpi sge, %select_n3A_1469, %ge3A_1471 : vector<16xi32>
    %sub3A_1473 = arith.constant 253952 : i32
    %sub3A_1474 = vector.broadcast %sub3A_1473 : i32 to vector<16xi32>
    %sub3A_1475 = arith.subi %select_n3A_1469, %sub3A_1474 : vector<16xi32>
    %select_n3A_1476 = arith.select %ge3A_1472, %sub3A_1475, %select_n3A_1469 : vector<16xi1>, vector<16xi32>
    %swap3A_1477 = arith.constant 48 : index
    %swap3A_1478 = tpu.vector_load %arg15[%swap3A_1477] {strides = array<i32>} : memref<128xi32, #tpu.memory_space<vmem>>, vector<16xi32>,
    tpu.vector_store %arg15[%swap3A_1477], %select_n3A_1476 {strides = array<i32>} : memref<128xi32, #tpu.memory_space<vmem>>, vector<16xi32>,
    %get3A_1479 = arith.constant 48 : index
    %get3A_1480 = tpu.vector_load %arg12[%get3A_1479] {strides = array<i32>} : memref<128xi32, #tpu.memory_space<vmem>>, vector<16xi32>,
    %ge3A_1481 = arith.constant 507904 : i32
    %ge3A_1482 = vector.broadcast %ge3A_1481 : i32 to vector<16xi32>
    %ge3A_1483 = arith.cmpi sge, %get3A_1480, %ge3A_1482 : vector<16xi32>
    %sub3A_1484 = arith.constant 507904 : i32
    %sub3A_1485 = vector.broadcast %sub3A_1484 : i32 to vector<16xi32>
    %sub3A_1486 = arith.subi %get3A_1480, %sub3A_1485 : vector<16xi32>
    %select_n3A_1487 = arith.select %ge3A_1483, %sub3A_1486, %get3A_1480 : vector<16xi1>, vector<16xi32>
    %ge3A_1488 = arith.constant 253952 : i32
    %ge3A_1489 = vector.broadcast %ge3A_1488 : i32 to vector<16xi32>
    %ge3A_1490 = arith.cmpi sge, %select_n3A_1487, %ge3A_1489 : vector<16xi32>
    %sub3A_1491 = arith.constant 253952 : i32
    %sub3A_1492 = vector.broadcast %sub3A_1491 : i32 to vector<16xi32>
    %sub3A_1493 = arith.subi %select_n3A_1487, %sub3A_1492 : vector<16xi32>
    %select_n3A_1494 = arith.select %ge3A_1490, %sub3A_1493, %select_n3A_1487 : vector<16xi1>, vector<16xi32>
    %swap3A_1495 = arith.constant 48 : index
    %swap3A_1496 = tpu.vector_load %arg16[%swap3A_1495] {strides = array<i32>} : memref<128xi32, #tpu.memory_space<vmem>>, vector<16xi32>,
    tpu.vector_store %arg16[%swap3A_1495], %select_n3A_1494 {strides = array<i32>} : memref<128xi32, #tpu.memory_space<vmem>>, vector<16xi32>,
    %get3A_1497 = arith.constant 64 : index
    %get3A_1498 = tpu.vector_load %arg9[%get3A_1497] {strides = array<i32>} : memref<128xi32, #tpu.memory_space<vmem>>, vector<16xi32>,
    %ge3A_1499 = arith.constant 507904 : i32
    %ge3A_1500 = vector.broadcast %ge3A_1499 : i32 to vector<16xi32>
    %ge3A_1501 = arith.cmpi sge, %get3A_1498, %ge3A_1500 : vector<16xi32>
    %sub3A_1502 = arith.constant 507904 : i32
    %sub3A_1503 = vector.broadcast %sub3A_1502 : i32 to vector<16xi32>
    %sub3A_1504 = arith.subi %get3A_1498, %sub3A_1503 : vector<16xi32>
    %select_n3A_1505 = arith.select %ge3A_1501, %sub3A_1504, %get3A_1498 : vector<16xi1>, vector<16xi32>
    %ge3A_1506 = arith.constant 253952 : i32
    %ge3A_1507 = vector.broadcast %ge3A_1506 : i32 to vector<16xi32>
    %ge3A_1508 = arith.cmpi sge, %select_n3A_1505, %ge3A_1507 : vector<16xi32>
    %sub3A_1509 = arith.constant 253952 : i32
    %sub3A_1510 = vector.broadcast %sub3A_1509 : i32 to vector<16xi32>
    %sub3A_1511 = arith.subi %select_n3A_1505, %sub3A_1510 : vector<16xi32>
    %select_n3A_1512 = arith.select %ge3A_1508, %sub3A_1511, %select_n3A_1505 : vector<16xi1>, vector<16xi32>
    %swap3A_1513 = arith.constant 64 : index
    %swap3A_1514 = tpu.vector_load %arg13[%swap3A_1513] {strides = array<i32>} : memref<128xi32, #tpu.memory_space<vmem>>, vector<16xi32>,
    tpu.vector_store %arg13[%swap3A_1513], %select_n3A_1512 {strides = array<i32>} : memref<128xi32, #tpu.memory_space<vmem>>, vector<16xi32>,
    %get3A_1515 = arith.constant 64 : index
    %get3A_1516 = tpu.vector_load %arg10[%get3A_1515] {strides = array<i32>} : memref<128xi32, #tpu.memory_space<vmem>>, vector<16xi32>,
    %ge3A_1517 = arith.constant 507904 : i32
    %ge3A_1518 = vector.broadcast %ge3A_1517 : i32 to vector<16xi32>
    %ge3A_1519 = arith.cmpi sge, %get3A_1516, %ge3A_1518 : vector<16xi32>
    %sub3A_1520 = arith.constant 507904 : i32
    %sub3A_1521 = vector.broadcast %sub3A_1520 : i32 to vector<16xi32>
    %sub3A_1522 = arith.subi %get3A_1516, %sub3A_1521 : vector<16xi32>
    %select_n3A_1523 = arith.select %ge3A_1519, %sub3A_1522, %get3A_1516 : vector<16xi1>, vector<16xi32>
    %ge3A_1524 = arith.constant 253952 : i32
    %ge3A_1525 = vector.broadcast %ge3A_1524 : i32 to vector<16xi32>
    %ge3A_1526 = arith.cmpi sge, %select_n3A_1523, %ge3A_1525 : vector<16xi32>
    %sub3A_1527 = arith.constant 253952 : i32
    %sub3A_1528 = vector.broadcast %sub3A_1527 : i32 to vector<16xi32>
    %sub3A_1529 = arith.subi %select_n3A_1523, %sub3A_1528 : vector<16xi32>
    %select_n3A_1530 = arith.select %ge3A_1526, %sub3A_1529, %select_n3A_1523 : vector<16xi1>, vector<16xi32>
    %swap3A_1531 = arith.constant 64 : index
    %swap3A_1532 = tpu.vector_load %arg14[%swap3A_1531] {strides = array<i32>} : memref<128xi32, #tpu.memory_space<vmem>>, vector<16xi32>,
    tpu.vector_store %arg14[%swap3A_1531], %select_n3A_1530 {strides = array<i32>} : memref<128xi32, #tpu.memory_space<vmem>>, vector<16xi32>,
    %get3A_1533 = arith.constant 64 : index
    %get3A_1534 = tpu.vector_load %arg11[%get3A_1533] {strides = array<i32>} : memref<128xi32, #tpu.memory_space<vmem>>, vector<16xi32>,
    %ge3A_1535 = arith.constant 507904 : i32
    %ge3A_1536 = vector.broadcast %ge3A_1535 : i32 to vector<16xi32>
    %ge3A_1537 = arith.cmpi sge, %get3A_1534, %ge3A_1536 : vector<16xi32>
    %sub3A_1538 = arith.constant 507904 : i32
    %sub3A_1539 = vector.broadcast %sub3A_1538 : i32 to vector<16xi32>
    %sub3A_1540 = arith.subi %get3A_1534, %sub3A_1539 : vector<16xi32>
    %select_n3A_1541 = arith.select %ge3A_1537, %sub3A_1540, %get3A_1534 : vector<16xi1>, vector<16xi32>
    %ge3A_1542 = arith.constant 253952 : i32
    %ge3A_1543 = vector.broadcast %ge3A_1542 : i32 to vector<16xi32>
    %ge3A_1544 = arith.cmpi sge, %select_n3A_1541, %ge3A_1543 : vector<16xi32>
    %sub3A_1545 = arith.constant 253952 : i32
    %sub3A_1546 = vector.broadcast %sub3A_1545 : i32 to vector<16xi32>
    %sub3A_1547 = arith.subi %select_n3A_1541, %sub3A_1546 : vector<16xi32>
    %select_n3A_1548 = arith.select %ge3A_1544, %sub3A_1547, %select_n3A_1541 : vector<16xi1>, vector<16xi32>
    %swap3A_1549 = arith.constant 64 : index
    %swap3A_1550 = tpu.vector_load %arg15[%swap3A_1549] {strides = array<i32>} : memref<128xi32, #tpu.memory_space<vmem>>, vector<16xi32>,
    tpu.vector_store %arg15[%swap3A_1549], %select_n3A_1548 {strides = array<i32>} : memref<128xi32, #tpu.memory_space<vmem>>, vector<16xi32>,
    %get3A_1551 = arith.constant 64 : index
    %get3A_1552 = tpu.vector_load %arg12[%get3A_1551] {strides = array<i32>} : memref<128xi32, #tpu.memory_space<vmem>>, vector<16xi32>,
    %ge3A_1553 = arith.constant 507904 : i32
    %ge3A_1554 = vector.broadcast %ge3A_1553 : i32 to vector<16xi32>
    %ge3A_1555 = arith.cmpi sge, %get3A_1552, %ge3A_1554 : vector<16xi32>
    %sub3A_1556 = arith.constant 507904 : i32
    %sub3A_1557 = vector.broadcast %sub3A_1556 : i32 to vector<16xi32>
    %sub3A_1558 = arith.subi %get3A_1552, %sub3A_1557 : vector<16xi32>
    %select_n3A_1559 = arith.select %ge3A_1555, %sub3A_1558, %get3A_1552 : vector<16xi1>, vector<16xi32>
    %ge3A_1560 = arith.constant 253952 : i32
    %ge3A_1561 = vector.broadcast %ge3A_1560 : i32 to vector<16xi32>
    %ge3A_1562 = arith.cmpi sge, %select_n3A_1559, %ge3A_1561 : vector<16xi32>
    %sub3A_1563 = arith.constant 253952 : i32
    %sub3A_1564 = vector.broadcast %sub3A_1563 : i32 to vector<16xi32>
    %sub3A_1565 = arith.subi %select_n3A_1559, %sub3A_1564 : vector<16xi32>
    %select_n3A_1566 = arith.select %ge3A_1562, %sub3A_1565, %select_n3A_1559 : vector<16xi1>, vector<16xi32>
    %swap3A_1567 = arith.constant 64 : index
    %swap3A_1568 = tpu.vector_load %arg16[%swap3A_1567] {strides = array<i32>} : memref<128xi32, #tpu.memory_space<vmem>>, vector<16xi32>,
    tpu.vector_store %arg16[%swap3A_1567], %select_n3A_1566 {strides = array<i32>} : memref<128xi32, #tpu.memory_space<vmem>>, vector<16xi32>,
    %get3A_1569 = arith.constant 80 : index
    %get3A_1570 = tpu.vector_load %arg9[%get3A_1569] {strides = array<i32>} : memref<128xi32, #tpu.memory_space<vmem>>, vector<16xi32>,
    %ge3A_1571 = arith.constant 507904 : i32
    %ge3A_1572 = vector.broadcast %ge3A_1571 : i32 to vector<16xi32>
    %ge3A_1573 = arith.cmpi sge, %get3A_1570, %ge3A_1572 : vector<16xi32>
    %sub3A_1574 = arith.constant 507904 : i32
    %sub3A_1575 = vector.broadcast %sub3A_1574 : i32 to vector<16xi32>
    %sub3A_1576 = arith.subi %get3A_1570, %sub3A_1575 : vector<16xi32>
    %select_n3A_1577 = arith.select %ge3A_1573, %sub3A_1576, %get3A_1570 : vector<16xi1>, vector<16xi32>
    %ge3A_1578 = arith.constant 253952 : i32
    %ge3A_1579 = vector.broadcast %ge3A_1578 : i32 to vector<16xi32>
    %ge3A_1580 = arith.cmpi sge, %select_n3A_1577, %ge3A_1579 : vector<16xi32>
    %sub3A_1581 = arith.constant 253952 : i32
    %sub3A_1582 = vector.broadcast %sub3A_1581 : i32 to vector<16xi32>
    %sub3A_1583 = arith.subi %select_n3A_1577, %sub3A_1582 : vector<16xi32>
    %select_n3A_1584 = arith.select %ge3A_1580, %sub3A_1583, %select_n3A_1577 : vector<16xi1>, vector<16xi32>
    %swap3A_1585 = arith.constant 80 : index
    %swap3A_1586 = tpu.vector_load %arg13[%swap3A_1585] {strides = array<i32>} : memref<128xi32, #tpu.memory_space<vmem>>, vector<16xi32>,
    tpu.vector_store %arg13[%swap3A_1585], %select_n3A_1584 {strides = array<i32>} : memref<128xi32, #tpu.memory_space<vmem>>, vector<16xi32>,
    %get3A_1587 = arith.constant 80 : index
    %get3A_1588 = tpu.vector_load %arg10[%get3A_1587] {strides = array<i32>} : memref<128xi32, #tpu.memory_space<vmem>>, vector<16xi32>,
    %ge3A_1589 = arith.constant 507904 : i32
    %ge3A_1590 = vector.broadcast %ge3A_1589 : i32 to vector<16xi32>
    %ge3A_1591 = arith.cmpi sge, %get3A_1588, %ge3A_1590 : vector<16xi32>
    %sub3A_1592 = arith.constant 507904 : i32
    %sub3A_1593 = vector.broadcast %sub3A_1592 : i32 to vector<16xi32>
    %sub3A_1594 = arith.subi %get3A_1588, %sub3A_1593 : vector<16xi32>
    %select_n3A_1595 = arith.select %ge3A_1591, %sub3A_1594, %get3A_1588 : vector<16xi1>, vector<16xi32>
    %ge3A_1596 = arith.constant 253952 : i32
    %ge3A_1597 = vector.broadcast %ge3A_1596 : i32 to vector<16xi32>
    %ge3A_1598 = arith.cmpi sge, %select_n3A_1595, %ge3A_1597 : vector<16xi32>
    %sub3A_1599 = arith.constant 253952 : i32
    %sub3A_1600 = vector.broadcast %sub3A_1599 : i32 to vector<16xi32>
    %sub3A_1601 = arith.subi %select_n3A_1595, %sub3A_1600 : vector<16xi32>
    %select_n3A_1602 = arith.select %ge3A_1598, %sub3A_1601, %select_n3A_1595 : vector<16xi1>, vector<16xi32>
    %swap3A_1603 = arith.constant 80 : index
    %swap3A_1604 = tpu.vector_load %arg14[%swap3A_1603] {strides = array<i32>} : memref<128xi32, #tpu.memory_space<vmem>>, vector<16xi32>,
    tpu.vector_store %arg14[%swap3A_1603], %select_n3A_1602 {strides = array<i32>} : memref<128xi32, #tpu.memory_space<vmem>>, vector<16xi32>,
    %get3A_1605 = arith.constant 80 : index
    %get3A_1606 = tpu.vector_load %arg11[%get3A_1605] {strides = array<i32>} : memref<128xi32, #tpu.memory_space<vmem>>, vector<16xi32>,
    %ge3A_1607 = arith.constant 507904 : i32
    %ge3A_1608 = vector.broadcast %ge3A_1607 : i32 to vector<16xi32>
    %ge3A_1609 = arith.cmpi sge, %get3A_1606, %ge3A_1608 : vector<16xi32>
    %sub3A_1610 = arith.constant 507904 : i32
    %sub3A_1611 = vector.broadcast %sub3A_1610 : i32 to vector<16xi32>
    %sub3A_1612 = arith.subi %get3A_1606, %sub3A_1611 : vector<16xi32>
    %select_n3A_1613 = arith.select %ge3A_1609, %sub3A_1612, %get3A_1606 : vector<16xi1>, vector<16xi32>
    %ge3A_1614 = arith.constant 253952 : i32
    %ge3A_1615 = vector.broadcast %ge3A_1614 : i32 to vector<16xi32>
    %ge3A_1616 = arith.cmpi sge, %select_n3A_1613, %ge3A_1615 : vector<16xi32>
    %sub3A_1617 = arith.constant 253952 : i32
    %sub3A_1618 = vector.broadcast %sub3A_1617 : i32 to vector<16xi32>
    %sub3A_1619 = arith.subi %select_n3A_1613, %sub3A_1618 : vector<16xi32>
    %select_n3A_1620 = arith.select %ge3A_1616, %sub3A_1619, %select_n3A_1613 : vector<16xi1>, vector<16xi32>
    %swap3A_1621 = arith.constant 80 : index
    %swap3A_1622 = tpu.vector_load %arg15[%swap3A_1621] {strides = array<i32>} : memref<128xi32, #tpu.memory_space<vmem>>, vector<16xi32>,
    tpu.vector_store %arg15[%swap3A_1621], %select_n3A_1620 {strides = array<i32>} : memref<128xi32, #tpu.memory_space<vmem>>, vector<16xi32>,
    %get3A_1623 = arith.constant 80 : index
    %get3A_1624 = tpu.vector_load %arg12[%get3A_1623] {strides = array<i32>} : memref<128xi32, #tpu.memory_space<vmem>>, vector<16xi32>,
    %ge3A_1625 = arith.constant 507904 : i32
    %ge3A_1626 = vector.broadcast %ge3A_1625 : i32 to vector<16xi32>
    %ge3A_1627 = arith.cmpi sge, %get3A_1624, %ge3A_1626 : vector<16xi32>
    %sub3A_1628 = arith.constant 507904 : i32
    %sub3A_1629 = vector.broadcast %sub3A_1628 : i32 to vector<16xi32>
    %sub3A_1630 = arith.subi %get3A_1624, %sub3A_1629 : vector<16xi32>
    %select_n3A_1631 = arith.select %ge3A_1627, %sub3A_1630, %get3A_1624 : vector<16xi1>, vector<16xi32>
    %ge3A_1632 = arith.constant 253952 : i32
    %ge3A_1633 = vector.broadcast %ge3A_1632 : i32 to vector<16xi32>
    %ge3A_1634 = arith.cmpi sge, %select_n3A_1631, %ge3A_1633 : vector<16xi32>
    %sub3A_1635 = arith.constant 253952 : i32
    %sub3A_1636 = vector.broadcast %sub3A_1635 : i32 to vector<16xi32>
    %sub3A_1637 = arith.subi %select_n3A_1631, %sub3A_1636 : vector<16xi32>
    %select_n3A_1638 = arith.select %ge3A_1634, %sub3A_1637, %select_n3A_1631 : vector<16xi1>, vector<16xi32>
    %swap3A_1639 = arith.constant 80 : index
    %swap3A_1640 = tpu.vector_load %arg16[%swap3A_1639] {strides = array<i32>} : memref<128xi32, #tpu.memory_space<vmem>>, vector<16xi32>,
    tpu.vector_store %arg16[%swap3A_1639], %select_n3A_1638 {strides = array<i32>} : memref<128xi32, #tpu.memory_space<vmem>>, vector<16xi32>,
    %get3A_1641 = arith.constant 96 : index
    %get3A_1642 = tpu.vector_load %arg9[%get3A_1641] {strides = array<i32>} : memref<128xi32, #tpu.memory_space<vmem>>, vector<16xi32>,
    %ge3A_1643 = arith.constant 507904 : i32
    %ge3A_1644 = vector.broadcast %ge3A_1643 : i32 to vector<16xi32>
    %ge3A_1645 = arith.cmpi sge, %get3A_1642, %ge3A_1644 : vector<16xi32>
    %sub3A_1646 = arith.constant 507904 : i32
    %sub3A_1647 = vector.broadcast %sub3A_1646 : i32 to vector<16xi32>
    %sub3A_1648 = arith.subi %get3A_1642, %sub3A_1647 : vector<16xi32>
    %select_n3A_1649 = arith.select %ge3A_1645, %sub3A_1648, %get3A_1642 : vector<16xi1>, vector<16xi32>
    %ge3A_1650 = arith.constant 253952 : i32
    %ge3A_1651 = vector.broadcast %ge3A_1650 : i32 to vector<16xi32>
    %ge3A_1652 = arith.cmpi sge, %select_n3A_1649, %ge3A_1651 : vector<16xi32>
    %sub3A_1653 = arith.constant 253952 : i32
    %sub3A_1654 = vector.broadcast %sub3A_1653 : i32 to vector<16xi32>
    %sub3A_1655 = arith.subi %select_n3A_1649, %sub3A_1654 : vector<16xi32>
    %select_n3A_1656 = arith.select %ge3A_1652, %sub3A_1655, %select_n3A_1649 : vector<16xi1>, vector<16xi32>
    %swap3A_1657 = arith.constant 96 : index
    %swap3A_1658 = tpu.vector_load %arg13[%swap3A_1657] {strides = array<i32>} : memref<128xi32, #tpu.memory_space<vmem>>, vector<16xi32>,
    tpu.vector_store %arg13[%swap3A_1657], %select_n3A_1656 {strides = array<i32>} : memref<128xi32, #tpu.memory_space<vmem>>, vector<16xi32>,
    %get3A_1659 = arith.constant 96 : index
    %get3A_1660 = tpu.vector_load %arg10[%get3A_1659] {strides = array<i32>} : memref<128xi32, #tpu.memory_space<vmem>>, vector<16xi32>,
    %ge3A_1661 = arith.constant 507904 : i32
    %ge3A_1662 = vector.broadcast %ge3A_1661 : i32 to vector<16xi32>
    %ge3A_1663 = arith.cmpi sge, %get3A_1660, %ge3A_1662 : vector<16xi32>
    %sub3A_1664 = arith.constant 507904 : i32
    %sub3A_1665 = vector.broadcast %sub3A_1664 : i32 to vector<16xi32>
    %sub3A_1666 = arith.subi %get3A_1660, %sub3A_1665 : vector<16xi32>
    %select_n3A_1667 = arith.select %ge3A_1663, %sub3A_1666, %get3A_1660 : vector<16xi1>, vector<16xi32>
    %ge3A_1668 = arith.constant 253952 : i32
    %ge3A_1669 = vector.broadcast %ge3A_1668 : i32 to vector<16xi32>
    %ge3A_1670 = arith.cmpi sge, %select_n3A_1667, %ge3A_1669 : vector<16xi32>
    %sub3A_1671 = arith.constant 253952 : i32
    %sub3A_1672 = vector.broadcast %sub3A_1671 : i32 to vector<16xi32>
    %sub3A_1673 = arith.subi %select_n3A_1667, %sub3A_1672 : vector<16xi32>
    %select_n3A_1674 = arith.select %ge3A_1670, %sub3A_1673, %select_n3A_1667 : vector<16xi1>, vector<16xi32>
    %swap3A_1675 = arith.constant 96 : index
    %swap3A_1676 = tpu.vector_load %arg14[%swap3A_1675] {strides = array<i32>} : memref<128xi32, #tpu.memory_space<vmem>>, vector<16xi32>,
    tpu.vector_store %arg14[%swap3A_1675], %select_n3A_1674 {strides = array<i32>} : memref<128xi32, #tpu.memory_space<vmem>>, vector<16xi32>,
    %get3A_1677 = arith.constant 96 : index
    %get3A_1678 = tpu.vector_load %arg11[%get3A_1677] {strides = array<i32>} : memref<128xi32, #tpu.memory_space<vmem>>, vector<16xi32>,
    %ge3A_1679 = arith.constant 507904 : i32
    %ge3A_1680 = vector.broadcast %ge3A_1679 : i32 to vector<16xi32>
    %ge3A_1681 = arith.cmpi sge, %get3A_1678, %ge3A_1680 : vector<16xi32>
    %sub3A_1682 = arith.constant 507904 : i32
    %sub3A_1683 = vector.broadcast %sub3A_1682 : i32 to vector<16xi32>
    %sub3A_1684 = arith.subi %get3A_1678, %sub3A_1683 : vector<16xi32>
    %select_n3A_1685 = arith.select %ge3A_1681, %sub3A_1684, %get3A_1678 : vector<16xi1>, vector<16xi32>
    %ge3A_1686 = arith.constant 253952 : i32
    %ge3A_1687 = vector.broadcast %ge3A_1686 : i32 to vector<16xi32>
    %ge3A_1688 = arith.cmpi sge, %select_n3A_1685, %ge3A_1687 : vector<16xi32>
    %sub3A_1689 = arith.constant 253952 : i32
    %sub3A_1690 = vector.broadcast %sub3A_1689 : i32 to vector<16xi32>
    %sub3A_1691 = arith.subi %select_n3A_1685, %sub3A_1690 : vector<16xi32>
    %select_n3A_1692 = arith.select %ge3A_1688, %sub3A_1691, %select_n3A_1685 : vector<16xi1>, vector<16xi32>
    %swap3A_1693 = arith.constant 96 : index
    %swap3A_1694 = tpu.vector_load %arg15[%swap3A_1693] {strides = array<i32>} : memref<128xi32, #tpu.memory_space<vmem>>, vector<16xi32>,
    tpu.vector_store %arg15[%swap3A_1693], %select_n3A_1692 {strides = array<i32>} : memref<128xi32, #tpu.memory_space<vmem>>, vector<16xi32>,
    %get3A_1695 = arith.constant 96 : index
    %get3A_1696 = tpu.vector_load %arg12[%get3A_1695] {strides = array<i32>} : memref<128xi32, #tpu.memory_space<vmem>>, vector<16xi32>,
    %ge3A_1697 = arith.constant 507904 : i32
    %ge3A_1698 = vector.broadcast %ge3A_1697 : i32 to vector<16xi32>
    %ge3A_1699 = arith.cmpi sge, %get3A_1696, %ge3A_1698 : vector<16xi32>
    %sub3A_1700 = arith.constant 507904 : i32
    %sub3A_1701 = vector.broadcast %sub3A_1700 : i32 to vector<16xi32>
    %sub3A_1702 = arith.subi %get3A_1696, %sub3A_1701 : vector<16xi32>
    %select_n3A_1703 = arith.select %ge3A_1699, %sub3A_1702, %get3A_1696 : vector<16xi1>, vector<16xi32>
    %ge3A_1704 = arith.constant 253952 : i32
    %ge3A_1705 = vector.broadcast %ge3A_1704 : i32 to vector<16xi32>
    %ge3A_1706 = arith.cmpi sge, %select_n3A_1703, %ge3A_1705 : vector<16xi32>
    %sub3A_1707 = arith.constant 253952 : i32
    %sub3A_1708 = vector.broadcast %sub3A_1707 : i32 to vector<16xi32>
    %sub3A_1709 = arith.subi %select_n3A_1703, %sub3A_1708 : vector<16xi32>
    %select_n3A_1710 = arith.select %ge3A_1706, %sub3A_1709, %select_n3A_1703 : vector<16xi1>, vector<16xi32>
    %swap3A_1711 = arith.constant 96 : index
    %swap3A_1712 = tpu.vector_load %arg16[%swap3A_1711] {strides = array<i32>} : memref<128xi32, #tpu.memory_space<vmem>>, vector<16xi32>,
    tpu.vector_store %arg16[%swap3A_1711], %select_n3A_1710 {strides = array<i32>} : memref<128xi32, #tpu.memory_space<vmem>>, vector<16xi32>,
    %get3A_1713 = arith.constant 112 : index
    %get3A_1714 = tpu.vector_load %arg9[%get3A_1713] {strides = array<i32>} : memref<128xi32, #tpu.memory_space<vmem>>, vector<16xi32>,
    %ge3A_1715 = arith.constant 507904 : i32
    %ge3A_1716 = vector.broadcast %ge3A_1715 : i32 to vector<16xi32>
    %ge3A_1717 = arith.cmpi sge, %get3A_1714, %ge3A_1716 : vector<16xi32>
    %sub3A_1718 = arith.constant 507904 : i32
    %sub3A_1719 = vector.broadcast %sub3A_1718 : i32 to vector<16xi32>
    %sub3A_1720 = arith.subi %get3A_1714, %sub3A_1719 : vector<16xi32>
    %select_n3A_1721 = arith.select %ge3A_1717, %sub3A_1720, %get3A_1714 : vector<16xi1>, vector<16xi32>
    %ge3A_1722 = arith.constant 253952 : i32
    %ge3A_1723 = vector.broadcast %ge3A_1722 : i32 to vector<16xi32>
    %ge3A_1724 = arith.cmpi sge, %select_n3A_1721, %ge3A_1723 : vector<16xi32>
    %sub3A_1725 = arith.constant 253952 : i32
    %sub3A_1726 = vector.broadcast %sub3A_1725 : i32 to vector<16xi32>
    %sub3A_1727 = arith.subi %select_n3A_1721, %sub3A_1726 : vector<16xi32>
    %select_n3A_1728 = arith.select %ge3A_1724, %sub3A_1727, %select_n3A_1721 : vector<16xi1>, vector<16xi32>
    %swap3A_1729 = arith.constant 112 : index
    %swap3A_1730 = tpu.vector_load %arg13[%swap3A_1729] {strides = array<i32>} : memref<128xi32, #tpu.memory_space<vmem>>, vector<16xi32>,
    tpu.vector_store %arg13[%swap3A_1729], %select_n3A_1728 {strides = array<i32>} : memref<128xi32, #tpu.memory_space<vmem>>, vector<16xi32>,
    %get3A_1731 = arith.constant 112 : index
    %get3A_1732 = tpu.vector_load %arg10[%get3A_1731] {strides = array<i32>} : memref<128xi32, #tpu.memory_space<vmem>>, vector<16xi32>,
    %ge3A_1733 = arith.constant 507904 : i32
    %ge3A_1734 = vector.broadcast %ge3A_1733 : i32 to vector<16xi32>
    %ge3A_1735 = arith.cmpi sge, %get3A_1732, %ge3A_1734 : vector<16xi32>
    %sub3A_1736 = arith.constant 507904 : i32
    %sub3A_1737 = vector.broadcast %sub3A_1736 : i32 to vector<16xi32>
    %sub3A_1738 = arith.subi %get3A_1732, %sub3A_1737 : vector<16xi32>
    %select_n3A_1739 = arith.select %ge3A_1735, %sub3A_1738, %get3A_1732 : vector<16xi1>, vector<16xi32>
    %ge3A_1740 = arith.constant 253952 : i32
    %ge3A_1741 = vector.broadcast %ge3A_1740 : i32 to vector<16xi32>
    %ge3A_1742 = arith.cmpi sge, %select_n3A_1739, %ge3A_1741 : vector<16xi32>
    %sub3A_1743 = arith.constant 253952 : i32
    %sub3A_1744 = vector.broadcast %sub3A_1743 : i32 to vector<16xi32>
    %sub3A_1745 = arith.subi %select_n3A_1739, %sub3A_1744 : vector<16xi32>
    %select_n3A_1746 = arith.select %ge3A_1742, %sub3A_1745, %select_n3A_1739 : vector<16xi1>, vector<16xi32>
    %swap3A_1747 = arith.constant 112 : index
    %swap3A_1748 = tpu.vector_load %arg14[%swap3A_1747] {strides = array<i32>} : memref<128xi32, #tpu.memory_space<vmem>>, vector<16xi32>,
    tpu.vector_store %arg14[%swap3A_1747], %select_n3A_1746 {strides = array<i32>} : memref<128xi32, #tpu.memory_space<vmem>>, vector<16xi32>,
    %get3A_1749 = arith.constant 112 : index
    %get3A_1750 = tpu.vector_load %arg11[%get3A_1749] {strides = array<i32>} : memref<128xi32, #tpu.memory_space<vmem>>, vector<16xi32>,
    %ge3A_1751 = arith.constant 507904 : i32
    %ge3A_1752 = vector.broadcast %ge3A_1751 : i32 to vector<16xi32>
    %ge3A_1753 = arith.cmpi sge, %get3A_1750, %ge3A_1752 : vector<16xi32>
    %sub3A_1754 = arith.constant 507904 : i32
    %sub3A_1755 = vector.broadcast %sub3A_1754 : i32 to vector<16xi32>
    %sub3A_1756 = arith.subi %get3A_1750, %sub3A_1755 : vector<16xi32>
    %select_n3A_1757 = arith.select %ge3A_1753, %sub3A_1756, %get3A_1750 : vector<16xi1>, vector<16xi32>
    %ge3A_1758 = arith.constant 253952 : i32
    %ge3A_1759 = vector.broadcast %ge3A_1758 : i32 to vector<16xi32>
    %ge3A_1760 = arith.cmpi sge, %select_n3A_1757, %ge3A_1759 : vector<16xi32>
    %sub3A_1761 = arith.constant 253952 : i32
    %sub3A_1762 = vector.broadcast %sub3A_1761 : i32 to vector<16xi32>
    %sub3A_1763 = arith.subi %select_n3A_1757, %sub3A_1762 : vector<16xi32>
    %select_n3A_1764 = arith.select %ge3A_1760, %sub3A_1763, %select_n3A_1757 : vector<16xi1>, vector<16xi32>
    %swap3A_1765 = arith.constant 112 : index
    %swap3A_1766 = tpu.vector_load %arg15[%swap3A_1765] {strides = array<i32>} : memref<128xi32, #tpu.memory_space<vmem>>, vector<16xi32>,
    tpu.vector_store %arg15[%swap3A_1765], %select_n3A_1764 {strides = array<i32>} : memref<128xi32, #tpu.memory_space<vmem>>, vector<16xi32>,
    %get3A_1767 = arith.constant 112 : index
    %get3A_1768 = tpu.vector_load %arg12[%get3A_1767] {strides = array<i32>} : memref<128xi32, #tpu.memory_space<vmem>>, vector<16xi32>,
    %ge3A_1769 = arith.constant 507904 : i32
    %ge3A_1770 = vector.broadcast %ge3A_1769 : i32 to vector<16xi32>
    %ge3A_1771 = arith.cmpi sge, %get3A_1768, %ge3A_1770 : vector<16xi32>
    %sub3A_1772 = arith.constant 507904 : i32
    %sub3A_1773 = vector.broadcast %sub3A_1772 : i32 to vector<16xi32>
    %sub3A_1774 = arith.subi %get3A_1768, %sub3A_1773 : vector<16xi32>
    %select_n3A_1775 = arith.select %ge3A_1771, %sub3A_1774, %get3A_1768 : vector<16xi1>, vector<16xi32>
    %ge3A_1776 = arith.constant 253952 : i32
    %ge3A_1777 = vector.broadcast %ge3A_1776 : i32 to vector<16xi32>
    %ge3A_1778 = arith.cmpi sge, %select_n3A_1775, %ge3A_1777 : vector<16xi32>
    %sub3A_1779 = arith.constant 253952 : i32
    %sub3A_1780 = vector.broadcast %sub3A_1779 : i32 to vector<16xi32>
    %sub3A_1781 = arith.subi %select_n3A_1775, %sub3A_1780 : vector<16xi32>
    %select_n3A_1782 = arith.select %ge3A_1778, %sub3A_1781, %select_n3A_1775 : vector<16xi1>, vector<16xi32>
    %swap3A_1783 = arith.constant 112 : index
    %swap3A_1784 = tpu.vector_load %arg16[%swap3A_1783] {strides = array<i32>} : memref<128xi32, #tpu.memory_space<vmem>>, vector<16xi32>,
    tpu.vector_store %arg16[%swap3A_1783], %select_n3A_1782 {strides = array<i32>} : memref<128xi32, #tpu.memory_space<vmem>>, vector<16xi32>,
    %dma_start3A_1785 = arith.constant 0 : i32
    %dma_start3A_1786 = arith.constant 0 : i32
    %dma_start3A_1787 = tpu.memref_slice %arg2[%dma_start3A_1785, %dma_start3A_1786] : memref<253952x128xi32, #tpu.memory_space<hbm>> -> memref<253952x128xi32, #tpu.memory_space<hbm>>
    tpu.enqueue_indirect_dma source(%dma_start3A_1787 : memref<253952x128xi32, #tpu.memory_space<hbm>>) target(%arg17 : memref<128x128xi32, #tpu.memory_space<vmem>>) offsets(%arg13 : memref<128xi32, #tpu.memory_space<vmem>>) semaphore(%arg21 : memref<!tpu.dma_semaphore, #tpu.memory_space<semaphore_mem>>)
    %dma_start3A_1788 = arith.constant 0 : i32
    %dma_start3A_1789 = arith.constant 0 : i32
    %dma_start3A_1790 = tpu.memref_slice %arg3[%dma_start3A_1788, %dma_start3A_1789] : memref<253952x128xi32, #tpu.memory_space<hbm>> -> memref<253952x128xi32, #tpu.memory_space<hbm>>
    tpu.enqueue_indirect_dma source(%dma_start3A_1790 : memref<253952x128xi32, #tpu.memory_space<hbm>>) target(%arg18 : memref<128x128xi32, #tpu.memory_space<vmem>>) offsets(%arg14 : memref<128xi32, #tpu.memory_space<vmem>>) semaphore(%arg21 : memref<!tpu.dma_semaphore, #tpu.memory_space<semaphore_mem>>)
    %dma_start3A_1791 = arith.constant 0 : i32
    %dma_start3A_1792 = arith.constant 0 : i32
    %dma_start3A_1793 = tpu.memref_slice %arg3[%dma_start3A_1791, %dma_start3A_1792] : memref<253952x128xi32, #tpu.memory_space<hbm>> -> memref<253952x128xi32, #tpu.memory_space<hbm>>
    tpu.enqueue_indirect_dma source(%dma_start3A_1793 : memref<253952x128xi32, #tpu.memory_space<hbm>>) target(%arg19 : memref<128x128xi32, #tpu.memory_space<vmem>>) offsets(%arg15 : memref<128xi32, #tpu.memory_space<vmem>>) semaphore(%arg21 : memref<!tpu.dma_semaphore, #tpu.memory_space<semaphore_mem>>)
    %dma_start3A_1794 = arith.constant 0 : i32
    %dma_start3A_1795 = arith.constant 0 : i32
    %dma_start3A_1796 = tpu.memref_slice %arg3[%dma_start3A_1794, %dma_start3A_1795] : memref<253952x128xi32, #tpu.memory_space<hbm>> -> memref<253952x128xi32, #tpu.memory_space<hbm>>
    tpu.enqueue_indirect_dma source(%dma_start3A_1796 : memref<253952x128xi32, #tpu.memory_space<hbm>>) target(%arg20 : memref<128x128xi32, #tpu.memory_space<vmem>>) offsets(%arg16 : memref<128xi32, #tpu.memory_space<vmem>>) semaphore(%arg21 : memref<!tpu.dma_semaphore, #tpu.memory_space<semaphore_mem>>)
    %dma_wait3A_1797 = arith.constant 0 : i32
    %dma_wait3A_1798 = arith.constant 0 : i32
    %dma_wait3A_1799 = tpu.memref_slice %arg2[%dma_wait3A_1797, %dma_wait3A_1798] : memref<253952x128xi32, #tpu.memory_space<hbm>> -> memref<253952x128xi32, #tpu.memory_space<hbm>>
    tpu.wait_indirect_dma semaphore(%arg21 : memref<!tpu.dma_semaphore, #tpu.memory_space<semaphore_mem>>) src(%dma_wait3A_1799 : memref<253952x128xi32, #tpu.memory_space<hbm>>) dst(%arg17 : memref<128x128xi32, #tpu.memory_space<vmem>>)
    %dma_wait3A_1800 = arith.constant 0 : i32
    %dma_wait3A_1801 = arith.constant 0 : i32
    %dma_wait3A_1802 = tpu.memref_slice %arg3[%dma_wait3A_1800, %dma_wait3A_1801] : memref<253952x128xi32, #tpu.memory_space<hbm>> -> memref<253952x128xi32, #tpu.memory_space<hbm>>
    tpu.wait_indirect_dma semaphore(%arg21 : memref<!tpu.dma_semaphore, #tpu.memory_space<semaphore_mem>>) src(%dma_wait3A_1802 : memref<253952x128xi32, #tpu.memory_space<hbm>>) dst(%arg18 : memref<128x128xi32, #tpu.memory_space<vmem>>)
    %dma_wait3A_1803 = arith.constant 0 : i32
    %dma_wait3A_1804 = arith.constant 0 : i32
    %dma_wait3A_1805 = tpu.memref_slice %arg3[%dma_wait3A_1803, %dma_wait3A_1804] : memref<253952x128xi32, #tpu.memory_space<hbm>> -> memref<253952x128xi32, #tpu.memory_space<hbm>>
    tpu.wait_indirect_dma semaphore(%arg21 : memref<!tpu.dma_semaphore, #tpu.memory_space<semaphore_mem>>) src(%dma_wait3A_1805 : memref<253952x128xi32, #tpu.memory_space<hbm>>) dst(%arg19 : memref<128x128xi32, #tpu.memory_space<vmem>>)
    %dma_wait3A_1806 = arith.constant 0 : i32
    %dma_wait3A_1807 = arith.constant 0 : i32
    %dma_wait3A_1808 = tpu.memref_slice %arg3[%dma_wait3A_1806, %dma_wait3A_1807] : memref<253952x128xi32, #tpu.memory_space<hbm>> -> memref<253952x128xi32, #tpu.memory_space<hbm>>
    tpu.wait_indirect_dma semaphore(%arg21 : memref<!tpu.dma_semaphore, #tpu.memory_space<semaphore_mem>>) src(%dma_wait3A_1808 : memref<253952x128xi32, #tpu.memory_space<hbm>>) dst(%arg20 : memref<128x128xi32, #tpu.memory_space<vmem>>)
    %run_scoped3A_1809 = arith.constant 0 : i32
    "tpu.region"() ({
      %run_scoped3A_2419 = tpu.sem_alloc : memref<!tpu.dma_semaphore, #tpu.memory_space<semaphore_mem>>
      %dma_start3A_2420 = arith.constant 0 : i32
      %dma_start3A_2421 = tpu.memref_slice %arg8[%run_scoped3A_1809, %add3A_1208, %dma_start3A_2420] : memref<4x16384x128xi32, #tpu.memory_space<hbm>> -> memref<1x128x128xi32, #tpu.memory_space<hbm>>
      %dma_start3A_2422 = tpu.memref_squeeze %dma_start3A_2421 : memref<1x128x128xi32, #tpu.memory_space<hbm>> -> memref<128x128xi32, #tpu.memory_space<hbm>>
      %dma_start3A_2423 = arith.constant 0 : i32
      %dma_start3A_2424 = tpu.memref_slice %arg8[%run_scoped3A_1809, %add3A_1208, %dma_start3A_2423] : memref<4x16384x128xi32, #tpu.memory_space<hbm>> -> memref<1x128x128xi32, #tpu.memory_space<hbm>>
      %dma_start3A_2425 = tpu.memref_squeeze %dma_start3A_2424 : memref<1x128x128xi32, #tpu.memory_space<hbm>> -> memref<128x128xi32, #tpu.memory_space<hbm>>
      tpu.enqueue_dma source(%arg17 : memref<128x128xi32, #tpu.memory_space<vmem>>) target(%dma_start3A_2425 : memref<128x128xi32, #tpu.memory_space<hbm>>) target_semaphore(%run_scoped3A_2419 : memref<!tpu.dma_semaphore, #tpu.memory_space<semaphore_mem>>)
      %dma_wait3A_2426 = arith.constant 0 : i32
      %dma_wait3A_2427 = tpu.memref_slice %arg8[%run_scoped3A_1809, %add3A_1208, %dma_wait3A_2426] : memref<4x16384x128xi32, #tpu.memory_space<hbm>> -> memref<1x128x128xi32, #tpu.memory_space<hbm>>
      %dma_wait3A_2428 = tpu.memref_squeeze %dma_wait3A_2427 : memref<1x128x128xi32, #tpu.memory_space<hbm>> -> memref<128x128xi32, #tpu.memory_space<hbm>>
      %dma_wait3A_2429 = arith.constant 0 : i32
      %dma_wait3A_2430 = tpu.memref_slice %arg8[%run_scoped3A_1809, %add3A_1208, %dma_wait3A_2429] : memref<4x16384x128xi32, #tpu.memory_space<hbm>> -> memref<1x128x128xi32, #tpu.memory_space<hbm>>
      %dma_wait3A_2431 = tpu.memref_squeeze %dma_wait3A_2430 : memref<1x128x128xi32, #tpu.memory_space<hbm>> -> memref<128x128xi32, #tpu.memory_space<hbm>>
      tpu.wait_dma2 semaphore(%run_scoped3A_2419 : memref<!tpu.dma_semaphore, #tpu.memory_space<semaphore_mem>>) src(%arg17 : memref<128x128xi32, #tpu.memory_space<vmem>>) dst(%dma_wait3A_2431 : memref<128x128xi32, #tpu.memory_space<hbm>>)
      tpu.yield
    }) : () -> ()
    %run_scoped3A_1810 = arith.constant 1 : i32
    "tpu.region"() ({
      %run_scoped3A_2419 = tpu.sem_alloc : memref<!tpu.dma_semaphore, #tpu.memory_space<semaphore_mem>>
      %dma_start3A_2420 = arith.constant 0 : i32
      %dma_start3A_2421 = tpu.memref_slice %arg8[%run_scoped3A_1810, %add3A_1208, %dma_start3A_2420] : memref<4x16384x128xi32, #tpu.memory_space<hbm>> -> memref<1x128x128xi32, #tpu.memory_space<hbm>>
      %dma_start3A_2422 = tpu.memref_squeeze %dma_start3A_2421 : memref<1x128x128xi32, #tpu.memory_space<hbm>> -> memref<128x128xi32, #tpu.memory_space<hbm>>
      %dma_start3A_2423 = arith.constant 0 : i32
      %dma_start3A_2424 = tpu.memref_slice %arg8[%run_scoped3A_1810, %add3A_1208, %dma_start3A_2423] : memref<4x16384x128xi32, #tpu.memory_space<hbm>> -> memref<1x128x128xi32, #tpu.memory_space<hbm>>
      %dma_start3A_2425 = tpu.memref_squeeze %dma_start3A_2424 : memref<1x128x128xi32, #tpu.memory_space<hbm>> -> memref<128x128xi32, #tpu.memory_space<hbm>>
      tpu.enqueue_dma source(%arg18 : memref<128x128xi32, #tpu.memory_space<vmem>>) target(%dma_start3A_2425 : memref<128x128xi32, #tpu.memory_space<hbm>>) target_semaphore(%run_scoped3A_2419 : memref<!tpu.dma_semaphore, #tpu.memory_space<semaphore_mem>>)
      %dma_wait3A_2426 = arith.constant 0 : i32
      %dma_wait3A_2427 = tpu.memref_slice %arg8[%run_scoped3A_1810, %add3A_1208, %dma_wait3A_2426] : memref<4x16384x128xi32, #tpu.memory_space<hbm>> -> memref<1x128x128xi32, #tpu.memory_space<hbm>>
      %dma_wait3A_2428 = tpu.memref_squeeze %dma_wait3A_2427 : memref<1x128x128xi32, #tpu.memory_space<hbm>> -> memref<128x128xi32, #tpu.memory_space<hbm>>
      %dma_wait3A_2429 = arith.constant 0 : i32
      %dma_wait3A_2430 = tpu.memref_slice %arg8[%run_scoped3A_1810, %add3A_1208, %dma_wait3A_2429] : memref<4x16384x128xi32, #tpu.memory_space<hbm>> -> memref<1x128x128xi32, #tpu.memory_space<hbm>>
      %dma_wait3A_2431 = tpu.memref_squeeze %dma_wait3A_2430 : memref<1x128x128xi32, #tpu.memory_space<hbm>> -> memref<128x128xi32, #tpu.memory_space<hbm>>
      tpu.wait_dma2 semaphore(%run_scoped3A_2419 : memref<!tpu.dma_semaphore, #tpu.memory_space<semaphore_mem>>) src(%arg18 : memref<128x128xi32, #tpu.memory_space<vmem>>) dst(%dma_wait3A_2431 : memref<128x128xi32, #tpu.memory_space<hbm>>)
      tpu.yield
    }) : () -> ()
    %run_scoped3A_1811 = arith.constant 2 : i32
    "tpu.region"() ({
      %run_scoped3A_2419 = tpu.sem_alloc : memref<!tpu.dma_semaphore, #tpu.memory_space<semaphore_mem>>
      %dma_start3A_2420 = arith.constant 0 : i32
      %dma_start3A_2421 = tpu.memref_slice %arg8[%run_scoped3A_1811, %add3A_1208, %dma_start3A_2420] : memref<4x16384x128xi32, #tpu.memory_space<hbm>> -> memref<1x128x128xi32, #tpu.memory_space<hbm>>
      %dma_start3A_2422 = tpu.memref_squeeze %dma_start3A_2421 : memref<1x128x128xi32, #tpu.memory_space<hbm>> -> memref<128x128xi32, #tpu.memory_space<hbm>>
      %dma_start3A_2423 = arith.constant 0 : i32
      %dma_start3A_2424 = tpu.memref_slice %arg8[%run_scoped3A_1811, %add3A_1208, %dma_start3A_2423] : memref<4x16384x128xi32, #tpu.memory_space<hbm>> -> memref<1x128x128xi32, #tpu.memory_space<hbm>>
      %dma_start3A_2425 = tpu.memref_squeeze %dma_start3A_2424 : memref<1x128x128xi32, #tpu.memory_space<hbm>> -> memref<128x128xi32, #tpu.memory_space<hbm>>
      tpu.enqueue_dma source(%arg19 : memref<128x128xi32, #tpu.memory_space<vmem>>) target(%dma_start3A_2425 : memref<128x128xi32, #tpu.memory_space<hbm>>) target_semaphore(%run_scoped3A_2419 : memref<!tpu.dma_semaphore, #tpu.memory_space<semaphore_mem>>)
      %dma_wait3A_2426 = arith.constant 0 : i32
      %dma_wait3A_2427 = tpu.memref_slice %arg8[%run_scoped3A_1811, %add3A_1208, %dma_wait3A_2426] : memref<4x16384x128xi32, #tpu.memory_space<hbm>> -> memref<1x128x128xi32, #tpu.memory_space<hbm>>
      %dma_wait3A_2428 = tpu.memref_squeeze %dma_wait3A_2427 : memref<1x128x128xi32, #tpu.memory_space<hbm>> -> memref<128x128xi32, #tpu.memory_space<hbm>>
      %dma_wait3A_2429 = arith.constant 0 : i32
      %dma_wait3A_2430 = tpu.memref_slice %arg8[%run_scoped3A_1811, %add3A_1208, %dma_wait3A_2429] : memref<4x16384x128xi32, #tpu.memory_space<hbm>> -> memref<1x128x128xi32, #tpu.memory_space<hbm>>
      %dma_wait3A_2431 = tpu.memref_squeeze %dma_wait3A_2430 : memref<1x128x128xi32, #tpu.memory_space<hbm>> -> memref<128x128xi32, #tpu.memory_space<hbm>>
      tpu.wait_dma2 semaphore(%run_scoped3A_2419 : memref<!tpu.dma_semaphore, #tpu.memory_space<semaphore_mem>>) src(%arg19 : memref<128x128xi32, #tpu.memory_space<vmem>>) dst(%dma_wait3A_2431 : memref<128x128xi32, #tpu.memory_space<hbm>>)
      tpu.yield
    }) : () -> ()
    %run_scoped3A_1812 = arith.constant 3 : i32
    "tpu.region"() ({
      %run_scoped3A_2419 = tpu.sem_alloc : memref<!tpu.dma_semaphore, #tpu.memory_space<semaphore_mem>>
      %dma_start3A_2420 = arith.constant 0 : i32
      %dma_start3A_2421 = tpu.memref_slice %arg8[%run_scoped3A_1812, %add3A_1208, %dma_start3A_2420] : memref<4x16384x128xi32, #tpu.memory_space<hbm>> -> memref<1x128x128xi32, #tpu.memory_space<hbm>>
      %dma_start3A_2422 = tpu.memref_squeeze %dma_start3A_2421 : memref<1x128x128xi32, #tpu.memory_space<hbm>> -> memref<128x128xi32, #tpu.memory_space<hbm>>
      %dma_start3A_2423 = arith.constant 0 : i32
      %dma_start3A_2424 = tpu.memref_slice %arg8[%run_scoped3A_1812, %add3A_1208, %dma_start3A_2423] : memref<4x16384x128xi32, #tpu.memory_space<hbm>> -> memref<1x128x128xi32, #tpu.memory_space<hbm>>
      %dma_start3A_2425 = tpu.memref_squeeze %dma_start3A_2424 : memref<1x128x128xi32, #tpu.memory_space<hbm>> -> memref<128x128xi32, #tpu.memory_space<hbm>>
      tpu.enqueue_dma source(%arg20 : memref<128x128xi32, #tpu.memory_space<vmem>>) target(%dma_start3A_2425 : memref<128x128xi32, #tpu.memory_space<hbm>>) target_semaphore(%run_scoped3A_2419 : memref<!tpu.dma_semaphore, #tpu.memory_space<semaphore_mem>>)
      %dma_wait3A_2426 = arith.constant 0 : i32
      %dma_wait3A_2427 = tpu.memref_slice %arg8[%run_scoped3A_1812, %add3A_1208, %dma_wait3A_2426] : memref<4x16384x128xi32, #tpu.memory_space<hbm>> -> memref<1x128x128xi32, #tpu.memory_space<hbm>>
      %dma_wait3A_2428 = tpu.memref_squeeze %dma_wait3A_2427 : memref<1x128x128xi32, #tpu.memory_space<hbm>> -> memref<128x128xi32, #tpu.memory_space<hbm>>
      %dma_wait3A_2429 = arith.constant 0 : i32
      %dma_wait3A_2430 = tpu.memref_slice %arg8[%run_scoped3A_1812, %add3A_1208, %dma_wait3A_2429] : memref<4x16384x128xi32, #tpu.memory_space<hbm>> -> memref<1x128x128xi32, #tpu.memory_space<hbm>>
      %dma_wait3A_2431 = tpu.memref_squeeze %dma_wait3A_2430 : memref<1x128x128xi32, #tpu.memory_space<hbm>> -> memref<128x128xi32, #tpu.memory_space<hbm>>
      tpu.wait_dma2 semaphore(%run_scoped3A_2419 : memref<!tpu.dma_semaphore, #tpu.memory_space<semaphore_mem>>) src(%arg20 : memref<128x128xi32, #tpu.memory_space<vmem>>) dst(%dma_wait3A_2431 : memref<128x128xi32, #tpu.memory_space<hbm>>)
      tpu.yield
    }) : () -> ()
    %add3A_1813 = arith.constant 384 : i32
    %add3A_1814 = arith.addi %mul3A_2, %add3A_1813 : i32
    "tpu.region"() ({
      %run_scoped3A_2419 = tpu.sem_alloc : memref<!tpu.dma_semaphore, #tpu.memory_space<semaphore_mem>>
      %dma_start3A_2420 = tpu.memref_slice %arg4[%add3A_1814] : memref<16384xi32, #tpu.memory_space<hbm>> -> memref<128xi32, #tpu.memory_space<hbm>>
      %dma_start3A_2421 = tpu.memref_slice %arg4[%add3A_1814] : memref<16384xi32, #tpu.memory_space<hbm>> -> memref<128xi32, #tpu.memory_space<hbm>>
      tpu.enqueue_dma source(%dma_start3A_2421 : memref<128xi32, #tpu.memory_space<hbm>>) target(%arg9 : memref<128xi32, #tpu.memory_space<vmem>>) target_semaphore(%run_scoped3A_2419 : memref<!tpu.dma_semaphore, #tpu.memory_space<semaphore_mem>>)
      %dma_wait3A_2422 = tpu.memref_slice %arg4[%add3A_1814] : memref<16384xi32, #tpu.memory_space<hbm>> -> memref<128xi32, #tpu.memory_space<hbm>>
      %dma_wait3A_2423 = tpu.memref_slice %arg4[%add3A_1814] : memref<16384xi32, #tpu.memory_space<hbm>> -> memref<128xi32, #tpu.memory_space<hbm>>
      tpu.wait_dma2 semaphore(%run_scoped3A_2419 : memref<!tpu.dma_semaphore, #tpu.memory_space<semaphore_mem>>) src(%dma_wait3A_2423 : memref<128xi32, #tpu.memory_space<hbm>>) dst(%arg9 : memref<128xi32, #tpu.memory_space<vmem>>)
      tpu.yield
    }) : () -> ()
    "tpu.region"() ({
      %run_scoped3A_2419 = tpu.sem_alloc : memref<!tpu.dma_semaphore, #tpu.memory_space<semaphore_mem>>
      %dma_start3A_2420 = tpu.memref_slice %arg5[%add3A_1814] : memref<16384xi32, #tpu.memory_space<hbm>> -> memref<128xi32, #tpu.memory_space<hbm>>
      %dma_start3A_2421 = tpu.memref_slice %arg5[%add3A_1814] : memref<16384xi32, #tpu.memory_space<hbm>> -> memref<128xi32, #tpu.memory_space<hbm>>
      tpu.enqueue_dma source(%dma_start3A_2421 : memref<128xi32, #tpu.memory_space<hbm>>) target(%arg10 : memref<128xi32, #tpu.memory_space<vmem>>) target_semaphore(%run_scoped3A_2419 : memref<!tpu.dma_semaphore, #tpu.memory_space<semaphore_mem>>)
      %dma_wait3A_2422 = tpu.memref_slice %arg5[%add3A_1814] : memref<16384xi32, #tpu.memory_space<hbm>> -> memref<128xi32, #tpu.memory_space<hbm>>
      %dma_wait3A_2423 = tpu.memref_slice %arg5[%add3A_1814] : memref<16384xi32, #tpu.memory_space<hbm>> -> memref<128xi32, #tpu.memory_space<hbm>>
      tpu.wait_dma2 semaphore(%run_scoped3A_2419 : memref<!tpu.dma_semaphore, #tpu.memory_space<semaphore_mem>>) src(%dma_wait3A_2423 : memref<128xi32, #tpu.memory_space<hbm>>) dst(%arg10 : memref<128xi32, #tpu.memory_space<vmem>>)
      tpu.yield
    }) : () -> ()
    "tpu.region"() ({
      %run_scoped3A_2419 = tpu.sem_alloc : memref<!tpu.dma_semaphore, #tpu.memory_space<semaphore_mem>>
      %dma_start3A_2420 = tpu.memref_slice %arg6[%add3A_1814] : memref<16384xi32, #tpu.memory_space<hbm>> -> memref<128xi32, #tpu.memory_space<hbm>>
      %dma_start3A_2421 = tpu.memref_slice %arg6[%add3A_1814] : memref<16384xi32, #tpu.memory_space<hbm>> -> memref<128xi32, #tpu.memory_space<hbm>>
      tpu.enqueue_dma source(%dma_start3A_2421 : memref<128xi32, #tpu.memory_space<hbm>>) target(%arg11 : memref<128xi32, #tpu.memory_space<vmem>>) target_semaphore(%run_scoped3A_2419 : memref<!tpu.dma_semaphore, #tpu.memory_space<semaphore_mem>>)
      %dma_wait3A_2422 = tpu.memref_slice %arg6[%add3A_1814] : memref<16384xi32, #tpu.memory_space<hbm>> -> memref<128xi32, #tpu.memory_space<hbm>>
      %dma_wait3A_2423 = tpu.memref_slice %arg6[%add3A_1814] : memref<16384xi32, #tpu.memory_space<hbm>> -> memref<128xi32, #tpu.memory_space<hbm>>
      tpu.wait_dma2 semaphore(%run_scoped3A_2419 : memref<!tpu.dma_semaphore, #tpu.memory_space<semaphore_mem>>) src(%dma_wait3A_2423 : memref<128xi32, #tpu.memory_space<hbm>>) dst(%arg11 : memref<128xi32, #tpu.memory_space<vmem>>)
      tpu.yield
    }) : () -> ()
    "tpu.region"() ({
      %run_scoped3A_2419 = tpu.sem_alloc : memref<!tpu.dma_semaphore, #tpu.memory_space<semaphore_mem>>
      %dma_start3A_2420 = tpu.memref_slice %arg7[%add3A_1814] : memref<16384xi32, #tpu.memory_space<hbm>> -> memref<128xi32, #tpu.memory_space<hbm>>
      %dma_start3A_2421 = tpu.memref_slice %arg7[%add3A_1814] : memref<16384xi32, #tpu.memory_space<hbm>> -> memref<128xi32, #tpu.memory_space<hbm>>
      tpu.enqueue_dma source(%dma_start3A_2421 : memref<128xi32, #tpu.memory_space<hbm>>) target(%arg12 : memref<128xi32, #tpu.memory_space<vmem>>) target_semaphore(%run_scoped3A_2419 : memref<!tpu.dma_semaphore, #tpu.memory_space<semaphore_mem>>)
      %dma_wait3A_2422 = tpu.memref_slice %arg7[%add3A_1814] : memref<16384xi32, #tpu.memory_space<hbm>> -> memref<128xi32, #tpu.memory_space<hbm>>
      %dma_wait3A_2423 = tpu.memref_slice %arg7[%add3A_1814] : memref<16384xi32, #tpu.memory_space<hbm>> -> memref<128xi32, #tpu.memory_space<hbm>>
      tpu.wait_dma2 semaphore(%run_scoped3A_2419 : memref<!tpu.dma_semaphore, #tpu.memory_space<semaphore_mem>>) src(%dma_wait3A_2423 : memref<128xi32, #tpu.memory_space<hbm>>) dst(%arg12 : memref<128xi32, #tpu.memory_space<vmem>>)
      tpu.yield
    }) : () -> ()
    %get3A_1815 = arith.constant 0 : index
    %get3A_1816 = tpu.vector_load %arg9[%get3A_1815] {strides = array<i32>} : memref<128xi32, #tpu.memory_space<vmem>>, vector<16xi32>,
    %ge3A_1817 = arith.constant 507904 : i32
    %ge3A_1818 = vector.broadcast %ge3A_1817 : i32 to vector<16xi32>
    %ge3A_1819 = arith.cmpi sge, %get3A_1816, %ge3A_1818 : vector<16xi32>
    %sub3A_1820 = arith.constant 507904 : i32
    %sub3A_1821 = vector.broadcast %sub3A_1820 : i32 to vector<16xi32>
    %sub3A_1822 = arith.subi %get3A_1816, %sub3A_1821 : vector<16xi32>
    %select_n3A_1823 = arith.select %ge3A_1819, %sub3A_1822, %get3A_1816 : vector<16xi1>, vector<16xi32>
    %ge3A_1824 = arith.constant 253952 : i32
    %ge3A_1825 = vector.broadcast %ge3A_1824 : i32 to vector<16xi32>
    %ge3A_1826 = arith.cmpi sge, %select_n3A_1823, %ge3A_1825 : vector<16xi32>
    %sub3A_1827 = arith.constant 253952 : i32
    %sub3A_1828 = vector.broadcast %sub3A_1827 : i32 to vector<16xi32>
    %sub3A_1829 = arith.subi %select_n3A_1823, %sub3A_1828 : vector<16xi32>
    %select_n3A_1830 = arith.select %ge3A_1826, %sub3A_1829, %select_n3A_1823 : vector<16xi1>, vector<16xi32>
    %swap3A_1831 = arith.constant 0 : index
    %swap3A_1832 = tpu.vector_load %arg13[%swap3A_1831] {strides = array<i32>} : memref<128xi32, #tpu.memory_space<vmem>>, vector<16xi32>,
    tpu.vector_store %arg13[%swap3A_1831], %select_n3A_1830 {strides = array<i32>} : memref<128xi32, #tpu.memory_space<vmem>>, vector<16xi32>,
    %get3A_1833 = arith.constant 0 : index
    %get3A_1834 = tpu.vector_load %arg10[%get3A_1833] {strides = array<i32>} : memref<128xi32, #tpu.memory_space<vmem>>, vector<16xi32>,
    %ge3A_1835 = arith.constant 507904 : i32
    %ge3A_1836 = vector.broadcast %ge3A_1835 : i32 to vector<16xi32>
    %ge3A_1837 = arith.cmpi sge, %get3A_1834, %ge3A_1836 : vector<16xi32>
    %sub3A_1838 = arith.constant 507904 : i32
    %sub3A_1839 = vector.broadcast %sub3A_1838 : i32 to vector<16xi32>
    %sub3A_1840 = arith.subi %get3A_1834, %sub3A_1839 : vector<16xi32>
    %select_n3A_1841 = arith.select %ge3A_1837, %sub3A_1840, %get3A_1834 : vector<16xi1>, vector<16xi32>
    %ge3A_1842 = arith.constant 253952 : i32
    %ge3A_1843 = vector.broadcast %ge3A_1842 : i32 to vector<16xi32>
    %ge3A_1844 = arith.cmpi sge, %select_n3A_1841, %ge3A_1843 : vector<16xi32>
    %sub3A_1845 = arith.constant 253952 : i32
    %sub3A_1846 = vector.broadcast %sub3A_1845 : i32 to vector<16xi32>
    %sub3A_1847 = arith.subi %select_n3A_1841, %sub3A_1846 : vector<16xi32>
    %select_n3A_1848 = arith.select %ge3A_1844, %sub3A_1847, %select_n3A_1841 : vector<16xi1>, vector<16xi32>
    %swap3A_1849 = arith.constant 0 : index
    %swap3A_1850 = tpu.vector_load %arg14[%swap3A_1849] {strides = array<i32>} : memref<128xi32, #tpu.memory_space<vmem>>, vector<16xi32>,
    tpu.vector_store %arg14[%swap3A_1849], %select_n3A_1848 {strides = array<i32>} : memref<128xi32, #tpu.memory_space<vmem>>, vector<16xi32>,
    %get3A_1851 = arith.constant 0 : index
    %get3A_1852 = tpu.vector_load %arg11[%get3A_1851] {strides = array<i32>} : memref<128xi32, #tpu.memory_space<vmem>>, vector<16xi32>,
    %ge3A_1853 = arith.constant 507904 : i32
    %ge3A_1854 = vector.broadcast %ge3A_1853 : i32 to vector<16xi32>
    %ge3A_1855 = arith.cmpi sge, %get3A_1852, %ge3A_1854 : vector<16xi32>
    %sub3A_1856 = arith.constant 507904 : i32
    %sub3A_1857 = vector.broadcast %sub3A_1856 : i32 to vector<16xi32>
    %sub3A_1858 = arith.subi %get3A_1852, %sub3A_1857 : vector<16xi32>
    %select_n3A_1859 = arith.select %ge3A_1855, %sub3A_1858, %get3A_1852 : vector<16xi1>, vector<16xi32>
    %ge3A_1860 = arith.constant 253952 : i32
    %ge3A_1861 = vector.broadcast %ge3A_1860 : i32 to vector<16xi32>
    %ge3A_1862 = arith.cmpi sge, %select_n3A_1859, %ge3A_1861 : vector<16xi32>
    %sub3A_1863 = arith.constant 253952 : i32
    %sub3A_1864 = vector.broadcast %sub3A_1863 : i32 to vector<16xi32>
    %sub3A_1865 = arith.subi %select_n3A_1859, %sub3A_1864 : vector<16xi32>
    %select_n3A_1866 = arith.select %ge3A_1862, %sub3A_1865, %select_n3A_1859 : vector<16xi1>, vector<16xi32>
    %swap3A_1867 = arith.constant 0 : index
    %swap3A_1868 = tpu.vector_load %arg15[%swap3A_1867] {strides = array<i32>} : memref<128xi32, #tpu.memory_space<vmem>>, vector<16xi32>,
    tpu.vector_store %arg15[%swap3A_1867], %select_n3A_1866 {strides = array<i32>} : memref<128xi32, #tpu.memory_space<vmem>>, vector<16xi32>,
    %get3A_1869 = arith.constant 0 : index
    %get3A_1870 = tpu.vector_load %arg12[%get3A_1869] {strides = array<i32>} : memref<128xi32, #tpu.memory_space<vmem>>, vector<16xi32>,
    %ge3A_1871 = arith.constant 507904 : i32
    %ge3A_1872 = vector.broadcast %ge3A_1871 : i32 to vector<16xi32>
    %ge3A_1873 = arith.cmpi sge, %get3A_1870, %ge3A_1872 : vector<16xi32>
    %sub3A_1874 = arith.constant 507904 : i32
    %sub3A_1875 = vector.broadcast %sub3A_1874 : i32 to vector<16xi32>
    %sub3A_1876 = arith.subi %get3A_1870, %sub3A_1875 : vector<16xi32>
    %select_n3A_1877 = arith.select %ge3A_1873, %sub3A_1876, %get3A_1870 : vector<16xi1>, vector<16xi32>
    %ge3A_1878 = arith.constant 253952 : i32
    %ge3A_1879 = vector.broadcast %ge3A_1878 : i32 to vector<16xi32>
    %ge3A_1880 = arith.cmpi sge, %select_n3A_1877, %ge3A_1879 : vector<16xi32>
    %sub3A_1881 = arith.constant 253952 : i32
    %sub3A_1882 = vector.broadcast %sub3A_1881 : i32 to vector<16xi32>
    %sub3A_1883 = arith.subi %select_n3A_1877, %sub3A_1882 : vector<16xi32>
    %select_n3A_1884 = arith.select %ge3A_1880, %sub3A_1883, %select_n3A_1877 : vector<16xi1>, vector<16xi32>
    %swap3A_1885 = arith.constant 0 : index
    %swap3A_1886 = tpu.vector_load %arg16[%swap3A_1885] {strides = array<i32>} : memref<128xi32, #tpu.memory_space<vmem>>, vector<16xi32>,
    tpu.vector_store %arg16[%swap3A_1885], %select_n3A_1884 {strides = array<i32>} : memref<128xi32, #tpu.memory_space<vmem>>, vector<16xi32>,
    %get3A_1887 = arith.constant 16 : index
    %get3A_1888 = tpu.vector_load %arg9[%get3A_1887] {strides = array<i32>} : memref<128xi32, #tpu.memory_space<vmem>>, vector<16xi32>,
    %ge3A_1889 = arith.constant 507904 : i32
    %ge3A_1890 = vector.broadcast %ge3A_1889 : i32 to vector<16xi32>
    %ge3A_1891 = arith.cmpi sge, %get3A_1888, %ge3A_1890 : vector<16xi32>
    %sub3A_1892 = arith.constant 507904 : i32
    %sub3A_1893 = vector.broadcast %sub3A_1892 : i32 to vector<16xi32>
    %sub3A_1894 = arith.subi %get3A_1888, %sub3A_1893 : vector<16xi32>
    %select_n3A_1895 = arith.select %ge3A_1891, %sub3A_1894, %get3A_1888 : vector<16xi1>, vector<16xi32>
    %ge3A_1896 = arith.constant 253952 : i32
    %ge3A_1897 = vector.broadcast %ge3A_1896 : i32 to vector<16xi32>
    %ge3A_1898 = arith.cmpi sge, %select_n3A_1895, %ge3A_1897 : vector<16xi32>
    %sub3A_1899 = arith.constant 253952 : i32
    %sub3A_1900 = vector.broadcast %sub3A_1899 : i32 to vector<16xi32>
    %sub3A_1901 = arith.subi %select_n3A_1895, %sub3A_1900 : vector<16xi32>
    %select_n3A_1902 = arith.select %ge3A_1898, %sub3A_1901, %select_n3A_1895 : vector<16xi1>, vector<16xi32>
    %swap3A_1903 = arith.constant 16 : index
    %swap3A_1904 = tpu.vector_load %arg13[%swap3A_1903] {strides = array<i32>} : memref<128xi32, #tpu.memory_space<vmem>>, vector<16xi32>,
    tpu.vector_store %arg13[%swap3A_1903], %select_n3A_1902 {strides = array<i32>} : memref<128xi32, #tpu.memory_space<vmem>>, vector<16xi32>,
    %get3A_1905 = arith.constant 16 : index
    %get3A_1906 = tpu.vector_load %arg10[%get3A_1905] {strides = array<i32>} : memref<128xi32, #tpu.memory_space<vmem>>, vector<16xi32>,
    %ge3A_1907 = arith.constant 507904 : i32
    %ge3A_1908 = vector.broadcast %ge3A_1907 : i32 to vector<16xi32>
    %ge3A_1909 = arith.cmpi sge, %get3A_1906, %ge3A_1908 : vector<16xi32>
    %sub3A_1910 = arith.constant 507904 : i32
    %sub3A_1911 = vector.broadcast %sub3A_1910 : i32 to vector<16xi32>
    %sub3A_1912 = arith.subi %get3A_1906, %sub3A_1911 : vector<16xi32>
    %select_n3A_1913 = arith.select %ge3A_1909, %sub3A_1912, %get3A_1906 : vector<16xi1>, vector<16xi32>
    %ge3A_1914 = arith.constant 253952 : i32
    %ge3A_1915 = vector.broadcast %ge3A_1914 : i32 to vector<16xi32>
    %ge3A_1916 = arith.cmpi sge, %select_n3A_1913, %ge3A_1915 : vector<16xi32>
    %sub3A_1917 = arith.constant 253952 : i32
    %sub3A_1918 = vector.broadcast %sub3A_1917 : i32 to vector<16xi32>
    %sub3A_1919 = arith.subi %select_n3A_1913, %sub3A_1918 : vector<16xi32>
    %select_n3A_1920 = arith.select %ge3A_1916, %sub3A_1919, %select_n3A_1913 : vector<16xi1>, vector<16xi32>
    %swap3A_1921 = arith.constant 16 : index
    %swap3A_1922 = tpu.vector_load %arg14[%swap3A_1921] {strides = array<i32>} : memref<128xi32, #tpu.memory_space<vmem>>, vector<16xi32>,
    tpu.vector_store %arg14[%swap3A_1921], %select_n3A_1920 {strides = array<i32>} : memref<128xi32, #tpu.memory_space<vmem>>, vector<16xi32>,
    %get3A_1923 = arith.constant 16 : index
    %get3A_1924 = tpu.vector_load %arg11[%get3A_1923] {strides = array<i32>} : memref<128xi32, #tpu.memory_space<vmem>>, vector<16xi32>,
    %ge3A_1925 = arith.constant 507904 : i32
    %ge3A_1926 = vector.broadcast %ge3A_1925 : i32 to vector<16xi32>
    %ge3A_1927 = arith.cmpi sge, %get3A_1924, %ge3A_1926 : vector<16xi32>
    %sub3A_1928 = arith.constant 507904 : i32
    %sub3A_1929 = vector.broadcast %sub3A_1928 : i32 to vector<16xi32>
    %sub3A_1930 = arith.subi %get3A_1924, %sub3A_1929 : vector<16xi32>
    %select_n3A_1931 = arith.select %ge3A_1927, %sub3A_1930, %get3A_1924 : vector<16xi1>, vector<16xi32>
    %ge3A_1932 = arith.constant 253952 : i32
    %ge3A_1933 = vector.broadcast %ge3A_1932 : i32 to vector<16xi32>
    %ge3A_1934 = arith.cmpi sge, %select_n3A_1931, %ge3A_1933 : vector<16xi32>
    %sub3A_1935 = arith.constant 253952 : i32
    %sub3A_1936 = vector.broadcast %sub3A_1935 : i32 to vector<16xi32>
    %sub3A_1937 = arith.subi %select_n3A_1931, %sub3A_1936 : vector<16xi32>
    %select_n3A_1938 = arith.select %ge3A_1934, %sub3A_1937, %select_n3A_1931 : vector<16xi1>, vector<16xi32>
    %swap3A_1939 = arith.constant 16 : index
    %swap3A_1940 = tpu.vector_load %arg15[%swap3A_1939] {strides = array<i32>} : memref<128xi32, #tpu.memory_space<vmem>>, vector<16xi32>,
    tpu.vector_store %arg15[%swap3A_1939], %select_n3A_1938 {strides = array<i32>} : memref<128xi32, #tpu.memory_space<vmem>>, vector<16xi32>,
    %get3A_1941 = arith.constant 16 : index
    %get3A_1942 = tpu.vector_load %arg12[%get3A_1941] {strides = array<i32>} : memref<128xi32, #tpu.memory_space<vmem>>, vector<16xi32>,
    %ge3A_1943 = arith.constant 507904 : i32
    %ge3A_1944 = vector.broadcast %ge3A_1943 : i32 to vector<16xi32>
    %ge3A_1945 = arith.cmpi sge, %get3A_1942, %ge3A_1944 : vector<16xi32>
    %sub3A_1946 = arith.constant 507904 : i32
    %sub3A_1947 = vector.broadcast %sub3A_1946 : i32 to vector<16xi32>
    %sub3A_1948 = arith.subi %get3A_1942, %sub3A_1947 : vector<16xi32>
    %select_n3A_1949 = arith.select %ge3A_1945, %sub3A_1948, %get3A_1942 : vector<16xi1>, vector<16xi32>
    %ge3A_1950 = arith.constant 253952 : i32
    %ge3A_1951 = vector.broadcast %ge3A_1950 : i32 to vector<16xi32>
    %ge3A_1952 = arith.cmpi sge, %select_n3A_1949, %ge3A_1951 : vector<16xi32>
    %sub3A_1953 = arith.constant 253952 : i32
    %sub3A_1954 = vector.broadcast %sub3A_1953 : i32 to vector<16xi32>
    %sub3A_1955 = arith.subi %select_n3A_1949, %sub3A_1954 : vector<16xi32>
    %select_n3A_1956 = arith.select %ge3A_1952, %sub3A_1955, %select_n3A_1949 : vector<16xi1>, vector<16xi32>
    %swap3A_1957 = arith.constant 16 : index
    %swap3A_1958 = tpu.vector_load %arg16[%swap3A_1957] {strides = array<i32>} : memref<128xi32, #tpu.memory_space<vmem>>, vector<16xi32>,
    tpu.vector_store %arg16[%swap3A_1957], %select_n3A_1956 {strides = array<i32>} : memref<128xi32, #tpu.memory_space<vmem>>, vector<16xi32>,
    %get3A_1959 = arith.constant 32 : index
    %get3A_1960 = tpu.vector_load %arg9[%get3A_1959] {strides = array<i32>} : memref<128xi32, #tpu.memory_space<vmem>>, vector<16xi32>,
    %ge3A_1961 = arith.constant 507904 : i32
    %ge3A_1962 = vector.broadcast %ge3A_1961 : i32 to vector<16xi32>
    %ge3A_1963 = arith.cmpi sge, %get3A_1960, %ge3A_1962 : vector<16xi32>
    %sub3A_1964 = arith.constant 507904 : i32
    %sub3A_1965 = vector.broadcast %sub3A_1964 : i32 to vector<16xi32>
    %sub3A_1966 = arith.subi %get3A_1960, %sub3A_1965 : vector<16xi32>
    %select_n3A_1967 = arith.select %ge3A_1963, %sub3A_1966, %get3A_1960 : vector<16xi1>, vector<16xi32>
    %ge3A_1968 = arith.constant 253952 : i32
    %ge3A_1969 = vector.broadcast %ge3A_1968 : i32 to vector<16xi32>
    %ge3A_1970 = arith.cmpi sge, %select_n3A_1967, %ge3A_1969 : vector<16xi32>
    %sub3A_1971 = arith.constant 253952 : i32
    %sub3A_1972 = vector.broadcast %sub3A_1971 : i32 to vector<16xi32>
    %sub3A_1973 = arith.subi %select_n3A_1967, %sub3A_1972 : vector<16xi32>
    %select_n3A_1974 = arith.select %ge3A_1970, %sub3A_1973, %select_n3A_1967 : vector<16xi1>, vector<16xi32>
    %swap3A_1975 = arith.constant 32 : index
    %swap3A_1976 = tpu.vector_load %arg13[%swap3A_1975] {strides = array<i32>} : memref<128xi32, #tpu.memory_space<vmem>>, vector<16xi32>,
    tpu.vector_store %arg13[%swap3A_1975], %select_n3A_1974 {strides = array<i32>} : memref<128xi32, #tpu.memory_space<vmem>>, vector<16xi32>,
    %get3A_1977 = arith.constant 32 : index
    %get3A_1978 = tpu.vector_load %arg10[%get3A_1977] {strides = array<i32>} : memref<128xi32, #tpu.memory_space<vmem>>, vector<16xi32>,
    %ge3A_1979 = arith.constant 507904 : i32
    %ge3A_1980 = vector.broadcast %ge3A_1979 : i32 to vector<16xi32>
    %ge3A_1981 = arith.cmpi sge, %get3A_1978, %ge3A_1980 : vector<16xi32>
    %sub3A_1982 = arith.constant 507904 : i32
    %sub3A_1983 = vector.broadcast %sub3A_1982 : i32 to vector<16xi32>
    %sub3A_1984 = arith.subi %get3A_1978, %sub3A_1983 : vector<16xi32>
    %select_n3A_1985 = arith.select %ge3A_1981, %sub3A_1984, %get3A_1978 : vector<16xi1>, vector<16xi32>
    %ge3A_1986 = arith.constant 253952 : i32
    %ge3A_1987 = vector.broadcast %ge3A_1986 : i32 to vector<16xi32>
    %ge3A_1988 = arith.cmpi sge, %select_n3A_1985, %ge3A_1987 : vector<16xi32>
    %sub3A_1989 = arith.constant 253952 : i32
    %sub3A_1990 = vector.broadcast %sub3A_1989 : i32 to vector<16xi32>
    %sub3A_1991 = arith.subi %select_n3A_1985, %sub3A_1990 : vector<16xi32>
    %select_n3A_1992 = arith.select %ge3A_1988, %sub3A_1991, %select_n3A_1985 : vector<16xi1>, vector<16xi32>
    %swap3A_1993 = arith.constant 32 : index
    %swap3A_1994 = tpu.vector_load %arg14[%swap3A_1993] {strides = array<i32>} : memref<128xi32, #tpu.memory_space<vmem>>, vector<16xi32>,
    tpu.vector_store %arg14[%swap3A_1993], %select_n3A_1992 {strides = array<i32>} : memref<128xi32, #tpu.memory_space<vmem>>, vector<16xi32>,
    %get3A_1995 = arith.constant 32 : index
    %get3A_1996 = tpu.vector_load %arg11[%get3A_1995] {strides = array<i32>} : memref<128xi32, #tpu.memory_space<vmem>>, vector<16xi32>,
    %ge3A_1997 = arith.constant 507904 : i32
    %ge3A_1998 = vector.broadcast %ge3A_1997 : i32 to vector<16xi32>
    %ge3A_1999 = arith.cmpi sge, %get3A_1996, %ge3A_1998 : vector<16xi32>
    %sub3A_2000 = arith.constant 507904 : i32
    %sub3A_2001 = vector.broadcast %sub3A_2000 : i32 to vector<16xi32>
    %sub3A_2002 = arith.subi %get3A_1996, %sub3A_2001 : vector<16xi32>
    %select_n3A_2003 = arith.select %ge3A_1999, %sub3A_2002, %get3A_1996 : vector<16xi1>, vector<16xi32>
    %ge3A_2004 = arith.constant 253952 : i32
    %ge3A_2005 = vector.broadcast %ge3A_2004 : i32 to vector<16xi32>
    %ge3A_2006 = arith.cmpi sge, %select_n3A_2003, %ge3A_2005 : vector<16xi32>
    %sub3A_2007 = arith.constant 253952 : i32
    %sub3A_2008 = vector.broadcast %sub3A_2007 : i32 to vector<16xi32>
    %sub3A_2009 = arith.subi %select_n3A_2003, %sub3A_2008 : vector<16xi32>
    %select_n3A_2010 = arith.select %ge3A_2006, %sub3A_2009, %select_n3A_2003 : vector<16xi1>, vector<16xi32>
    %swap3A_2011 = arith.constant 32 : index
    %swap3A_2012 = tpu.vector_load %arg15[%swap3A_2011] {strides = array<i32>} : memref<128xi32, #tpu.memory_space<vmem>>, vector<16xi32>,
    tpu.vector_store %arg15[%swap3A_2011], %select_n3A_2010 {strides = array<i32>} : memref<128xi32, #tpu.memory_space<vmem>>, vector<16xi32>,
    %get3A_2013 = arith.constant 32 : index
    %get3A_2014 = tpu.vector_load %arg12[%get3A_2013] {strides = array<i32>} : memref<128xi32, #tpu.memory_space<vmem>>, vector<16xi32>,
    %ge3A_2015 = arith.constant 507904 : i32
    %ge3A_2016 = vector.broadcast %ge3A_2015 : i32 to vector<16xi32>
    %ge3A_2017 = arith.cmpi sge, %get3A_2014, %ge3A_2016 : vector<16xi32>
    %sub3A_2018 = arith.constant 507904 : i32
    %sub3A_2019 = vector.broadcast %sub3A_2018 : i32 to vector<16xi32>
    %sub3A_2020 = arith.subi %get3A_2014, %sub3A_2019 : vector<16xi32>
    %select_n3A_2021 = arith.select %ge3A_2017, %sub3A_2020, %get3A_2014 : vector<16xi1>, vector<16xi32>
    %ge3A_2022 = arith.constant 253952 : i32
    %ge3A_2023 = vector.broadcast %ge3A_2022 : i32 to vector<16xi32>
    %ge3A_2024 = arith.cmpi sge, %select_n3A_2021, %ge3A_2023 : vector<16xi32>
    %sub3A_2025 = arith.constant 253952 : i32
    %sub3A_2026 = vector.broadcast %sub3A_2025 : i32 to vector<16xi32>
    %sub3A_2027 = arith.subi %select_n3A_2021, %sub3A_2026 : vector<16xi32>
    %select_n3A_2028 = arith.select %ge3A_2024, %sub3A_2027, %select_n3A_2021 : vector<16xi1>, vector<16xi32>
    %swap3A_2029 = arith.constant 32 : index
    %swap3A_2030 = tpu.vector_load %arg16[%swap3A_2029] {strides = array<i32>} : memref<128xi32, #tpu.memory_space<vmem>>, vector<16xi32>,
    tpu.vector_store %arg16[%swap3A_2029], %select_n3A_2028 {strides = array<i32>} : memref<128xi32, #tpu.memory_space<vmem>>, vector<16xi32>,
    %get3A_2031 = arith.constant 48 : index
    %get3A_2032 = tpu.vector_load %arg9[%get3A_2031] {strides = array<i32>} : memref<128xi32, #tpu.memory_space<vmem>>, vector<16xi32>,
    %ge3A_2033 = arith.constant 507904 : i32
    %ge3A_2034 = vector.broadcast %ge3A_2033 : i32 to vector<16xi32>
    %ge3A_2035 = arith.cmpi sge, %get3A_2032, %ge3A_2034 : vector<16xi32>
    %sub3A_2036 = arith.constant 507904 : i32
    %sub3A_2037 = vector.broadcast %sub3A_2036 : i32 to vector<16xi32>
    %sub3A_2038 = arith.subi %get3A_2032, %sub3A_2037 : vector<16xi32>
    %select_n3A_2039 = arith.select %ge3A_2035, %sub3A_2038, %get3A_2032 : vector<16xi1>, vector<16xi32>
    %ge3A_2040 = arith.constant 253952 : i32
    %ge3A_2041 = vector.broadcast %ge3A_2040 : i32 to vector<16xi32>
    %ge3A_2042 = arith.cmpi sge, %select_n3A_2039, %ge3A_2041 : vector<16xi32>
    %sub3A_2043 = arith.constant 253952 : i32
    %sub3A_2044 = vector.broadcast %sub3A_2043 : i32 to vector<16xi32>
    %sub3A_2045 = arith.subi %select_n3A_2039, %sub3A_2044 : vector<16xi32>
    %select_n3A_2046 = arith.select %ge3A_2042, %sub3A_2045, %select_n3A_2039 : vector<16xi1>, vector<16xi32>
    %swap3A_2047 = arith.constant 48 : index
    %swap3A_2048 = tpu.vector_load %arg13[%swap3A_2047] {strides = array<i32>} : memref<128xi32, #tpu.memory_space<vmem>>, vector<16xi32>,
    tpu.vector_store %arg13[%swap3A_2047], %select_n3A_2046 {strides = array<i32>} : memref<128xi32, #tpu.memory_space<vmem>>, vector<16xi32>,
    %get3A_2049 = arith.constant 48 : index
    %get3A_2050 = tpu.vector_load %arg10[%get3A_2049] {strides = array<i32>} : memref<128xi32, #tpu.memory_space<vmem>>, vector<16xi32>,
    %ge3A_2051 = arith.constant 507904 : i32
    %ge3A_2052 = vector.broadcast %ge3A_2051 : i32 to vector<16xi32>
    %ge3A_2053 = arith.cmpi sge, %get3A_2050, %ge3A_2052 : vector<16xi32>
    %sub3A_2054 = arith.constant 507904 : i32
    %sub3A_2055 = vector.broadcast %sub3A_2054 : i32 to vector<16xi32>
    %sub3A_2056 = arith.subi %get3A_2050, %sub3A_2055 : vector<16xi32>
    %select_n3A_2057 = arith.select %ge3A_2053, %sub3A_2056, %get3A_2050 : vector<16xi1>, vector<16xi32>
    %ge3A_2058 = arith.constant 253952 : i32
    %ge3A_2059 = vector.broadcast %ge3A_2058 : i32 to vector<16xi32>
    %ge3A_2060 = arith.cmpi sge, %select_n3A_2057, %ge3A_2059 : vector<16xi32>
    %sub3A_2061 = arith.constant 253952 : i32
    %sub3A_2062 = vector.broadcast %sub3A_2061 : i32 to vector<16xi32>
    %sub3A_2063 = arith.subi %select_n3A_2057, %sub3A_2062 : vector<16xi32>
    %select_n3A_2064 = arith.select %ge3A_2060, %sub3A_2063, %select_n3A_2057 : vector<16xi1>, vector<16xi32>
    %swap3A_2065 = arith.constant 48 : index
    %swap3A_2066 = tpu.vector_load %arg14[%swap3A_2065] {strides = array<i32>} : memref<128xi32, #tpu.memory_space<vmem>>, vector<16xi32>,
    tpu.vector_store %arg14[%swap3A_2065], %select_n3A_2064 {strides = array<i32>} : memref<128xi32, #tpu.memory_space<vmem>>, vector<16xi32>,
    %get3A_2067 = arith.constant 48 : index
    %get3A_2068 = tpu.vector_load %arg11[%get3A_2067] {strides = array<i32>} : memref<128xi32, #tpu.memory_space<vmem>>, vector<16xi32>,
    %ge3A_2069 = arith.constant 507904 : i32
    %ge3A_2070 = vector.broadcast %ge3A_2069 : i32 to vector<16xi32>
    %ge3A_2071 = arith.cmpi sge, %get3A_2068, %ge3A_2070 : vector<16xi32>
    %sub3A_2072 = arith.constant 507904 : i32
    %sub3A_2073 = vector.broadcast %sub3A_2072 : i32 to vector<16xi32>
    %sub3A_2074 = arith.subi %get3A_2068, %sub3A_2073 : vector<16xi32>
    %select_n3A_2075 = arith.select %ge3A_2071, %sub3A_2074, %get3A_2068 : vector<16xi1>, vector<16xi32>
    %ge3A_2076 = arith.constant 253952 : i32
    %ge3A_2077 = vector.broadcast %ge3A_2076 : i32 to vector<16xi32>
    %ge3A_2078 = arith.cmpi sge, %select_n3A_2075, %ge3A_2077 : vector<16xi32>
    %sub3A_2079 = arith.constant 253952 : i32
    %sub3A_2080 = vector.broadcast %sub3A_2079 : i32 to vector<16xi32>
    %sub3A_2081 = arith.subi %select_n3A_2075, %sub3A_2080 : vector<16xi32>
    %select_n3A_2082 = arith.select %ge3A_2078, %sub3A_2081, %select_n3A_2075 : vector<16xi1>, vector<16xi32>
    %swap3A_2083 = arith.constant 48 : index
    %swap3A_2084 = tpu.vector_load %arg15[%swap3A_2083] {strides = array<i32>} : memref<128xi32, #tpu.memory_space<vmem>>, vector<16xi32>,
    tpu.vector_store %arg15[%swap3A_2083], %select_n3A_2082 {strides = array<i32>} : memref<128xi32, #tpu.memory_space<vmem>>, vector<16xi32>,
    %get3A_2085 = arith.constant 48 : index
    %get3A_2086 = tpu.vector_load %arg12[%get3A_2085] {strides = array<i32>} : memref<128xi32, #tpu.memory_space<vmem>>, vector<16xi32>,
    %ge3A_2087 = arith.constant 507904 : i32
    %ge3A_2088 = vector.broadcast %ge3A_2087 : i32 to vector<16xi32>
    %ge3A_2089 = arith.cmpi sge, %get3A_2086, %ge3A_2088 : vector<16xi32>
    %sub3A_2090 = arith.constant 507904 : i32
    %sub3A_2091 = vector.broadcast %sub3A_2090 : i32 to vector<16xi32>
    %sub3A_2092 = arith.subi %get3A_2086, %sub3A_2091 : vector<16xi32>
    %select_n3A_2093 = arith.select %ge3A_2089, %sub3A_2092, %get3A_2086 : vector<16xi1>, vector<16xi32>
    %ge3A_2094 = arith.constant 253952 : i32
    %ge3A_2095 = vector.broadcast %ge3A_2094 : i32 to vector<16xi32>
    %ge3A_2096 = arith.cmpi sge, %select_n3A_2093, %ge3A_2095 : vector<16xi32>
    %sub3A_2097 = arith.constant 253952 : i32
    %sub3A_2098 = vector.broadcast %sub3A_2097 : i32 to vector<16xi32>
    %sub3A_2099 = arith.subi %select_n3A_2093, %sub3A_2098 : vector<16xi32>
    %select_n3A_2100 = arith.select %ge3A_2096, %sub3A_2099, %select_n3A_2093 : vector<16xi1>, vector<16xi32>
    %swap3A_2101 = arith.constant 48 : index
    %swap3A_2102 = tpu.vector_load %arg16[%swap3A_2101] {strides = array<i32>} : memref<128xi32, #tpu.memory_space<vmem>>, vector<16xi32>,
    tpu.vector_store %arg16[%swap3A_2101], %select_n3A_2100 {strides = array<i32>} : memref<128xi32, #tpu.memory_space<vmem>>, vector<16xi32>,
    %get3A_2103 = arith.constant 64 : index
    %get3A_2104 = tpu.vector_load %arg9[%get3A_2103] {strides = array<i32>} : memref<128xi32, #tpu.memory_space<vmem>>, vector<16xi32>,
    %ge3A_2105 = arith.constant 507904 : i32
    %ge3A_2106 = vector.broadcast %ge3A_2105 : i32 to vector<16xi32>
    %ge3A_2107 = arith.cmpi sge, %get3A_2104, %ge3A_2106 : vector<16xi32>
    %sub3A_2108 = arith.constant 507904 : i32
    %sub3A_2109 = vector.broadcast %sub3A_2108 : i32 to vector<16xi32>
    %sub3A_2110 = arith.subi %get3A_2104, %sub3A_2109 : vector<16xi32>
    %select_n3A_2111 = arith.select %ge3A_2107, %sub3A_2110, %get3A_2104 : vector<16xi1>, vector<16xi32>
    %ge3A_2112 = arith.constant 253952 : i32
    %ge3A_2113 = vector.broadcast %ge3A_2112 : i32 to vector<16xi32>
    %ge3A_2114 = arith.cmpi sge, %select_n3A_2111, %ge3A_2113 : vector<16xi32>
    %sub3A_2115 = arith.constant 253952 : i32
    %sub3A_2116 = vector.broadcast %sub3A_2115 : i32 to vector<16xi32>
    %sub3A_2117 = arith.subi %select_n3A_2111, %sub3A_2116 : vector<16xi32>
    %select_n3A_2118 = arith.select %ge3A_2114, %sub3A_2117, %select_n3A_2111 : vector<16xi1>, vector<16xi32>
    %swap3A_2119 = arith.constant 64 : index
    %swap3A_2120 = tpu.vector_load %arg13[%swap3A_2119] {strides = array<i32>} : memref<128xi32, #tpu.memory_space<vmem>>, vector<16xi32>,
    tpu.vector_store %arg13[%swap3A_2119], %select_n3A_2118 {strides = array<i32>} : memref<128xi32, #tpu.memory_space<vmem>>, vector<16xi32>,
    %get3A_2121 = arith.constant 64 : index
    %get3A_2122 = tpu.vector_load %arg10[%get3A_2121] {strides = array<i32>} : memref<128xi32, #tpu.memory_space<vmem>>, vector<16xi32>,
    %ge3A_2123 = arith.constant 507904 : i32
    %ge3A_2124 = vector.broadcast %ge3A_2123 : i32 to vector<16xi32>
    %ge3A_2125 = arith.cmpi sge, %get3A_2122, %ge3A_2124 : vector<16xi32>
    %sub3A_2126 = arith.constant 507904 : i32
    %sub3A_2127 = vector.broadcast %sub3A_2126 : i32 to vector<16xi32>
    %sub3A_2128 = arith.subi %get3A_2122, %sub3A_2127 : vector<16xi32>
    %select_n3A_2129 = arith.select %ge3A_2125, %sub3A_2128, %get3A_2122 : vector<16xi1>, vector<16xi32>
    %ge3A_2130 = arith.constant 253952 : i32
    %ge3A_2131 = vector.broadcast %ge3A_2130 : i32 to vector<16xi32>
    %ge3A_2132 = arith.cmpi sge, %select_n3A_2129, %ge3A_2131 : vector<16xi32>
    %sub3A_2133 = arith.constant 253952 : i32
    %sub3A_2134 = vector.broadcast %sub3A_2133 : i32 to vector<16xi32>
    %sub3A_2135 = arith.subi %select_n3A_2129, %sub3A_2134 : vector<16xi32>
    %select_n3A_2136 = arith.select %ge3A_2132, %sub3A_2135, %select_n3A_2129 : vector<16xi1>, vector<16xi32>
    %swap3A_2137 = arith.constant 64 : index
    %swap3A_2138 = tpu.vector_load %arg14[%swap3A_2137] {strides = array<i32>} : memref<128xi32, #tpu.memory_space<vmem>>, vector<16xi32>,
    tpu.vector_store %arg14[%swap3A_2137], %select_n3A_2136 {strides = array<i32>} : memref<128xi32, #tpu.memory_space<vmem>>, vector<16xi32>,
    %get3A_2139 = arith.constant 64 : index
    %get3A_2140 = tpu.vector_load %arg11[%get3A_2139] {strides = array<i32>} : memref<128xi32, #tpu.memory_space<vmem>>, vector<16xi32>,
    %ge3A_2141 = arith.constant 507904 : i32
    %ge3A_2142 = vector.broadcast %ge3A_2141 : i32 to vector<16xi32>
    %ge3A_2143 = arith.cmpi sge, %get3A_2140, %ge3A_2142 : vector<16xi32>
    %sub3A_2144 = arith.constant 507904 : i32
    %sub3A_2145 = vector.broadcast %sub3A_2144 : i32 to vector<16xi32>
    %sub3A_2146 = arith.subi %get3A_2140, %sub3A_2145 : vector<16xi32>
    %select_n3A_2147 = arith.select %ge3A_2143, %sub3A_2146, %get3A_2140 : vector<16xi1>, vector<16xi32>
    %ge3A_2148 = arith.constant 253952 : i32
    %ge3A_2149 = vector.broadcast %ge3A_2148 : i32 to vector<16xi32>
    %ge3A_2150 = arith.cmpi sge, %select_n3A_2147, %ge3A_2149 : vector<16xi32>
    %sub3A_2151 = arith.constant 253952 : i32
    %sub3A_2152 = vector.broadcast %sub3A_2151 : i32 to vector<16xi32>
    %sub3A_2153 = arith.subi %select_n3A_2147, %sub3A_2152 : vector<16xi32>
    %select_n3A_2154 = arith.select %ge3A_2150, %sub3A_2153, %select_n3A_2147 : vector<16xi1>, vector<16xi32>
    %swap3A_2155 = arith.constant 64 : index
    %swap3A_2156 = tpu.vector_load %arg15[%swap3A_2155] {strides = array<i32>} : memref<128xi32, #tpu.memory_space<vmem>>, vector<16xi32>,
    tpu.vector_store %arg15[%swap3A_2155], %select_n3A_2154 {strides = array<i32>} : memref<128xi32, #tpu.memory_space<vmem>>, vector<16xi32>,
    %get3A_2157 = arith.constant 64 : index
    %get3A_2158 = tpu.vector_load %arg12[%get3A_2157] {strides = array<i32>} : memref<128xi32, #tpu.memory_space<vmem>>, vector<16xi32>,
    %ge3A_2159 = arith.constant 507904 : i32
    %ge3A_2160 = vector.broadcast %ge3A_2159 : i32 to vector<16xi32>
    %ge3A_2161 = arith.cmpi sge, %get3A_2158, %ge3A_2160 : vector<16xi32>
    %sub3A_2162 = arith.constant 507904 : i32
    %sub3A_2163 = vector.broadcast %sub3A_2162 : i32 to vector<16xi32>
    %sub3A_2164 = arith.subi %get3A_2158, %sub3A_2163 : vector<16xi32>
    %select_n3A_2165 = arith.select %ge3A_2161, %sub3A_2164, %get3A_2158 : vector<16xi1>, vector<16xi32>
    %ge3A_2166 = arith.constant 253952 : i32
    %ge3A_2167 = vector.broadcast %ge3A_2166 : i32 to vector<16xi32>
    %ge3A_2168 = arith.cmpi sge, %select_n3A_2165, %ge3A_2167 : vector<16xi32>
    %sub3A_2169 = arith.constant 253952 : i32
    %sub3A_2170 = vector.broadcast %sub3A_2169 : i32 to vector<16xi32>
    %sub3A_2171 = arith.subi %select_n3A_2165, %sub3A_2170 : vector<16xi32>
    %select_n3A_2172 = arith.select %ge3A_2168, %sub3A_2171, %select_n3A_2165 : vector<16xi1>, vector<16xi32>
    %swap3A_2173 = arith.constant 64 : index
    %swap3A_2174 = tpu.vector_load %arg16[%swap3A_2173] {strides = array<i32>} : memref<128xi32, #tpu.memory_space<vmem>>, vector<16xi32>,
    tpu.vector_store %arg16[%swap3A_2173], %select_n3A_2172 {strides = array<i32>} : memref<128xi32, #tpu.memory_space<vmem>>, vector<16xi32>,
    %get3A_2175 = arith.constant 80 : index
    %get3A_2176 = tpu.vector_load %arg9[%get3A_2175] {strides = array<i32>} : memref<128xi32, #tpu.memory_space<vmem>>, vector<16xi32>,
    %ge3A_2177 = arith.constant 507904 : i32
    %ge3A_2178 = vector.broadcast %ge3A_2177 : i32 to vector<16xi32>
    %ge3A_2179 = arith.cmpi sge, %get3A_2176, %ge3A_2178 : vector<16xi32>
    %sub3A_2180 = arith.constant 507904 : i32
    %sub3A_2181 = vector.broadcast %sub3A_2180 : i32 to vector<16xi32>
    %sub3A_2182 = arith.subi %get3A_2176, %sub3A_2181 : vector<16xi32>
    %select_n3A_2183 = arith.select %ge3A_2179, %sub3A_2182, %get3A_2176 : vector<16xi1>, vector<16xi32>
    %ge3A_2184 = arith.constant 253952 : i32
    %ge3A_2185 = vector.broadcast %ge3A_2184 : i32 to vector<16xi32>
    %ge3A_2186 = arith.cmpi sge, %select_n3A_2183, %ge3A_2185 : vector<16xi32>
    %sub3A_2187 = arith.constant 253952 : i32
    %sub3A_2188 = vector.broadcast %sub3A_2187 : i32 to vector<16xi32>
    %sub3A_2189 = arith.subi %select_n3A_2183, %sub3A_2188 : vector<16xi32>
    %select_n3A_2190 = arith.select %ge3A_2186, %sub3A_2189, %select_n3A_2183 : vector<16xi1>, vector<16xi32>
    %swap3A_2191 = arith.constant 80 : index
    %swap3A_2192 = tpu.vector_load %arg13[%swap3A_2191] {strides = array<i32>} : memref<128xi32, #tpu.memory_space<vmem>>, vector<16xi32>,
    tpu.vector_store %arg13[%swap3A_2191], %select_n3A_2190 {strides = array<i32>} : memref<128xi32, #tpu.memory_space<vmem>>, vector<16xi32>,
    %get3A_2193 = arith.constant 80 : index
    %get3A_2194 = tpu.vector_load %arg10[%get3A_2193] {strides = array<i32>} : memref<128xi32, #tpu.memory_space<vmem>>, vector<16xi32>,
    %ge3A_2195 = arith.constant 507904 : i32
    %ge3A_2196 = vector.broadcast %ge3A_2195 : i32 to vector<16xi32>
    %ge3A_2197 = arith.cmpi sge, %get3A_2194, %ge3A_2196 : vector<16xi32>
    %sub3A_2198 = arith.constant 507904 : i32
    %sub3A_2199 = vector.broadcast %sub3A_2198 : i32 to vector<16xi32>
    %sub3A_2200 = arith.subi %get3A_2194, %sub3A_2199 : vector<16xi32>
    %select_n3A_2201 = arith.select %ge3A_2197, %sub3A_2200, %get3A_2194 : vector<16xi1>, vector<16xi32>
    %ge3A_2202 = arith.constant 253952 : i32
    %ge3A_2203 = vector.broadcast %ge3A_2202 : i32 to vector<16xi32>
    %ge3A_2204 = arith.cmpi sge, %select_n3A_2201, %ge3A_2203 : vector<16xi32>
    %sub3A_2205 = arith.constant 253952 : i32
    %sub3A_2206 = vector.broadcast %sub3A_2205 : i32 to vector<16xi32>
    %sub3A_2207 = arith.subi %select_n3A_2201, %sub3A_2206 : vector<16xi32>
    %select_n3A_2208 = arith.select %ge3A_2204, %sub3A_2207, %select_n3A_2201 : vector<16xi1>, vector<16xi32>
    %swap3A_2209 = arith.constant 80 : index
    %swap3A_2210 = tpu.vector_load %arg14[%swap3A_2209] {strides = array<i32>} : memref<128xi32, #tpu.memory_space<vmem>>, vector<16xi32>,
    tpu.vector_store %arg14[%swap3A_2209], %select_n3A_2208 {strides = array<i32>} : memref<128xi32, #tpu.memory_space<vmem>>, vector<16xi32>,
    %get3A_2211 = arith.constant 80 : index
    %get3A_2212 = tpu.vector_load %arg11[%get3A_2211] {strides = array<i32>} : memref<128xi32, #tpu.memory_space<vmem>>, vector<16xi32>,
    %ge3A_2213 = arith.constant 507904 : i32
    %ge3A_2214 = vector.broadcast %ge3A_2213 : i32 to vector<16xi32>
    %ge3A_2215 = arith.cmpi sge, %get3A_2212, %ge3A_2214 : vector<16xi32>
    %sub3A_2216 = arith.constant 507904 : i32
    %sub3A_2217 = vector.broadcast %sub3A_2216 : i32 to vector<16xi32>
    %sub3A_2218 = arith.subi %get3A_2212, %sub3A_2217 : vector<16xi32>
    %select_n3A_2219 = arith.select %ge3A_2215, %sub3A_2218, %get3A_2212 : vector<16xi1>, vector<16xi32>
    %ge3A_2220 = arith.constant 253952 : i32
    %ge3A_2221 = vector.broadcast %ge3A_2220 : i32 to vector<16xi32>
    %ge3A_2222 = arith.cmpi sge, %select_n3A_2219, %ge3A_2221 : vector<16xi32>
    %sub3A_2223 = arith.constant 253952 : i32
    %sub3A_2224 = vector.broadcast %sub3A_2223 : i32 to vector<16xi32>
    %sub3A_2225 = arith.subi %select_n3A_2219, %sub3A_2224 : vector<16xi32>
    %select_n3A_2226 = arith.select %ge3A_2222, %sub3A_2225, %select_n3A_2219 : vector<16xi1>, vector<16xi32>
    %swap3A_2227 = arith.constant 80 : index
    %swap3A_2228 = tpu.vector_load %arg15[%swap3A_2227] {strides = array<i32>} : memref<128xi32, #tpu.memory_space<vmem>>, vector<16xi32>,
    tpu.vector_store %arg15[%swap3A_2227], %select_n3A_2226 {strides = array<i32>} : memref<128xi32, #tpu.memory_space<vmem>>, vector<16xi32>,
    %get3A_2229 = arith.constant 80 : index
    %get3A_2230 = tpu.vector_load %arg12[%get3A_2229] {strides = array<i32>} : memref<128xi32, #tpu.memory_space<vmem>>, vector<16xi32>,
    %ge3A_2231 = arith.constant 507904 : i32
    %ge3A_2232 = vector.broadcast %ge3A_2231 : i32 to vector<16xi32>
    %ge3A_2233 = arith.cmpi sge, %get3A_2230, %ge3A_2232 : vector<16xi32>
    %sub3A_2234 = arith.constant 507904 : i32
    %sub3A_2235 = vector.broadcast %sub3A_2234 : i32 to vector<16xi32>
    %sub3A_2236 = arith.subi %get3A_2230, %sub3A_2235 : vector<16xi32>
    %select_n3A_2237 = arith.select %ge3A_2233, %sub3A_2236, %get3A_2230 : vector<16xi1>, vector<16xi32>
    %ge3A_2238 = arith.constant 253952 : i32
    %ge3A_2239 = vector.broadcast %ge3A_2238 : i32 to vector<16xi32>
    %ge3A_2240 = arith.cmpi sge, %select_n3A_2237, %ge3A_2239 : vector<16xi32>
    %sub3A_2241 = arith.constant 253952 : i32
    %sub3A_2242 = vector.broadcast %sub3A_2241 : i32 to vector<16xi32>
    %sub3A_2243 = arith.subi %select_n3A_2237, %sub3A_2242 : vector<16xi32>
    %select_n3A_2244 = arith.select %ge3A_2240, %sub3A_2243, %select_n3A_2237 : vector<16xi1>, vector<16xi32>
    %swap3A_2245 = arith.constant 80 : index
    %swap3A_2246 = tpu.vector_load %arg16[%swap3A_2245] {strides = array<i32>} : memref<128xi32, #tpu.memory_space<vmem>>, vector<16xi32>,
    tpu.vector_store %arg16[%swap3A_2245], %select_n3A_2244 {strides = array<i32>} : memref<128xi32, #tpu.memory_space<vmem>>, vector<16xi32>,
    %get3A_2247 = arith.constant 96 : index
    %get3A_2248 = tpu.vector_load %arg9[%get3A_2247] {strides = array<i32>} : memref<128xi32, #tpu.memory_space<vmem>>, vector<16xi32>,
    %ge3A_2249 = arith.constant 507904 : i32
    %ge3A_2250 = vector.broadcast %ge3A_2249 : i32 to vector<16xi32>
    %ge3A_2251 = arith.cmpi sge, %get3A_2248, %ge3A_2250 : vector<16xi32>
    %sub3A_2252 = arith.constant 507904 : i32
    %sub3A_2253 = vector.broadcast %sub3A_2252 : i32 to vector<16xi32>
    %sub3A_2254 = arith.subi %get3A_2248, %sub3A_2253 : vector<16xi32>
    %select_n3A_2255 = arith.select %ge3A_2251, %sub3A_2254, %get3A_2248 : vector<16xi1>, vector<16xi32>
    %ge3A_2256 = arith.constant 253952 : i32
    %ge3A_2257 = vector.broadcast %ge3A_2256 : i32 to vector<16xi32>
    %ge3A_2258 = arith.cmpi sge, %select_n3A_2255, %ge3A_2257 : vector<16xi32>
    %sub3A_2259 = arith.constant 253952 : i32
    %sub3A_2260 = vector.broadcast %sub3A_2259 : i32 to vector<16xi32>
    %sub3A_2261 = arith.subi %select_n3A_2255, %sub3A_2260 : vector<16xi32>
    %select_n3A_2262 = arith.select %ge3A_2258, %sub3A_2261, %select_n3A_2255 : vector<16xi1>, vector<16xi32>
    %swap3A_2263 = arith.constant 96 : index
    %swap3A_2264 = tpu.vector_load %arg13[%swap3A_2263] {strides = array<i32>} : memref<128xi32, #tpu.memory_space<vmem>>, vector<16xi32>,
    tpu.vector_store %arg13[%swap3A_2263], %select_n3A_2262 {strides = array<i32>} : memref<128xi32, #tpu.memory_space<vmem>>, vector<16xi32>,
    %get3A_2265 = arith.constant 96 : index
    %get3A_2266 = tpu.vector_load %arg10[%get3A_2265] {strides = array<i32>} : memref<128xi32, #tpu.memory_space<vmem>>, vector<16xi32>,
    %ge3A_2267 = arith.constant 507904 : i32
    %ge3A_2268 = vector.broadcast %ge3A_2267 : i32 to vector<16xi32>
    %ge3A_2269 = arith.cmpi sge, %get3A_2266, %ge3A_2268 : vector<16xi32>
    %sub3A_2270 = arith.constant 507904 : i32
    %sub3A_2271 = vector.broadcast %sub3A_2270 : i32 to vector<16xi32>
    %sub3A_2272 = arith.subi %get3A_2266, %sub3A_2271 : vector<16xi32>
    %select_n3A_2273 = arith.select %ge3A_2269, %sub3A_2272, %get3A_2266 : vector<16xi1>, vector<16xi32>
    %ge3A_2274 = arith.constant 253952 : i32
    %ge3A_2275 = vector.broadcast %ge3A_2274 : i32 to vector<16xi32>
    %ge3A_2276 = arith.cmpi sge, %select_n3A_2273, %ge3A_2275 : vector<16xi32>
    %sub3A_2277 = arith.constant 253952 : i32
    %sub3A_2278 = vector.broadcast %sub3A_2277 : i32 to vector<16xi32>
    %sub3A_2279 = arith.subi %select_n3A_2273, %sub3A_2278 : vector<16xi32>
    %select_n3A_2280 = arith.select %ge3A_2276, %sub3A_2279, %select_n3A_2273 : vector<16xi1>, vector<16xi32>
    %swap3A_2281 = arith.constant 96 : index
    %swap3A_2282 = tpu.vector_load %arg14[%swap3A_2281] {strides = array<i32>} : memref<128xi32, #tpu.memory_space<vmem>>, vector<16xi32>,
    tpu.vector_store %arg14[%swap3A_2281], %select_n3A_2280 {strides = array<i32>} : memref<128xi32, #tpu.memory_space<vmem>>, vector<16xi32>,
    %get3A_2283 = arith.constant 96 : index
    %get3A_2284 = tpu.vector_load %arg11[%get3A_2283] {strides = array<i32>} : memref<128xi32, #tpu.memory_space<vmem>>, vector<16xi32>,
    %ge3A_2285 = arith.constant 507904 : i32
    %ge3A_2286 = vector.broadcast %ge3A_2285 : i32 to vector<16xi32>
    %ge3A_2287 = arith.cmpi sge, %get3A_2284, %ge3A_2286 : vector<16xi32>
    %sub3A_2288 = arith.constant 507904 : i32
    %sub3A_2289 = vector.broadcast %sub3A_2288 : i32 to vector<16xi32>
    %sub3A_2290 = arith.subi %get3A_2284, %sub3A_2289 : vector<16xi32>
    %select_n3A_2291 = arith.select %ge3A_2287, %sub3A_2290, %get3A_2284 : vector<16xi1>, vector<16xi32>
    %ge3A_2292 = arith.constant 253952 : i32
    %ge3A_2293 = vector.broadcast %ge3A_2292 : i32 to vector<16xi32>
    %ge3A_2294 = arith.cmpi sge, %select_n3A_2291, %ge3A_2293 : vector<16xi32>
    %sub3A_2295 = arith.constant 253952 : i32
    %sub3A_2296 = vector.broadcast %sub3A_2295 : i32 to vector<16xi32>
    %sub3A_2297 = arith.subi %select_n3A_2291, %sub3A_2296 : vector<16xi32>
    %select_n3A_2298 = arith.select %ge3A_2294, %sub3A_2297, %select_n3A_2291 : vector<16xi1>, vector<16xi32>
    %swap3A_2299 = arith.constant 96 : index
    %swap3A_2300 = tpu.vector_load %arg15[%swap3A_2299] {strides = array<i32>} : memref<128xi32, #tpu.memory_space<vmem>>, vector<16xi32>,
    tpu.vector_store %arg15[%swap3A_2299], %select_n3A_2298 {strides = array<i32>} : memref<128xi32, #tpu.memory_space<vmem>>, vector<16xi32>,
    %get3A_2301 = arith.constant 96 : index
    %get3A_2302 = tpu.vector_load %arg12[%get3A_2301] {strides = array<i32>} : memref<128xi32, #tpu.memory_space<vmem>>, vector<16xi32>,
    %ge3A_2303 = arith.constant 507904 : i32
    %ge3A_2304 = vector.broadcast %ge3A_2303 : i32 to vector<16xi32>
    %ge3A_2305 = arith.cmpi sge, %get3A_2302, %ge3A_2304 : vector<16xi32>
    %sub3A_2306 = arith.constant 507904 : i32
    %sub3A_2307 = vector.broadcast %sub3A_2306 : i32 to vector<16xi32>
    %sub3A_2308 = arith.subi %get3A_2302, %sub3A_2307 : vector<16xi32>
    %select_n3A_2309 = arith.select %ge3A_2305, %sub3A_2308, %get3A_2302 : vector<16xi1>, vector<16xi32>
    %ge3A_2310 = arith.constant 253952 : i32
    %ge3A_2311 = vector.broadcast %ge3A_2310 : i32 to vector<16xi32>
    %ge3A_2312 = arith.cmpi sge, %select_n3A_2309, %ge3A_2311 : vector<16xi32>
    %sub3A_2313 = arith.constant 253952 : i32
    %sub3A_2314 = vector.broadcast %sub3A_2313 : i32 to vector<16xi32>
    %sub3A_2315 = arith.subi %select_n3A_2309, %sub3A_2314 : vector<16xi32>
    %select_n3A_2316 = arith.select %ge3A_2312, %sub3A_2315, %select_n3A_2309 : vector<16xi1>, vector<16xi32>
    %swap3A_2317 = arith.constant 96 : index
    %swap3A_2318 = tpu.vector_load %arg16[%swap3A_2317] {strides = array<i32>} : memref<128xi32, #tpu.memory_space<vmem>>, vector<16xi32>,
    tpu.vector_store %arg16[%swap3A_2317], %select_n3A_2316 {strides = array<i32>} : memref<128xi32, #tpu.memory_space<vmem>>, vector<16xi32>,
    %get3A_2319 = arith.constant 112 : index
    %get3A_2320 = tpu.vector_load %arg9[%get3A_2319] {strides = array<i32>} : memref<128xi32, #tpu.memory_space<vmem>>, vector<16xi32>,
    %ge3A_2321 = arith.constant 507904 : i32
    %ge3A_2322 = vector.broadcast %ge3A_2321 : i32 to vector<16xi32>
    %ge3A_2323 = arith.cmpi sge, %get3A_2320, %ge3A_2322 : vector<16xi32>
    %sub3A_2324 = arith.constant 507904 : i32
    %sub3A_2325 = vector.broadcast %sub3A_2324 : i32 to vector<16xi32>
    %sub3A_2326 = arith.subi %get3A_2320, %sub3A_2325 : vector<16xi32>
    %select_n3A_2327 = arith.select %ge3A_2323, %sub3A_2326, %get3A_2320 : vector<16xi1>, vector<16xi32>
    %ge3A_2328 = arith.constant 253952 : i32
    %ge3A_2329 = vector.broadcast %ge3A_2328 : i32 to vector<16xi32>
    %ge3A_2330 = arith.cmpi sge, %select_n3A_2327, %ge3A_2329 : vector<16xi32>
    %sub3A_2331 = arith.constant 253952 : i32
    %sub3A_2332 = vector.broadcast %sub3A_2331 : i32 to vector<16xi32>
    %sub3A_2333 = arith.subi %select_n3A_2327, %sub3A_2332 : vector<16xi32>
    %select_n3A_2334 = arith.select %ge3A_2330, %sub3A_2333, %select_n3A_2327 : vector<16xi1>, vector<16xi32>
    %swap3A_2335 = arith.constant 112 : index
    %swap3A_2336 = tpu.vector_load %arg13[%swap3A_2335] {strides = array<i32>} : memref<128xi32, #tpu.memory_space<vmem>>, vector<16xi32>,
    tpu.vector_store %arg13[%swap3A_2335], %select_n3A_2334 {strides = array<i32>} : memref<128xi32, #tpu.memory_space<vmem>>, vector<16xi32>,
    %get3A_2337 = arith.constant 112 : index
    %get3A_2338 = tpu.vector_load %arg10[%get3A_2337] {strides = array<i32>} : memref<128xi32, #tpu.memory_space<vmem>>, vector<16xi32>,
    %ge3A_2339 = arith.constant 507904 : i32
    %ge3A_2340 = vector.broadcast %ge3A_2339 : i32 to vector<16xi32>
    %ge3A_2341 = arith.cmpi sge, %get3A_2338, %ge3A_2340 : vector<16xi32>
    %sub3A_2342 = arith.constant 507904 : i32
    %sub3A_2343 = vector.broadcast %sub3A_2342 : i32 to vector<16xi32>
    %sub3A_2344 = arith.subi %get3A_2338, %sub3A_2343 : vector<16xi32>
    %select_n3A_2345 = arith.select %ge3A_2341, %sub3A_2344, %get3A_2338 : vector<16xi1>, vector<16xi32>
    %ge3A_2346 = arith.constant 253952 : i32
    %ge3A_2347 = vector.broadcast %ge3A_2346 : i32 to vector<16xi32>
    %ge3A_2348 = arith.cmpi sge, %select_n3A_2345, %ge3A_2347 : vector<16xi32>
    %sub3A_2349 = arith.constant 253952 : i32
    %sub3A_2350 = vector.broadcast %sub3A_2349 : i32 to vector<16xi32>
    %sub3A_2351 = arith.subi %select_n3A_2345, %sub3A_2350 : vector<16xi32>
    %select_n3A_2352 = arith.select %ge3A_2348, %sub3A_2351, %select_n3A_2345 : vector<16xi1>, vector<16xi32>
    %swap3A_2353 = arith.constant 112 : index
    %swap3A_2354 = tpu.vector_load %arg14[%swap3A_2353] {strides = array<i32>} : memref<128xi32, #tpu.memory_space<vmem>>, vector<16xi32>,
    tpu.vector_store %arg14[%swap3A_2353], %select_n3A_2352 {strides = array<i32>} : memref<128xi32, #tpu.memory_space<vmem>>, vector<16xi32>,
    %get3A_2355 = arith.constant 112 : index
    %get3A_2356 = tpu.vector_load %arg11[%get3A_2355] {strides = array<i32>} : memref<128xi32, #tpu.memory_space<vmem>>, vector<16xi32>,
    %ge3A_2357 = arith.constant 507904 : i32
    %ge3A_2358 = vector.broadcast %ge3A_2357 : i32 to vector<16xi32>
    %ge3A_2359 = arith.cmpi sge, %get3A_2356, %ge3A_2358 : vector<16xi32>
    %sub3A_2360 = arith.constant 507904 : i32
    %sub3A_2361 = vector.broadcast %sub3A_2360 : i32 to vector<16xi32>
    %sub3A_2362 = arith.subi %get3A_2356, %sub3A_2361 : vector<16xi32>
    %select_n3A_2363 = arith.select %ge3A_2359, %sub3A_2362, %get3A_2356 : vector<16xi1>, vector<16xi32>
    %ge3A_2364 = arith.constant 253952 : i32
    %ge3A_2365 = vector.broadcast %ge3A_2364 : i32 to vector<16xi32>
    %ge3A_2366 = arith.cmpi sge, %select_n3A_2363, %ge3A_2365 : vector<16xi32>
    %sub3A_2367 = arith.constant 253952 : i32
    %sub3A_2368 = vector.broadcast %sub3A_2367 : i32 to vector<16xi32>
    %sub3A_2369 = arith.subi %select_n3A_2363, %sub3A_2368 : vector<16xi32>
    %select_n3A_2370 = arith.select %ge3A_2366, %sub3A_2369, %select_n3A_2363 : vector<16xi1>, vector<16xi32>
    %swap3A_2371 = arith.constant 112 : index
    %swap3A_2372 = tpu.vector_load %arg15[%swap3A_2371] {strides = array<i32>} : memref<128xi32, #tpu.memory_space<vmem>>, vector<16xi32>,
    tpu.vector_store %arg15[%swap3A_2371], %select_n3A_2370 {strides = array<i32>} : memref<128xi32, #tpu.memory_space<vmem>>, vector<16xi32>,
    %get3A_2373 = arith.constant 112 : index
    %get3A_2374 = tpu.vector_load %arg12[%get3A_2373] {strides = array<i32>} : memref<128xi32, #tpu.memory_space<vmem>>, vector<16xi32>,
    %ge3A_2375 = arith.constant 507904 : i32
    %ge3A_2376 = vector.broadcast %ge3A_2375 : i32 to vector<16xi32>
    %ge3A_2377 = arith.cmpi sge, %get3A_2374, %ge3A_2376 : vector<16xi32>
    %sub3A_2378 = arith.constant 507904 : i32
    %sub3A_2379 = vector.broadcast %sub3A_2378 : i32 to vector<16xi32>
    %sub3A_2380 = arith.subi %get3A_2374, %sub3A_2379 : vector<16xi32>
    %select_n3A_2381 = arith.select %ge3A_2377, %sub3A_2380, %get3A_2374 : vector<16xi1>, vector<16xi32>
    %ge3A_2382 = arith.constant 253952 : i32
    %ge3A_2383 = vector.broadcast %ge3A_2382 : i32 to vector<16xi32>
    %ge3A_2384 = arith.cmpi sge, %select_n3A_2381, %ge3A_2383 : vector<16xi32>
    %sub3A_2385 = arith.constant 253952 : i32
    %sub3A_2386 = vector.broadcast %sub3A_2385 : i32 to vector<16xi32>
    %sub3A_2387 = arith.subi %select_n3A_2381, %sub3A_2386 : vector<16xi32>
    %select_n3A_2388 = arith.select %ge3A_2384, %sub3A_2387, %select_n3A_2381 : vector<16xi1>, vector<16xi32>
    %swap3A_2389 = arith.constant 112 : index
    %swap3A_2390 = tpu.vector_load %arg16[%swap3A_2389] {strides = array<i32>} : memref<128xi32, #tpu.memory_space<vmem>>, vector<16xi32>,
    tpu.vector_store %arg16[%swap3A_2389], %select_n3A_2388 {strides = array<i32>} : memref<128xi32, #tpu.memory_space<vmem>>, vector<16xi32>,
    %dma_start3A_2391 = arith.constant 0 : i32
    %dma_start3A_2392 = arith.constant 0 : i32
    %dma_start3A_2393 = tpu.memref_slice %arg2[%dma_start3A_2391, %dma_start3A_2392] : memref<253952x128xi32, #tpu.memory_space<hbm>> -> memref<253952x128xi32, #tpu.memory_space<hbm>>
    tpu.enqueue_indirect_dma source(%dma_start3A_2393 : memref<253952x128xi32, #tpu.memory_space<hbm>>) target(%arg17 : memref<128x128xi32, #tpu.memory_space<vmem>>) offsets(%arg13 : memref<128xi32, #tpu.memory_space<vmem>>) semaphore(%arg21 : memref<!tpu.dma_semaphore, #tpu.memory_space<semaphore_mem>>)
    %dma_start3A_2394 = arith.constant 0 : i32
    %dma_start3A_2395 = arith.constant 0 : i32
    %dma_start3A_2396 = tpu.memref_slice %arg3[%dma_start3A_2394, %dma_start3A_2395] : memref<253952x128xi32, #tpu.memory_space<hbm>> -> memref<253952x128xi32, #tpu.memory_space<hbm>>
    tpu.enqueue_indirect_dma source(%dma_start3A_2396 : memref<253952x128xi32, #tpu.memory_space<hbm>>) target(%arg18 : memref<128x128xi32, #tpu.memory_space<vmem>>) offsets(%arg14 : memref<128xi32, #tpu.memory_space<vmem>>) semaphore(%arg21 : memref<!tpu.dma_semaphore, #tpu.memory_space<semaphore_mem>>)
    %dma_start3A_2397 = arith.constant 0 : i32
    %dma_start3A_2398 = arith.constant 0 : i32
    %dma_start3A_2399 = tpu.memref_slice %arg3[%dma_start3A_2397, %dma_start3A_2398] : memref<253952x128xi32, #tpu.memory_space<hbm>> -> memref<253952x128xi32, #tpu.memory_space<hbm>>
    tpu.enqueue_indirect_dma source(%dma_start3A_2399 : memref<253952x128xi32, #tpu.memory_space<hbm>>) target(%arg19 : memref<128x128xi32, #tpu.memory_space<vmem>>) offsets(%arg15 : memref<128xi32, #tpu.memory_space<vmem>>) semaphore(%arg21 : memref<!tpu.dma_semaphore, #tpu.memory_space<semaphore_mem>>)
    %dma_start3A_2400 = arith.constant 0 : i32
    %dma_start3A_2401 = arith.constant 0 : i32
    %dma_start3A_2402 = tpu.memref_slice %arg3[%dma_start3A_2400, %dma_start3A_2401] : memref<253952x128xi32, #tpu.memory_space<hbm>> -> memref<253952x128xi32, #tpu.memory_space<hbm>>
    tpu.enqueue_indirect_dma source(%dma_start3A_2402 : memref<253952x128xi32, #tpu.memory_space<hbm>>) target(%arg20 : memref<128x128xi32, #tpu.memory_space<vmem>>) offsets(%arg16 : memref<128xi32, #tpu.memory_space<vmem>>) semaphore(%arg21 : memref<!tpu.dma_semaphore, #tpu.memory_space<semaphore_mem>>)
    %dma_wait3A_2403 = arith.constant 0 : i32
    %dma_wait3A_2404 = arith.constant 0 : i32
    %dma_wait3A_2405 = tpu.memref_slice %arg2[%dma_wait3A_2403, %dma_wait3A_2404] : memref<253952x128xi32, #tpu.memory_space<hbm>> -> memref<253952x128xi32, #tpu.memory_space<hbm>>
    tpu.wait_indirect_dma semaphore(%arg21 : memref<!tpu.dma_semaphore, #tpu.memory_space<semaphore_mem>>) src(%dma_wait3A_2405 : memref<253952x128xi32, #tpu.memory_space<hbm>>) dst(%arg17 : memref<128x128xi32, #tpu.memory_space<vmem>>)
    %dma_wait3A_2406 = arith.constant 0 : i32
    %dma_wait3A_2407 = arith.constant 0 : i32
    %dma_wait3A_2408 = tpu.memref_slice %arg3[%dma_wait3A_2406, %dma_wait3A_2407] : memref<253952x128xi32, #tpu.memory_space<hbm>> -> memref<253952x128xi32, #tpu.memory_space<hbm>>
    tpu.wait_indirect_dma semaphore(%arg21 : memref<!tpu.dma_semaphore, #tpu.memory_space<semaphore_mem>>) src(%dma_wait3A_2408 : memref<253952x128xi32, #tpu.memory_space<hbm>>) dst(%arg18 : memref<128x128xi32, #tpu.memory_space<vmem>>)
    %dma_wait3A_2409 = arith.constant 0 : i32
    %dma_wait3A_2410 = arith.constant 0 : i32
    %dma_wait3A_2411 = tpu.memref_slice %arg3[%dma_wait3A_2409, %dma_wait3A_2410] : memref<253952x128xi32, #tpu.memory_space<hbm>> -> memref<253952x128xi32, #tpu.memory_space<hbm>>
    tpu.wait_indirect_dma semaphore(%arg21 : memref<!tpu.dma_semaphore, #tpu.memory_space<semaphore_mem>>) src(%dma_wait3A_2411 : memref<253952x128xi32, #tpu.memory_space<hbm>>) dst(%arg19 : memref<128x128xi32, #tpu.memory_space<vmem>>)
    %dma_wait3A_2412 = arith.constant 0 : i32
    %dma_wait3A_2413 = arith.constant 0 : i32
    %dma_wait3A_2414 = tpu.memref_slice %arg3[%dma_wait3A_2412, %dma_wait3A_2413] : memref<253952x128xi32, #tpu.memory_space<hbm>> -> memref<253952x128xi32, #tpu.memory_space<hbm>>
    tpu.wait_indirect_dma semaphore(%arg21 : memref<!tpu.dma_semaphore, #tpu.memory_space<semaphore_mem>>) src(%dma_wait3A_2414 : memref<253952x128xi32, #tpu.memory_space<hbm>>) dst(%arg20 : memref<128x128xi32, #tpu.memory_space<vmem>>)
    %run_scoped3A_2415 = arith.constant 0 : i32
    "tpu.region"() ({
      %run_scoped3A_2419 = tpu.sem_alloc : memref<!tpu.dma_semaphore, #tpu.memory_space<semaphore_mem>>
      %dma_start3A_2420 = arith.constant 0 : i32
      %dma_start3A_2421 = tpu.memref_slice %arg8[%run_scoped3A_2415, %add3A_1814, %dma_start3A_2420] : memref<4x16384x128xi32, #tpu.memory_space<hbm>> -> memref<1x128x128xi32, #tpu.memory_space<hbm>>
      %dma_start3A_2422 = tpu.memref_squeeze %dma_start3A_2421 : memref<1x128x128xi32, #tpu.memory_space<hbm>> -> memref<128x128xi32, #tpu.memory_space<hbm>>
      %dma_start3A_2423 = arith.constant 0 : i32
      %dma_start3A_2424 = tpu.memref_slice %arg8[%run_scoped3A_2415, %add3A_1814, %dma_start3A_2423] : memref<4x16384x128xi32, #tpu.memory_space<hbm>> -> memref<1x128x128xi32, #tpu.memory_space<hbm>>
      %dma_start3A_2425 = tpu.memref_squeeze %dma_start3A_2424 : memref<1x128x128xi32, #tpu.memory_space<hbm>> -> memref<128x128xi32, #tpu.memory_space<hbm>>
      tpu.enqueue_dma source(%arg17 : memref<128x128xi32, #tpu.memory_space<vmem>>) target(%dma_start3A_2425 : memref<128x128xi32, #tpu.memory_space<hbm>>) target_semaphore(%run_scoped3A_2419 : memref<!tpu.dma_semaphore, #tpu.memory_space<semaphore_mem>>)
      %dma_wait3A_2426 = arith.constant 0 : i32
      %dma_wait3A_2427 = tpu.memref_slice %arg8[%run_scoped3A_2415, %add3A_1814, %dma_wait3A_2426] : memref<4x16384x128xi32, #tpu.memory_space<hbm>> -> memref<1x128x128xi32, #tpu.memory_space<hbm>>
      %dma_wait3A_2428 = tpu.memref_squeeze %dma_wait3A_2427 : memref<1x128x128xi32, #tpu.memory_space<hbm>> -> memref<128x128xi32, #tpu.memory_space<hbm>>
      %dma_wait3A_2429 = arith.constant 0 : i32
      %dma_wait3A_2430 = tpu.memref_slice %arg8[%run_scoped3A_2415, %add3A_1814, %dma_wait3A_2429] : memref<4x16384x128xi32, #tpu.memory_space<hbm>> -> memref<1x128x128xi32, #tpu.memory_space<hbm>>
      %dma_wait3A_2431 = tpu.memref_squeeze %dma_wait3A_2430 : memref<1x128x128xi32, #tpu.memory_space<hbm>> -> memref<128x128xi32, #tpu.memory_space<hbm>>
      tpu.wait_dma2 semaphore(%run_scoped3A_2419 : memref<!tpu.dma_semaphore, #tpu.memory_space<semaphore_mem>>) src(%arg17 : memref<128x128xi32, #tpu.memory_space<vmem>>) dst(%dma_wait3A_2431 : memref<128x128xi32, #tpu.memory_space<hbm>>)
      tpu.yield
    }) : () -> ()
    %run_scoped3A_2416 = arith.constant 1 : i32
    "tpu.region"() ({
      %run_scoped3A_2419 = tpu.sem_alloc : memref<!tpu.dma_semaphore, #tpu.memory_space<semaphore_mem>>
      %dma_start3A_2420 = arith.constant 0 : i32
      %dma_start3A_2421 = tpu.memref_slice %arg8[%run_scoped3A_2416, %add3A_1814, %dma_start3A_2420] : memref<4x16384x128xi32, #tpu.memory_space<hbm>> -> memref<1x128x128xi32, #tpu.memory_space<hbm>>
      %dma_start3A_2422 = tpu.memref_squeeze %dma_start3A_2421 : memref<1x128x128xi32, #tpu.memory_space<hbm>> -> memref<128x128xi32, #tpu.memory_space<hbm>>
      %dma_start3A_2423 = arith.constant 0 : i32
      %dma_start3A_2424 = tpu.memref_slice %arg8[%run_scoped3A_2416, %add3A_1814, %dma_start3A_2423] : memref<4x16384x128xi32, #tpu.memory_space<hbm>> -> memref<1x128x128xi32, #tpu.memory_space<hbm>>
      %dma_start3A_2425 = tpu.memref_squeeze %dma_start3A_2424 : memref<1x128x128xi32, #tpu.memory_space<hbm>> -> memref<128x128xi32, #tpu.memory_space<hbm>>
      tpu.enqueue_dma source(%arg18 : memref<128x128xi32, #tpu.memory_space<vmem>>) target(%dma_start3A_2425 : memref<128x128xi32, #tpu.memory_space<hbm>>) target_semaphore(%run_scoped3A_2419 : memref<!tpu.dma_semaphore, #tpu.memory_space<semaphore_mem>>)
      %dma_wait3A_2426 = arith.constant 0 : i32
      %dma_wait3A_2427 = tpu.memref_slice %arg8[%run_scoped3A_2416, %add3A_1814, %dma_wait3A_2426] : memref<4x16384x128xi32, #tpu.memory_space<hbm>> -> memref<1x128x128xi32, #tpu.memory_space<hbm>>
      %dma_wait3A_2428 = tpu.memref_squeeze %dma_wait3A_2427 : memref<1x128x128xi32, #tpu.memory_space<hbm>> -> memref<128x128xi32, #tpu.memory_space<hbm>>
      %dma_wait3A_2429 = arith.constant 0 : i32
      %dma_wait3A_2430 = tpu.memref_slice %arg8[%run_scoped3A_2416, %add3A_1814, %dma_wait3A_2429] : memref<4x16384x128xi32, #tpu.memory_space<hbm>> -> memref<1x128x128xi32, #tpu.memory_space<hbm>>
      %dma_wait3A_2431 = tpu.memref_squeeze %dma_wait3A_2430 : memref<1x128x128xi32, #tpu.memory_space<hbm>> -> memref<128x128xi32, #tpu.memory_space<hbm>>
      tpu.wait_dma2 semaphore(%run_scoped3A_2419 : memref<!tpu.dma_semaphore, #tpu.memory_space<semaphore_mem>>) src(%arg18 : memref<128x128xi32, #tpu.memory_space<vmem>>) dst(%dma_wait3A_2431 : memref<128x128xi32, #tpu.memory_space<hbm>>)
      tpu.yield
    }) : () -> ()
    %run_scoped3A_2417 = arith.constant 2 : i32
    "tpu.region"() ({
      %run_scoped3A_2419 = tpu.sem_alloc : memref<!tpu.dma_semaphore, #tpu.memory_space<semaphore_mem>>
      %dma_start3A_2420 = arith.constant 0 : i32
      %dma_start3A_2421 = tpu.memref_slice %arg8[%run_scoped3A_2417, %add3A_1814, %dma_start3A_2420] : memref<4x16384x128xi32, #tpu.memory_space<hbm>> -> memref<1x128x128xi32, #tpu.memory_space<hbm>>
      %dma_start3A_2422 = tpu.memref_squeeze %dma_start3A_2421 : memref<1x128x128xi32, #tpu.memory_space<hbm>> -> memref<128x128xi32, #tpu.memory_space<hbm>>
      %dma_start3A_2423 = arith.constant 0 : i32
      %dma_start3A_2424 = tpu.memref_slice %arg8[%run_scoped3A_2417, %add3A_1814, %dma_start3A_2423] : memref<4x16384x128xi32, #tpu.memory_space<hbm>> -> memref<1x128x128xi32, #tpu.memory_space<hbm>>
      %dma_start3A_2425 = tpu.memref_squeeze %dma_start3A_2424 : memref<1x128x128xi32, #tpu.memory_space<hbm>> -> memref<128x128xi32, #tpu.memory_space<hbm>>
      tpu.enqueue_dma source(%arg19 : memref<128x128xi32, #tpu.memory_space<vmem>>) target(%dma_start3A_2425 : memref<128x128xi32, #tpu.memory_space<hbm>>) target_semaphore(%run_scoped3A_2419 : memref<!tpu.dma_semaphore, #tpu.memory_space<semaphore_mem>>)
      %dma_wait3A_2426 = arith.constant 0 : i32
      %dma_wait3A_2427 = tpu.memref_slice %arg8[%run_scoped3A_2417, %add3A_1814, %dma_wait3A_2426] : memref<4x16384x128xi32, #tpu.memory_space<hbm>> -> memref<1x128x128xi32, #tpu.memory_space<hbm>>
      %dma_wait3A_2428 = tpu.memref_squeeze %dma_wait3A_2427 : memref<1x128x128xi32, #tpu.memory_space<hbm>> -> memref<128x128xi32, #tpu.memory_space<hbm>>
      %dma_wait3A_2429 = arith.constant 0 : i32
      %dma_wait3A_2430 = tpu.memref_slice %arg8[%run_scoped3A_2417, %add3A_1814, %dma_wait3A_2429] : memref<4x16384x128xi32, #tpu.memory_space<hbm>> -> memref<1x128x128xi32, #tpu.memory_space<hbm>>
      %dma_wait3A_2431 = tpu.memref_squeeze %dma_wait3A_2430 : memref<1x128x128xi32, #tpu.memory_space<hbm>> -> memref<128x128xi32, #tpu.memory_space<hbm>>
      tpu.wait_dma2 semaphore(%run_scoped3A_2419 : memref<!tpu.dma_semaphore, #tpu.memory_space<semaphore_mem>>) src(%arg19 : memref<128x128xi32, #tpu.memory_space<vmem>>) dst(%dma_wait3A_2431 : memref<128x128xi32, #tpu.memory_space<hbm>>)
      tpu.yield
    }) : () -> ()
    %run_scoped3A_2418 = arith.constant 3 : i32
    "tpu.region"() ({
      %run_scoped3A_2419 = tpu.sem_alloc : memref<!tpu.dma_semaphore, #tpu.memory_space<semaphore_mem>>
      %dma_start3A_2420 = arith.constant 0 : i32
      %dma_start3A_2421 = tpu.memref_slice %arg8[%run_scoped3A_2418, %add3A_1814, %dma_start3A_2420] : memref<4x16384x128xi32, #tpu.memory_space<hbm>> -> memref<1x128x128xi32, #tpu.memory_space<hbm>>
      %dma_start3A_2422 = tpu.memref_squeeze %dma_start3A_2421 : memref<1x128x128xi32, #tpu.memory_space<hbm>> -> memref<128x128xi32, #tpu.memory_space<hbm>>
      %dma_start3A_2423 = arith.constant 0 : i32
      %dma_start3A_2424 = tpu.memref_slice %arg8[%run_scoped3A_2418, %add3A_1814, %dma_start3A_2423] : memref<4x16384x128xi32, #tpu.memory_space<hbm>> -> memref<1x128x128xi32, #tpu.memory_space<hbm>>
      %dma_start3A_2425 = tpu.memref_squeeze %dma_start3A_2424 : memref<1x128x128xi32, #tpu.memory_space<hbm>> -> memref<128x128xi32, #tpu.memory_space<hbm>>
      tpu.enqueue_dma source(%arg20 : memref<128x128xi32, #tpu.memory_space<vmem>>) target(%dma_start3A_2425 : memref<128x128xi32, #tpu.memory_space<hbm>>) target_semaphore(%run_scoped3A_2419 : memref<!tpu.dma_semaphore, #tpu.memory_space<semaphore_mem>>)
      %dma_wait3A_2426 = arith.constant 0 : i32
      %dma_wait3A_2427 = tpu.memref_slice %arg8[%run_scoped3A_2418, %add3A_1814, %dma_wait3A_2426] : memref<4x16384x128xi32, #tpu.memory_space<hbm>> -> memref<1x128x128xi32, #tpu.memory_space<hbm>>
      %dma_wait3A_2428 = tpu.memref_squeeze %dma_wait3A_2427 : memref<1x128x128xi32, #tpu.memory_space<hbm>> -> memref<128x128xi32, #tpu.memory_space<hbm>>
      %dma_wait3A_2429 = arith.constant 0 : i32
      %dma_wait3A_2430 = tpu.memref_slice %arg8[%run_scoped3A_2418, %add3A_1814, %dma_wait3A_2429] : memref<4x16384x128xi32, #tpu.memory_space<hbm>> -> memref<1x128x128xi32, #tpu.memory_space<hbm>>
      %dma_wait3A_2431 = tpu.memref_squeeze %dma_wait3A_2430 : memref<1x128x128xi32, #tpu.memory_space<hbm>> -> memref<128x128xi32, #tpu.memory_space<hbm>>
      tpu.wait_dma2 semaphore(%run_scoped3A_2419 : memref<!tpu.dma_semaphore, #tpu.memory_space<semaphore_mem>>) src(%arg20 : memref<128x128xi32, #tpu.memory_space<vmem>>) dst(%dma_wait3A_2431 : memref<128x128xi32, #tpu.memory_space<hbm>>)
      tpu.yield
    }) : () -> ()
    return
  }
}

module attributes {stable_mosaic.version = 14 : i64} {
  func.func @_pack_body(%arg0: i32, %arg1: memref<64x4096xf32, #tpu.memory_space<vmem>>, %arg2: memref<64x4096xf32, #tpu.memory_space<vmem>>, %arg3: memref<64x4096xf32, #tpu.memory_space<vmem>>, %arg4: memref<64x4096xf32, #tpu.memory_space<vmem>>, %arg5: memref<64x4096xf32, #tpu.memory_space<vmem>>, %arg6: memref<64x4096xf32, #tpu.memory_space<vmem>>, %arg7: memref<64x4096xf32, #tpu.memory_space<vmem>>, %arg8: memref<64x4096xf32, #tpu.memory_space<vmem>>, %arg9: memref<4096x128xi32, #tpu.memory_space<vmem>>, %arg10: memref<4096x128xi32, #tpu.memory_space<vmem>>) attributes {dimension_semantics = [#tpu.dimension_semantics<arbitrary>], iteration_bounds = array<i64: 62>, scalar_prefetch = 0 : i64, scratch_operands = 0 : i64, tpu.core_type = #tpu.core_type<tc>, window_params = [{transform_indices = @transform_0, window_bounds = array<i64: 64, 4096>}, {transform_indices = @transform_1, window_bounds = array<i64: 64, 4096>}, {transform_indices = @transform_2, window_bounds = array<i64: 64, 4096>}, {transform_indices = @transform_3, window_bounds = array<i64: 64, 4096>}, {transform_indices = @transform_4, window_bounds = array<i64: 64, 4096>}, {transform_indices = @transform_5, window_bounds = array<i64: 64, 4096>}, {transform_indices = @transform_6, window_bounds = array<i64: 64, 4096>}, {transform_indices = @transform_7, window_bounds = array<i64: 64, 4096>}, {transform_indices = @transform_8, window_bounds = array<i64: 4096, 128>}, {transform_indices = @transform_9, window_bounds = array<i64: 4096, 128>}]} {
    %iota3A = tpu.iota {dimensions = array<i32: 0>} : vector<64x64xi32>
    %iota3A_0 = tpu.iota {dimensions = array<i32: 1>} : vector<64x64xi32>
    %eq3A = arith.cmpi eq, %iota3A, %iota3A_0 : vector<64x64xi32>
    %convert_element_type3A = arith.extui %eq3A : vector<64x64xi1> to vector<64x64xi32>
    %convert_element_type3A_1 = arith.sitofp %convert_element_type3A : vector<64x64xi32> to vector<64x64xf32>
    %get3A = arith.constant 0 : index
    %get3A_2 = arith.constant 0 : index
    %get3A_3 = vector.load %arg1[%get3A, %get3A_2] : memref<64x4096xf32, #tpu.memory_space<vmem>>, vector<64x4096xf32>
    %dot_general3A = arith.constant dense<0.000000e+00> : vector<4096x64xf32>
    %dot_general3A_4 = tpu.matmul %get3A_3, %convert_element_type3A_1, %dot_general3A {dimension_numbers = #tpu.dot_dimension_numbers<[0], [0], [1], [1], [0, 1, 1, 1], [], []>, transpose_lhs_hint = false} : vector<64x4096xf32>, vector<64x64xf32>, vector<4096x64xf32> -> vector<4096x64xf32>
    %get3A_5 = arith.constant 0 : index
    %get3A_6 = arith.constant 0 : index
    %get3A_7 = vector.load %arg3[%get3A_5, %get3A_6] : memref<64x4096xf32, #tpu.memory_space<vmem>>, vector<64x4096xf32>
    %dot_general3A_8 = arith.constant dense<0.000000e+00> : vector<4096x64xf32>
    %dot_general3A_9 = tpu.matmul %get3A_7, %convert_element_type3A_1, %dot_general3A_8 {dimension_numbers = #tpu.dot_dimension_numbers<[0], [0], [1], [1], [0, 1, 1, 1], [], []>, transpose_lhs_hint = false} : vector<64x4096xf32>, vector<64x64xf32>, vector<4096x64xf32> -> vector<4096x64xf32>
    %bitcast_convert_type3A = tpu.bitcast %dot_general3A_4 : vector<4096x64xf32> -> vector<4096x64xi32>
    %add3A = arith.constant 32768 : i32
    %add3A_10 = vector.broadcast %add3A : i32 to vector<4096x64xi32>
    %add3A_11 = arith.addi %bitcast_convert_type3A, %add3A_10 : vector<4096x64xi32>
    %bitcast_convert_type3A_12 = tpu.bitcast %dot_general3A_9 : vector<4096x64xf32> -> vector<4096x64xi32>
    %add3A_13 = arith.constant 32768 : i32
    %add3A_14 = vector.broadcast %add3A_13 : i32 to vector<4096x64xi32>
    %add3A_15 = arith.addi %bitcast_convert_type3A_12, %add3A_14 : vector<4096x64xi32>
    %and3A = arith.constant -65536 : i32
    %and3A_16 = vector.broadcast %and3A : i32 to vector<4096x64xi32>
    %and3A_17 = arith.andi %add3A_15, %and3A_16 : vector<4096x64xi32>
    %shift_right_logical3A = arith.constant 16 : i32
    %shift_right_logical3A_18 = vector.broadcast %shift_right_logical3A : i32 to vector<4096x64xi32>
    %shift_right_logical3A_19 = arith.shrui %add3A_11, %shift_right_logical3A_18 : vector<4096x64xi32>
    %or3A = arith.ori %and3A_17, %shift_right_logical3A_19 : vector<4096x64xi32>
    %get3A_20 = arith.constant 0 : index
    %get3A_21 = arith.constant 0 : index
    %get3A_22 = vector.load %arg2[%get3A_20, %get3A_21] : memref<64x4096xf32, #tpu.memory_space<vmem>>, vector<64x4096xf32>
    %dot_general3A_23 = arith.constant dense<0.000000e+00> : vector<4096x64xf32>
    %dot_general3A_24 = tpu.matmul %get3A_22, %convert_element_type3A_1, %dot_general3A_23 {dimension_numbers = #tpu.dot_dimension_numbers<[0], [0], [1], [1], [0, 1, 1, 1], [], []>, transpose_lhs_hint = false} : vector<64x4096xf32>, vector<64x64xf32>, vector<4096x64xf32> -> vector<4096x64xf32>
    %get3A_25 = arith.constant 0 : index
    %get3A_26 = arith.constant 0 : index
    %get3A_27 = vector.load %arg4[%get3A_25, %get3A_26] : memref<64x4096xf32, #tpu.memory_space<vmem>>, vector<64x4096xf32>
    %dot_general3A_28 = arith.constant dense<0.000000e+00> : vector<4096x64xf32>
    %dot_general3A_29 = tpu.matmul %get3A_27, %convert_element_type3A_1, %dot_general3A_28 {dimension_numbers = #tpu.dot_dimension_numbers<[0], [0], [1], [1], [0, 1, 1, 1], [], []>, transpose_lhs_hint = false} : vector<64x4096xf32>, vector<64x64xf32>, vector<4096x64xf32> -> vector<4096x64xf32>
    %bitcast_convert_type3A_30 = tpu.bitcast %dot_general3A_24 : vector<4096x64xf32> -> vector<4096x64xi32>
    %add3A_31 = arith.constant 32768 : i32
    %add3A_32 = vector.broadcast %add3A_31 : i32 to vector<4096x64xi32>
    %add3A_33 = arith.addi %bitcast_convert_type3A_30, %add3A_32 : vector<4096x64xi32>
    %bitcast_convert_type3A_34 = tpu.bitcast %dot_general3A_29 : vector<4096x64xf32> -> vector<4096x64xi32>
    %add3A_35 = arith.constant 32768 : i32
    %add3A_36 = vector.broadcast %add3A_35 : i32 to vector<4096x64xi32>
    %add3A_37 = arith.addi %bitcast_convert_type3A_34, %add3A_36 : vector<4096x64xi32>
    %and3A_38 = arith.constant -65536 : i32
    %and3A_39 = vector.broadcast %and3A_38 : i32 to vector<4096x64xi32>
    %and3A_40 = arith.andi %add3A_37, %and3A_39 : vector<4096x64xi32>
    %shift_right_logical3A_41 = arith.constant 16 : i32
    %shift_right_logical3A_42 = vector.broadcast %shift_right_logical3A_41 : i32 to vector<4096x64xi32>
    %shift_right_logical3A_43 = arith.shrui %add3A_33, %shift_right_logical3A_42 : vector<4096x64xi32>
    %or3A_44 = arith.ori %and3A_40, %shift_right_logical3A_43 : vector<4096x64xi32>
    %concatenate3A = tpu.concatenate %or3A, %or3A_44 in 1 : vector<4096x64xi32>, vector<4096x64xi32> -> vector<4096x128xi32>
    %swap3A = arith.constant 0 : index
    %swap3A_45 = arith.constant 0 : index
    %swap3A_46 = vector.load %arg9[%swap3A, %swap3A_45] : memref<4096x128xi32, #tpu.memory_space<vmem>>, vector<4096x128xi32>
    tpu.vector_store %arg9[%swap3A, %swap3A_45], %concatenate3A {strides = array<i32>} : memref<4096x128xi32, #tpu.memory_space<vmem>>, vector<4096x128xi32>,
    %get3A_47 = arith.constant 0 : index
    %get3A_48 = arith.constant 0 : index
    %get3A_49 = vector.load %arg5[%get3A_47, %get3A_48] : memref<64x4096xf32, #tpu.memory_space<vmem>>, vector<64x4096xf32>
    %dot_general3A_50 = arith.constant dense<0.000000e+00> : vector<4096x64xf32>
    %dot_general3A_51 = tpu.matmul %get3A_49, %convert_element_type3A_1, %dot_general3A_50 {dimension_numbers = #tpu.dot_dimension_numbers<[0], [0], [1], [1], [0, 1, 1, 1], [], []>, transpose_lhs_hint = false} : vector<64x4096xf32>, vector<64x64xf32>, vector<4096x64xf32> -> vector<4096x64xf32>
    %get3A_52 = arith.constant 0 : index
    %get3A_53 = arith.constant 0 : index
    %get3A_54 = vector.load %arg7[%get3A_52, %get3A_53] : memref<64x4096xf32, #tpu.memory_space<vmem>>, vector<64x4096xf32>
    %dot_general3A_55 = arith.constant dense<0.000000e+00> : vector<4096x64xf32>
    %dot_general3A_56 = tpu.matmul %get3A_54, %convert_element_type3A_1, %dot_general3A_55 {dimension_numbers = #tpu.dot_dimension_numbers<[0], [0], [1], [1], [0, 1, 1, 1], [], []>, transpose_lhs_hint = false} : vector<64x4096xf32>, vector<64x64xf32>, vector<4096x64xf32> -> vector<4096x64xf32>
    %bitcast_convert_type3A_57 = tpu.bitcast %dot_general3A_51 : vector<4096x64xf32> -> vector<4096x64xi32>
    %add3A_58 = arith.constant 32768 : i32
    %add3A_59 = vector.broadcast %add3A_58 : i32 to vector<4096x64xi32>
    %add3A_60 = arith.addi %bitcast_convert_type3A_57, %add3A_59 : vector<4096x64xi32>
    %bitcast_convert_type3A_61 = tpu.bitcast %dot_general3A_56 : vector<4096x64xf32> -> vector<4096x64xi32>
    %add3A_62 = arith.constant 32768 : i32
    %add3A_63 = vector.broadcast %add3A_62 : i32 to vector<4096x64xi32>
    %add3A_64 = arith.addi %bitcast_convert_type3A_61, %add3A_63 : vector<4096x64xi32>
    %and3A_65 = arith.constant -65536 : i32
    %and3A_66 = vector.broadcast %and3A_65 : i32 to vector<4096x64xi32>
    %and3A_67 = arith.andi %add3A_64, %and3A_66 : vector<4096x64xi32>
    %shift_right_logical3A_68 = arith.constant 16 : i32
    %shift_right_logical3A_69 = vector.broadcast %shift_right_logical3A_68 : i32 to vector<4096x64xi32>
    %shift_right_logical3A_70 = arith.shrui %add3A_60, %shift_right_logical3A_69 : vector<4096x64xi32>
    %or3A_71 = arith.ori %and3A_67, %shift_right_logical3A_70 : vector<4096x64xi32>
    %get3A_72 = arith.constant 0 : index
    %get3A_73 = arith.constant 0 : index
    %get3A_74 = vector.load %arg6[%get3A_72, %get3A_73] : memref<64x4096xf32, #tpu.memory_space<vmem>>, vector<64x4096xf32>
    %dot_general3A_75 = arith.constant dense<0.000000e+00> : vector<4096x64xf32>
    %dot_general3A_76 = tpu.matmul %get3A_74, %convert_element_type3A_1, %dot_general3A_75 {dimension_numbers = #tpu.dot_dimension_numbers<[0], [0], [1], [1], [0, 1, 1, 1], [], []>, transpose_lhs_hint = false} : vector<64x4096xf32>, vector<64x64xf32>, vector<4096x64xf32> -> vector<4096x64xf32>
    %get3A_77 = arith.constant 0 : index
    %get3A_78 = arith.constant 0 : index
    %get3A_79 = vector.load %arg8[%get3A_77, %get3A_78] : memref<64x4096xf32, #tpu.memory_space<vmem>>, vector<64x4096xf32>
    %dot_general3A_80 = arith.constant dense<0.000000e+00> : vector<4096x64xf32>
    %dot_general3A_81 = tpu.matmul %get3A_79, %convert_element_type3A_1, %dot_general3A_80 {dimension_numbers = #tpu.dot_dimension_numbers<[0], [0], [1], [1], [0, 1, 1, 1], [], []>, transpose_lhs_hint = false} : vector<64x4096xf32>, vector<64x64xf32>, vector<4096x64xf32> -> vector<4096x64xf32>
    %bitcast_convert_type3A_82 = tpu.bitcast %dot_general3A_76 : vector<4096x64xf32> -> vector<4096x64xi32>
    %add3A_83 = arith.constant 32768 : i32
    %add3A_84 = vector.broadcast %add3A_83 : i32 to vector<4096x64xi32>
    %add3A_85 = arith.addi %bitcast_convert_type3A_82, %add3A_84 : vector<4096x64xi32>
    %bitcast_convert_type3A_86 = tpu.bitcast %dot_general3A_81 : vector<4096x64xf32> -> vector<4096x64xi32>
    %add3A_87 = arith.constant 32768 : i32
    %add3A_88 = vector.broadcast %add3A_87 : i32 to vector<4096x64xi32>
    %add3A_89 = arith.addi %bitcast_convert_type3A_86, %add3A_88 : vector<4096x64xi32>
    %and3A_90 = arith.constant -65536 : i32
    %and3A_91 = vector.broadcast %and3A_90 : i32 to vector<4096x64xi32>
    %and3A_92 = arith.andi %add3A_89, %and3A_91 : vector<4096x64xi32>
    %shift_right_logical3A_93 = arith.constant 16 : i32
    %shift_right_logical3A_94 = vector.broadcast %shift_right_logical3A_93 : i32 to vector<4096x64xi32>
    %shift_right_logical3A_95 = arith.shrui %add3A_85, %shift_right_logical3A_94 : vector<4096x64xi32>
    %or3A_96 = arith.ori %and3A_92, %shift_right_logical3A_95 : vector<4096x64xi32>
    %concatenate3A_97 = tpu.concatenate %or3A_71, %or3A_96 in 1 : vector<4096x64xi32>, vector<4096x64xi32> -> vector<4096x128xi32>
    %swap3A_98 = arith.constant 0 : index
    %swap3A_99 = arith.constant 0 : index
    %swap3A_100 = vector.load %arg10[%swap3A_98, %swap3A_99] : memref<4096x128xi32, #tpu.memory_space<vmem>>, vector<4096x128xi32>
    tpu.vector_store %arg10[%swap3A_98, %swap3A_99], %concatenate3A_97 {strides = array<i32>} : memref<4096x128xi32, #tpu.memory_space<vmem>>, vector<4096x128xi32>,
    return
  }
  func.func @transform_0(%arg0: i32) -> (i32, i32) {
    %add3A = arith.constant 0 : i32
    %add3A_0 = arith.addi %arg0, %add3A : i32
    %min3A = arith.constant 244 : i32
    %min3A_1 = arith.minsi %add3A_0, %min3A : i32
    %c0_i32 = arith.constant 0 : i32
    %c0_i32_2 = arith.constant 0 : i32
    return %c0_i32, %min3A_1 : i32, i32
  }
  func.func @transform_1(%arg0: i32) -> (i32, i32) {
    %add3A = arith.constant 62 : i32
    %add3A_0 = arith.addi %arg0, %add3A : i32
    %min3A = arith.constant 244 : i32
    %min3A_1 = arith.minsi %add3A_0, %min3A : i32
    %c0_i32 = arith.constant 0 : i32
    %c0_i32_2 = arith.constant 0 : i32
    return %c0_i32, %min3A_1 : i32, i32
  }
  func.func @transform_2(%arg0: i32) -> (i32, i32) {
    %add3A = arith.constant 124 : i32
    %add3A_0 = arith.addi %arg0, %add3A : i32
    %min3A = arith.constant 244 : i32
    %min3A_1 = arith.minsi %add3A_0, %min3A : i32
    %c0_i32 = arith.constant 0 : i32
    %c0_i32_2 = arith.constant 0 : i32
    return %c0_i32, %min3A_1 : i32, i32
  }
  func.func @transform_3(%arg0: i32) -> (i32, i32) {
    %add3A = arith.constant 186 : i32
    %add3A_0 = arith.addi %arg0, %add3A : i32
    %min3A = arith.constant 244 : i32
    %min3A_1 = arith.minsi %add3A_0, %min3A : i32
    %c0_i32 = arith.constant 0 : i32
    %c0_i32_2 = arith.constant 0 : i32
    return %c0_i32, %min3A_1 : i32, i32
  }
  func.func @transform_4(%arg0: i32) -> (i32, i32) {
    %add3A = arith.constant 0 : i32
    %add3A_0 = arith.addi %arg0, %add3A : i32
    %min3A = arith.constant 244 : i32
    %min3A_1 = arith.minsi %add3A_0, %min3A : i32
    %c0_i32 = arith.constant 0 : i32
    %c0_i32_2 = arith.constant 0 : i32
    return %c0_i32, %min3A_1 : i32, i32
  }
  func.func @transform_5(%arg0: i32) -> (i32, i32) {
    %add3A = arith.constant 62 : i32
    %add3A_0 = arith.addi %arg0, %add3A : i32
    %min3A = arith.constant 244 : i32
    %min3A_1 = arith.minsi %add3A_0, %min3A : i32
    %c0_i32 = arith.constant 0 : i32
    %c0_i32_2 = arith.constant 0 : i32
    return %c0_i32, %min3A_1 : i32, i32
  }
  func.func @transform_6(%arg0: i32) -> (i32, i32) {
    %add3A = arith.constant 124 : i32
    %add3A_0 = arith.addi %arg0, %add3A : i32
    %min3A = arith.constant 244 : i32
    %min3A_1 = arith.minsi %add3A_0, %min3A : i32
    %c0_i32 = arith.constant 0 : i32
    %c0_i32_2 = arith.constant 0 : i32
    return %c0_i32, %min3A_1 : i32, i32
  }
  func.func @transform_7(%arg0: i32) -> (i32, i32) {
    %add3A = arith.constant 186 : i32
    %add3A_0 = arith.addi %arg0, %add3A : i32
    %min3A = arith.constant 244 : i32
    %min3A_1 = arith.minsi %add3A_0, %min3A : i32
    %c0_i32 = arith.constant 0 : i32
    %c0_i32_2 = arith.constant 0 : i32
    return %c0_i32, %min3A_1 : i32, i32
  }
  func.func @transform_8(%arg0: i32) -> (i32, i32) {
    %c0_i32 = arith.constant 0 : i32
    %c0_i32_0 = arith.constant 0 : i32
    return %arg0, %c0_i32 : i32, i32
  }
  func.func @transform_9(%arg0: i32) -> (i32, i32) {
    %c0_i32 = arith.constant 0 : i32
    %c0_i32_0 = arith.constant 0 : i32
    return %arg0, %c0_i32 : i32, i32
  }
}

module attributes {stable_mosaic.version = 14 : i64} {
  func.func @_tc_reduce(%arg0: i32, %arg1: memref<4x16x128x128xi32, #tpu.memory_space<vmem>>, %arg2: memref<16x128xi32, #tpu.memory_space<vmem>>, %arg3: memref<16x128xi32, #tpu.memory_space<vmem>>, %arg4: memref<16x128xi32, #tpu.memory_space<vmem>>, %arg5: memref<16x128xi32, #tpu.memory_space<vmem>>, %arg6: memref<1x1xf32, #tpu.memory_space<smem>>, %arg7: memref<3x64xf32, #tpu.memory_space<vmem>>) attributes {dimension_semantics = [#tpu.dimension_semantics<arbitrary>], iteration_bounds = array<i64: 8>, scalar_prefetch = 0 : i64, scratch_operands = 1 : i64, tpu.core_type = #tpu.core_type<tc>, window_params = [{transform_indices = @transform_0, window_bounds = array<i64: 4, 16, 128, 128>}, {transform_indices = @transform_1, window_bounds = array<i64: 16, 128>}, {transform_indices = @transform_2, window_bounds = array<i64: 16, 128>}, {transform_indices = @transform_3, window_bounds = array<i64: 16, 128>}, {transform_indices = @transform_4, window_bounds = array<i64: 16, 128>}, {transform_indices = @transform_5, window_bounds = array<i64: 1, 1>}]} {
    %get3A = arith.constant 0 : index
    %get3A_0 = arith.constant 0 : index
    %get3A_1 = arith.constant 0 : index
    %get3A_2 = arith.constant 0 : index
    %get3A_3 = vector.load %arg1[%get3A, %get3A_0, %get3A_1, %get3A_2] : memref<4x16x128x128xi32, #tpu.memory_space<vmem>>, vector<1x16x128x128xi32>
    %get3A_4 = vector.shape_cast %get3A_3 : vector<1x16x128x128xi32> to vector<16x128x128xi32>
    %get3A_5 = arith.constant 0 : index
    %get3A_6 = arith.constant 0 : index
    %get3A_7 = vector.load %arg2[%get3A_5, %get3A_6] : memref<16x128xi32, #tpu.memory_space<vmem>>, vector<16x128xi32>
    %broadcast_in_dim3A = vector.shape_cast %get3A_7 : vector<16x128xi32> to vector<16x128x1xi32>
    %broadcast_in_dim3A_8 = vector.broadcast %broadcast_in_dim3A : vector<16x128x1xi32> to vector<16x128x64xi32>
    %ge3A = arith.constant 253952 : i32
    %ge3A_9 = vector.broadcast %ge3A : i32 to vector<16x128x64xi32>
    %ge3A_10 = arith.cmpi sge, %broadcast_in_dim3A_8, %ge3A_9 : vector<16x128x64xi32>
    %ge3A_11 = arith.constant 507904 : i32
    %ge3A_12 = vector.broadcast %ge3A_11 : i32 to vector<16x128x64xi32>
    %ge3A_13 = arith.cmpi sge, %broadcast_in_dim3A_8, %ge3A_12 : vector<16x128x64xi32>
    %ge3A_14 = arith.constant 761856 : i32
    %ge3A_15 = vector.broadcast %ge3A_14 : i32 to vector<16x128x64xi32>
    %ge3A_16 = arith.cmpi sge, %broadcast_in_dim3A_8, %ge3A_15 : vector<16x128x64xi32>
    %not3A = arith.constant dense<true> : vector<16x128x64xi1>
    %not3A_17 = arith.xori %ge3A_13, %not3A : vector<16x128x64xi1>
    %and3A = arith.andi %ge3A_10, %not3A_17 : vector<16x128x64xi1>
    %or3A = arith.ori %and3A, %ge3A_16 : vector<16x128x64xi1>
    %slice3A = vector.extract_strided_slice %get3A_4 {offsets = [0, 0, 64], sizes = [16, 128, 64], strides = [1, 1, 1]} : vector<16x128x128xi32> to vector<16x128x64xi32>
    %slice3A_18 = vector.extract_strided_slice %get3A_4 {offsets = [0, 0, 0], sizes = [16, 128, 64], strides = [1, 1, 1]} : vector<16x128x128xi32> to vector<16x128x64xi32>
    %select_n3A = arith.select %or3A, %slice3A, %slice3A_18 : vector<16x128x64xi1>, vector<16x128x64xi32>
    %and3A_19 = arith.constant -65536 : i32
    %and3A_20 = vector.broadcast %and3A_19 : i32 to vector<16x128x64xi32>
    %and3A_21 = arith.andi %select_n3A, %and3A_20 : vector<16x128x64xi32>
    %shift_left3A = arith.constant 16 : i32
    %shift_left3A_22 = vector.broadcast %shift_left3A : i32 to vector<16x128x64xi32>
    %shift_left3A_23 = arith.shli %select_n3A, %shift_left3A_22 : vector<16x128x64xi32>
    %select_n3A_24 = arith.select %ge3A_13, %and3A_21, %shift_left3A_23 : vector<16x128x64xi1>, vector<16x128x64xi32>
    %bitcast_convert_type3A = tpu.bitcast %select_n3A_24 : vector<16x128x64xi32> -> vector<16x128x64xf32>
    %get3A_25 = arith.constant 1 : index
    %get3A_26 = arith.constant 0 : index
    %get3A_27 = arith.constant 0 : index
    %get3A_28 = arith.constant 0 : index
    %get3A_29 = vector.load %arg1[%get3A_25, %get3A_26, %get3A_27, %get3A_28] : memref<4x16x128x128xi32, #tpu.memory_space<vmem>>, vector<1x16x128x128xi32>
    %get3A_30 = vector.shape_cast %get3A_29 : vector<1x16x128x128xi32> to vector<16x128x128xi32>
    %get3A_31 = arith.constant 0 : index
    %get3A_32 = arith.constant 0 : index
    %get3A_33 = vector.load %arg3[%get3A_31, %get3A_32] : memref<16x128xi32, #tpu.memory_space<vmem>>, vector<16x128xi32>
    %broadcast_in_dim3A_34 = vector.shape_cast %get3A_33 : vector<16x128xi32> to vector<16x128x1xi32>
    %broadcast_in_dim3A_35 = vector.broadcast %broadcast_in_dim3A_34 : vector<16x128x1xi32> to vector<16x128x64xi32>
    %ge3A_36 = arith.constant 253952 : i32
    %ge3A_37 = vector.broadcast %ge3A_36 : i32 to vector<16x128x64xi32>
    %ge3A_38 = arith.cmpi sge, %broadcast_in_dim3A_35, %ge3A_37 : vector<16x128x64xi32>
    %ge3A_39 = arith.constant 507904 : i32
    %ge3A_40 = vector.broadcast %ge3A_39 : i32 to vector<16x128x64xi32>
    %ge3A_41 = arith.cmpi sge, %broadcast_in_dim3A_35, %ge3A_40 : vector<16x128x64xi32>
    %ge3A_42 = arith.constant 761856 : i32
    %ge3A_43 = vector.broadcast %ge3A_42 : i32 to vector<16x128x64xi32>
    %ge3A_44 = arith.cmpi sge, %broadcast_in_dim3A_35, %ge3A_43 : vector<16x128x64xi32>
    %not3A_45 = arith.constant dense<true> : vector<16x128x64xi1>
    %not3A_46 = arith.xori %ge3A_41, %not3A_45 : vector<16x128x64xi1>
    %and3A_47 = arith.andi %ge3A_38, %not3A_46 : vector<16x128x64xi1>
    %or3A_48 = arith.ori %and3A_47, %ge3A_44 : vector<16x128x64xi1>
    %slice3A_49 = vector.extract_strided_slice %get3A_30 {offsets = [0, 0, 64], sizes = [16, 128, 64], strides = [1, 1, 1]} : vector<16x128x128xi32> to vector<16x128x64xi32>
    %slice3A_50 = vector.extract_strided_slice %get3A_30 {offsets = [0, 0, 0], sizes = [16, 128, 64], strides = [1, 1, 1]} : vector<16x128x128xi32> to vector<16x128x64xi32>
    %select_n3A_51 = arith.select %or3A_48, %slice3A_49, %slice3A_50 : vector<16x128x64xi1>, vector<16x128x64xi32>
    %and3A_52 = arith.constant -65536 : i32
    %and3A_53 = vector.broadcast %and3A_52 : i32 to vector<16x128x64xi32>
    %and3A_54 = arith.andi %select_n3A_51, %and3A_53 : vector<16x128x64xi32>
    %shift_left3A_55 = arith.constant 16 : i32
    %shift_left3A_56 = vector.broadcast %shift_left3A_55 : i32 to vector<16x128x64xi32>
    %shift_left3A_57 = arith.shli %select_n3A_51, %shift_left3A_56 : vector<16x128x64xi32>
    %select_n3A_58 = arith.select %ge3A_41, %and3A_54, %shift_left3A_57 : vector<16x128x64xi1>, vector<16x128x64xi32>
    %bitcast_convert_type3A_59 = tpu.bitcast %select_n3A_58 : vector<16x128x64xi32> -> vector<16x128x64xf32>
    %get3A_60 = arith.constant 2 : index
    %get3A_61 = arith.constant 0 : index
    %get3A_62 = arith.constant 0 : index
    %get3A_63 = arith.constant 0 : index
    %get3A_64 = vector.load %arg1[%get3A_60, %get3A_61, %get3A_62, %get3A_63] : memref<4x16x128x128xi32, #tpu.memory_space<vmem>>, vector<1x16x128x128xi32>
    %get3A_65 = vector.shape_cast %get3A_64 : vector<1x16x128x128xi32> to vector<16x128x128xi32>
    %get3A_66 = arith.constant 0 : index
    %get3A_67 = arith.constant 0 : index
    %get3A_68 = vector.load %arg4[%get3A_66, %get3A_67] : memref<16x128xi32, #tpu.memory_space<vmem>>, vector<16x128xi32>
    %broadcast_in_dim3A_69 = vector.shape_cast %get3A_68 : vector<16x128xi32> to vector<16x128x1xi32>
    %broadcast_in_dim3A_70 = vector.broadcast %broadcast_in_dim3A_69 : vector<16x128x1xi32> to vector<16x128x64xi32>
    %ge3A_71 = arith.constant 253952 : i32
    %ge3A_72 = vector.broadcast %ge3A_71 : i32 to vector<16x128x64xi32>
    %ge3A_73 = arith.cmpi sge, %broadcast_in_dim3A_70, %ge3A_72 : vector<16x128x64xi32>
    %ge3A_74 = arith.constant 507904 : i32
    %ge3A_75 = vector.broadcast %ge3A_74 : i32 to vector<16x128x64xi32>
    %ge3A_76 = arith.cmpi sge, %broadcast_in_dim3A_70, %ge3A_75 : vector<16x128x64xi32>
    %ge3A_77 = arith.constant 761856 : i32
    %ge3A_78 = vector.broadcast %ge3A_77 : i32 to vector<16x128x64xi32>
    %ge3A_79 = arith.cmpi sge, %broadcast_in_dim3A_70, %ge3A_78 : vector<16x128x64xi32>
    %not3A_80 = arith.constant dense<true> : vector<16x128x64xi1>
    %not3A_81 = arith.xori %ge3A_76, %not3A_80 : vector<16x128x64xi1>
    %and3A_82 = arith.andi %ge3A_73, %not3A_81 : vector<16x128x64xi1>
    %or3A_83 = arith.ori %and3A_82, %ge3A_79 : vector<16x128x64xi1>
    %slice3A_84 = vector.extract_strided_slice %get3A_65 {offsets = [0, 0, 64], sizes = [16, 128, 64], strides = [1, 1, 1]} : vector<16x128x128xi32> to vector<16x128x64xi32>
    %slice3A_85 = vector.extract_strided_slice %get3A_65 {offsets = [0, 0, 0], sizes = [16, 128, 64], strides = [1, 1, 1]} : vector<16x128x128xi32> to vector<16x128x64xi32>
    %select_n3A_86 = arith.select %or3A_83, %slice3A_84, %slice3A_85 : vector<16x128x64xi1>, vector<16x128x64xi32>
    %and3A_87 = arith.constant -65536 : i32
    %and3A_88 = vector.broadcast %and3A_87 : i32 to vector<16x128x64xi32>
    %and3A_89 = arith.andi %select_n3A_86, %and3A_88 : vector<16x128x64xi32>
    %shift_left3A_90 = arith.constant 16 : i32
    %shift_left3A_91 = vector.broadcast %shift_left3A_90 : i32 to vector<16x128x64xi32>
    %shift_left3A_92 = arith.shli %select_n3A_86, %shift_left3A_91 : vector<16x128x64xi32>
    %select_n3A_93 = arith.select %ge3A_76, %and3A_89, %shift_left3A_92 : vector<16x128x64xi1>, vector<16x128x64xi32>
    %bitcast_convert_type3A_94 = tpu.bitcast %select_n3A_93 : vector<16x128x64xi32> -> vector<16x128x64xf32>
    %get3A_95 = arith.constant 3 : index
    %get3A_96 = arith.constant 0 : index
    %get3A_97 = arith.constant 0 : index
    %get3A_98 = arith.constant 0 : index
    %get3A_99 = vector.load %arg1[%get3A_95, %get3A_96, %get3A_97, %get3A_98] : memref<4x16x128x128xi32, #tpu.memory_space<vmem>>, vector<1x16x128x128xi32>
    %get3A_100 = vector.shape_cast %get3A_99 : vector<1x16x128x128xi32> to vector<16x128x128xi32>
    %get3A_101 = arith.constant 0 : index
    %get3A_102 = arith.constant 0 : index
    %get3A_103 = vector.load %arg5[%get3A_101, %get3A_102] : memref<16x128xi32, #tpu.memory_space<vmem>>, vector<16x128xi32>
    %broadcast_in_dim3A_104 = vector.shape_cast %get3A_103 : vector<16x128xi32> to vector<16x128x1xi32>
    %broadcast_in_dim3A_105 = vector.broadcast %broadcast_in_dim3A_104 : vector<16x128x1xi32> to vector<16x128x64xi32>
    %ge3A_106 = arith.constant 253952 : i32
    %ge3A_107 = vector.broadcast %ge3A_106 : i32 to vector<16x128x64xi32>
    %ge3A_108 = arith.cmpi sge, %broadcast_in_dim3A_105, %ge3A_107 : vector<16x128x64xi32>
    %ge3A_109 = arith.constant 507904 : i32
    %ge3A_110 = vector.broadcast %ge3A_109 : i32 to vector<16x128x64xi32>
    %ge3A_111 = arith.cmpi sge, %broadcast_in_dim3A_105, %ge3A_110 : vector<16x128x64xi32>
    %ge3A_112 = arith.constant 761856 : i32
    %ge3A_113 = vector.broadcast %ge3A_112 : i32 to vector<16x128x64xi32>
    %ge3A_114 = arith.cmpi sge, %broadcast_in_dim3A_105, %ge3A_113 : vector<16x128x64xi32>
    %not3A_115 = arith.constant dense<true> : vector<16x128x64xi1>
    %not3A_116 = arith.xori %ge3A_111, %not3A_115 : vector<16x128x64xi1>
    %and3A_117 = arith.andi %ge3A_108, %not3A_116 : vector<16x128x64xi1>
    %or3A_118 = arith.ori %and3A_117, %ge3A_114 : vector<16x128x64xi1>
    %slice3A_119 = vector.extract_strided_slice %get3A_100 {offsets = [0, 0, 64], sizes = [16, 128, 64], strides = [1, 1, 1]} : vector<16x128x128xi32> to vector<16x128x64xi32>
    %slice3A_120 = vector.extract_strided_slice %get3A_100 {offsets = [0, 0, 0], sizes = [16, 128, 64], strides = [1, 1, 1]} : vector<16x128x128xi32> to vector<16x128x64xi32>
    %select_n3A_121 = arith.select %or3A_118, %slice3A_119, %slice3A_120 : vector<16x128x64xi1>, vector<16x128x64xi32>
    %and3A_122 = arith.constant -65536 : i32
    %and3A_123 = vector.broadcast %and3A_122 : i32 to vector<16x128x64xi32>
    %and3A_124 = arith.andi %select_n3A_121, %and3A_123 : vector<16x128x64xi32>
    %shift_left3A_125 = arith.constant 16 : i32
    %shift_left3A_126 = vector.broadcast %shift_left3A_125 : i32 to vector<16x128x64xi32>
    %shift_left3A_127 = arith.shli %select_n3A_121, %shift_left3A_126 : vector<16x128x64xi32>
    %select_n3A_128 = arith.select %ge3A_111, %and3A_124, %shift_left3A_127 : vector<16x128x64xi1>, vector<16x128x64xi32>
    %bitcast_convert_type3A_129 = tpu.bitcast %select_n3A_128 : vector<16x128x64xi32> -> vector<16x128x64xf32>
    %eq3A = arith.constant 0 : i32
    %eq3A_130 = arith.cmpi eq, %arg0, %eq3A : i32
    %convert_element_type3A = arith.extui %eq3A_130 : i1 to i32
    %cond3A = arith.constant 0 : i32
    %cond3A_131 = arith.cmpi ne, %convert_element_type3A, %cond3A : i32
    scf.if %cond3A_131 {
      %broadcast_in_dim3A_158 = arith.constant 0.000000e+00 : f32
      %broadcast_in_dim3A_159 = vector.broadcast %broadcast_in_dim3A_158 : f32 to vector<3x64xf32>
      %swap3A_160 = arith.constant 0 : index
      %swap3A_161 = arith.constant 0 : index
      %swap3A_162 = vector.load %arg7[%swap3A_160, %swap3A_161] : memref<3x64xf32, #tpu.memory_space<vmem>>, vector<3x64xf32>
      tpu.vector_store %arg7[%swap3A_160, %swap3A_161], %broadcast_in_dim3A_159 {strides = array<i32>} : memref<3x64xf32, #tpu.memory_space<vmem>>, vector<3x64xf32>,
    } else {
    }
    %get3A_132 = arith.constant 0 : index
    %get3A_133 = arith.constant 0 : index
    %get3A_134 = vector.load %arg7[%get3A_132, %get3A_133] : memref<3x64xf32, #tpu.memory_space<vmem>>, vector<3x64xf32>
    %mul3A = arith.mulf %bitcast_convert_type3A, %bitcast_convert_type3A_59 : vector<16x128x64xf32>
    %reduce_sum3A = arith.constant dense<0.000000e+00> : vector<128x64xf32>
    %reduce_sum3A_135 = vector.multi_reduction <add>, %mul3A, %reduce_sum3A [0] : vector<16x128x64xf32> to vector<128x64xf32>
    %reduce_sum3A_136 = arith.constant dense<0.000000e+00> : vector<64xf32>
    %reduce_sum3A_137 = vector.multi_reduction <add>, %reduce_sum3A_135, %reduce_sum3A_136 [0] : vector<128x64xf32> to vector<64xf32>
    %broadcast_in_dim3A_138 = vector.shape_cast %reduce_sum3A_137 : vector<64xf32> to vector<1x64xf32>
    %mul3A_139 = arith.mulf %bitcast_convert_type3A, %bitcast_convert_type3A_94 : vector<16x128x64xf32>
    %reduce_sum3A_140 = arith.constant dense<0.000000e+00> : vector<128x64xf32>
    %reduce_sum3A_141 = vector.multi_reduction <add>, %mul3A_139, %reduce_sum3A_140 [0] : vector<16x128x64xf32> to vector<128x64xf32>
    %reduce_sum3A_142 = arith.constant dense<0.000000e+00> : vector<64xf32>
    %reduce_sum3A_143 = vector.multi_reduction <add>, %reduce_sum3A_141, %reduce_sum3A_142 [0] : vector<128x64xf32> to vector<64xf32>
    %broadcast_in_dim3A_144 = vector.shape_cast %reduce_sum3A_143 : vector<64xf32> to vector<1x64xf32>
    %mul3A_145 = arith.mulf %bitcast_convert_type3A, %bitcast_convert_type3A_129 : vector<16x128x64xf32>
    %reduce_sum3A_146 = arith.constant dense<0.000000e+00> : vector<128x64xf32>
    %reduce_sum3A_147 = vector.multi_reduction <add>, %mul3A_145, %reduce_sum3A_146 [0] : vector<16x128x64xf32> to vector<128x64xf32>
    %reduce_sum3A_148 = arith.constant dense<0.000000e+00> : vector<64xf32>
    %reduce_sum3A_149 = vector.multi_reduction <add>, %reduce_sum3A_147, %reduce_sum3A_148 [0] : vector<128x64xf32> to vector<64xf32>
    %broadcast_in_dim3A_150 = vector.shape_cast %reduce_sum3A_149 : vector<64xf32> to vector<1x64xf32>
    %concatenate3A = tpu.concatenate %broadcast_in_dim3A_138, %broadcast_in_dim3A_144, %broadcast_in_dim3A_150 in 0 : vector<1x64xf32>, vector<1x64xf32>, vector<1x64xf32> -> vector<3x64xf32>
    %add3A = arith.addf %get3A_134, %concatenate3A : vector<3x64xf32>
    %swap3A = arith.constant 0 : index
    %swap3A_151 = arith.constant 0 : index
    %swap3A_152 = vector.load %arg7[%swap3A, %swap3A_151] : memref<3x64xf32, #tpu.memory_space<vmem>>, vector<3x64xf32>
    tpu.vector_store %arg7[%swap3A, %swap3A_151], %add3A {strides = array<i32>} : memref<3x64xf32, #tpu.memory_space<vmem>>, vector<3x64xf32>,
    %eq3A_153 = arith.constant 7 : i32
    %eq3A_154 = arith.cmpi eq, %arg0, %eq3A_153 : i32
    %convert_element_type3A_155 = arith.extui %eq3A_154 : i1 to i32
    %cond3A_156 = arith.constant 0 : i32
    %cond3A_157 = arith.cmpi ne, %convert_element_type3A_155, %cond3A_156 : i32
    scf.if %cond3A_157 {
      %get3A_158 = arith.constant 0 : index
      %get3A_159 = arith.constant 0 : index
      %get3A_160 = vector.load %arg7[%get3A_158, %get3A_159] : memref<3x64xf32, #tpu.memory_space<vmem>>, vector<3x64xf32>
      %iota3A = tpu.iota {dimensions = array<i32: 0>} : vector<3x64xi32>
      %eq3A_161 = arith.constant 0 : i32
      %eq3A_162 = vector.broadcast %eq3A_161 : i32 to vector<3x64xi32>
      %eq3A_163 = arith.cmpi eq, %iota3A, %eq3A_162 : vector<3x64xi32>
      %neg3A = arith.constant 0.000000e+00 : f32
      %neg3A_164 = vector.broadcast %neg3A : f32 to vector<3x64xf32>
      %neg3A_165 = arith.subf %neg3A_164, %get3A_160 : vector<3x64xf32>
      %select_n3A_166 = arith.select %eq3A_163, %get3A_160, %neg3A_165 : vector<3x64xi1>, vector<3x64xf32>
      %min3A = arith.constant 0.000000e+00 : f32
      %min3A_167 = vector.broadcast %min3A : f32 to vector<3x64xf32>
      %min3A_168 = arith.minimumf %select_n3A_166, %min3A_167 : vector<3x64xf32>
      %abs3A = math.absf %select_n3A_166 : vector<3x64xf32>
      %neg3A_169 = arith.constant 0.000000e+00 : f32
      %neg3A_170 = vector.broadcast %neg3A_169 : f32 to vector<3x64xf32>
      %neg3A_171 = arith.subf %neg3A_170, %abs3A : vector<3x64xf32>
      %exp3A = math.exp %neg3A_171 : vector<3x64xf32>
      %log1p3A = math.log1p %exp3A : vector<3x64xf32>
      %sub3A = arith.subf %min3A_168, %log1p3A : vector<3x64xf32>
      %reduce_sum3A_172 = vector.shape_cast %sub3A : vector<3x64xf32> to vector<1x3x64xf32>
      %reduce_sum3A_173 = arith.constant dense<0.000000e+00> : vector<1xf32>
      %reduce_sum3A_174 = vector.multi_reduction <add>, %reduce_sum3A_172, %reduce_sum3A_173 [1, 2] : vector<1x3x64xf32> to vector<1xf32>
      %reduce_sum3A_175 = vector.shape_cast %reduce_sum3A_174 : vector<1xf32> to vector<1x1x1xf32>
      %reduce_sum3A_176 = vector.extract %reduce_sum3A_175[0, 0, 0] : f32 from vector<1x1x1xf32>
      %neg3A_177 = arith.constant 0.000000e+00 : f32
      %neg3A_178 = arith.subf %neg3A_177, %reduce_sum3A_176 : f32
      %swap3A_179 = arith.constant 0 : index
      %swap3A_180 = arith.constant 0 : index
      %swap3A_181 = memref.load %arg6[%swap3A_179, %swap3A_180] : memref<1x1xf32, #tpu.memory_space<smem>>
      memref.store %neg3A_178, %arg6[%swap3A_179, %swap3A_180] : memref<1x1xf32, #tpu.memory_space<smem>>
    } else {
    }
    return
  }
  func.func @transform_0(%arg0: i32) -> (i32, i32, i32, i32) {
    %c0_i32 = arith.constant 0 : i32
    %c0_i32_0 = arith.constant 0 : i32
    %c0_i32_1 = arith.constant 0 : i32
    %c0_i32_2 = arith.constant 0 : i32
    return %c0_i32, %arg0, %c0_i32_0, %c0_i32_1 : i32, i32, i32, i32
  }
  func.func @transform_1(%arg0: i32) -> (i32, i32) {
    %c0_i32 = arith.constant 0 : i32
    %c0_i32_0 = arith.constant 0 : i32
    return %arg0, %c0_i32 : i32, i32
  }
  func.func @transform_2(%arg0: i32) -> (i32, i32) {
    %c0_i32 = arith.constant 0 : i32
    %c0_i32_0 = arith.constant 0 : i32
    return %arg0, %c0_i32 : i32, i32
  }
  func.func @transform_3(%arg0: i32) -> (i32, i32) {
    %c0_i32 = arith.constant 0 : i32
    %c0_i32_0 = arith.constant 0 : i32
    return %arg0, %c0_i32 : i32, i32
  }
  func.func @transform_4(%arg0: i32) -> (i32, i32) {
    %c0_i32 = arith.constant 0 : i32
    %c0_i32_0 = arith.constant 0 : i32
    return %arg0, %c0_i32 : i32, i32
  }
  func.func @transform_5(%arg0: i32) -> (i32, i32) {
    %c0_i32 = arith.constant 0 : i32
    %c0_i32_0 = arith.constant 0 : i32
    %c0_i32_1 = arith.constant 0 : i32
    return %c0_i32, %c0_i32_0 : i32, i32
  }
}

</mosaic_0001>

<sc_bundles>
// kernel: kernel.5.cloned.1.call-start
scs
__scs_entry_jumppad:
0x0: {  	(pc) =	sbr.rel $0x88, $3  }
0x1: {  	(tag) =	ssettag $0x0;
	lr =	simm.s32 $0x1  }
0x2: {  	[smem:$0x3F9B] =	sst lr;
	_ =	strace $0xD0000000  }
0x3: {  	_ = 	snop  }
0x4: {  	_ = 	snop  }
0x5: {  	_ = 	snop  }
0x6: {  	_ = 	snop  }
0x7: {  	_ = 	snop  }
__scs_overlays_trampoline_lowered:
0x8: {  	[smem:$0x3FAA] =	sst s0  }
0x9: {  	[smem:$0x3FAB] =	sst s1  }
0xa: {  	[smem:$0x3FAC] =	sst s2  }
0xb: {  	[smem:$0x3FAD] =	sst s3  }
0xc: {  	[smem:$0x3FAE] =	sst s4  }
0xd: {  	[smem:$0x3FAF] =	sst s5  }
0xe: {  	[smem:$0x3FB0] =	sst s6  }
0xf: {  	[smem:$0x3FB1] =	sst s7  }
0x10: {  	[smem:$0x3FB2] =	sst s8  }
0x11: {  	[smem:$0x3FB3] =	sst s9;
	s0 =	simm.s32 @!p0 $0x0  }
0x12: {  	s1 =	sld [smem:$0x3F99];
	s0 =	simm.s32 @p0 $0x1  }
0x13: {  	[smem:$0x3FB4] =	sst s0;
	s0 =	simm.s32 @!p1 $0x0  }
0x14: {  	s2 =	sld [smem:$0x3F98];
	s0 =	simm.s32 @p1 $0x1  }
0x15: {  	[smem:$0x3FB5] =	sst s0;
	s0 =	simm.s32 @!p2 $0x0  }
0x16: {  	s3 =	sld [smem:$0x3FDB];
	s0 =	simm.s32 @p2 $0x1  }
0x17: {  	s4 =	simm.s32 $0x1BF5;
	[smem:$0x3FB7] =	sst s0  }
0x18: {  	s0 =	sld [smem:$0x3F9A];
	_ =	swait.ge [sflag:s4], $0x0  }
0x19: {  	s7 =	sld [smem:$0x3F9B]  }
0x1a: {  	s8 =	sadd.s32 $0xFFFFE003, lr  }
0x1b: {  	s9 =	sadd.s32 $0xFFFFFEF7, lr;
	s5 =	simm.s32 $0xFFFFFFFF;
	p2 =	slt.u32 s8, $0xFFFFF086  }
0x1c: {  	p1 =	slt.u32 s9, $0xF7A;
	s5 =	simm.s32 @!p2 $0x0  }
0x1d: {  	s5 =	simm.s32 @p1 $0x1;
	p0 =	seq.s32 s7, s2  }
0x1e: {  	s7 =	smul.u32 @!p0 $0xF7A, s2;
	p2 =	seq.s32 @!p0 s5, $0x0  }
0x1f: {  	s9 =	smul.u32 $0xF7A, s1;
	s8 =	simm.s32 @!p0 $0x1BF5;
	p2 =	por !p2, p0  }
0x20: {  	[sflag:s8] =	ssyncset.s32 @!p0 $0xFFFFF086;
	s6 =	sadd.s32 @!p0 s3, s7;
	s7 =	simm.s32 @!p0 $0x108  }
0x21: {  	s3 =	sadd.s32 s3, s9;
	s6 =	sadd.s32 @!p0 $0x88, s6;
	s7 =	simm.s32 @p2 $0x1082  }
0x22: {  	[simem:s7], [sflag:s8] =	dma.local @!p0 [hbm:s6], $0xF7A  }
0x23: {  	s9 =	sor.u32 $0xD0000000, s2;
	s6 =	simm.s32 $0x108;
	_ =	swait.ge @!p0 [sflag:s8], $0x0  }
0x24: {  	s3 =	sadd.s32 $0x88, s3;
	s6 =	simm.s32 @!p1 $0x1082;
	[sflag:s4] =	ssyncset.s32 $0xFFFFF086  }
0x25: {  	[simem:s6], [sflag:s4] =	dma.local [hbm:s3], $0xF7A  }
0x26: {  	[smem:$0x3F9B] =	sst s1;
	(tag) =	ssettag s2;
	_ =	strace s9  }
0x27: {  	s1 =	sld [smem:$0x3FAB]  }
0x28: {  	s2 =	sld [smem:$0x3FAC]  }
0x29: {  	s4 =	sld [smem:$0x3FAE]  }
0x2a: {  	p0 =	seq.s32 s5, $0x0;
	s5 =	sld [smem:$0x3FAF]  }
0x2b: {  	s6 =	sld [smem:$0x3FB0]  }
0x2c: {  	s7 =	sld [smem:$0x3FB1]  }
0x2d: {  	s3 =	simm.s32 $0x108;
	s8 =	sld [smem:$0x3FB2]  }
0x2e: {  	s3 =	simm.s32 @!p0 $0x1082;
	s9 =	sld [smem:$0x3FB3]  }
0x2f: {  	lr =	sadd.s32 s0, s3;
	s0 =	sld [smem:$0x3FAA]  }
0x30: {  	s3 =	sld [smem:$0x3FAD]  }
0x31: {  	[smem:$0x3FB6] =	sst s10  }
0x32: {  	s10 =	sld [smem:$0x3FB4];
	_ =	sdelay $0x3  }
0x33: {  	p0 =	seq.s32 s10, $0x1;
	s10 =	sld [smem:$0x3FB6];
	_ =	sdelay $0x3  }
0x34: {  	[smem:$0x3FB6] =	sst s10  }
0x35: {  	s10 =	sld [smem:$0x3FB5];
	_ =	sdelay $0x3  }
0x36: {  	p1 =	seq.s32 s10, $0x1;
	s10 =	sld [smem:$0x3FB6];
	_ =	sdelay $0x3  }
0x37: {  	[smem:$0x3FB6] =	sst s10  }
0x38: {  	s10 =	sld [smem:$0x3FB7]  }
0x39: {  	_ = 	snop;
	(pc) =	sbr.ind lr, $3  }
0x3a: {  	_ = 	snop  }
0x3b: {  	_ = 	snop  }
0x3c: {  	p2 =	seq.s32 s10, $0x1;
	s10 =	sld [smem:$0x3FB6]  }
0x3d: {  	_ =	shalt  }
0x3e: {  	_ =	shalt  }
0x3f: {  	_ =	shalt  }
0x40: {  	_ =	shalt  }
0x41: {  	_ =	shalt  }
0x42: {  	_ =	shalt  }
0x43: {  	_ =	shalt  }
0x44: {  	_ =	shalt  }
0x45: {  	_ =	shalt  }
0x46: {  	_ =	shalt  }
0x47: {  	_ =	shalt  }
0x48: {  	_ =	shalt  }
0x49: {  	_ =	shalt  }
0x4a: {  	_ =	shalt  }
0x4b: {  	_ =	shalt  }
0x4c: {  	_ =	shalt  }
0x4d: {  	_ =	shalt  }
0x4e: {  	_ =	shalt  }
0x4f: {  	_ =	shalt  }
0x50: {  	_ =	shalt  }
0x51: {  	_ =	shalt  }
0x52: {  	_ =	shalt  }
0x53: {  	_ =	shalt  }
0x54: {  	_ =	shalt  }
0x55: {  	_ =	shalt  }
0x56: {  	_ =	shalt  }
0x57: {  	_ =	shalt  }
0x58: {  	_ =	shalt  }
0x59: {  	_ =	shalt  }
0x5a: {  	_ =	shalt  }
0x5b: {  	_ =	shalt  }
0x5c: {  	_ =	shalt  }
0x5d: {  	_ =	shalt  }
0x5e: {  	_ =	shalt  }
0x5f: {  	_ =	shalt  }
0x60: {  	_ =	shalt  }
0x61: {  	_ =	shalt  }
0x62: {  	_ =	shalt  }
0x63: {  	_ =	shalt  }
0x64: {  	_ =	shalt  }
0x65: {  	_ =	shalt  }
0x66: {  	_ =	shalt  }
0x67: {  	_ =	shalt  }
0x68: {  	_ =	shalt  }
0x69: {  	_ =	shalt  }
0x6a: {  	_ =	shalt  }
0x6b: {  	_ =	shalt  }
0x6c: {  	_ =	shalt  }
0x6d: {  	_ =	shalt  }
0x6e: {  	_ =	shalt  }
0x6f: {  	_ =	shalt  }
0x70: {  	_ =	shalt  }
0x71: {  	_ =	shalt  }
0x72: {  	_ =	shalt  }
0x73: {  	_ =	shalt  }
0x74: {  	_ =	shalt  }
0x75: {  	_ =	shalt  }
0x76: {  	_ =	shalt  }
0x77: {  	_ =	shalt  }
0x78: {  	_ =	shalt  }
0x79: {  	_ =	shalt  }
0x7a: {  	_ =	shalt  }
0x7b: {  	_ =	shalt  }
0x7c: {  	_ =	shalt  }
0x7d: {  	_ =	shalt  }
0x7e: {  	_ =	shalt  }
0x7f: {  	_ =	shalt  }
0x80: {  	_ =	shalt  }
0x81: {  	_ =	shalt  }
0x82: {  	_ =	shalt  }
0x83: {  	_ =	shalt  }
0x84: {  	_ =	shalt  }
0x85: {  	_ =	shalt  }
0x86: {  	_ =	shalt  }
0x87: {  	_ =	shalt  }
.Lfunc_end0:
.L_simem_size_0:
called_computation_lowered:
.L_overlay_start_0:
0x88: {  	s2 =	sld [smem:$0x3FD9]  }
0x89: {  	s3 =	sld [smem:$0x3FFE];
	_ =	sdelay $0x1  }
0x8a: {  	s1 =	srdreg.scid  }
0x8b: {  	s0 =	sand.u32 $0x1, s1  }
0x8c: {  	s17 =	sshll.u32 s0, $0xA;
	s2 =	sadd.s32 s3, s2  }
0x8d: {  	s2 =	sadd.s32 s2, s17  }
0x8e: {  	[smem:$0x3FC2] =	sst s2  }
0x8f: {  	_ = 	snop  }
0x90: {  	s2 =	sld [smem:$0x3FC7]  }
0x91: {  	s18 =	sld [smem:$0x3FC6]  }
0x92: {  	s4 =	sld [smem:$0x3FC5]  }
0x93: {  	s5 =	sld [smem:$0x3FC4];
	(tm) =	ssettm $0x1  }
0x94: {  	s6 =	sld [smem:$0x3FFB];
	_ =	sdelay $0x3  }
0x95: {  	_ =	strace s6  }
0x96: {  	s6 =	sld [smem:$0x3FFC];
	_ =	sdelay $0x3  }
0x97: {  	_ =	strace s6  }
0x98: {  	s6 =	sld [smem:$0x3FFD];
	_ =	sdelay $0x3  }
0x99: {  	_ =	strace s6  }
0x9a: {  	_ =	strace $0x8FFFFFFF  }
0x9b: {  	s19 =	sld [smem:$0x3FDB];
	_ =	sdelay $0x1  }
0x9c: {  	s7 =	simm.s32 $_scs_section_size  }
0x9d: {  	s8 =	simm.s32 $_size__tile_overlayer_lowered;
	s9 =	simm.s32 $_tile_overlayer_lowered  }
0x9e: {  	s22 =	simm.s32 $0x1BFF;
	s21 =	sshll.u32 s9, $0x1;
	s6 =	sadd.s32 s7, s19  }
0x9f: {  	s10 =	simm.s32 $0x0;
	s20 =	sshll.u32 s8, $0x1;
	s8 =	sadd.s32 s21, s6  }
0xa0: {  	[timem:s10], [sflag:s22] =	dma.local [hbm:s8], s20  }
0xa1: {  	_ =	swait.ge [sflag:s22], s20  }
0xa2: {  	s7 =	ssub.s32 $0x0, s20;
	[sflag:s22] =	ssyncset.done $0x0  }
0xa3: {  	[sflag:s22] =	ssyncadd.s32 s7;
	_ =	sdelay $0x1  }
0xa4: {  	s23 =	simm.s32 $0x1B8B  }
0xa5: {  	_ =	swait.ge [sflag:s23], $0x1  }
0xa6: {  	[sflag:s23] =	ssyncset.done $0x0  }
0xa7: {  	s25 =	simm.s32 $0x1B8E;
	s24 =	sld [smem:$0x3FFE];
	[sflag:s23] =	ssyncadd.s32 $0xFFFFFFFF  }
0xa8: {  	s26 =	simm.s32 $execute0_lowered;
	[smem:$0x3FD2] =	sst s25  }
0xa9: {  	s8 =	sshll.u32 s26, $0x1;
	_ =	strace $0x80000046;
	[dreg:$0x1] =	wrdreg $0xFFFFFFFF  }
0xaa: {  	s28 =	simm.s32 $_size_execute0_lowered;
	s6 =	sadd.s32 s6, s8;
	[dreg:$0x0] =	wrdreg $0x0  }
0xab: {  	s8 =	sshll.u32 s28, $0x1;
	[dreg:$0x2] =	wrdreg s6  }
0xac: {  	[dreg:$0x3] =	wrdreg s8  }
0xad: {  	[dreg:$0x4] =	wrdreg $0xC0  }
0xae: {  	_ =	task [dreg:s10], $0x5FFFF  }
0xaf: {  	[dreg:$0x1] =	wrdreg $0xFFFFFFFF  }
0xb0: {  	[dreg:$0x0] =	wrdreg $0x60  }
0xb1: {  	[dreg:$0x2] =	wrdreg s24  }
0xb2: {  	[dreg:$0x3] =	wrdreg s2  }
0xb3: {  	[dreg:$0x4] =	wrdreg s18  }
0xb4: {  	[dreg:$0x5] =	wrdreg s4  }
0xb5: {  	[dreg:$0x6] =	wrdreg s5  }
0xb6: {  	[dreg:$0x7] =	wrdreg $0x9  }
0xb7: {  	_ =	task.clear_ibuf [dreg:s10], $0x8FFFF;
	_ =	strace $0x90000046  }
0xb8: {  	s29 =	simm.s32 $0x9;
	_ =	strace $0x80000048  }
0xb9: {  	_ =	swait.ge [sflag:s29], $0x1  }
0xba: {  	[sflag:s29] =	ssyncadd.s32 $0xFFFFFFFF  }
0xbb: {  	_ =	strace $0x90000048  }
0xbc: {  	_ =	sfence  }
0xbd: {  	s30 =	sld [smem:$0x0];
	_ =	sdelay $0x2  }
0xbe: {  	s31 =	sshll.u32 s1, $0xD;
	s1 =	sshrl.u32 s1, $0x2  }
0xbf: {  	s3 =	sand.u32 $0x4000, s31;
	s1 =	sadd.s32 s1, s30  }
0xc0: {  	s0 =	sor.u32 s3, s0;
	s1 =	sshll.u32 s1, $0x11  }
0xc1: {  	s0 =	sor.u32 s1, s0  }
0xc2: {  	s0 =	sadd.s32 $0x8F2B, s0  }
0xc3: {  	[sflag:s0] =	ssyncadd.remote.s32 $0x1  }
0xc4: {  	_ =	sfence.sel $0xFFFF  }
0xc5: {  	[dreg:$0x0] =	wrdreg $0xFFFFFFFF;
	(pc) =	sbr.abs _section_cstart, $3  }
0xc6: {  	[dreg:$0x1] =	wrdreg $0xFFFFFFFF  }
0xc7: {  	_ =	task.clear_ibuf [dreg:s10], $0x2FFFF;
	_ =	strace $0x9FFFFFFF  }
0xc8: {  	(tm) =	ssettm $0x7FFFFFFF  }
0xc9: {  	_ =	shalt  }
tec
execute0_lowered:
.L_overlay_start_1:
0x0: {  	(tag) =	ssettag $0x1  }
0x1: {  	s4 =	rddreg [dreg:$0x0]  }
0x2: {  	s1 =	rddreg [dreg:$0x1];
	s2 =	srdreg.scid  }
0x3: {  	s11 =	rddreg [dreg:$0x2];
	s0 =	stileid.u32;
	s5 =	sand.u32 $0x1, s2  }
0x4: {  	s12 =	rddreg [dreg:$0x3];
	s6 =	sshll.u32 s0, $0x9;
	s3 =	sshll.u32 s5, $0xD  }
0x5: {  	s13 =	rddreg [dreg:$0x4];
	s28 =	simm.s32 $0x300;
	s7 =	sor.u32 s6, s3  }
0x6: {  	s29 =	simm.s32 $0x8400;
	s2 =	simm.s32 $0x0;
	s3 =	sshrl.u32 s7, $0x3  }
0x7: {  	s14 =	sadd.s32 $0x7C0E00, s4;
	[smem:$0x7FF] =	sst s2;
	s18 =	sadd.s32 s1, s3  }
0x8: {  	_ =	strace $0x80000047;
	s19 =	sadd.s32 s11, s3;
	[dreg:$0x6] =	wrdreg s18  }
0x9: {  	s15 =	sadd.s32 $0x800E00, s4;
	s20 =	sadd.s32 s12, s3;
	[dreg:$0x7] =	wrdreg s19  }
0xa: {  	s21 =	sshll.u32 s7, $0x4;
	s3 =	sadd.s32 s13, s3;
	[dreg:$0x8] =	wrdreg s20  }
0xb: {  	s16 =	sadd.s32 $0x840E00, s4;
	s22 =	sadd.s32 s14, s21;
	[dreg:$0x9] =	wrdreg s3  }
0xc: {  	s17 =	sadd.s32 $0x880E00, s4;
	s23 =	sadd.s32 s21, s15;
	[dreg:$0xa] =	wrdreg s22  }
0xd: {  	s8 =	sor.u32 $0x80, s7;
	s24 =	sadd.s32 s21, s16;
	[dreg:$0xb] =	wrdreg s23  }
0xe: {  	s25 =	sadd.s32 s21, s17;
	s26 =	sshrl.u32 s8, $0x3;
	[dreg:$0xc] =	wrdreg s24  }
0xf: {  	s30 =	simm.s32 $0x380;
	[dreg:$0xd] =	wrdreg s25;
	s0 =	sadd.s32 s1, s26  }
0x10: {  	s31 =	simm.s32 $0xC400;
	s9 =	sadd.s32 s11, s26;
	[dreg:$0xe] =	wrdreg s0  }
0x11: {  	s5 =	ssub.s32 $0x2, s5;
	s10 =	sadd.s32 s12, s26;
	[dreg:$0xf] =	wrdreg s9  }
0x12: {  	s18 =	sadd.s32 s13, s26;
	s19 =	sshll.u32 s8, $0x4;
	[dreg:$0x10] =	wrdreg s10  }
0x13: {  	s3 =	sadd.s32 $0xE00, s4;
	[dreg:$0x11] =	wrdreg s18;
	s8 =	sadd.s32 s14, s19  }
0x14: {  	s4 =	sadd.s32 $0x3E0E00, s4;
	s20 =	sadd.s32 s19, s15;
	[dreg:$0x12] =	wrdreg s8  }
0x15: {  	s21 =	sadd.s32 s19, s16;
	s9 =	sor.u32 $0x100, s7;
	[dreg:$0x13] =	wrdreg s20  }
0x16: {  	s6 =	sadd.s32 s19, s17;
	s10 =	sshrl.u32 s5, $0x1;
	[dreg:$0x14] =	wrdreg s21  }
0x17: {  	s19 =	sor.u32 $0x180, s7;
	s22 =	sshrl.u32 s9, $0x3;
	[dreg:$0x15] =	wrdreg s6  }
0x18: {  	s18 =	ssub.s32 s5, s10;
	s9 =	sshll.u32 s9, $0x4;
	s20 =	sshrl.u32 s19, $0x3  }
0x19: {  	s26 =	sshll.u32 s19, $0x4;
	s19 =	simm.s32 $0x2;
	s21 =	simm.s32 $0x100  }
0x1a: {  	s23 =	sadd.s32 s1, s22;
	s24 =	sadd.s32 s11, s22;
	s25 =	sadd.s32 s12, s22  }
0x1b: {  	s5 =	sadd.s32 s13, s22;
	s6 =	sadd.s32 s14, s9;
	s7 =	sadd.s32 s9, s15  }
0x1c: {  	s8 =	sadd.s32 s9, s16;
	s9 =	sadd.s32 s9, s17;
	s10 =	sadd.s32 s1, s20  }
0x1d: {  	s11 =	sadd.s32 s11, s20;
	s12 =	sadd.s32 s12, s20;
	s13 =	sadd.s32 s13, s20  }
0x1e: {  	s14 =	sadd.s32 s14, s26;
	s15 =	sadd.s32 s26, s15;
	s16 =	sadd.s32 s26, s16  }
0x1f: {  	s17 =	sadd.s32 s26, s17;
	s18 =	smax.u32 s18, $0x1;
	[dreg:$0x16] =	wrdreg s23  }
0x20: {  	s20 =	simm.s32 $0x80;
	s22 =	simm.s32 $0x180;
	[dreg:$0x17] =	wrdreg s24  }
0x21: {  	s26 =	simm.s32 $0x4400;
	s1 =	simm.s32 $0x1;
	[dreg:$0x18] =	wrdreg s25  }
0x22: {  	s23 =	simm.s32 $0x200;
	s24 =	simm.s32 $0x400;
	s25 =	simm.s32 $0x280  }
.LBB2_1:
0x23: {  	s0 =	rddreg [dreg:$0x6]  }
0x24: {  	[tilespmem:s2], [sflag:$0x2] =	stream.linear.gather [hbm4b:s0+s2], $0x80, $0x38;
	[tilespmem:$0x10400] =	vst v63  }
0x25: {  	_ =	swait.ge [sflag:s19], $0x80  }
0x26: {  	[sflag:s19] =	ssyncset.done $0x0  }
0x27: {  	s0 =	rddreg [dreg:$0x7];
	[sflag:s19] =	ssyncadd.s32 $0xFFFFFF80  }
0x28: {  	[tilespmem:s20], [sflag:$0x2] =	stream.linear.gather [hbm4b:s0+s2], $0x80, $0x38;
	[tilespmem:$0x10400] =	vst v63  }
0x29: {  	_ =	swait.ge [sflag:s19], $0x80  }
0x2a: {  	[sflag:s19] =	ssyncset.done $0x0  }
0x2b: {  	s0 =	rddreg [dreg:$0x8];
	[sflag:s19] =	ssyncadd.s32 $0xFFFFFF80  }
0x2c: {  	[tilespmem:s21], [sflag:$0x2] =	stream.linear.gather [hbm4b:s0+s2], $0x80, $0x38;
	[tilespmem:$0x10400] =	vst v63  }
0x2d: {  	_ =	swait.ge [sflag:s19], $0x80  }
0x2e: {  	[sflag:s19] =	ssyncset.done $0x0  }
0x2f: {  	s0 =	rddreg [dreg:$0x9];
	[sflag:s19] =	ssyncadd.s32 $0xFFFFFF80  }
0x30: {  	[tilespmem:s22], [sflag:$0x2] =	stream.linear.gather [hbm4b:s0+s2], $0x80, $0x38;
	[tilespmem:$0x10400] =	vst v63  }
0x31: {  	_ =	swait.ge [sflag:s19], $0x80  }
0x32: {  	[sflag:s19] =	ssyncset.done $0x0  }
0x33: {  	[sflag:s19] =	ssyncadd.s32 $0xFFFFFF80  }
0x34: {  	v0 =	vld [tilespmem:$0x0]  }
0x35: {  	v1 =	vld [tilespmem:$0x80]  }
0x36: {  	v2 =	vld [tilespmem:$0x100]  }
0x37: {  	v4 =	vld [tilespmem:$0x180]  }
0x38: {  	v5 =	vld [tilespmem:$0x10]  }
0x39: {  	v43 =	vld [tilespmem:$0x50]  }
0x3a: {  	v45 =	vld [tilespmem:$0xD0]  }
0x3b: {  	v49 =	vld [tilespmem:$0x150]  }
0x3c: {  	v51 =	vld [tilespmem:$0x1D0]  }
0x3d: {  	v55 =	vld [tilespmem:$0x60];
	vm0 =	vgt.s32 v0, $0x7BFFF;
	v3 =	vadd.s32 $0xFFF84000, v0  }
0x3e: {  	vm13 =	vgt.s32 v1, $0x7BFFF;
	v6 =	vadd.s32 $0xFFF84000, v1;
	vm4 =	vgt.s32 v2, $0x7BFFF  }
0x3f: {  	v9 =	vadd.s32 $0xFFF84000, v2;
	vm5 =	vgt.s32 v4, $0x7BFFF;
	v10 =	vadd.s32 $0xFFF84000, v4  }
0x40: {  	vm8 =	vgt.s32 v5, $0x7BFFF;
	v13 =	vadd.s32 $0xFFF84000, v5;
	v50 =	vadd.s32 $0xFFF84000, v43  }
0x41: {  	v52 =	vadd.s32 $0xFFF84000, v45;
	v56 =	vadd.s32 $0xFFF84000, v49;
	v58 =	vadd.s32 $0xFFF84000, v51  }
0x42: {  	v62 =	vadd.s32 $0xFFF84000, v55;
	v0 =	vsel vm0, v3, v0;
	v1 =	vsel vm13, v6, v1;
	v6 =	vld [tilespmem:$0x90]  }
0x43: {  	v2 =	vsel vm4, v9, v2;
	v3 =	vsel vm5, v10, v4;
	v4 =	vsel vm8, v13, v5;
	v9 =	vld [tilespmem:$0x20]  }
0x44: {  	v10 =	vld [tilespmem:$0xA0];
	vm14 =	vgt.s32 v0, $0x3DFFF;
	v7 =	vadd.s32 $0xFFFC2000, v0;
	vm15 =	vgt.s32 v1, $0x3DFFF  }
0x45: {  	v13 =	vld [tilespmem:$0x30];
	v8 =	vadd.s32 $0xFFFC2000, v1;
	vm6 =	vgt.s32 v2, $0x3DFFF;
	v11 =	vadd.s32 $0xFFFC2000, v2  }
0x46: {  	vm7 =	vgt.s32 v3, $0x3DFFF;
	v12 =	vadd.s32 $0xFFFC2000, v3;
	v0 =	vsel vm14, v7, v0;
	v7 =	vld [tilespmem:$0x110]  }
0x47: {  	vm10 =	vgt.s32 v4, $0x3DFFF;
	v15 =	vadd.s32 $0xFFFC2000, v4;
	v1 =	vsel vm15, v8, v1;
	v8 =	vld [tilespmem:$0x190]  }
0x48: {  	v2 =	vsel vm6, v11, v2;
	v3 =	vsel vm7, v12, v3;
	v4 =	vsel vm10, v15, v4;
	v11 =	vld [tilespmem:$0x120]  }
0x49: {  	v12 =	vld [tilespmem:$0x1A0];
	vm9 =	vgt.s32 v6, $0x7BFFF;
	v14 =	vadd.s32 $0xFFF84000, v6;
	vm4 =	vgt.s32 v9, $0x7BFFF  }
0x4a: {  	v15 =	vld [tilespmem:$0x130];
	v21 =	vadd.s32 $0xFFF84000, v9;
	vm5 =	vgt.s32 v10, $0x7BFFF;
	v5 =	vsel vm9, v14, v6  }
0x4b: {  	v22 =	vadd.s32 $0xFFF84000, v10;
	v29 =	vadd.s32 $0xFFF84000, v13;
	vm11 =	vgt.s32 v5, $0x3DFFF  }
0x4c: {  	v16 =	vadd.s32 $0xFFFC2000, v5;
	vm12 =	vgt.s32 v7, $0x7BFFF;
	v17 =	vadd.s32 $0xFFF84000, v7  }
0x4d: {  	v61 =	vld [tilespmem:$0x160];
	vm13 =	vgt.s32 v8, $0x7BFFF;
	v18 =	vadd.s32 $0xFFF84000, v8;
	vm8 =	vgt.s32 v11, $0x7BFFF  }
0x4e: {  	v25 =	vadd.s32 $0xFFF84000, v11;
	vm9 =	vgt.s32 v12, $0x7BFFF;
	v26 =	vadd.s32 $0xFFF84000, v12  }
0x4f: {  	v33 =	vadd.s32 $0xFFF84000, v15;
	v5 =	vsel vm11, v16, v5;
	v6 =	vsel vm12, v17, v7  }
0x50: {  	v7 =	vsel vm13, v18, v8;
	v8 =	vsel vm4, v21, v9;
	v9 =	vsel vm5, v22, v10  }
0x51: {  	v10 =	vsel vm8, v25, v11;
	v11 =	vsel vm9, v26, v12;
	vm12 =	vgt.s32 v13, $0x7BFFF  }
0x52: {  	vm4 =	vgt.s32 v15, $0x7BFFF;
	v21 =	vadd.s32 $0xFFF84000, v61;
	vm14 =	vgt.s32 v6, $0x3DFFF  }
0x53: {  	v19 =	vadd.s32 $0xFFFC2000, v6;
	vm15 =	vgt.s32 v7, $0x3DFFF;
	v20 =	vadd.s32 $0xFFFC2000, v7  }
0x54: {  	v63 =	vld [tilespmem:$0x1E0];
	vm6 =	vgt.s32 v8, $0x3DFFF;
	v23 =	vadd.s32 $0xFFFC2000, v8;
	vm7 =	vgt.s32 v9, $0x3DFFF  }
0x55: {  	v14 =	vld [tilespmem:$0xB0];
	v24 =	vadd.s32 $0xFFFC2000, v9;
	vm10 =	vgt.s32 v10, $0x3DFFF;
	v27 =	vadd.s32 $0xFFFC2000, v10  }
0x56: {  	vm11 =	vgt.s32 v11, $0x3DFFF;
	v28 =	vadd.s32 $0xFFFC2000, v11;
	v12 =	vsel vm12, v29, v13  }
0x57: {  	v16 =	vld [tilespmem:$0x1B0];
	v6 =	vsel vm14, v19, v6;
	v7 =	vsel vm15, v20, v7;
	v8 =	vsel vm6, v23, v8  }
0x58: {  	v17 =	vld [tilespmem:$0x40];
	v9 =	vsel vm7, v24, v9;
	v10 =	vsel vm10, v27, v10;
	v11 =	vsel vm11, v28, v11  }
0x59: {  	v18 =	vld [tilespmem:$0xC0];
	vm14 =	vgt.s32 v12, $0x3DFFF;
	v31 =	vadd.s32 $0xFFFC2000, v12;
	v23 =	vadd.s32 $0xFFF84000, v63  }
0x5a: {  	vm13 =	vgt.s32 v14, $0x7BFFF;
	v30 =	vadd.s32 $0xFFF84000, v14;
	v12 =	vsel vm14, v31, v12  }
0x5b: {  	v22 =	vld [tilespmem:$0xF0];
	v13 =	vsel vm13, v30, v14;
	v14 =	vsel vm4, v33, v15;
	vm4 =	vgt.s32 v43, $0x7BFFF  }
0x5c: {  	vm15 =	vgt.s32 v13, $0x3DFFF;
	v32 =	vadd.s32 $0xFFFC2000, v13;
	vm5 =	vgt.s32 v16, $0x7BFFF  }
0x5d: {  	v34 =	vadd.s32 $0xFFF84000, v16;
	vm6 =	vgt.s32 v14, $0x3DFFF;
	v35 =	vadd.s32 $0xFFFC2000, v14  }
0x5e: {  	v26 =	vld [tilespmem:$0x170];
	vm8 =	vgt.s32 v17, $0x7BFFF;
	v37 =	vadd.s32 $0xFFF84000, v17;
	vm9 =	vgt.s32 v18, $0x7BFFF  }
0x5f: {  	[tilespmem:$0x210] =	vst v4;
	v38 =	vadd.s32 $0xFFF84000, v18;
	v4 =	vsel vm4, v50, v43;
	vm4 =	vgt.s32 v61, $0x7BFFF  }
0x60: {  	[tilespmem:$0x200] =	vst v0;
	v19 =	vld [tilespmem:$0x140];
	v29 =	vadd.s32 $0xFFF84000, v22;
	v13 =	vsel vm15, v32, v13;
	v15 =	vsel vm5, v34, v16  }
0x61: {  	[tilespmem:$0x280] =	vst v1;
	v20 =	vld [tilespmem:$0x1C0];
	v14 =	vsel vm6, v35, v14;
	v16 =	vsel vm8, v37, v17;
	v39 =	vsel vm9, v38, v18  }
0x62: {  	[tilespmem:$0x300] =	vst v2;
	vm5 =	vgt.s32 v45, $0x7BFFF;
	vm6 =	vgt.s32 v4, $0x3DFFF;
	v53 =	vadd.s32 $0xFFFC2000, v4  }
0x63: {  	[tilespmem:$0x380] =	vst v3;
	vm8 =	vgt.s32 v49, $0x7BFFF;
	vm9 =	vgt.s32 v51, $0x7BFFF;
	v34 =	vadd.s32 $0xFFF84000, v26  }
0x64: {  	[tilespmem:$0x290] =	vst v5;
	v28 =	vld [tilespmem:$0x1F0];
	vm7 =	vgt.s32 v15, $0x3DFFF;
	v36 =	vadd.s32 $0xFFFC2000, v15;
	vm10 =	vgt.s32 v16, $0x3DFFF  }
0x65: {  	[tilespmem:$0x310] =	vst v6;
	v40 =	vadd.s32 $0xFFFC2000, v16;
	vm11 =	vgt.s32 v39, $0x3DFFF;
	v42 =	vadd.s32 $0xFFFC2000, v39  }
0x66: {  	[tilespmem:$0x390] =	vst v7;
	vm12 =	vgt.s32 v19, $0x7BFFF;
	v44 =	vadd.s32 $0xFFF84000, v19;
	vm13 =	vgt.s32 v20, $0x7BFFF  }
0x67: {  	[tilespmem:$0x220] =	vst v8;
	v46 =	vadd.s32 $0xFFF84000, v20;
	v7 =	vsel vm5, v52, v45;
	v4 =	vsel vm6, v53, v4  }
0x68: {  	v57 =	vld [tilespmem:$0xE0];
	[tilespmem:$0x2A0] =	vst v9;
	v5 =	vsel vm8, v56, v49;
	v6 =	vsel vm9, v58, v51;
	vm5 =	vgt.s32 v63, $0x7BFFF  }
0x69: {  	[tilespmem:$0x320] =	vst v10;
	vm9 =	vgt.s32 v22, $0x7BFFF;
	v35 =	vadd.s32 $0xFFF84000, v28;
	v15 =	vsel vm7, v36, v15  }
0x6a: {  	[tilespmem:$0x3A0] =	vst v11;
	v41 =	vsel vm10, v40, v16;
	v0 =	vsel vm11, v42, v39;
	v2 =	vsel vm12, v44, v19  }
0x6b: {  	[tilespmem:$0x230] =	vst v12;
	v3 =	vsel vm13, v46, v20;
	vm7 =	vgt.s32 v7, $0x3DFFF;
	v54 =	vadd.s32 $0xFFFC2000, v7  }
0x6c: {  	[tilespmem:$0x2B0] =	vst v13;
	vm10 =	vgt.s32 v5, $0x3DFFF;
	v59 =	vadd.s32 $0xFFFC2000, v5;
	vm11 =	vgt.s32 v6, $0x3DFFF  }
0x6d: {  	[tilespmem:$0x330] =	vst v14;
	v60 =	vadd.s32 $0xFFFC2000, v6;
	vm12 =	vgt.s32 v55, $0x7BFFF;
	vm13 =	vgt.s32 v57, $0x7BFFF  }
0x6e: {  	[tilespmem:$0x250] =	vst v4;
	v30 =	vsel vm9, v29, v22;
	vm14 =	vgt.s32 v2, $0x3DFFF;
	v47 =	vadd.s32 $0xFFFC2000, v2  }
0x6f: {  	vm15 =	vgt.s32 v3, $0x3DFFF;
	v48 =	vadd.s32 $0xFFFC2000, v3;
	v7 =	vsel vm7, v54, v7;
	[tilespmem:$0x3B0] =	vst v15  }
0x70: {  	v5 =	vsel vm10, v59, v5;
	v6 =	vsel vm11, v60, v6;
	v8 =	vsel vm12, v62, v55;
	[tilespmem:$0x240] =	vst v41  }
0x71: {  	v15 =	vadd.s32 $0xFFF84000, v57;
	[tilespmem:$0x2C0] =	vst v0;
	vm11 =	vgt.s32 v30, $0x3DFFF;
	v33 =	vadd.s32 $0xFFFC2000, v30  }
0x72: {  	vm12 =	vgt.s32 v26, $0x7BFFF;
	v2 =	vsel vm14, v47, v2;
	v3 =	vsel vm15, v48, v3;
	[tilespmem:$0x2D0] =	vst v7  }
0x73: {  	v16 =	vsel vm13, v15, v57;
	vm14 =	vgt.s32 v8, $0x3DFFF;
	v17 =	vadd.s32 $0xFFFC2000, v8;
	[tilespmem:$0x350] =	vst v5  }
0x74: {  	v20 =	vld [tilespmem:$0x70];
	[tilespmem:$0x3D0] =	vst v6;
	v0 =	vsel vm11, v33, v30;
	vm13 =	vgt.s32 v28, $0x7BFFF;
	v18 =	vsel vm14, v17, v8  }
0x75: {  	vm15 =	vgt.s32 v16, $0x3DFFF;
	v19 =	vadd.s32 $0xFFFC2000, v16;
	[tilespmem:$0x340] =	vst v2;
	v2 =	vsel vm4, v21, v61  }
0x76: {  	[tilespmem:$0x3C0] =	vst v3;
	v3 =	vsel vm5, v23, v63;
	v36 =	vsel vm13, v35, v28;
	v1 =	vsel vm15, v19, v16  }
0x77: {  	[tilespmem:$0x2F0] =	vst v0;
	vm6 =	vgt.s32 v2, $0x3DFFF;
	v24 =	vadd.s32 $0xFFFC2000, v2;
	vm7 =	vgt.s32 v3, $0x3DFFF  }
0x78: {  	v25 =	vadd.s32 $0xFFFC2000, v3;
	[tilespmem:$0x260] =	vst v18;
	vm15 =	vgt.s32 v36, $0x3DFFF;
	v39 =	vadd.s32 $0xFFFC2000, v36  }
0x79: {  	v2 =	vsel vm6, v24, v2;
	vm8 =	vgt.s32 v20, $0x7BFFF;
	v27 =	vadd.s32 $0xFFF84000, v20;
	[tilespmem:$0x2E0] =	vst v1  }
0x7a: {  	v3 =	vsel vm7, v25, v3;
	v40 =	vsel vm15, v39, v36;
	v4 =	vsel vm8, v27, v20;
	[tilespmem:$0x360] =	vst v2  }
0x7b: {  	[tilespmem:$0x3E0] =	vst v3;
	v2 =	vsel vm12, v34, v26;
	vm10 =	vgt.s32 v4, $0x3DFFF;
	v31 =	vadd.s32 $0xFFFC2000, v4  }
0x7c: {  	[tilespmem:$0x3F0] =	vst v40;
	vm14 =	vgt.s32 v2, $0x3DFFF;
	v37 =	vadd.s32 $0xFFFC2000, v2;
	v32 =	vsel vm10, v31, v4  }
0x7d: {  	v38 =	vsel vm14, v37, v2;
	[tilespmem:$0x270] =	vst v32  }
0x7e: {  	[tilespmem:$0x370] =	vst v38  }
0x7f: {  	[tilespmem:s24], [sflag:$0x1] =	stream.indirect.gather [hbm4b:s3+s20], $0x80, s23, s20, $0xb8;
	[tilespmem:$0x10400] =	vst v63  }
0x80: {  	_ = 	snop  }
0x81: {  	[tilespmem:s26], [sflag:$0x1] =	stream.indirect.gather [hbm4b:s4+s20], $0x80, s25, s20, $0xb8;
	[tilespmem:$0x10400] =	vst v63  }
0x82: {  	_ = 	snop  }
0x83: {  	[tilespmem:s29], [sflag:$0x1] =	stream.indirect.gather [hbm4b:s4+s20], $0x80, s28, s20, $0xb8;
	[tilespmem:$0x10400] =	vst v63  }
0x84: {  	_ = 	snop  }
0x85: {  	[tilespmem:s31], [sflag:$0x1] =	stream.indirect.gather [hbm4b:s4+s20], $0x80, s30, s20, $0xb8;
	[tilespmem:$0x10400] =	vst v63  }
0x86: {  	_ =	swait.ge [sflag:s1], $0x4000  }
0x87: {  	[sflag:s1] =	ssyncset.done $0x0  }
0x88: {  	[sflag:s1] =	ssyncadd.s32 $0xFFFFC000  }
0x89: {  	_ =	swait.ge [sflag:s1], $0x4000  }
0x8a: {  	[sflag:s1] =	ssyncset.done $0x0  }
0x8b: {  	[sflag:s1] =	ssyncadd.s32 $0xFFFFC000  }
0x8c: {  	_ =	swait.ge [sflag:s1], $0x4000  }
0x8d: {  	[sflag:s1] =	ssyncset.done $0x0  }
0x8e: {  	[sflag:s1] =	ssyncadd.s32 $0xFFFFC000  }
0x8f: {  	_ =	swait.ge [sflag:s1], $0x4000  }
0x90: {  	[sflag:s1] =	ssyncset.done $0x0  }
0x91: {  	s0 =	rddreg [dreg:$0xa];
	[sflag:s1] =	ssyncadd.s32 $0xFFFFC000  }
0x92: {  	[hbm4b:s0+s2] =	stream.linear.scatter [tilespmem:s24], [sflag:$0x2], $0x4000, $0x38;
	[tilespmem:$0x10400] =	vst v63  }
0x93: {  	_ =	swait.ge [sflag:s19], $0x4000  }
0x94: {  	[sflag:s19] =	ssyncset.done $0x0  }
0x95: {  	s0 =	rddreg [dreg:$0xb];
	[sflag:s19] =	ssyncadd.s32 $0xFFFFC000  }
0x96: {  	[hbm4b:s0+s2] =	stream.linear.scatter [tilespmem:s26], [sflag:$0x2], $0x4000, $0x38;
	[tilespmem:$0x10400] =	vst v63  }
0x97: {  	_ =	swait.ge [sflag:s19], $0x4000  }
0x98: {  	[sflag:s19] =	ssyncset.done $0x0  }
0x99: {  	s0 =	rddreg [dreg:$0xc];
	[sflag:s19] =	ssyncadd.s32 $0xFFFFC000  }
0x9a: {  	[hbm4b:s0+s2] =	stream.linear.scatter [tilespmem:s29], [sflag:$0x2], $0x4000, $0x38;
	[tilespmem:$0x10400] =	vst v63  }
0x9b: {  	_ =	swait.ge [sflag:s19], $0x4000  }
0x9c: {  	[sflag:s19] =	ssyncset.done $0x0  }
0x9d: {  	s0 =	rddreg [dreg:$0xd];
	[sflag:s19] =	ssyncadd.s32 $0xFFFFC000  }
0x9e: {  	[hbm4b:s0+s2] =	stream.linear.scatter [tilespmem:s31], [sflag:$0x2], $0x4000, $0x38;
	[tilespmem:$0x10400] =	vst v63  }
0x9f: {  	_ =	swait.ge [sflag:s19], $0x4000  }
0xa0: {  	[sflag:s19] =	ssyncset.done $0x0  }
0xa1: {  	s0 =	rddreg [dreg:$0xe];
	[sflag:s19] =	ssyncadd.s32 $0xFFFFC000  }
0xa2: {  	[tilespmem:s2], [sflag:$0x2] =	stream.linear.gather [hbm4b:s0+s2], $0x80, $0x38;
	[tilespmem:$0x10400] =	vst v63  }
0xa3: {  	_ =	swait.ge [sflag:s19], $0x80  }
0xa4: {  	[sflag:s19] =	ssyncset.done $0x0  }
0xa5: {  	s0 =	rddreg [dreg:$0xf];
	[sflag:s19] =	ssyncadd.s32 $0xFFFFFF80  }
0xa6: {  	[tilespmem:s20], [sflag:$0x2] =	stream.linear.gather [hbm4b:s0+s2], $0x80, $0x38;
	[tilespmem:$0x10400] =	vst v63  }
0xa7: {  	_ =	swait.ge [sflag:s19], $0x80  }
0xa8: {  	[sflag:s19] =	ssyncset.done $0x0  }
0xa9: {  	s0 =	rddreg [dreg:$0x10];
	[sflag:s19] =	ssyncadd.s32 $0xFFFFFF80  }
0xaa: {  	[tilespmem:s21], [sflag:$0x2] =	stream.linear.gather [hbm4b:s0+s2], $0x80, $0x38;
	[tilespmem:$0x10400] =	vst v63  }
0xab: {  	_ =	swait.ge [sflag:s19], $0x80  }
0xac: {  	[sflag:s19] =	ssyncset.done $0x0  }
0xad: {  	s0 =	rddreg [dreg:$0x11];
	[sflag:s19] =	ssyncadd.s32 $0xFFFFFF80  }
0xae: {  	[tilespmem:s22], [sflag:$0x2] =	stream.linear.gather [hbm4b:s0+s2], $0x80, $0x38;
	[tilespmem:$0x10400] =	vst v63  }
0xaf: {  	_ =	swait.ge [sflag:s19], $0x80  }
0xb0: {  	[sflag:s19] =	ssyncset.done $0x0  }
0xb1: {  	[sflag:s19] =	ssyncadd.s32 $0xFFFFFF80  }
0xb2: {  	v41 =	vld [tilespmem:$0x0]  }
0xb3: {  	v42 =	vld [tilespmem:$0x80]  }
0xb4: {  	v43 =	vld [tilespmem:$0x100]  }
0xb5: {  	v45 =	vld [tilespmem:$0x180]  }
0xb6: {  	v49 =	vld [tilespmem:$0x10]  }
0xb7: {  	v51 =	vld [tilespmem:$0x90]  }
0xb8: {  	v55 =	vld [tilespmem:$0x110]  }
0xb9: {  	v57 =	vld [tilespmem:$0x190]  }
0xba: {  	v61 =	vld [tilespmem:$0x20]  }
0xbb: {  	v63 =	vld [tilespmem:$0xA0]  }
0xbc: {  	v18 =	vld [tilespmem:$0x120]  }
0xbd: {  	v20 =	vld [tilespmem:$0x1A0]  }
0xbe: {  	v24 =	vld [tilespmem:$0x30]  }
0xbf: {  	v26 =	vld [tilespmem:$0xB0];
	vm4 =	vgt.s32 v41, $0x7BFFF;
	v44 =	vadd.s32 $0xFFF84000, v41  }
0xc0: {  	v30 =	vld [tilespmem:$0x130];
	vm5 =	vgt.s32 v42, $0x7BFFF;
	v46 =	vadd.s32 $0xFFF84000, v42;
	vm8 =	vgt.s32 v43, $0x7BFFF  }
0xc1: {  	v32 =	vld [tilespmem:$0x1B0];
	v50 =	vadd.s32 $0xFFF84000, v43;
	vm9 =	vgt.s32 v45, $0x7BFFF;
	v52 =	vadd.s32 $0xFFF84000, v45  }
0xc2: {  	vm12 =	vgt.s32 v49, $0x7BFFF;
	v56 =	vadd.s32 $0xFFF84000, v49;
	vm13 =	vgt.s32 v51, $0x7BFFF  }
0xc3: {  	v58 =	vadd.s32 $0xFFF84000, v51;
	v62 =	vadd.s32 $0xFFF84000, v55;
	v15 =	vadd.s32 $0xFFF84000, v57  }
0xc4: {  	v19 =	vadd.s32 $0xFFF84000, v61;
	v21 =	vadd.s32 $0xFFF84000, v63;
	v25 =	vadd.s32 $0xFFF84000, v18  }
0xc5: {  	v36 =	vld [tilespmem:$0x40];
	v27 =	vadd.s32 $0xFFF84000, v20;
	v31 =	vadd.s32 $0xFFF84000, v24;
	v33 =	vadd.s32 $0xFFF84000, v26  }
0xc6: {  	v38 =	vld [tilespmem:$0xC0];
	v37 =	vadd.s32 $0xFFF84000, v30;
	v39 =	vadd.s32 $0xFFF84000, v32;
	v0 =	vsel vm4, v44, v41  }
0xc7: {  	v1 =	vsel vm5, v46, v42;
	v2 =	vsel vm8, v50, v43;
	v3 =	vsel vm9, v52, v45  }
0xc8: {  	v4 =	vsel vm12, v56, v49;
	v5 =	vsel vm13, v58, v51;
	vm4 =	vgt.s32 v55, $0x7BFFF  }
0xc9: {  	vm5 =	vgt.s32 v57, $0x7BFFF;
	vm8 =	vgt.s32 v61, $0x7BFFF;
	vm9 =	vgt.s32 v63, $0x7BFFF  }
0xca: {  	vm12 =	vgt.s32 v18, $0x7BFFF;
	vm13 =	vgt.s32 v20, $0x7BFFF;
	v43 =	vadd.s32 $0xFFF84000, v36  }
0xcb: {  	v45 =	vadd.s32 $0xFFF84000, v38;
	vm6 =	vgt.s32 v0, $0x3DFFF;
	v47 =	vadd.s32 $0xFFFC2000, v0  }
0xcc: {  	vm7 =	vgt.s32 v1, $0x3DFFF;
	v48 =	vadd.s32 $0xFFFC2000, v1;
	vm10 =	vgt.s32 v2, $0x3DFFF  }
0xcd: {  	v53 =	vadd.s32 $0xFFFC2000, v2;
	vm11 =	vgt.s32 v3, $0x3DFFF;
	v54 =	vadd.s32 $0xFFFC2000, v3  }
0xce: {  	vm14 =	vgt.s32 v4, $0x3DFFF;
	v59 =	vadd.s32 $0xFFFC2000, v4;
	vm15 =	vgt.s32 v5, $0x3DFFF  }
0xcf: {  	v60 =	vadd.s32 $0xFFFC2000, v5;
	v6 =	vsel vm4, v62, v55;
	v7 =	vsel vm5, v15, v57  }
0xd0: {  	v8 =	vsel vm8, v19, v61;
	v9 =	vsel vm9, v21, v63;
	v10 =	vsel vm12, v25, v18  }
0xd1: {  	v11 =	vsel vm13, v27, v20;
	vm4 =	vgt.s32 v24, $0x7BFFF;
	vm5 =	vgt.s32 v26, $0x7BFFF  }
0xd2: {  	vm8 =	vgt.s32 v30, $0x7BFFF;
	vm9 =	vgt.s32 v32, $0x7BFFF;
	vm12 =	vgt.s32 v36, $0x7BFFF  }
0xd3: {  	vm13 =	vgt.s32 v38, $0x7BFFF;
	v0 =	vsel vm6, v47, v0;
	v1 =	vsel vm7, v48, v1  }
0xd4: {  	v2 =	vsel vm10, v53, v2;
	v3 =	vsel vm11, v54, v3;
	v4 =	vsel vm14, v59, v4  }
0xd5: {  	v5 =	vsel vm15, v60, v5;
	vm6 =	vgt.s32 v6, $0x3DFFF;
	v16 =	vadd.s32 $0xFFFC2000, v6  }
0xd6: {  	vm7 =	vgt.s32 v7, $0x3DFFF;
	v17 =	vadd.s32 $0xFFFC2000, v7;
	vm10 =	vgt.s32 v8, $0x3DFFF  }
0xd7: {  	v22 =	vadd.s32 $0xFFFC2000, v8;
	vm11 =	vgt.s32 v9, $0x3DFFF;
	v23 =	vadd.s32 $0xFFFC2000, v9  }
0xd8: {  	vm14 =	vgt.s32 v10, $0x3DFFF;
	v28 =	vadd.s32 $0xFFFC2000, v10;
	vm15 =	vgt.s32 v11, $0x3DFFF  }
0xd9: {  	v29 =	vadd.s32 $0xFFFC2000, v11;
	v12 =	vsel vm4, v31, v24;
	v13 =	vsel vm5, v33, v26  }
0xda: {  	v14 =	vsel vm8, v37, v30;
	v15 =	vsel vm9, v39, v32;
	v46 =	vsel vm13, v45, v38  }
0xdb: {  	v6 =	vsel vm6, v16, v6;
	v7 =	vsel vm7, v17, v7;
	v8 =	vsel vm10, v22, v8  }
0xdc: {  	v42 =	vld [tilespmem:$0x140];
	v9 =	vsel vm11, v23, v9;
	v10 =	vsel vm14, v28, v10;
	v11 =	vsel vm15, v29, v11  }
0xdd: {  	v44 =	vld [tilespmem:$0x1C0];
	vm6 =	vgt.s32 v12, $0x3DFFF;
	v34 =	vadd.s32 $0xFFFC2000, v12;
	vm7 =	vgt.s32 v13, $0x3DFFF  }
0xde: {  	v50 =	vld [tilespmem:$0x50];
	v35 =	vadd.s32 $0xFFFC2000, v13;
	vm10 =	vgt.s32 v14, $0x3DFFF;
	v40 =	vadd.s32 $0xFFFC2000, v14  }
0xdf: {  	v52 =	vld [tilespmem:$0xD0];
	vm11 =	vgt.s32 v15, $0x3DFFF;
	v41 =	vadd.s32 $0xFFFC2000, v15;
	v16 =	vsel vm12, v43, v36  }
0xe0: {  	v56 =	vld [tilespmem:$0x150];
	vm15 =	vgt.s32 v46, $0x3DFFF;
	v49 =	vadd.s32 $0xFFFC2000, v46;
	v12 =	vsel vm6, v34, v12  }
0xe1: {  	v58 =	vld [tilespmem:$0x1D0];
	[tilespmem:$0x200] =	vst v0;
	v13 =	vsel vm7, v35, v13;
	v14 =	vsel vm10, v40, v14;
	v15 =	vsel vm11, v41, v15  }
0xe2: {  	[tilespmem:$0x280] =	vst v1;
	vm14 =	vgt.s32 v16, $0x3DFFF;
	v47 =	vadd.s32 $0xFFFC2000, v16;
	v0 =	vsel vm15, v49, v46  }
0xe3: {  	[tilespmem:$0x300] =	vst v2;
	v48 =	vsel vm14, v47, v16;
	vm4 =	vgt.s32 v42, $0x7BFFF;
	v51 =	vadd.s32 $0xFFF84000, v42  }
0xe4: {  	v62 =	vld [tilespmem:$0x60];
	[tilespmem:$0x380] =	vst v3;
	vm5 =	vgt.s32 v44, $0x7BFFF;
	v53 =	vadd.s32 $0xFFF84000, v44;
	vm8 =	vgt.s32 v50, $0x7BFFF  }
0xe5: {  	v20 =	vld [tilespmem:$0x160];
	[tilespmem:$0x210] =	vst v4;
	v57 =	vadd.s32 $0xFFF84000, v50;
	vm9 =	vgt.s32 v52, $0x7BFFF;
	v59 =	vadd.s32 $0xFFF84000, v52  }
0xe6: {  	[tilespmem:$0x290] =	vst v5;
	vm12 =	vgt.s32 v56, $0x7BFFF;
	v63 =	vadd.s32 $0xFFF84000, v56;
	vm13 =	vgt.s32 v58, $0x7BFFF  }
0xe7: {  	[tilespmem:$0x310] =	vst v6;
	v17 =	vadd.s32 $0xFFF84000, v58;
	v2 =	vsel vm4, v51, v42;
	v3 =	vsel vm5, v53, v44  }
0xe8: {  	[tilespmem:$0x390] =	vst v7;
	v4 =	vsel vm8, v57, v50;
	v7 =	vsel vm9, v59, v52;
	v5 =	vsel vm12, v63, v56  }
0xe9: {  	[tilespmem:$0x220] =	vst v8;
	v6 =	vsel vm13, v17, v58;
	vm4 =	vgt.s32 v62, $0x7BFFF;
	v21 =	vadd.s32 $0xFFF84000, v62  }
0xea: {  	v30 =	vld [tilespmem:$0xF0];
	[tilespmem:$0x2A0] =	vst v9;
	vm8 =	vgt.s32 v20, $0x7BFFF;
	v29 =	vadd.s32 $0xFFF84000, v20;
	vm6 =	vgt.s32 v2, $0x3DFFF  }
0xeb: {  	[tilespmem:$0x320] =	vst v10;
	v54 =	vadd.s32 $0xFFFC2000, v2;
	vm7 =	vgt.s32 v3, $0x3DFFF;
	v55 =	vadd.s32 $0xFFFC2000, v3  }
0xec: {  	[tilespmem:$0x3A0] =	vst v11;
	vm10 =	vgt.s32 v4, $0x3DFFF;
	v60 =	vadd.s32 $0xFFFC2000, v4;
	vm11 =	vgt.s32 v7, $0x3DFFF  }
0xed: {  	v22 =	vld [tilespmem:$0x1E0];
	[tilespmem:$0x230] =	vst v12;
	v61 =	vadd.s32 $0xFFFC2000, v7;
	vm14 =	vgt.s32 v5, $0x3DFFF;
	v18 =	vadd.s32 $0xFFFC2000, v5  }
0xee: {  	v28 =	vld [tilespmem:$0x70];
	[tilespmem:$0x2B0] =	vst v13;
	vm15 =	vgt.s32 v6, $0x3DFFF;
	v19 =	vadd.s32 $0xFFFC2000, v6;
	v8 =	vsel vm4, v21, v62  }
0xef: {  	v36 =	vld [tilespmem:$0x1F0];
	[tilespmem:$0x330] =	vst v14;
	vm13 =	vgt.s32 v30, $0x7BFFF;
	v37 =	vadd.s32 $0xFFF84000, v30;
	v2 =	vsel vm6, v54, v2  }
0xf0: {  	[tilespmem:$0x3B0] =	vst v15;
	v3 =	vsel vm7, v55, v3;
	v4 =	vsel vm10, v60, v4;
	v7 =	vsel vm11, v61, v7  }
0xf1: {  	v34 =	vld [tilespmem:$0x170];
	[tilespmem:$0x2C0] =	vst v0;
	v5 =	vsel vm14, v18, v5;
	v6 =	vsel vm15, v19, v6;
	vm6 =	vgt.s32 v8, $0x3DFFF  }
0xf2: {  	v16 =	vld [tilespmem:$0xE0];
	[tilespmem:$0x240] =	vst v48;
	v25 =	vadd.s32 $0xFFFC2000, v8;
	vm9 =	vgt.s32 v22, $0x7BFFF;
	v31 =	vadd.s32 $0xFFF84000, v22  }
0xf3: {  	vm12 =	vgt.s32 v28, $0x7BFFF;
	v35 =	vadd.s32 $0xFFF84000, v28;
	v38 =	vsel vm13, v37, v30;
	[tilespmem:$0x340] =	vst v2  }
0xf4: {  	v43 =	vadd.s32 $0xFFF84000, v36;
	v26 =	vsel vm6, v25, v8;
	[tilespmem:$0x3C0] =	vst v3;
	v2 =	vsel vm8, v29, v20  }
0xf5: {  	[tilespmem:$0x250] =	vst v4;
	v3 =	vsel vm9, v31, v22;
	v4 =	vsel vm12, v35, v28;
	vm15 =	vgt.s32 v38, $0x3DFFF  }
0xf6: {  	[tilespmem:$0x2D0] =	vst v7;
	v41 =	vadd.s32 $0xFFFC2000, v38;
	vm4 =	vgt.s32 v34, $0x7BFFF;
	v42 =	vadd.s32 $0xFFF84000, v34  }
0xf7: {  	[tilespmem:$0x350] =	vst v5;
	vm5 =	vgt.s32 v16, $0x7BFFF;
	v23 =	vadd.s32 $0xFFF84000, v16;
	vm10 =	vgt.s32 v2, $0x3DFFF  }
0xf8: {  	[tilespmem:$0x3D0] =	vst v6;
	v32 =	vadd.s32 $0xFFFC2000, v2;
	vm11 =	vgt.s32 v3, $0x3DFFF;
	v33 =	vadd.s32 $0xFFFC2000, v3  }
0xf9: {  	[tilespmem:$0x260] =	vst v26;
	vm14 =	vgt.s32 v4, $0x3DFFF;
	v39 =	vadd.s32 $0xFFFC2000, v4;
	v0 =	vsel vm15, v41, v38  }
0xfa: {  	v24 =	vsel vm5, v23, v16;
	v2 =	vsel vm10, v32, v2;
	v3 =	vsel vm11, v33, v3;
	[tilespmem:$0x2F0] =	vst v0  }
0xfb: {  	v40 =	vsel vm14, v39, v4;
	vm5 =	vgt.s32 v36, $0x7BFFF;
	vm7 =	vgt.s32 v24, $0x3DFFF;
	[tilespmem:$0x360] =	vst v2  }
0xfc: {  	v27 =	vadd.s32 $0xFFFC2000, v24;
	[tilespmem:$0x3E0] =	vst v3;
	v2 =	vsel vm4, v42, v34;
	v44 =	vsel vm5, v43, v36  }
0xfd: {  	[tilespmem:$0x270] =	vst v40;
	v1 =	vsel vm7, v27, v24;
	vm6 =	vgt.s32 v2, $0x3DFFF;
	v45 =	vadd.s32 $0xFFFC2000, v2  }
0xfe: {  	vm7 =	vgt.s32 v44, $0x3DFFF;
	v47 =	vadd.s32 $0xFFFC2000, v44;
	[tilespmem:$0x2E0] =	vst v1;
	v46 =	vsel vm6, v45, v2  }
0xff: {  	v48 =	vsel vm7, v47, v44;
	[tilespmem:$0x370] =	vst v46  }
0x100: {  	[tilespmem:$0x3F0] =	vst v48  }
0x101: {  	[tilespmem:s24], [sflag:$0x1] =	stream.indirect.gather [hbm4b:s3+s20], $0x80, s23, s20, $0xb8;
	[tilespmem:$0x10400] =	vst v63  }
0x102: {  	_ = 	snop  }
0x103: {  	[tilespmem:s26], [sflag:$0x1] =	stream.indirect.gather [hbm4b:s4+s20], $0x80, s25, s20, $0xb8;
	[tilespmem:$0x10400] =	vst v63  }
0x104: {  	_ = 	snop  }
0x105: {  	[tilespmem:s29], [sflag:$0x1] =	stream.indirect.gather [hbm4b:s4+s20], $0x80, s28, s20, $0xb8;
	[tilespmem:$0x10400] =	vst v63  }
0x106: {  	_ = 	snop  }
0x107: {  	[tilespmem:s31], [sflag:$0x1] =	stream.indirect.gather [hbm4b:s4+s20], $0x80, s30, s20, $0xb8;
	[tilespmem:$0x10400] =	vst v63  }
0x108: {  	_ =	swait.ge [sflag:s1], $0x4000  }
0x109: {  	[sflag:s1] =	ssyncset.done $0x0  }
0x10a: {  	[sflag:s1] =	ssyncadd.s32 $0xFFFFC000  }
0x10b: {  	_ =	swait.ge [sflag:s1], $0x4000  }
0x10c: {  	[sflag:s1] =	ssyncset.done $0x0  }
0x10d: {  	[sflag:s1] =	ssyncadd.s32 $0xFFFFC000  }
0x10e: {  	_ =	swait.ge [sflag:s1], $0x4000  }
0x10f: {  	[sflag:s1] =	ssyncset.done $0x0  }
0x110: {  	[sflag:s1] =	ssyncadd.s32 $0xFFFFC000  }
0x111: {  	_ =	swait.ge [sflag:s1], $0x4000  }
0x112: {  	[sflag:s1] =	ssyncset.done $0x0  }
0x113: {  	s0 =	rddreg [dreg:$0x12];
	[sflag:s1] =	ssyncadd.s32 $0xFFFFC000  }
0x114: {  	[hbm4b:s0+s2] =	stream.linear.scatter [tilespmem:s24], [sflag:$0x2], $0x4000, $0x38;
	[tilespmem:$0x10400] =	vst v63  }
0x115: {  	_ =	swait.ge [sflag:s19], $0x4000  }
0x116: {  	[sflag:s19] =	ssyncset.done $0x0  }
0x117: {  	s0 =	rddreg [dreg:$0x13];
	[sflag:s19] =	ssyncadd.s32 $0xFFFFC000  }
0x118: {  	[hbm4b:s0+s2] =	stream.linear.scatter [tilespmem:s26], [sflag:$0x2], $0x4000, $0x38;
	[tilespmem:$0x10400] =	vst v63  }
0x119: {  	_ =	swait.ge [sflag:s19], $0x4000  }
0x11a: {  	[sflag:s19] =	ssyncset.done $0x0  }
0x11b: {  	s0 =	rddreg [dreg:$0x14];
	[sflag:s19] =	ssyncadd.s32 $0xFFFFC000  }
0x11c: {  	[hbm4b:s0+s2] =	stream.linear.scatter [tilespmem:s29], [sflag:$0x2], $0x4000, $0x38;
	[tilespmem:$0x10400] =	vst v63  }
0x11d: {  	_ =	swait.ge [sflag:s19], $0x4000  }
0x11e: {  	[sflag:s19] =	ssyncset.done $0x0  }
0x11f: {  	s0 =	rddreg [dreg:$0x15];
	[sflag:s19] =	ssyncadd.s32 $0xFFFFC000  }
0x120: {  	[hbm4b:s0+s2] =	stream.linear.scatter [tilespmem:s31], [sflag:$0x2], $0x4000, $0x38;
	[tilespmem:$0x10400] =	vst v63  }
0x121: {  	_ =	swait.ge [sflag:s19], $0x4000  }
0x122: {  	[sflag:s19] =	ssyncset.done $0x0  }
0x123: {  	s0 =	rddreg [dreg:$0x16];
	[sflag:s19] =	ssyncadd.s32 $0xFFFFC000  }
0x124: {  	[tilespmem:s2], [sflag:$0x2] =	stream.linear.gather [hbm4b:s0+s2], $0x80, $0x38;
	[tilespmem:$0x10400] =	vst v63  }
0x125: {  	_ =	swait.ge [sflag:s19], $0x80  }
0x126: {  	[sflag:s19] =	ssyncset.done $0x0  }
0x127: {  	s0 =	rddreg [dreg:$0x17];
	[sflag:s19] =	ssyncadd.s32 $0xFFFFFF80  }
0x128: {  	[tilespmem:s20], [sflag:$0x2] =	stream.linear.gather [hbm4b:s0+s2], $0x80, $0x38;
	[tilespmem:$0x10400] =	vst v63  }
0x129: {  	_ =	swait.ge [sflag:s19], $0x80  }
0x12a: {  	[sflag:s19] =	ssyncset.done $0x0  }
0x12b: {  	s0 =	rddreg [dreg:$0x18];
	[sflag:s19] =	ssyncadd.s32 $0xFFFFFF80  }
0x12c: {  	[tilespmem:s21], [sflag:$0x2] =	stream.linear.gather [hbm4b:s0+s2], $0x80, $0x38;
	[tilespmem:$0x10400] =	vst v63  }
0x12d: {  	_ =	swait.ge [sflag:s19], $0x80  }
0x12e: {  	[sflag:s19] =	ssyncset.done $0x0  }
0x12f: {  	[sflag:s19] =	ssyncadd.s32 $0xFFFFFF80  }
0x130: {  	[tilespmem:s22], [sflag:$0x2] =	stream.linear.gather [hbm4b:s5+s2], $0x80, $0x38;
	[tilespmem:$0x10400] =	vst v63  }
0x131: {  	_ =	swait.ge [sflag:s19], $0x80  }
0x132: {  	[sflag:s19] =	ssyncset.done $0x0  }
0x133: {  	[sflag:s19] =	ssyncadd.s32 $0xFFFFFF80  }
0x134: {  	v49 =	vld [tilespmem:$0x0]  }
0x135: {  	v50 =	vld [tilespmem:$0x80]  }
0x136: {  	v51 =	vld [tilespmem:$0x100]  }
0x137: {  	v53 =	vld [tilespmem:$0x180]  }
0x138: {  	v57 =	vld [tilespmem:$0x10]  }
0x139: {  	v59 =	vld [tilespmem:$0x90]  }
0x13a: {  	v63 =	vld [tilespmem:$0x110]  }
0x13b: {  	v13 =	vld [tilespmem:$0x190]  }
0x13c: {  	v17 =	vld [tilespmem:$0x20]  }
0x13d: {  	v19 =	vld [tilespmem:$0xA0]  }
0x13e: {  	v23 =	vld [tilespmem:$0x120]  }
0x13f: {  	v25 =	vld [tilespmem:$0x1A0]  }
0x140: {  	v29 =	vld [tilespmem:$0x30]  }
0x141: {  	v31 =	vld [tilespmem:$0xB0]  }
0x142: {  	v35 =	vld [tilespmem:$0x130];
	vm8 =	vgt.s32 v49, $0x7BFFF;
	v52 =	vadd.s32 $0xFFF84000, v49  }
0x143: {  	v37 =	vld [tilespmem:$0x1B0];
	vm9 =	vgt.s32 v50, $0x7BFFF;
	v54 =	vadd.s32 $0xFFF84000, v50;
	vm12 =	vgt.s32 v51, $0x7BFFF  }
0x144: {  	v41 =	vld [tilespmem:$0x40];
	v58 =	vadd.s32 $0xFFF84000, v51;
	vm13 =	vgt.s32 v53, $0x7BFFF;
	v60 =	vadd.s32 $0xFFF84000, v53  }
0x145: {  	vm4 =	vgt.s32 v57, $0x7BFFF;
	v12 =	vadd.s32 $0xFFF84000, v57;
	vm5 =	vgt.s32 v59, $0x7BFFF  }
0x146: {  	v14 =	vadd.s32 $0xFFF84000, v59;
	v18 =	vadd.s32 $0xFFF84000, v63;
	v20 =	vadd.s32 $0xFFF84000, v13  }
0x147: {  	v24 =	vadd.s32 $0xFFF84000, v17;
	v26 =	vadd.s32 $0xFFF84000, v19;
	v30 =	vadd.s32 $0xFFF84000, v23  }
0x148: {  	v32 =	vadd.s32 $0xFFF84000, v25;
	v36 =	vadd.s32 $0xFFF84000, v29;
	v38 =	vadd.s32 $0xFFF84000, v31  }
0x149: {  	v43 =	vld [tilespmem:$0xC0];
	v42 =	vadd.s32 $0xFFF84000, v35;
	v44 =	vadd.s32 $0xFFF84000, v37;
	v48 =	vadd.s32 $0xFFF84000, v41  }
0x14a: {  	v0 =	vsel vm8, v52, v49;
	v1 =	vsel vm9, v54, v50;
	v2 =	vsel vm12, v58, v51  }
0x14b: {  	v3 =	vsel vm13, v60, v53;
	v4 =	vsel vm4, v12, v57;
	v5 =	vsel vm5, v14, v59  }
0x14c: {  	vm8 =	vgt.s32 v63, $0x7BFFF;
	vm9 =	vgt.s32 v13, $0x7BFFF;
	vm12 =	vgt.s32 v17, $0x7BFFF  }
0x14d: {  	vm13 =	vgt.s32 v19, $0x7BFFF;
	vm4 =	vgt.s32 v23, $0x7BFFF;
	vm5 =	vgt.s32 v25, $0x7BFFF  }
0x14e: {  	v50 =	vadd.s32 $0xFFF84000, v43;
	vm10 =	vgt.s32 v0, $0x3DFFF;
	v55 =	vadd.s32 $0xFFFC2000, v0  }
0x14f: {  	vm11 =	vgt.s32 v1, $0x3DFFF;
	v56 =	vadd.s32 $0xFFFC2000, v1;
	vm14 =	vgt.s32 v2, $0x3DFFF  }
0x150: {  	v61 =	vadd.s32 $0xFFFC2000, v2;
	vm15 =	vgt.s32 v3, $0x3DFFF;
	v62 =	vadd.s32 $0xFFFC2000, v3  }
0x151: {  	vm6 =	vgt.s32 v4, $0x3DFFF;
	v15 =	vadd.s32 $0xFFFC2000, v4;
	vm7 =	vgt.s32 v5, $0x3DFFF  }
0x152: {  	v16 =	vadd.s32 $0xFFFC2000, v5;
	v6 =	vsel vm8, v18, v63;
	v7 =	vsel vm9, v20, v13  }
0x153: {  	v8 =	vsel vm12, v24, v17;
	v9 =	vsel vm13, v26, v19;
	v10 =	vsel vm4, v30, v23  }
0x154: {  	v11 =	vsel vm5, v32, v25;
	vm8 =	vgt.s32 v29, $0x7BFFF;
	vm9 =	vgt.s32 v31, $0x7BFFF  }
0x155: {  	vm12 =	vgt.s32 v35, $0x7BFFF;
	vm13 =	vgt.s32 v37, $0x7BFFF;
	vm4 =	vgt.s32 v41, $0x7BFFF  }
0x156: {  	vm5 =	vgt.s32 v43, $0x7BFFF;
	v0 =	vsel vm10, v55, v0;
	v1 =	vsel vm11, v56, v1  }
0x157: {  	v2 =	vsel vm14, v61, v2;
	v3 =	vsel vm15, v62, v3;
	v4 =	vsel vm6, v15, v4  }
0x158: {  	v5 =	vsel vm7, v16, v5;
	vm10 =	vgt.s32 v6, $0x3DFFF;
	v21 =	vadd.s32 $0xFFFC2000, v6  }
0x159: {  	v47 =	vld [tilespmem:$0x140];
	vm11 =	vgt.s32 v7, $0x3DFFF;
	v22 =	vadd.s32 $0xFFFC2000, v7;
	vm14 =	vgt.s32 v8, $0x3DFFF  }
0x15a: {  	v27 =	vadd.s32 $0xFFFC2000, v8;
	vm15 =	vgt.s32 v9, $0x3DFFF;
	v28 =	vadd.s32 $0xFFFC2000, v9  }
0x15b: {  	vm6 =	vgt.s32 v10, $0x3DFFF;
	v33 =	vadd.s32 $0xFFFC2000, v10;
	vm7 =	vgt.s32 v11, $0x3DFFF  }
0x15c: {  	v34 =	vadd.s32 $0xFFFC2000, v11;
	v12 =	vsel vm8, v36, v29;
	v13 =	vsel vm9, v38, v31  }
0x15d: {  	v14 =	vsel vm12, v42, v35;
	v15 =	vsel vm13, v44, v37;
	v16 =	vsel vm4, v48, v41  }
0x15e: {  	v51 =	vsel vm5, v50, v43;
	vm8 =	vgt.s32 v47, $0x7BFFF;
	v56 =	vadd.s32 $0xFFF84000, v47  }
0x15f: {  	v6 =	vsel vm10, v21, v6;
	v7 =	vsel vm11, v22, v7;
	v8 =	vsel vm14, v27, v8  }
0x160: {  	v9 =	vsel vm15, v28, v9;
	v10 =	vsel vm6, v33, v10;
	v11 =	vsel vm7, v34, v11  }
0x161: {  	vm10 =	vgt.s32 v12, $0x3DFFF;
	v39 =	vadd.s32 $0xFFFC2000, v12;
	vm11 =	vgt.s32 v13, $0x3DFFF  }
0x162: {  	v49 =	vld [tilespmem:$0x1C0];
	v40 =	vadd.s32 $0xFFFC2000, v13;
	vm14 =	vgt.s32 v14, $0x3DFFF;
	v45 =	vadd.s32 $0xFFFC2000, v14  }
0x163: {  	v57 =	vld [tilespmem:$0xD0];
	vm15 =	vgt.s32 v15, $0x3DFFF;
	v46 =	vadd.s32 $0xFFFC2000, v15;
	vm6 =	vgt.s32 v16, $0x3DFFF  }
0x164: {  	v63 =	vld [tilespmem:$0x1D0];
	[tilespmem:$0x200] =	vst v0;
	v52 =	vadd.s32 $0xFFFC2000, v16;
	vm7 =	vgt.s32 v51, $0x3DFFF;
	v54 =	vadd.s32 $0xFFFC2000, v51  }
0x165: {  	v20 =	vld [tilespmem:$0x60];
	[tilespmem:$0x300] =	vst v2;
	v2 =	vsel vm8, v56, v47;
	v12 =	vsel vm10, v39, v12;
	v13 =	vsel vm11, v40, v13  }
0x166: {  	v26 =	vld [tilespmem:$0x160];
	[tilespmem:$0x280] =	vst v1;
	v14 =	vsel vm14, v45, v14;
	v15 =	vsel vm15, v46, v15;
	v53 =	vsel vm6, v52, v16  }
0x167: {  	v55 =	vld [tilespmem:$0x50];
	[tilespmem:$0x380] =	vst v3;
	v0 =	vsel vm7, v54, v51;
	vm10 =	vgt.s32 v2, $0x3DFFF;
	v59 =	vadd.s32 $0xFFFC2000, v2  }
0x168: {  	[tilespmem:$0x210] =	vst v4;
	vm9 =	vgt.s32 v49, $0x7BFFF;
	v58 =	vadd.s32 $0xFFF84000, v49;
	v2 =	vsel vm10, v59, v2  }
0x169: {  	v61 =	vld [tilespmem:$0x150];
	[tilespmem:$0x290] =	vst v5;
	vm13 =	vgt.s32 v57, $0x7BFFF;
	v17 =	vadd.s32 $0xFFF84000, v57;
	v3 =	vsel vm9, v58, v49  }
0x16a: {  	v36 =	vld [tilespmem:$0xF0];
	[tilespmem:$0x390] =	vst v7;
	v7 =	vsel vm13, v17, v57;
	vm5 =	vgt.s32 v63, $0x7BFFF;
	v23 =	vadd.s32 $0xFFF84000, v63  }
0x16b: {  	v42 =	vld [tilespmem:$0x1F0];
	[tilespmem:$0x310] =	vst v6;
	vm8 =	vgt.s32 v20, $0x7BFFF;
	v27 =	vadd.s32 $0xFFF84000, v20;
	v35 =	vadd.s32 $0xFFF84000, v26  }
0x16c: {  	[tilespmem:$0x220] =	vst v8;
	vm11 =	vgt.s32 v3, $0x3DFFF;
	v60 =	vadd.s32 $0xFFFC2000, v3;
	vm12 =	vgt.s32 v55, $0x7BFFF  }
0x16d: {  	v22 =	vld [tilespmem:$0xE0];
	[tilespmem:$0x2A0] =	vst v9;
	v62 =	vadd.s32 $0xFFF84000, v55;
	vm15 =	vgt.s32 v7, $0x3DFFF;
	v19 =	vadd.s32 $0xFFFC2000, v7  }
0x16e: {  	v28 =	vld [tilespmem:$0x1E0];
	[tilespmem:$0x320] =	vst v10;
	vm4 =	vgt.s32 v61, $0x7BFFF;
	v21 =	vadd.s32 $0xFFF84000, v61;
	v6 =	vsel vm5, v23, v63  }
0x16f: {  	v34 =	vld [tilespmem:$0x70];
	[tilespmem:$0x3A0] =	vst v11;
	v8 =	vsel vm8, v27, v20;
	vm5 =	vgt.s32 v36, $0x7BFFF;
	v43 =	vadd.s32 $0xFFF84000, v36  }
0x170: {  	[tilespmem:$0x230] =	vst v12;
	v49 =	vadd.s32 $0xFFF84000, v42;
	v3 =	vsel vm11, v60, v3;
	v4 =	vsel vm12, v62, v55  }
0x171: {  	[tilespmem:$0x2B0] =	vst v13;
	v7 =	vsel vm15, v19, v7;
	v5 =	vsel vm4, v21, v61;
	vm7 =	vgt.s32 v6, $0x3DFFF  }
0x172: {  	[tilespmem:$0x330] =	vst v14;
	v25 =	vadd.s32 $0xFFFC2000, v6;
	vm9 =	vgt.s32 v22, $0x7BFFF;
	v29 =	vadd.s32 $0xFFF84000, v22  }
0x173: {  	[tilespmem:$0x3B0] =	vst v15;
	vm10 =	vgt.s32 v8, $0x3DFFF;
	v31 =	vadd.s32 $0xFFFC2000, v8;
	vm12 =	vgt.s32 v26, $0x7BFFF  }
0x174: {  	v40 =	vld [tilespmem:$0x170];
	[tilespmem:$0x240] =	vst v53;
	vm13 =	vgt.s32 v28, $0x7BFFF;
	v37 =	vadd.s32 $0xFFF84000, v28;
	vm4 =	vgt.s32 v34, $0x7BFFF  }
0x175: {  	[tilespmem:$0x2C0] =	vst v0;
	v41 =	vadd.s32 $0xFFF84000, v34;
	v44 =	vsel vm5, v43, v36;
	vm14 =	vgt.s32 v4, $0x3DFFF  }
0x176: {  	[tilespmem:$0x340] =	vst v2;
	v18 =	vadd.s32 $0xFFFC2000, v4;
	vm6 =	vgt.s32 v5, $0x3DFFF;
	v24 =	vadd.s32 $0xFFFC2000, v5  }
0x177: {  	v6 =	vsel vm7, v25, v6;
	v30 =	vsel vm9, v29, v22;
	v32 =	vsel vm10, v31, v8;
	[tilespmem:$0x3C0] =	vst v3  }
0x178: {  	v2 =	vsel vm12, v35, v26;
	v3 =	vsel vm13, v37, v28;
	[tilespmem:$0x2D0] =	vst v7;
	vm7 =	vgt.s32 v44, $0x3DFFF  }
0x179: {  	v47 =	vadd.s32 $0xFFFC2000, v44;
	vm8 =	vgt.s32 v40, $0x7BFFF;
	v48 =	vadd.s32 $0xFFF84000, v40;
	[tilespmem:$0x3D0] =	vst v6  }
0x17a: {  	vm9 =	vgt.s32 v42, $0x7BFFF;
	v4 =	vsel vm14, v18, v4;
	v5 =	vsel vm6, v24, v5;
	[tilespmem:$0x260] =	vst v32  }
0x17b: {  	vm11 =	vgt.s32 v30, $0x3DFFF;
	v33 =	vadd.s32 $0xFFFC2000, v30;
	vm14 =	vgt.s32 v2, $0x3DFFF;
	[tilespmem:$0x250] =	vst v4  }
0x17c: {  	v38 =	vadd.s32 $0xFFFC2000, v2;
	vm15 =	vgt.s32 v3, $0x3DFFF;
	v0 =	vsel vm7, v47, v44;
	[tilespmem:$0x350] =	vst v5  }
0x17d: {  	v39 =	vadd.s32 $0xFFFC2000, v3;
	v50 =	vsel vm9, v49, v42;
	v1 =	vsel vm11, v33, v30;
	[tilespmem:$0x2F0] =	vst v0  }
0x17e: {  	v2 =	vsel vm14, v38, v2;
	v3 =	vsel vm15, v39, v3;
	v4 =	vsel vm4, v41, v34;
	[tilespmem:$0x2E0] =	vst v1  }
0x17f: {  	vm11 =	vgt.s32 v50, $0x3DFFF;
	v53 =	vadd.s32 $0xFFFC2000, v50;
	vm6 =	vgt.s32 v4, $0x3DFFF;
	[tilespmem:$0x360] =	vst v2  }
0x180: {  	v45 =	vadd.s32 $0xFFFC2000, v4;
	[tilespmem:$0x3E0] =	vst v3;
	v2 =	vsel vm8, v48, v40;
	v54 =	vsel vm11, v53, v50  }
0x181: {  	v46 =	vsel vm6, v45, v4;
	vm10 =	vgt.s32 v2, $0x3DFFF;
	v51 =	vadd.s32 $0xFFFC2000, v2;
	[tilespmem:$0x3F0] =	vst v54  }
0x182: {  	[tilespmem:$0x270] =	vst v46;
	v52 =	vsel vm10, v51, v2  }
0x183: {  	[tilespmem:$0x370] =	vst v52  }
0x184: {  	[tilespmem:s24], [sflag:$0x1] =	stream.indirect.gather [hbm4b:s3+s20], $0x80, s23, s20, $0xb8;
	[tilespmem:$0x10400] =	vst v63  }
0x185: {  	_ = 	snop  }
0x186: {  	[tilespmem:s26], [sflag:$0x1] =	stream.indirect.gather [hbm4b:s4+s20], $0x80, s25, s20, $0xb8;
	[tilespmem:$0x10400] =	vst v63  }
0x187: {  	_ = 	snop  }
0x188: {  	[tilespmem:s29], [sflag:$0x1] =	stream.indirect.gather [hbm4b:s4+s20], $0x80, s28, s20, $0xb8;
	[tilespmem:$0x10400] =	vst v63  }
0x189: {  	_ = 	snop  }
0x18a: {  	[tilespmem:s31], [sflag:$0x1] =	stream.indirect.gather [hbm4b:s4+s20], $0x80, s30, s20, $0xb8;
	[tilespmem:$0x10400] =	vst v63  }
0x18b: {  	_ =	swait.ge [sflag:s1], $0x4000  }
0x18c: {  	[sflag:s1] =	ssyncset.done $0x0  }
0x18d: {  	[sflag:s1] =	ssyncadd.s32 $0xFFFFC000  }
0x18e: {  	_ =	swait.ge [sflag:s1], $0x4000  }
0x18f: {  	[sflag:s1] =	ssyncset.done $0x0  }
0x190: {  	[sflag:s1] =	ssyncadd.s32 $0xFFFFC000  }
0x191: {  	_ =	swait.ge [sflag:s1], $0x4000  }
0x192: {  	[sflag:s1] =	ssyncset.done $0x0  }
0x193: {  	[sflag:s1] =	ssyncadd.s32 $0xFFFFC000  }
0x194: {  	_ =	swait.ge [sflag:s1], $0x4000  }
0x195: {  	[sflag:s1] =	ssyncset.done $0x0  }
0x196: {  	[sflag:s1] =	ssyncadd.s32 $0xFFFFC000  }
0x197: {  	[hbm4b:s6+s2] =	stream.linear.scatter [tilespmem:s24], [sflag:$0x2], $0x4000, $0x38;
	[tilespmem:$0x10400] =	vst v63  }
0x198: {  	_ =	swait.ge [sflag:s19], $0x4000  }
0x199: {  	[sflag:s19] =	ssyncset.done $0x0  }
0x19a: {  	[sflag:s19] =	ssyncadd.s32 $0xFFFFC000  }
0x19b: {  	[hbm4b:s7+s2] =	stream.linear.scatter [tilespmem:s26], [sflag:$0x2], $0x4000, $0x38;
	[tilespmem:$0x10400] =	vst v63  }
0x19c: {  	_ =	swait.ge [sflag:s19], $0x4000  }
0x19d: {  	[sflag:s19] =	ssyncset.done $0x0  }
0x19e: {  	[sflag:s19] =	ssyncadd.s32 $0xFFFFC000  }
0x19f: {  	[hbm4b:s8+s2] =	stream.linear.scatter [tilespmem:s29], [sflag:$0x2], $0x4000, $0x38;
	[tilespmem:$0x10400] =	vst v63  }
0x1a0: {  	_ =	swait.ge [sflag:s19], $0x4000  }
0x1a1: {  	[sflag:s19] =	ssyncset.done $0x0  }
0x1a2: {  	[sflag:s19] =	ssyncadd.s32 $0xFFFFC000  }
0x1a3: {  	[hbm4b:s9+s2] =	stream.linear.scatter [tilespmem:s31], [sflag:$0x2], $0x4000, $0x38;
	[tilespmem:$0x10400] =	vst v63  }
0x1a4: {  	_ =	swait.ge [sflag:s19], $0x4000  }
0x1a5: {  	[sflag:s19] =	ssyncset.done $0x0  }
0x1a6: {  	[sflag:s19] =	ssyncadd.s32 $0xFFFFC000  }
0x1a7: {  	[tilespmem:s2], [sflag:$0x2] =	stream.linear.gather [hbm4b:s10+s2], $0x80, $0x38;
	[tilespmem:$0x10400] =	vst v63  }
0x1a8: {  	_ =	swait.ge [sflag:s19], $0x80  }
0x1a9: {  	[sflag:s19] =	ssyncset.done $0x0  }
0x1aa: {  	[sflag:s19] =	ssyncadd.s32 $0xFFFFFF80  }
0x1ab: {  	[tilespmem:s20], [sflag:$0x2] =	stream.linear.gather [hbm4b:s11+s2], $0x80, $0x38;
	[tilespmem:$0x10400] =	vst v63  }
0x1ac: {  	_ =	swait.ge [sflag:s19], $0x80  }
0x1ad: {  	[sflag:s19] =	ssyncset.done $0x0  }
0x1ae: {  	[sflag:s19] =	ssyncadd.s32 $0xFFFFFF80  }
0x1af: {  	[tilespmem:s21], [sflag:$0x2] =	stream.linear.gather [hbm4b:s12+s2], $0x80, $0x38;
	[tilespmem:$0x10400] =	vst v63  }
0x1b0: {  	_ =	swait.ge [sflag:s19], $0x80  }
0x1b1: {  	[sflag:s19] =	ssyncset.done $0x0  }
0x1b2: {  	[sflag:s19] =	ssyncadd.s32 $0xFFFFFF80  }
0x1b3: {  	[tilespmem:s22], [sflag:$0x2] =	stream.linear.gather [hbm4b:s13+s2], $0x80, $0x38;
	[tilespmem:$0x10400] =	vst v63  }
0x1b4: {  	_ =	swait.ge [sflag:s19], $0x80  }
0x1b5: {  	[sflag:s19] =	ssyncset.done $0x0  }
0x1b6: {  	[sflag:s19] =	ssyncadd.s32 $0xFFFFFF80  }
0x1b7: {  	v55 =	vld [tilespmem:$0x0]  }
0x1b8: {  	v56 =	vld [tilespmem:$0x80]  }
0x1b9: {  	v57 =	vld [tilespmem:$0x100]  }
0x1ba: {  	v59 =	vld [tilespmem:$0x180]  }
0x1bb: {  	v63 =	vld [tilespmem:$0x10]  }
0x1bc: {  	v13 =	vld [tilespmem:$0x90]  }
0x1bd: {  	v17 =	vld [tilespmem:$0x110]  }
0x1be: {  	v19 =	vld [tilespmem:$0x190]  }
0x1bf: {  	v23 =	vld [tilespmem:$0x20]  }
0x1c0: {  	v25 =	vld [tilespmem:$0xA0]  }
0x1c1: {  	v29 =	vld [tilespmem:$0x120]  }
0x1c2: {  	v31 =	vld [tilespmem:$0x1A0]  }
0x1c3: {  	v35 =	vld [tilespmem:$0x30]  }
0x1c4: {  	v37 =	vld [tilespmem:$0xB0]  }
0x1c5: {  	v41 =	vld [tilespmem:$0x130];
	vm12 =	vgt.s32 v55, $0x7BFFF;
	v58 =	vadd.s32 $0xFFF84000, v55  }
0x1c6: {  	v43 =	vld [tilespmem:$0x1B0];
	vm13 =	vgt.s32 v56, $0x7BFFF;
	v60 =	vadd.s32 $0xFFF84000, v56;
	vm4 =	vgt.s32 v57, $0x7BFFF  }
0x1c7: {  	v47 =	vld [tilespmem:$0x40];
	v12 =	vadd.s32 $0xFFF84000, v57;
	vm5 =	vgt.s32 v59, $0x7BFFF;
	v14 =	vadd.s32 $0xFFF84000, v59  }
0x1c8: {  	vm8 =	vgt.s32 v63, $0x7BFFF;
	v18 =	vadd.s32 $0xFFF84000, v63;
	vm9 =	vgt.s32 v13, $0x7BFFF  }
0x1c9: {  	v20 =	vadd.s32 $0xFFF84000, v13;
	v24 =	vadd.s32 $0xFFF84000, v17;
	v26 =	vadd.s32 $0xFFF84000, v19  }
0x1ca: {  	v30 =	vadd.s32 $0xFFF84000, v23;
	v32 =	vadd.s32 $0xFFF84000, v25;
	v36 =	vadd.s32 $0xFFF84000, v29  }
0x1cb: {  	v38 =	vadd.s32 $0xFFF84000, v31;
	v42 =	vadd.s32 $0xFFF84000, v35;
	v44 =	vadd.s32 $0xFFF84000, v37  }
0x1cc: {  	v49 =	vld [tilespmem:$0xC0];
	v48 =	vadd.s32 $0xFFF84000, v41;
	v50 =	vadd.s32 $0xFFF84000, v43;
	v54 =	vadd.s32 $0xFFF84000, v47  }
0x1cd: {  	v0 =	vsel vm12, v58, v55;
	v1 =	vsel vm13, v60, v56;
	v2 =	vsel vm4, v12, v57  }
0x1ce: {  	v3 =	vsel vm5, v14, v59;
	v4 =	vsel vm8, v18, v63;
	v5 =	vsel vm9, v20, v13  }
0x1cf: {  	vm12 =	vgt.s32 v17, $0x7BFFF;
	vm13 =	vgt.s32 v19, $0x7BFFF;
	vm4 =	vgt.s32 v23, $0x7BFFF  }
0x1d0: {  	vm5 =	vgt.s32 v25, $0x7BFFF;
	vm8 =	vgt.s32 v29, $0x7BFFF;
	vm9 =	vgt.s32 v31, $0x7BFFF  }
0x1d1: {  	v56 =	vadd.s32 $0xFFF84000, v49;
	vm14 =	vgt.s32 v0, $0x3DFFF;
	v61 =	vadd.s32 $0xFFFC2000, v0  }
0x1d2: {  	vm15 =	vgt.s32 v1, $0x3DFFF;
	v62 =	vadd.s32 $0xFFFC2000, v1;
	vm6 =	vgt.s32 v2, $0x3DFFF  }
0x1d3: {  	v15 =	vadd.s32 $0xFFFC2000, v2;
	vm7 =	vgt.s32 v3, $0x3DFFF;
	v16 =	vadd.s32 $0xFFFC2000, v3  }
0x1d4: {  	vm10 =	vgt.s32 v4, $0x3DFFF;
	v21 =	vadd.s32 $0xFFFC2000, v4;
	vm11 =	vgt.s32 v5, $0x3DFFF  }
0x1d5: {  	v22 =	vadd.s32 $0xFFFC2000, v5;
	v6 =	vsel vm12, v24, v17;
	v7 =	vsel vm13, v26, v19  }
0x1d6: {  	v8 =	vsel vm4, v30, v23;
	v9 =	vsel vm5, v32, v25;
	v10 =	vsel vm8, v36, v29  }
0x1d7: {  	v11 =	vsel vm9, v38, v31;
	vm12 =	vgt.s32 v35, $0x7BFFF;
	vm13 =	vgt.s32 v37, $0x7BFFF  }
0x1d8: {  	vm4 =	vgt.s32 v41, $0x7BFFF;
	vm5 =	vgt.s32 v43, $0x7BFFF;
	vm8 =	vgt.s32 v47, $0x7BFFF  }
0x1d9: {  	vm9 =	vgt.s32 v49, $0x7BFFF;
	v0 =	vsel vm14, v61, v0;
	v1 =	vsel vm15, v62, v1  }
0x1da: {  	v2 =	vsel vm6, v15, v2;
	v3 =	vsel vm7, v16, v3;
	v4 =	vsel vm10, v21, v4  }
0x1db: {  	v5 =	vsel vm11, v22, v5;
	vm14 =	vgt.s32 v6, $0x3DFFF;
	v27 =	vadd.s32 $0xFFFC2000, v6  }
0x1dc: {  	v53 =	vld [tilespmem:$0x140];
	vm15 =	vgt.s32 v7, $0x3DFFF;
	v28 =	vadd.s32 $0xFFFC2000, v7;
	vm6 =	vgt.s32 v8, $0x3DFFF  }
0x1dd: {  	v33 =	vadd.s32 $0xFFFC2000, v8;
	vm7 =	vgt.s32 v9, $0x3DFFF;
	v34 =	vadd.s32 $0xFFFC2000, v9  }
0x1de: {  	vm10 =	vgt.s32 v10, $0x3DFFF;
	v39 =	vadd.s32 $0xFFFC2000, v10;
	vm11 =	vgt.s32 v11, $0x3DFFF  }
0x1df: {  	v40 =	vadd.s32 $0xFFFC2000, v11;
	v12 =	vsel vm12, v42, v35;
	v13 =	vsel vm13, v44, v37  }
0x1e0: {  	v14 =	vsel vm4, v48, v41;
	v15 =	vsel vm5, v50, v43;
	v16 =	vsel vm8, v54, v47  }
0x1e1: {  	v57 =	vsel vm9, v56, v49;
	vm12 =	vgt.s32 v53, $0x7BFFF;
	v62 =	vadd.s32 $0xFFF84000, v53  }
0x1e2: {  	v6 =	vsel vm14, v27, v6;
	v7 =	vsel vm15, v28, v7;
	v8 =	vsel vm6, v33, v8  }
0x1e3: {  	v9 =	vsel vm7, v34, v9;
	v10 =	vsel vm10, v39, v10;
	v11 =	vsel vm11, v40, v11  }
0x1e4: {  	vm14 =	vgt.s32 v12, $0x3DFFF;
	v45 =	vadd.s32 $0xFFFC2000, v12;
	vm15 =	vgt.s32 v13, $0x3DFFF  }
0x1e5: {  	v55 =	vld [tilespmem:$0x1C0];
	v46 =	vadd.s32 $0xFFFC2000, v13;
	vm6 =	vgt.s32 v14, $0x3DFFF;
	v51 =	vadd.s32 $0xFFFC2000, v14  }
0x1e6: {  	v63 =	vld [tilespmem:$0xD0];
	vm7 =	vgt.s32 v15, $0x3DFFF;
	v52 =	vadd.s32 $0xFFFC2000, v15;
	vm10 =	vgt.s32 v16, $0x3DFFF  }
0x1e7: {  	v23 =	vld [tilespmem:$0x150];
	[tilespmem:$0x200] =	vst v0;
	v58 =	vadd.s32 $0xFFFC2000, v16;
	vm11 =	vgt.s32 v57, $0x3DFFF;
	v60 =	vadd.s32 $0xFFFC2000, v57  }
0x1e8: {  	v25 =	vld [tilespmem:$0x1D0];
	[tilespmem:$0x300] =	vst v2;
	v2 =	vsel vm12, v62, v53;
	v12 =	vsel vm14, v45, v12;
	v13 =	vsel vm15, v46, v13  }
0x1e9: {  	v29 =	vld [tilespmem:$0x60];
	[tilespmem:$0x280] =	vst v1;
	v14 =	vsel vm6, v51, v14;
	v15 =	vsel vm7, v52, v15;
	v59 =	vsel vm10, v58, v16  }
0x1ea: {  	v31 =	vld [tilespmem:$0xE0];
	[tilespmem:$0x380] =	vst v3;
	v0 =	vsel vm11, v60, v57;
	vm14 =	vgt.s32 v2, $0x3DFFF;
	v21 =	vadd.s32 $0xFFFC2000, v2  }
0x1eb: {  	v61 =	vld [tilespmem:$0x50];
	[tilespmem:$0x210] =	vst v4;
	vm13 =	vgt.s32 v55, $0x7BFFF;
	v19 =	vadd.s32 $0xFFF84000, v55;
	v2 =	vsel vm14, v21, v2  }
0x1ec: {  	[tilespmem:$0x290] =	vst v5;
	vm5 =	vgt.s32 v63, $0x7BFFF;
	v26 =	vadd.s32 $0xFFF84000, v63;
	v3 =	vsel vm13, v19, v55  }
0x1ed: {  	v35 =	vld [tilespmem:$0x160];
	[tilespmem:$0x390] =	vst v7;
	v7 =	vsel vm5, v26, v63;
	vm8 =	vgt.s32 v23, $0x7BFFF;
	v30 =	vadd.s32 $0xFFF84000, v23  }
0x1ee: {  	v37 =	vld [tilespmem:$0x1E0];
	[tilespmem:$0x310] =	vst v6;
	vm9 =	vgt.s32 v25, $0x7BFFF;
	v32 =	vadd.s32 $0xFFF84000, v25;
	vm12 =	vgt.s32 v29, $0x7BFFF  }
0x1ef: {  	v43 =	vld [tilespmem:$0x70];
	[tilespmem:$0x220] =	vst v8;
	v36 =	vadd.s32 $0xFFF84000, v29;
	vm13 =	vgt.s32 v31, $0x7BFFF;
	v38 =	vadd.s32 $0xFFF84000, v31  }
0x1f0: {  	v49 =	vld [tilespmem:$0x170];
	[tilespmem:$0x2A0] =	vst v9;
	vm15 =	vgt.s32 v3, $0x3DFFF;
	v22 =	vadd.s32 $0xFFFC2000, v3;
	vm4 =	vgt.s32 v61, $0x7BFFF  }
0x1f1: {  	[tilespmem:$0x320] =	vst v10;
	v24 =	vadd.s32 $0xFFF84000, v61;
	vm7 =	vgt.s32 v7, $0x3DFFF;
	v28 =	vadd.s32 $0xFFFC2000, v7  }
0x1f2: {  	[tilespmem:$0x3A0] =	vst v11;
	v5 =	vsel vm8, v30, v23;
	v6 =	vsel vm9, v32, v25;
	v8 =	vsel vm12, v36, v29  }
0x1f3: {  	[tilespmem:$0x230] =	vst v12;
	v39 =	vsel vm13, v38, v31;
	v44 =	vadd.s32 $0xFFF84000, v35;
	vm5 =	vgt.s32 v37, $0x7BFFF  }
0x1f4: {  	[tilespmem:$0x2B0] =	vst v13;
	v46 =	vadd.s32 $0xFFF84000, v37;
	vm8 =	vgt.s32 v43, $0x7BFFF;
	v50 =	vadd.s32 $0xFFF84000, v43  }
0x1f5: {  	[tilespmem:$0x330] =	vst v14;
	vm12 =	vgt.s32 v49, $0x7BFFF;
	v57 =	vadd.s32 $0xFFF84000, v49;
	v3 =	vsel vm15, v22, v3  }
0x1f6: {  	[tilespmem:$0x3B0] =	vst v15;
	v4 =	vsel vm4, v24, v61;
	v7 =	vsel vm7, v28, v7;
	vm10 =	vgt.s32 v5, $0x3DFFF  }
0x1f7: {  	v45 =	vld [tilespmem:$0xF0];
	[tilespmem:$0x240] =	vst v59;
	v33 =	vadd.s32 $0xFFFC2000, v5;
	vm11 =	vgt.s32 v6, $0x3DFFF;
	v34 =	vadd.s32 $0xFFFC2000, v6  }
0x1f8: {  	v51 =	vld [tilespmem:$0x1F0];
	[tilespmem:$0x2C0] =	vst v0;
	vm14 =	vgt.s32 v8, $0x3DFFF;
	v40 =	vadd.s32 $0xFFFC2000, v8;
	vm15 =	vgt.s32 v39, $0x3DFFF  }
0x1f9: {  	[tilespmem:$0x340] =	vst v2;
	v42 =	vadd.s32 $0xFFFC2000, v39;
	vm4 =	vgt.s32 v35, $0x7BFFF;
	vm6 =	vgt.s32 v4, $0x3DFFF  }
0x1fa: {  	v27 =	vadd.s32 $0xFFFC2000, v4;
	v5 =	vsel vm10, v33, v5;
	v6 =	vsel vm11, v34, v6;
	[tilespmem:$0x3C0] =	vst v3  }
0x1fb: {  	v41 =	vsel vm14, v40, v8;
	v1 =	vsel vm15, v42, v39;
	v2 =	vsel vm4, v44, v35;
	[tilespmem:$0x2D0] =	vst v7  }
0x1fc: {  	v3 =	vsel vm5, v46, v37;
	vm9 =	vgt.s32 v45, $0x7BFFF;
	v52 =	vadd.s32 $0xFFF84000, v45;
	[tilespmem:$0x350] =	vst v5  }
0x1fd: {  	vm13 =	vgt.s32 v51, $0x7BFFF;
	v58 =	vadd.s32 $0xFFF84000, v51;
	v4 =	vsel vm6, v27, v4;
	[tilespmem:$0x3D0] =	vst v6  }
0x1fe: {  	vm6 =	vgt.s32 v2, $0x3DFFF;
	v47 =	vadd.s32 $0xFFFC2000, v2;
	vm7 =	vgt.s32 v3, $0x3DFFF;
	[tilespmem:$0x260] =	vst v41  }
0x1ff: {  	v48 =	vadd.s32 $0xFFFC2000, v3;
	v53 =	vsel vm9, v52, v45;
	[tilespmem:$0x2E0] =	vst v1;
	v59 =	vsel vm13, v58, v51  }
0x200: {  	[tilespmem:$0x250] =	vst v4;
	v2 =	vsel vm6, v47, v2;
	v3 =	vsel vm7, v48, v3;
	v4 =	vsel vm8, v50, v43  }
0x201: {  	vm11 =	vgt.s32 v53, $0x3DFFF;
	v56 =	vadd.s32 $0xFFFC2000, v53;
	vm15 =	vgt.s32 v59, $0x3DFFF;
	[tilespmem:$0x360] =	vst v2  }
0x202: {  	v62 =	vadd.s32 $0xFFFC2000, v59;
	vm10 =	vgt.s32 v4, $0x3DFFF;
	v0 =	vsel vm11, v56, v53;
	[tilespmem:$0x3E0] =	vst v3  }
0x203: {  	v54 =	vadd.s32 $0xFFFC2000, v4;
	v2 =	vsel vm12, v57, v49;
	v63 =	vsel vm15, v62, v59;
	[tilespmem:$0x2F0] =	vst v0  }
0x204: {  	v55 =	vsel vm10, v54, v4;
	vm14 =	vgt.s32 v2, $0x3DFFF;
	v60 =	vadd.s32 $0xFFFC2000, v2;
	[tilespmem:$0x3F0] =	vst v63  }
0x205: {  	[tilespmem:$0x270] =	vst v55;
	v61 =	vsel vm14, v60, v2  }
0x206: {  	[tilespmem:$0x370] =	vst v61  }
0x207: {  	[tilespmem:s24], [sflag:$0x1] =	stream.indirect.gather [hbm4b:s3+s20], $0x80, s23, s20, $0xb8;
	[tilespmem:$0x10400] =	vst v63  }
0x208: {  	_ = 	snop  }
0x209: {  	[tilespmem:s26], [sflag:$0x1] =	stream.indirect.gather [hbm4b:s4+s20], $0x80, s25, s20, $0xb8;
	[tilespmem:$0x10400] =	vst v63  }
0x20a: {  	_ = 	snop  }
0x20b: {  	[tilespmem:s29], [sflag:$0x1] =	stream.indirect.gather [hbm4b:s4+s20], $0x80, s28, s20, $0xb8;
	[tilespmem:$0x10400] =	vst v63  }
0x20c: {  	_ = 	snop  }
0x20d: {  	[tilespmem:s31], [sflag:$0x1] =	stream.indirect.gather [hbm4b:s4+s20], $0x80, s30, s20, $0xb8;
	[tilespmem:$0x10400] =	vst v63  }
0x20e: {  	_ =	swait.ge [sflag:s1], $0x4000  }
0x20f: {  	[sflag:s1] =	ssyncset.done $0x0  }
0x210: {  	[sflag:s1] =	ssyncadd.s32 $0xFFFFC000  }
0x211: {  	_ =	swait.ge [sflag:s1], $0x4000  }
0x212: {  	[sflag:s1] =	ssyncset.done $0x0  }
0x213: {  	[sflag:s1] =	ssyncadd.s32 $0xFFFFC000  }
0x214: {  	_ =	swait.ge [sflag:s1], $0x4000  }
0x215: {  	[sflag:s1] =	ssyncset.done $0x0  }
0x216: {  	[sflag:s1] =	ssyncadd.s32 $0xFFFFC000  }
0x217: {  	_ =	swait.ge [sflag:s1], $0x4000  }
0x218: {  	[sflag:s1] =	ssyncset.done $0x0  }
0x219: {  	[sflag:s1] =	ssyncadd.s32 $0xFFFFC000  }
0x21a: {  	[hbm4b:s14+s2] =	stream.linear.scatter [tilespmem:s24], [sflag:$0x2], $0x4000, $0x38;
	[tilespmem:$0x10400] =	vst v63  }
0x21b: {  	_ =	swait.ge [sflag:s19], $0x4000  }
0x21c: {  	[sflag:s19] =	ssyncset.done $0x0  }
0x21d: {  	[sflag:s19] =	ssyncadd.s32 $0xFFFFC000  }
0x21e: {  	[hbm4b:s15+s2] =	stream.linear.scatter [tilespmem:s26], [sflag:$0x2], $0x4000, $0x38;
	[tilespmem:$0x10400] =	vst v63  }
0x21f: {  	_ =	swait.ge [sflag:s19], $0x4000  }
0x220: {  	[sflag:s19] =	ssyncset.done $0x0  }
0x221: {  	[sflag:s19] =	ssyncadd.s32 $0xFFFFC000  }
0x222: {  	[hbm4b:s16+s2] =	stream.linear.scatter [tilespmem:s29], [sflag:$0x2], $0x4000, $0x38;
	[tilespmem:$0x10400] =	vst v63  }
0x223: {  	_ =	swait.ge [sflag:s19], $0x4000  }
0x224: {  	p0 =	sne.s32 s18, $0x1;
	[sflag:s19] =	ssyncset.done $0x0  }
.Ltmp0:
0x225: {  	[sflag:s19] =	ssyncadd.s32 $0xFFFFC000;
	(pc) =	sbr.rel @p0 .LBB2_1-.Ltmp0, $4  }
0x226: {  	[hbm4b:s17+s2] =	stream.linear.scatter [tilespmem:s31], [sflag:$0x2], $0x4000, $0x38;
	[tilespmem:$0x10400] =	vst v63  }
0x227: {  	_ =	swait.ge [sflag:s19], $0x4000  }
0x228: {  	[sflag:s19] =	ssyncset.done $0x0  }
0x229: {  	s18 =	sadd.s32 $0xFFFFFFFF, s18;
	[sflag:s19] =	ssyncadd.s32 $0xFFFFC000  }
0x22a: {  	_ =	sfence.sel $0x180000  }
0x22b: {  	[bflag:$0x0] =	sbarrier.arrive $0xFFFF  }
0x22c: {  	_ =	strace $0x90000047  }
0x22d: {  	s0 =	stileid.u32;
	[bflag:$0x2] =	sbarrier.arrive $0xFFFF  }
0x22e: {  	p0 =	sne.s32 s0, $0x0;
	s0 =	rddreg [dreg:$0x5]  }
0x22f: {  	s0 =	sadd.s32 @!p0 $0x100000, s0  }
0x230: {  	[sflag:s0] =	ssyncadd.tile.s32 @!p0 $0x1;
	_ =	shalt  }
.Lfunc_end2:
_tile_overlayer_lowered:
.L_overlay_start_2:
0x231: {  	(tag) =	ssettag $0x2  }
0x232: {  	s0 =	rddreg [dreg:$0x0];
	s2 =	stileid.u32  }
0x233: {  	s1 =	rddreg [dreg:$0x1];
	p0 =	sne.s32 s2, $0x0  }
0x234: {  	s3 =	rddreg [dreg:$0x2];
	[bflag:$0x3] =	sbarrier.arrive $0xFFFF;
	s2 =	simm.s32 @!p0 $0x1C02  }
0x235: {  	[timem:s3], [sflag:s2] =	dma.local @!p0 [hbm:s0], s1  }
0x236: {  	s0 =	simm.s32 @!p0 $0x2  }
0x237: {  	_ =	swait.ge @!p0 [sflag:s0], s1  }
0x238: {  	s1 =	ssub.s32 @!p0 $0x0, s1;
	[sflag:s0] =	ssyncset.done @!p0 $0x0  }
0x239: {  	[sflag:s0] =	ssyncadd.s32 @!p0 s1  }
0x23a: {  	[bflag:$0x3] =	sbarrier.arrive $0xFFFF  }
0x23b: {  	_ =	shalt  }

</sc_bundles>
